<compile_context>
chip_gen: v7x
topology: tpu7x:2x2x1
jax: 0.10.2.dev20260603
libtpu: 0.0.44.dev20260713+nightly
codegen_flags: <defaults>
</compile_context>

<pallas_src>
import functools

import jax
import jax.numpy as jnp
from jax import lax
from jax.experimental import pallas as pl
from jax.experimental.pallas import tpu as pltpu
from jax.experimental.pallas import tpu_sc as plsc

NV = 10000
NE = 10000
NNZ = 320000
NFEAT = 128
NCLASS = 40
F3 = 64

R = 10240
DUMMY = 10000
NC, NS = 2, 16
NW = NC * NS
CH = 128
NCH = 80
NNZ_PAD = NW * NCH * CH
RPT = R // NS

_mesh = plsc.VectorSubcoreMesh(core_axis_name="c", subcore_axis_name="s",
                               num_cores=NC, num_subcores=NS)



def _make_segsum(F):

    @functools.partial(
        pl.kernel,
        out_type=jax.ShapeDtypeStruct((NC, R, F), jnp.float32),
        mesh=_mesh,
        compiler_params=pltpu.CompilerParams(use_tc_tiling_on_sc=False),
        scratch_types=[
            pltpu.VMEM((CH,), jnp.int32),
            pltpu.VMEM((CH,), jnp.int32),
            pltpu.VMEM((NCH, CH), jnp.int32),
            pltpu.VMEM((CH, F), jnp.float32),
            pltpu.VMEM((CH, F), jnp.float32),
            pltpu.VMEM_SHARED((R, F), jnp.float32),
            pltpu.SemaphoreType.DMA,
            pltpu.SemaphoreType.DMA,
            pltpu.SemaphoreType.DMA,
            pltpu.SemaphoreType.DMA,
        ],
    )
    def segsum(src, gidx, sidx, zeros, out,
               gb0, gb1, sidx_v, buf0, buf1, acc, semi0, semi1, semg0, semg1):
        c = lax.axis_index("c")
        s = lax.axis_index("s")
        wid = s * NC + c
        base = s * RPT
        pltpu.sync_copy(zeros, acc.at[pl.ds(base, RPT)])
        pltpu.sync_copy(sidx.at[wid], sidx_v)
        pltpu.make_async_copy(gidx.at[wid, 0], gb0, semi0).start()
        pltpu.make_async_copy(gidx.at[wid, 1], gb1, semi1).start()
        pltpu.make_async_copy(gidx.at[wid, 0], gb0, semi0).wait()
        pltpu.make_async_copy(src.at[gb0], buf0, semg0).start()
        pltpu.make_async_copy(gidx.at[wid, 1], gb1, semi1).wait()
        pltpu.make_async_copy(src.at[gb1], buf1, semg1).start()
        plsc.subcore_barrier()

        def body(g, carry):
            j = g * 2
            pltpu.make_async_copy(src.at[gb0], buf0, semg0).wait()
            pltpu.sync_copy(buf0, acc.at[sidx_v.at[j]], add=True)
            pltpu.sync_copy(gidx.at[wid, j + 2], gb0)
            pltpu.make_async_copy(src.at[gb0], buf0, semg0).start()

            pltpu.make_async_copy(src.at[gb1], buf1, semg1).wait()
            pltpu.sync_copy(buf1, acc.at[sidx_v.at[j + 1]], add=True)
            pltpu.sync_copy(gidx.at[wid, j + 3], gb1)
            pltpu.make_async_copy(src.at[gb1], buf1, semg1).start()
            return carry

        lax.fori_loop(0, NCH // 2, body, 0)
        pltpu.make_async_copy(src.at[gb0], buf0, semg0).wait()
        pltpu.make_async_copy(src.at[gb1], buf1, semg1).wait()
        plsc.subcore_barrier()
        pltpu.sync_copy(acc.at[pl.ds(base, RPT)], out.at[c, pl.ds(base, RPT)])

    return segsum


_segsum128 = _make_segsum(NFEAT)
_segsum64 = _make_segsum(F3)
_segsum16 = _make_segsum(16)



RB = 512
GRID = R // RB


def _recip_body(dv0, dv1, de0, de1, rv_o, re_o):
    dv = dv0[...] + dv1[...]
    de = de0[...] + de1[...]
    rv = 1.0 / jnp.maximum(dv[:, 0:1], 1.0)
    re = 1.0 / jnp.maximum(de[:, 0:1], 1.0)
    rv_o[...] = jnp.broadcast_to(rv, (RB, NFEAT))
    re_o[...] = jnp.broadcast_to(re, (RB, NFEAT))


def _recips(dv0, dv1, de0, de1):
    bs16 = pl.BlockSpec((RB, 16), lambda i: (i, 0))
    bs128 = pl.BlockSpec((RB, NFEAT), lambda i: (i, 0))
    return pl.pallas_call(
        _recip_body,
        grid=(GRID,),
        in_specs=[bs16, bs16, bs16, bs16],
        out_specs=[bs128, bs128],
        out_shape=[jax.ShapeDtypeStruct((R, NFEAT), jnp.float32)] * 2,
    )(dv0, dv1, de0, de1)


def _scale(p0, p1, r):
    F = p0.shape[1]

    def body(a, b, rr, o):
        o[...] = (a[...] + b[...]) * rr[...][:, :F]

    bsf = pl.BlockSpec((RB, F), lambda i: (i, 0))
    bs128 = pl.BlockSpec((RB, NFEAT), lambda i: (i, 0))
    return pl.pallas_call(
        body,
        grid=(GRID,),
        in_specs=[bsf, bsf, bs128],
        out_specs=bsf,
        out_shape=jax.ShapeDtypeStruct((R, F), jnp.float32),
    )(p0, p1, r)


def _mm_relu(p0, p1, rv, w, b):

    def body(a, bb, rr, w_r, b_r, o):
        hv = (a[...] + bb[...]) * rr[...]
        h = jnp.dot(hv, w_r[...], preferred_element_type=jnp.float32,
                    precision=lax.Precision.HIGHEST) + b_r[...]
        o[...] = jnp.maximum(h, 0.0)

    bs = pl.BlockSpec((RB, NFEAT), lambda i: (i, 0))
    return pl.pallas_call(
        body,
        grid=(GRID,),
        in_specs=[bs, bs, bs,
                  pl.BlockSpec((NFEAT, NFEAT), lambda i: (0, 0)),
                  pl.BlockSpec((1, NFEAT), lambda i: (0, 0))],
        out_specs=bs,
        out_shape=jax.ShapeDtypeStruct((R, NFEAT), jnp.float32),
    )(p0, p1, rv, w, b)


def _mm_relu_mm(p0, p1, rv, w, b, wo):

    def body(a, bb, rr, w_r, b_r, wo_r, o):
        hv = (a[...] + bb[...]) * rr[...]
        h = jnp.maximum(
            jnp.dot(hv, w_r[...], preferred_element_type=jnp.float32,
                    precision=lax.Precision.HIGHEST) + b_r[...],
            0.0)
        o[...] = jnp.dot(h, wo_r[...], preferred_element_type=jnp.float32,
                         precision=lax.Precision.HIGHEST)

    bs = pl.BlockSpec((RB, NFEAT), lambda i: (i, 0))
    return pl.pallas_call(
        body,
        grid=(GRID,),
        in_specs=[bs, bs, bs,
                  pl.BlockSpec((NFEAT, NFEAT), lambda i: (0, 0)),
                  pl.BlockSpec((1, NFEAT), lambda i: (0, 0)),
                  pl.BlockSpec((NFEAT, F3), lambda i: (0, 0))],
        out_specs=pl.BlockSpec((RB, F3), lambda i: (i, 0)),
        out_shape=jax.ShapeDtypeStruct((R, F3), jnp.float32),
    )(p0, p1, rv, w, b, wo)


def _final(p0, p1, rv, bo):

    def body(a, bb, rr, b_r, o):
        hv = (a[...] + bb[...]) * rr[...][:, :F3]
        logits = hv[:, :NCLASS] + b_r[...][:, :NCLASS]
        m = jnp.max(logits, axis=1, keepdims=True)
        lse = jnp.log(jnp.sum(jnp.exp(logits - m), axis=1, keepdims=True)) + m
        o[...] = logits - lse

    bsf = pl.BlockSpec((RB, F3), lambda i: (i, 0))
    return pl.pallas_call(
        body,
        grid=(GRID,),
        in_specs=[bsf, bsf,
                  pl.BlockSpec((RB, NFEAT), lambda i: (i, 0)),
                  pl.BlockSpec((1, F3), lambda i: (0, 0))],
        out_specs=pl.BlockSpec((RB, NCLASS), lambda i: (i, 0)),
        out_shape=jax.ShapeDtypeStruct((R, NCLASS), jnp.float32),
    )(p0, p1, rv, bo)




def _conv(h, ni_g, ni_s, ei_g, ei_s, zeros, rE):
    seg = _segsum128 if h.shape[1] == NFEAT else _segsum64
    p = seg(h, ni_g, ei_s, zeros)
    he = _scale(p[0], p[1], rE)
    p = seg(he, ei_g, ni_s, zeros)
    return p[0], p[1]


def kernel(X, node_idx, edge_idx, W1, b1, W2, b2, Wo, bo):
    ni = node_idx.astype(jnp.int32)
    ei = edge_idx.astype(jnp.int32)
    padv = jnp.full((NNZ_PAD - NNZ,), DUMMY, jnp.int32)
    tail = jnp.full((NW, 2, CH), DUMMY, jnp.int32)
    ni_s = jnp.concatenate([ni, padv]).reshape(NW, NCH, CH)
    ei_s = jnp.concatenate([ei, padv]).reshape(NW, NCH, CH)
    ni_g = jnp.concatenate([ni_s, tail], axis=1)
    ei_g = jnp.concatenate([ei_s, tail], axis=1)

    X_pad = jnp.zeros((R, NFEAT), jnp.float32).at[:NV].set(X)
    z128 = jnp.zeros((RPT, NFEAT), jnp.float32)
    z64 = jnp.zeros((RPT, F3), jnp.float32)
    z16 = jnp.zeros((RPT, 16), jnp.float32)
    ones_tab = jnp.ones((R, 16), jnp.float32)
    Wo_pad = jnp.zeros((NFEAT, F3), jnp.float32).at[:, :NCLASS].set(Wo)
    bo_pad = jnp.zeros((1, F3), jnp.float32).at[0, :NCLASS].set(bo)

    dV = _segsum16(ones_tab, ni_g, ni_s, z16)
    dE = _segsum16(ones_tab, ei_g, ei_s, z16)
    rV, rE = _recips(dV[0], dV[1], dE[0], dE[1])

    p0, p1 = _conv(X_pad, ni_g, ni_s, ei_g, ei_s, z128, rE)
    h = _mm_relu(p0, p1, rV, W1, b1.reshape(1, NFEAT))
    p0, p1 = _conv(h, ni_g, ni_s, ei_g, ei_s, z128, rE)
    t = _mm_relu_mm(p0, p1, rV, W2, b2.reshape(1, NFEAT), Wo_pad)
    p0, p1 = _conv(t, ni_g, ni_s, ei_g, ei_s, z64, rE)
    out = _final(p0, p1, rV, bo_pad)
    return out[:NV]

# --- scband reference (transcript-rebuilt; emitter-appended) ---
"""Pipeline reference for scband-dglhgnn-27831388078174 (READ-ONLY COPY).

The authoritative reference and input builder live on the scoring server;
editing this copy changes nothing except your own understanding.
"""

import jax, jax.numpy as jnp
import numpy as np

N_NODES = 10000
N_HEDGES = 10000
NNZ = 320000
NFEAT = 128
NHID = 64
NHEAD = 2
NCLASS = 40


def setup_inputs(seed: int = 0) -> dict:
    key = jax.random.key(seed)
    ks = jax.random.split(key, 10)
    X = jax.random.normal(ks[0], (N_NODES, NFEAT), dtype=jnp.float32)
    node_idx = jax.random.randint(ks[1], (NNZ,), 0, N_NODES, dtype=jnp.int64 if jax.config.jax_enable_x64 else jnp.int32)
    edge_idx = jax.random.randint(ks[2], (NNZ,), 0, N_HEDGES, dtype=jnp.int64 if jax.config.jax_enable_x64 else jnp.int32)
    W1 = jax.random.normal(ks[3], (NFEAT, NHID * NHEAD), dtype=jnp.float32) * 0.05
    b1 = jnp.zeros((NHID * NHEAD,), dtype=jnp.float32)
    W2 = jax.random.normal(ks[4], (NHID * NHEAD, NHID * NHEAD), dtype=jnp.float32) * 0.05
    b2 = jnp.zeros((NHID * NHEAD,), dtype=jnp.float32)
    Wo = jax.random.normal(ks[5], (NHID * NHEAD, NCLASS), dtype=jnp.float32) * 0.05
    bo = jnp.zeros((NCLASS,), dtype=jnp.float32)
    return {"X": X, "node_idx": node_idx, "edge_idx": edge_idx,
            "W1": W1, "b1": b1, "W2": W2, "b2": b2, "Wo": Wo, "bo": bo}


def _hgnn_conv(X, node_idx, edge_idx, W, b):
    # g1: transpose of incidence matrix (E, V): aggregate node features into hyperedges
    ones = jnp.ones((node_idx.shape[0],), dtype=jnp.float32)
    deg_e = jax.ops.segment_sum(ones, edge_idx, num_segments=N_HEDGES)
    deg_e = jnp.maximum(deg_e, 1.0)
    He = jax.ops.segment_sum(jnp.take(X, node_idx, axis=0), edge_idx, num_segments=N_HEDGES)
    He = He / deg_e[:, None]
    # g2: incidence matrix (V, E): aggregate hyperedge features back into nodes
    deg_v = jax.ops.segment_sum(ones, node_idx, num_segments=N_NODES)
    deg_v = jnp.maximum(deg_v, 1.0)
    Hv = jax.ops.segment_sum(jnp.take(He, edge_idx, axis=0), node_idx, num_segments=N_NODES)
    Hv = Hv / deg_v[:, None]
    return Hv @ W + b


def reference(X, node_idx, edge_idx, W1, b1, W2, b2, Wo, bo):
    # input_drop / dropout are identity (p=0.0)
    h = _hgnn_conv(X, node_idx, edge_idx, W1, b1)
    h = jax.nn.relu(h)
    h = _hgnn_conv(h, node_idx, edge_idx, W2, b2)
    h = jax.nn.relu(h)
    h = _hgnn_conv(h, node_idx, edge_idx, Wo, bo)
    return jax.nn.log_softmax(h, axis=1)

if __name__ == "__main__":
    import jax
    _d = setup_inputs()
    print(jax.jit(kernel)(*tuple(_d.values())))

</pallas_src>

<mosaic_0001>
#map = affine_map<(d0, d1) -> (0, 0)>
#map1 = affine_map<(d0, d1) -> (0, 0, 0)>
module attributes {stable_mosaic.version = 14 : i64} {
  func.func @segsum(%arg0: i32, %arg1: i32, %arg2: memref<10240x128xf32, #tpu.memory_space<hbm>>, %arg3: memref<32x82x128xi32, #tpu.memory_space<hbm>>, %arg4: memref<32x80x128xi32, #tpu.memory_space<hbm>>, %arg5: memref<640x128xf32, #tpu.memory_space<hbm>>, %arg6: memref<2x10240x128xf32, #tpu.memory_space<hbm>>, %arg7: memref<128xi32, #tpu.memory_space<vmem>>, %arg8: memref<128xi32, #tpu.memory_space<vmem>>, %arg9: memref<80x128xi32, #tpu.memory_space<vmem>>, %arg10: memref<128x128xf32, #tpu.memory_space<vmem>>, %arg11: memref<128x128xf32, #tpu.memory_space<vmem>>, %arg12: memref<10240x128xf32, #tpu.memory_space<vmem_shared>>, %arg13: memref<!tpu.dma_semaphore, #tpu.memory_space<semaphore_mem>>, %arg14: memref<!tpu.dma_semaphore, #tpu.memory_space<semaphore_mem>>, %arg15: memref<!tpu.dma_semaphore, #tpu.memory_space<semaphore_mem>>, %arg16: memref<!tpu.dma_semaphore, #tpu.memory_space<semaphore_mem>>) attributes {dimension_semantics = [#tpu.dimension_semantics<core_parallel>, #tpu.dimension_semantics<subcore_parallel>], iteration_bounds = array<i64: 2, 16>, scalar_prefetch = 0 : i64, scratch_operands = 10 : i64, tpu.core_type = #tpu.core_type<sc_vector_subcore>, window_params = [{transform_indices = #map}, {transform_indices = #map1}, {transform_indices = #map1}, {transform_indices = #map}, {transform_indices = #map1}]} {
    %mul3A = arith.constant 2 : i32
    %mul3A_0 = arith.muli %arg1, %mul3A : i32
    %add3A = arith.addi %mul3A_0, %arg0 : i32
    %mul3A_1 = arith.constant 640 : i32
    %mul3A_2 = arith.muli %arg1, %mul3A_1 : i32
    "tpu.region"() ({
      %run_scoped3A = tpu.sem_alloc : memref<!tpu.dma_semaphore, #tpu.memory_space<semaphore_mem>>
      %dma_start3A_47 = arith.constant 0 : i32
      %dma_start3A_48 = tpu.memref_slice %arg12[%mul3A_2, %dma_start3A_47] : memref<10240x128xf32, #tpu.memory_space<vmem_shared>> -> memref<640x128xf32, #tpu.memory_space<vmem_shared>>
      tpu.enqueue_dma source(%arg5 : memref<640x128xf32, #tpu.memory_space<hbm>>) target(%dma_start3A_48 : memref<640x128xf32, #tpu.memory_space<vmem_shared>>) target_semaphore(%run_scoped3A : memref<!tpu.dma_semaphore, #tpu.memory_space<semaphore_mem>>)
      %dma_wait3A_49 = arith.constant 0 : i32
      %dma_wait3A_50 = tpu.memref_slice %arg12[%mul3A_2, %dma_wait3A_49] : memref<10240x128xf32, #tpu.memory_space<vmem_shared>> -> memref<640x128xf32, #tpu.memory_space<vmem_shared>>
      tpu.wait_dma2 semaphore(%run_scoped3A : memref<!tpu.dma_semaphore, #tpu.memory_space<semaphore_mem>>) src(%arg5 : memref<640x128xf32, #tpu.memory_space<hbm>>) dst(%dma_wait3A_50 : memref<640x128xf32, #tpu.memory_space<vmem_shared>>)
      tpu.yield
    }) : () -> ()
    "tpu.region"() ({
      %run_scoped3A = tpu.sem_alloc : memref<!tpu.dma_semaphore, #tpu.memory_space<semaphore_mem>>
      %dma_start3A_47 = arith.constant 0 : i32
      %dma_start3A_48 = arith.constant 0 : i32
      %dma_start3A_49 = tpu.memref_slice %arg4[%add3A, %dma_start3A_47, %dma_start3A_48] : memref<32x80x128xi32, #tpu.memory_space<hbm>> -> memref<1x80x128xi32, #tpu.memory_space<hbm>>
      %dma_start3A_50 = tpu.memref_squeeze %dma_start3A_49 : memref<1x80x128xi32, #tpu.memory_space<hbm>> -> memref<80x128xi32, #tpu.memory_space<hbm>>
      %dma_start3A_51 = arith.constant 0 : i32
      %dma_start3A_52 = arith.constant 0 : i32
      %dma_start3A_53 = tpu.memref_slice %arg4[%add3A, %dma_start3A_51, %dma_start3A_52] : memref<32x80x128xi32, #tpu.memory_space<hbm>> -> memref<1x80x128xi32, #tpu.memory_space<hbm>>
      %dma_start3A_54 = tpu.memref_squeeze %dma_start3A_53 : memref<1x80x128xi32, #tpu.memory_space<hbm>> -> memref<80x128xi32, #tpu.memory_space<hbm>>
      tpu.enqueue_dma source(%dma_start3A_54 : memref<80x128xi32, #tpu.memory_space<hbm>>) target(%arg9 : memref<80x128xi32, #tpu.memory_space<vmem>>) target_semaphore(%run_scoped3A : memref<!tpu.dma_semaphore, #tpu.memory_space<semaphore_mem>>)
      %dma_wait3A_55 = arith.constant 0 : i32
      %dma_wait3A_56 = arith.constant 0 : i32
      %dma_wait3A_57 = tpu.memref_slice %arg4[%add3A, %dma_wait3A_55, %dma_wait3A_56] : memref<32x80x128xi32, #tpu.memory_space<hbm>> -> memref<1x80x128xi32, #tpu.memory_space<hbm>>
      %dma_wait3A_58 = tpu.memref_squeeze %dma_wait3A_57 : memref<1x80x128xi32, #tpu.memory_space<hbm>> -> memref<80x128xi32, #tpu.memory_space<hbm>>
      %dma_wait3A_59 = arith.constant 0 : i32
      %dma_wait3A_60 = arith.constant 0 : i32
      %dma_wait3A_61 = tpu.memref_slice %arg4[%add3A, %dma_wait3A_59, %dma_wait3A_60] : memref<32x80x128xi32, #tpu.memory_space<hbm>> -> memref<1x80x128xi32, #tpu.memory_space<hbm>>
      %dma_wait3A_62 = tpu.memref_squeeze %dma_wait3A_61 : memref<1x80x128xi32, #tpu.memory_space<hbm>> -> memref<80x128xi32, #tpu.memory_space<hbm>>
      tpu.wait_dma2 semaphore(%run_scoped3A : memref<!tpu.dma_semaphore, #tpu.memory_space<semaphore_mem>>) src(%dma_wait3A_62 : memref<80x128xi32, #tpu.memory_space<hbm>>) dst(%arg9 : memref<80x128xi32, #tpu.memory_space<vmem>>)
      tpu.yield
    }) : () -> ()
    %dma_start3A = arith.constant 0 : i32
    %dma_start3A_3 = arith.constant 0 : i32
    %dma_start3A_4 = tpu.memref_slice %arg3[%add3A, %dma_start3A, %dma_start3A_3] : memref<32x82x128xi32, #tpu.memory_space<hbm>> -> memref<1x1x128xi32, #tpu.memory_space<hbm>>
    %dma_start3A_5 = tpu.memref_squeeze %dma_start3A_4 : memref<1x1x128xi32, #tpu.memory_space<hbm>> -> memref<128xi32, #tpu.memory_space<hbm>>
    %dma_start3A_6 = arith.constant 0 : i32
    %dma_start3A_7 = tpu.memref_slice %arg3[%add3A, %dma_start3A, %dma_start3A_6] : memref<32x82x128xi32, #tpu.memory_space<hbm>> -> memref<1x1x128xi32, #tpu.memory_space<hbm>>
    %dma_start3A_8 = tpu.memref_squeeze %dma_start3A_7 : memref<1x1x128xi32, #tpu.memory_space<hbm>> -> memref<128xi32, #tpu.memory_space<hbm>>
    tpu.enqueue_dma source(%dma_start3A_8 : memref<128xi32, #tpu.memory_space<hbm>>) target(%arg7 : memref<128xi32, #tpu.memory_space<vmem>>) target_semaphore(%arg13 : memref<!tpu.dma_semaphore, #tpu.memory_space<semaphore_mem>>)
    %dma_start3A_9 = arith.constant 1 : i32
    %dma_start3A_10 = arith.constant 0 : i32
    %dma_start3A_11 = tpu.memref_slice %arg3[%add3A, %dma_start3A_9, %dma_start3A_10] : memref<32x82x128xi32, #tpu.memory_space<hbm>> -> memref<1x1x128xi32, #tpu.memory_space<hbm>>
    %dma_start3A_12 = tpu.memref_squeeze %dma_start3A_11 : memref<1x1x128xi32, #tpu.memory_space<hbm>> -> memref<128xi32, #tpu.memory_space<hbm>>
    %dma_start3A_13 = arith.constant 0 : i32
    %dma_start3A_14 = tpu.memref_slice %arg3[%add3A, %dma_start3A_9, %dma_start3A_13] : memref<32x82x128xi32, #tpu.memory_space<hbm>> -> memref<1x1x128xi32, #tpu.memory_space<hbm>>
    %dma_start3A_15 = tpu.memref_squeeze %dma_start3A_14 : memref<1x1x128xi32, #tpu.memory_space<hbm>> -> memref<128xi32, #tpu.memory_space<hbm>>
    tpu.enqueue_dma source(%dma_start3A_15 : memref<128xi32, #tpu.memory_space<hbm>>) target(%arg8 : memref<128xi32, #tpu.memory_space<vmem>>) target_semaphore(%arg14 : memref<!tpu.dma_semaphore, #tpu.memory_space<semaphore_mem>>)
    %dma_wait3A = arith.constant 0 : i32
    %dma_wait3A_16 = arith.constant 0 : i32
    %dma_wait3A_17 = tpu.memref_slice %arg3[%add3A, %dma_wait3A, %dma_wait3A_16] : memref<32x82x128xi32, #tpu.memory_space<hbm>> -> memref<1x1x128xi32, #tpu.memory_space<hbm>>
    %dma_wait3A_18 = tpu.memref_squeeze %dma_wait3A_17 : memref<1x1x128xi32, #tpu.memory_space<hbm>> -> memref<128xi32, #tpu.memory_space<hbm>>
    %dma_wait3A_19 = arith.constant 0 : i32
    %dma_wait3A_20 = tpu.memref_slice %arg3[%add3A, %dma_wait3A, %dma_wait3A_19] : memref<32x82x128xi32, #tpu.memory_space<hbm>> -> memref<1x1x128xi32, #tpu.memory_space<hbm>>
    %dma_wait3A_21 = tpu.memref_squeeze %dma_wait3A_20 : memref<1x1x128xi32, #tpu.memory_space<hbm>> -> memref<128xi32, #tpu.memory_space<hbm>>
    tpu.wait_dma2 semaphore(%arg13 : memref<!tpu.dma_semaphore, #tpu.memory_space<semaphore_mem>>) src(%dma_wait3A_21 : memref<128xi32, #tpu.memory_space<hbm>>) dst(%arg7 : memref<128xi32, #tpu.memory_space<vmem>>)
    %dma_start3A_22 = arith.constant 0 : i32
    %dma_start3A_23 = arith.constant 0 : i32
    %dma_start3A_24 = tpu.memref_slice %arg2[%dma_start3A_22, %dma_start3A_23] : memref<10240x128xf32, #tpu.memory_space<hbm>> -> memref<10240x128xf32, #tpu.memory_space<hbm>>
    tpu.enqueue_indirect_dma source(%dma_start3A_24 : memref<10240x128xf32, #tpu.memory_space<hbm>>) target(%arg10 : memref<128x128xf32, #tpu.memory_space<vmem>>) offsets(%arg7 : memref<128xi32, #tpu.memory_space<vmem>>) semaphore(%arg15 : memref<!tpu.dma_semaphore, #tpu.memory_space<semaphore_mem>>)
    %dma_wait3A_25 = arith.constant 1 : i32
    %dma_wait3A_26 = arith.constant 0 : i32
    %dma_wait3A_27 = tpu.memref_slice %arg3[%add3A, %dma_wait3A_25, %dma_wait3A_26] : memref<32x82x128xi32, #tpu.memory_space<hbm>> -> memref<1x1x128xi32, #tpu.memory_space<hbm>>
    %dma_wait3A_28 = tpu.memref_squeeze %dma_wait3A_27 : memref<1x1x128xi32, #tpu.memory_space<hbm>> -> memref<128xi32, #tpu.memory_space<hbm>>
    %dma_wait3A_29 = arith.constant 0 : i32
    %dma_wait3A_30 = tpu.memref_slice %arg3[%add3A, %dma_wait3A_25, %dma_wait3A_29] : memref<32x82x128xi32, #tpu.memory_space<hbm>> -> memref<1x1x128xi32, #tpu.memory_space<hbm>>
    %dma_wait3A_31 = tpu.memref_squeeze %dma_wait3A_30 : memref<1x1x128xi32, #tpu.memory_space<hbm>> -> memref<128xi32, #tpu.memory_space<hbm>>
    tpu.wait_dma2 semaphore(%arg14 : memref<!tpu.dma_semaphore, #tpu.memory_space<semaphore_mem>>) src(%dma_wait3A_31 : memref<128xi32, #tpu.memory_space<hbm>>) dst(%arg8 : memref<128xi32, #tpu.memory_space<vmem>>)
    %dma_start3A_32 = arith.constant 0 : i32
    %dma_start3A_33 = arith.constant 0 : i32
    %dma_start3A_34 = tpu.memref_slice %arg2[%dma_start3A_32, %dma_start3A_33] : memref<10240x128xf32, #tpu.memory_space<hbm>> -> memref<10240x128xf32, #tpu.memory_space<hbm>>
    tpu.enqueue_indirect_dma source(%dma_start3A_34 : memref<10240x128xf32, #tpu.memory_space<hbm>>) target(%arg11 : memref<128x128xf32, #tpu.memory_space<vmem>>) offsets(%arg8 : memref<128xi32, #tpu.memory_space<vmem>>) semaphore(%arg16 : memref<!tpu.dma_semaphore, #tpu.memory_space<semaphore_mem>>)
    %barrier3A = arith.constant 0 : index
    tpu.barrier barrier_id(%barrier3A)
    %scan3A = arith.constant 0 : i32
    %scan3A_35 = arith.constant 0 : i32
    %scan3A_36 = arith.constant 40 : i32
    %scan3A_37 = arith.addi %scan3A_35, %scan3A_36 : i32
    %scan3A_38 = arith.constant 1 : i32
    scf.for %scan3A_47 = %scan3A_35 to %scan3A_37 step %scan3A_38  : i32 {
      %mul3A_48 = arith.constant 2 : i32
      %mul3A_49 = arith.muli %scan3A_47, %mul3A_48 : i32
      %dma_wait3A_50 = arith.constant 0 : i32
      %dma_wait3A_51 = arith.constant 0 : i32
      %dma_wait3A_52 = tpu.memref_slice %arg2[%dma_wait3A_50, %dma_wait3A_51] : memref<10240x128xf32, #tpu.memory_space<hbm>> -> memref<10240x128xf32, #tpu.memory_space<hbm>>
      tpu.wait_indirect_dma semaphore(%arg15 : memref<!tpu.dma_semaphore, #tpu.memory_space<semaphore_mem>>) src(%dma_wait3A_52 : memref<10240x128xf32, #tpu.memory_space<hbm>>) dst(%arg10 : memref<128x128xf32, #tpu.memory_space<vmem>>)
      "tpu.region"() ({
        %run_scoped3A = tpu.sem_alloc : memref<!tpu.dma_semaphore, #tpu.memory_space<semaphore_mem>>
        %dma_start3A_68 = arith.constant 0 : i32
        %dma_start3A_69 = tpu.memref_slice %arg9[%mul3A_49, %dma_start3A_68] : memref<80x128xi32, #tpu.memory_space<vmem>> -> memref<1x128xi32, #tpu.memory_space<vmem>>
        %dma_start3A_70 = tpu.memref_squeeze %dma_start3A_69 : memref<1x128xi32, #tpu.memory_space<vmem>> -> memref<128xi32, #tpu.memory_space<vmem>>
        %dma_start3A_71 = arith.constant 0 : i32
        %dma_start3A_72 = arith.constant 0 : i32
        %dma_start3A_73 = tpu.memref_slice %arg12[%dma_start3A_71, %dma_start3A_72] : memref<10240x128xf32, #tpu.memory_space<vmem_shared>> -> memref<10240x128xf32, #tpu.memory_space<vmem_shared>>
        tpu.enqueue_indirect_dma source(%arg10 : memref<128x128xf32, #tpu.memory_space<vmem>>) target(%dma_start3A_73 : memref<10240x128xf32, #tpu.memory_space<vmem_shared>>) offsets(%dma_start3A_70 : memref<128xi32, #tpu.memory_space<vmem>>) semaphore(%run_scoped3A : memref<!tpu.dma_semaphore, #tpu.memory_space<semaphore_mem>>) {add = true}
        %dma_wait3A_74 = arith.constant 0 : i32
        %dma_wait3A_75 = tpu.memref_slice %arg9[%mul3A_49, %dma_wait3A_74] : memref<80x128xi32, #tpu.memory_space<vmem>> -> memref<1x128xi32, #tpu.memory_space<vmem>>
        %dma_wait3A_76 = tpu.memref_squeeze %dma_wait3A_75 : memref<1x128xi32, #tpu.memory_space<vmem>> -> memref<128xi32, #tpu.memory_space<vmem>>
        %dma_wait3A_77 = arith.constant 0 : i32
        %dma_wait3A_78 = arith.constant 0 : i32
        %dma_wait3A_79 = tpu.memref_slice %arg12[%dma_wait3A_77, %dma_wait3A_78] : memref<10240x128xf32, #tpu.memory_space<vmem_shared>> -> memref<10240x128xf32, #tpu.memory_space<vmem_shared>>
        tpu.wait_indirect_dma semaphore(%run_scoped3A : memref<!tpu.dma_semaphore, #tpu.memory_space<semaphore_mem>>) src(%arg10 : memref<128x128xf32, #tpu.memory_space<vmem>>) dst(%dma_wait3A_79 : memref<10240x128xf32, #tpu.memory_space<vmem_shared>>)
        tpu.yield
      }) : () -> ()
      %add3A_53 = arith.constant 2 : i32
      %add3A_54 = arith.addi %mul3A_49, %add3A_53 : i32
      "tpu.region"() ({
        %run_scoped3A = tpu.sem_alloc : memref<!tpu.dma_semaphore, #tpu.memory_space<semaphore_mem>>
        %dma_start3A_68 = arith.constant 0 : i32
        %dma_start3A_69 = tpu.memref_slice %arg3[%add3A, %add3A_54, %dma_start3A_68] : memref<32x82x128xi32, #tpu.memory_space<hbm>> -> memref<1x1x128xi32, #tpu.memory_space<hbm>>
        %dma_start3A_70 = tpu.memref_squeeze %dma_start3A_69 : memref<1x1x128xi32, #tpu.memory_space<hbm>> -> memref<128xi32, #tpu.memory_space<hbm>>
        %dma_start3A_71 = arith.constant 0 : i32
        %dma_start3A_72 = tpu.memref_slice %arg3[%add3A, %add3A_54, %dma_start3A_71] : memref<32x82x128xi32, #tpu.memory_space<hbm>> -> memref<1x1x128xi32, #tpu.memory_space<hbm>>
        %dma_start3A_73 = tpu.memref_squeeze %dma_start3A_72 : memref<1x1x128xi32, #tpu.memory_space<hbm>> -> memref<128xi32, #tpu.memory_space<hbm>>
        tpu.enqueue_dma source(%dma_start3A_73 : memref<128xi32, #tpu.memory_space<hbm>>) target(%arg7 : memref<128xi32, #tpu.memory_space<vmem>>) target_semaphore(%run_scoped3A : memref<!tpu.dma_semaphore, #tpu.memory_space<semaphore_mem>>)
        %dma_wait3A_74 = arith.constant 0 : i32
        %dma_wait3A_75 = tpu.memref_slice %arg3[%add3A, %add3A_54, %dma_wait3A_74] : memref<32x82x128xi32, #tpu.memory_space<hbm>> -> memref<1x1x128xi32, #tpu.memory_space<hbm>>
        %dma_wait3A_76 = tpu.memref_squeeze %dma_wait3A_75 : memref<1x1x128xi32, #tpu.memory_space<hbm>> -> memref<128xi32, #tpu.memory_space<hbm>>
        %dma_wait3A_77 = arith.constant 0 : i32
        %dma_wait3A_78 = tpu.memref_slice %arg3[%add3A, %add3A_54, %dma_wait3A_77] : memref<32x82x128xi32, #tpu.memory_space<hbm>> -> memref<1x1x128xi32, #tpu.memory_space<hbm>>
        %dma_wait3A_79 = tpu.memref_squeeze %dma_wait3A_78 : memref<1x1x128xi32, #tpu.memory_space<hbm>> -> memref<128xi32, #tpu.memory_space<hbm>>
        tpu.wait_dma2 semaphore(%run_scoped3A : memref<!tpu.dma_semaphore, #tpu.memory_space<semaphore_mem>>) src(%dma_wait3A_79 : memref<128xi32, #tpu.memory_space<hbm>>) dst(%arg7 : memref<128xi32, #tpu.memory_space<vmem>>)
        tpu.yield
      }) : () -> ()
      %dma_start3A_55 = arith.constant 0 : i32
      %dma_start3A_56 = arith.constant 0 : i32
      %dma_start3A_57 = tpu.memref_slice %arg2[%dma_start3A_55, %dma_start3A_56] : memref<10240x128xf32, #tpu.memory_space<hbm>> -> memref<10240x128xf32, #tpu.memory_space<hbm>>
      tpu.enqueue_indirect_dma source(%dma_start3A_57 : memref<10240x128xf32, #tpu.memory_space<hbm>>) target(%arg10 : memref<128x128xf32, #tpu.memory_space<vmem>>) offsets(%arg7 : memref<128xi32, #tpu.memory_space<vmem>>) semaphore(%arg15 : memref<!tpu.dma_semaphore, #tpu.memory_space<semaphore_mem>>)
      %dma_wait3A_58 = arith.constant 0 : i32
      %dma_wait3A_59 = arith.constant 0 : i32
      %dma_wait3A_60 = tpu.memref_slice %arg2[%dma_wait3A_58, %dma_wait3A_59] : memref<10240x128xf32, #tpu.memory_space<hbm>> -> memref<10240x128xf32, #tpu.memory_space<hbm>>
      tpu.wait_indirect_dma semaphore(%arg16 : memref<!tpu.dma_semaphore, #tpu.memory_space<semaphore_mem>>) src(%dma_wait3A_60 : memref<10240x128xf32, #tpu.memory_space<hbm>>) dst(%arg11 : memref<128x128xf32, #tpu.memory_space<vmem>>)
      %add3A_61 = arith.constant 1 : i32
      %add3A_62 = arith.addi %mul3A_49, %add3A_61 : i32
      "tpu.region"() ({
        %run_scoped3A = tpu.sem_alloc : memref<!tpu.dma_semaphore, #tpu.memory_space<semaphore_mem>>
        %dma_start3A_68 = arith.constant 0 : i32
        %dma_start3A_69 = tpu.memref_slice %arg9[%add3A_62, %dma_start3A_68] : memref<80x128xi32, #tpu.memory_space<vmem>> -> memref<1x128xi32, #tpu.memory_space<vmem>>
        %dma_start3A_70 = tpu.memref_squeeze %dma_start3A_69 : memref<1x128xi32, #tpu.memory_space<vmem>> -> memref<128xi32, #tpu.memory_space<vmem>>
        %dma_start3A_71 = arith.constant 0 : i32
        %dma_start3A_72 = arith.constant 0 : i32
        %dma_start3A_73 = tpu.memref_slice %arg12[%dma_start3A_71, %dma_start3A_72] : memref<10240x128xf32, #tpu.memory_space<vmem_shared>> -> memref<10240x128xf32, #tpu.memory_space<vmem_shared>>
        tpu.enqueue_indirect_dma source(%arg11 : memref<128x128xf32, #tpu.memory_space<vmem>>) target(%dma_start3A_73 : memref<10240x128xf32, #tpu.memory_space<vmem_shared>>) offsets(%dma_start3A_70 : memref<128xi32, #tpu.memory_space<vmem>>) semaphore(%run_scoped3A : memref<!tpu.dma_semaphore, #tpu.memory_space<semaphore_mem>>) {add = true}
        %dma_wait3A_74 = arith.constant 0 : i32
        %dma_wait3A_75 = tpu.memref_slice %arg9[%add3A_62, %dma_wait3A_74] : memref<80x128xi32, #tpu.memory_space<vmem>> -> memref<1x128xi32, #tpu.memory_space<vmem>>
        %dma_wait3A_76 = tpu.memref_squeeze %dma_wait3A_75 : memref<1x128xi32, #tpu.memory_space<vmem>> -> memref<128xi32, #tpu.memory_space<vmem>>
        %dma_wait3A_77 = arith.constant 0 : i32
        %dma_wait3A_78 = arith.constant 0 : i32
        %dma_wait3A_79 = tpu.memref_slice %arg12[%dma_wait3A_77, %dma_wait3A_78] : memref<10240x128xf32, #tpu.memory_space<vmem_shared>> -> memref<10240x128xf32, #tpu.memory_space<vmem_shared>>
        tpu.wait_indirect_dma semaphore(%run_scoped3A : memref<!tpu.dma_semaphore, #tpu.memory_space<semaphore_mem>>) src(%arg11 : memref<128x128xf32, #tpu.memory_space<vmem>>) dst(%dma_wait3A_79 : memref<10240x128xf32, #tpu.memory_space<vmem_shared>>)
        tpu.yield
      }) : () -> ()
      %add3A_63 = arith.constant 3 : i32
      %add3A_64 = arith.addi %mul3A_49, %add3A_63 : i32
      "tpu.region"() ({
        %run_scoped3A = tpu.sem_alloc : memref<!tpu.dma_semaphore, #tpu.memory_space<semaphore_mem>>
        %dma_start3A_68 = arith.constant 0 : i32
        %dma_start3A_69 = tpu.memref_slice %arg3[%add3A, %add3A_64, %dma_start3A_68] : memref<32x82x128xi32, #tpu.memory_space<hbm>> -> memref<1x1x128xi32, #tpu.memory_space<hbm>>
        %dma_start3A_70 = tpu.memref_squeeze %dma_start3A_69 : memref<1x1x128xi32, #tpu.memory_space<hbm>> -> memref<128xi32, #tpu.memory_space<hbm>>
        %dma_start3A_71 = arith.constant 0 : i32
        %dma_start3A_72 = tpu.memref_slice %arg3[%add3A, %add3A_64, %dma_start3A_71] : memref<32x82x128xi32, #tpu.memory_space<hbm>> -> memref<1x1x128xi32, #tpu.memory_space<hbm>>
        %dma_start3A_73 = tpu.memref_squeeze %dma_start3A_72 : memref<1x1x128xi32, #tpu.memory_space<hbm>> -> memref<128xi32, #tpu.memory_space<hbm>>
        tpu.enqueue_dma source(%dma_start3A_73 : memref<128xi32, #tpu.memory_space<hbm>>) target(%arg8 : memref<128xi32, #tpu.memory_space<vmem>>) target_semaphore(%run_scoped3A : memref<!tpu.dma_semaphore, #tpu.memory_space<semaphore_mem>>)
        %dma_wait3A_74 = arith.constant 0 : i32
        %dma_wait3A_75 = tpu.memref_slice %arg3[%add3A, %add3A_64, %dma_wait3A_74] : memref<32x82x128xi32, #tpu.memory_space<hbm>> -> memref<1x1x128xi32, #tpu.memory_space<hbm>>
        %dma_wait3A_76 = tpu.memref_squeeze %dma_wait3A_75 : memref<1x1x128xi32, #tpu.memory_space<hbm>> -> memref<128xi32, #tpu.memory_space<hbm>>
        %dma_wait3A_77 = arith.constant 0 : i32
        %dma_wait3A_78 = tpu.memref_slice %arg3[%add3A, %add3A_64, %dma_wait3A_77] : memref<32x82x128xi32, #tpu.memory_space<hbm>> -> memref<1x1x128xi32, #tpu.memory_space<hbm>>
        %dma_wait3A_79 = tpu.memref_squeeze %dma_wait3A_78 : memref<1x1x128xi32, #tpu.memory_space<hbm>> -> memref<128xi32, #tpu.memory_space<hbm>>
        tpu.wait_dma2 semaphore(%run_scoped3A : memref<!tpu.dma_semaphore, #tpu.memory_space<semaphore_mem>>) src(%dma_wait3A_79 : memref<128xi32, #tpu.memory_space<hbm>>) dst(%arg8 : memref<128xi32, #tpu.memory_space<vmem>>)
        tpu.yield
      }) : () -> ()
      %dma_start3A_65 = arith.constant 0 : i32
      %dma_start3A_66 = arith.constant 0 : i32
      %dma_start3A_67 = tpu.memref_slice %arg2[%dma_start3A_65, %dma_start3A_66] : memref<10240x128xf32, #tpu.memory_space<hbm>> -> memref<10240x128xf32, #tpu.memory_space<hbm>>
      tpu.enqueue_indirect_dma source(%dma_start3A_67 : memref<10240x128xf32, #tpu.memory_space<hbm>>) target(%arg11 : memref<128x128xf32, #tpu.memory_space<vmem>>) offsets(%arg8 : memref<128xi32, #tpu.memory_space<vmem>>) semaphore(%arg16 : memref<!tpu.dma_semaphore, #tpu.memory_space<semaphore_mem>>)
    }
    %scan3A_39 = arith.constant 40 : i32
    %dma_wait3A_40 = arith.constant 0 : i32
    %dma_wait3A_41 = arith.constant 0 : i32
    %dma_wait3A_42 = tpu.memref_slice %arg2[%dma_wait3A_40, %dma_wait3A_41] : memref<10240x128xf32, #tpu.memory_space<hbm>> -> memref<10240x128xf32, #tpu.memory_space<hbm>>
    tpu.wait_indirect_dma semaphore(%arg15 : memref<!tpu.dma_semaphore, #tpu.memory_space<semaphore_mem>>) src(%dma_wait3A_42 : memref<10240x128xf32, #tpu.memory_space<hbm>>) dst(%arg10 : memref<128x128xf32, #tpu.memory_space<vmem>>)
    %dma_wait3A_43 = arith.constant 0 : i32
    %dma_wait3A_44 = arith.constant 0 : i32
    %dma_wait3A_45 = tpu.memref_slice %arg2[%dma_wait3A_43, %dma_wait3A_44] : memref<10240x128xf32, #tpu.memory_space<hbm>> -> memref<10240x128xf32, #tpu.memory_space<hbm>>
    tpu.wait_indirect_dma semaphore(%arg16 : memref<!tpu.dma_semaphore, #tpu.memory_space<semaphore_mem>>) src(%dma_wait3A_45 : memref<10240x128xf32, #tpu.memory_space<hbm>>) dst(%arg11 : memref<128x128xf32, #tpu.memory_space<vmem>>)
    %barrier3A_46 = arith.constant 0 : index
    tpu.barrier barrier_id(%barrier3A_46)
    "tpu.region"() ({
      %run_scoped3A = tpu.sem_alloc : memref<!tpu.dma_semaphore, #tpu.memory_space<semaphore_mem>>
      %dma_start3A_47 = arith.constant 0 : i32
      %dma_start3A_48 = tpu.memref_slice %arg6[%arg0, %mul3A_2, %dma_start3A_47] : memref<2x10240x128xf32, #tpu.memory_space<hbm>> -> memref<1x640x128xf32, #tpu.memory_space<hbm>>
      %dma_start3A_49 = tpu.memref_squeeze %dma_start3A_48 : memref<1x640x128xf32, #tpu.memory_space<hbm>> -> memref<640x128xf32, #tpu.memory_space<hbm>>
      %dma_start3A_50 = arith.constant 0 : i32
      %dma_start3A_51 = tpu.memref_slice %arg12[%mul3A_2, %dma_start3A_50] : memref<10240x128xf32, #tpu.memory_space<vmem_shared>> -> memref<640x128xf32, #tpu.memory_space<vmem_shared>>
      tpu.enqueue_dma source(%dma_start3A_51 : memref<640x128xf32, #tpu.memory_space<vmem_shared>>) target(%dma_start3A_49 : memref<640x128xf32, #tpu.memory_space<hbm>>) target_semaphore(%run_scoped3A : memref<!tpu.dma_semaphore, #tpu.memory_space<semaphore_mem>>)
      %dma_wait3A_52 = arith.constant 0 : i32
      %dma_wait3A_53 = tpu.memref_slice %arg6[%arg0, %mul3A_2, %dma_wait3A_52] : memref<2x10240x128xf32, #tpu.memory_space<hbm>> -> memref<1x640x128xf32, #tpu.memory_space<hbm>>
      %dma_wait3A_54 = tpu.memref_squeeze %dma_wait3A_53 : memref<1x640x128xf32, #tpu.memory_space<hbm>> -> memref<640x128xf32, #tpu.memory_space<hbm>>
      %dma_wait3A_55 = arith.constant 0 : i32
      %dma_wait3A_56 = tpu.memref_slice %arg12[%mul3A_2, %dma_wait3A_55] : memref<10240x128xf32, #tpu.memory_space<vmem_shared>> -> memref<640x128xf32, #tpu.memory_space<vmem_shared>>
      tpu.wait_dma2 semaphore(%run_scoped3A : memref<!tpu.dma_semaphore, #tpu.memory_space<semaphore_mem>>) src(%dma_wait3A_56 : memref<640x128xf32, #tpu.memory_space<vmem_shared>>) dst(%dma_wait3A_54 : memref<640x128xf32, #tpu.memory_space<hbm>>)
      tpu.yield
    }) : () -> ()
    return
  }
}

#map = affine_map<(d0, d1) -> (0, 0)>
#map1 = affine_map<(d0, d1) -> (0, 0, 0)>
module attributes {stable_mosaic.version = 14 : i64} {
  func.func @segsum(%arg0: i32, %arg1: i32, %arg2: memref<10240x16xf32, #tpu.memory_space<hbm>>, %arg3: memref<32x82x128xi32, #tpu.memory_space<hbm>>, %arg4: memref<32x80x128xi32, #tpu.memory_space<hbm>>, %arg5: memref<640x16xf32, #tpu.memory_space<hbm>>, %arg6: memref<2x10240x16xf32, #tpu.memory_space<hbm>>, %arg7: memref<128xi32, #tpu.memory_space<vmem>>, %arg8: memref<128xi32, #tpu.memory_space<vmem>>, %arg9: memref<80x128xi32, #tpu.memory_space<vmem>>, %arg10: memref<128x16xf32, #tpu.memory_space<vmem>>, %arg11: memref<128x16xf32, #tpu.memory_space<vmem>>, %arg12: memref<10240x16xf32, #tpu.memory_space<vmem_shared>>, %arg13: memref<!tpu.dma_semaphore, #tpu.memory_space<semaphore_mem>>, %arg14: memref<!tpu.dma_semaphore, #tpu.memory_space<semaphore_mem>>, %arg15: memref<!tpu.dma_semaphore, #tpu.memory_space<semaphore_mem>>, %arg16: memref<!tpu.dma_semaphore, #tpu.memory_space<semaphore_mem>>) attributes {dimension_semantics = [#tpu.dimension_semantics<core_parallel>, #tpu.dimension_semantics<subcore_parallel>], iteration_bounds = array<i64: 2, 16>, scalar_prefetch = 0 : i64, scratch_operands = 10 : i64, tpu.core_type = #tpu.core_type<sc_vector_subcore>, window_params = [{transform_indices = #map}, {transform_indices = #map1}, {transform_indices = #map1}, {transform_indices = #map}, {transform_indices = #map1}]} {
    %mul3A = arith.constant 2 : i32
    %mul3A_0 = arith.muli %arg1, %mul3A : i32
    %add3A = arith.addi %mul3A_0, %arg0 : i32
    %mul3A_1 = arith.constant 640 : i32
    %mul3A_2 = arith.muli %arg1, %mul3A_1 : i32
    "tpu.region"() ({
      %run_scoped3A = tpu.sem_alloc : memref<!tpu.dma_semaphore, #tpu.memory_space<semaphore_mem>>
      %dma_start3A_47 = arith.constant 0 : i32
      %dma_start3A_48 = tpu.memref_slice %arg12[%mul3A_2, %dma_start3A_47] : memref<10240x16xf32, #tpu.memory_space<vmem_shared>> -> memref<640x16xf32, #tpu.memory_space<vmem_shared>>
      tpu.enqueue_dma source(%arg5 : memref<640x16xf32, #tpu.memory_space<hbm>>) target(%dma_start3A_48 : memref<640x16xf32, #tpu.memory_space<vmem_shared>>) target_semaphore(%run_scoped3A : memref<!tpu.dma_semaphore, #tpu.memory_space<semaphore_mem>>)
      %dma_wait3A_49 = arith.constant 0 : i32
      %dma_wait3A_50 = tpu.memref_slice %arg12[%mul3A_2, %dma_wait3A_49] : memref<10240x16xf32, #tpu.memory_space<vmem_shared>> -> memref<640x16xf32, #tpu.memory_space<vmem_shared>>
      tpu.wait_dma2 semaphore(%run_scoped3A : memref<!tpu.dma_semaphore, #tpu.memory_space<semaphore_mem>>) src(%arg5 : memref<640x16xf32, #tpu.memory_space<hbm>>) dst(%dma_wait3A_50 : memref<640x16xf32, #tpu.memory_space<vmem_shared>>)
      tpu.yield
    }) : () -> ()
    "tpu.region"() ({
      %run_scoped3A = tpu.sem_alloc : memref<!tpu.dma_semaphore, #tpu.memory_space<semaphore_mem>>
      %dma_start3A_47 = arith.constant 0 : i32
      %dma_start3A_48 = arith.constant 0 : i32
      %dma_start3A_49 = tpu.memref_slice %arg4[%add3A, %dma_start3A_47, %dma_start3A_48] : memref<32x80x128xi32, #tpu.memory_space<hbm>> -> memref<1x80x128xi32, #tpu.memory_space<hbm>>
      %dma_start3A_50 = tpu.memref_squeeze %dma_start3A_49 : memref<1x80x128xi32, #tpu.memory_space<hbm>> -> memref<80x128xi32, #tpu.memory_space<hbm>>
      %dma_start3A_51 = arith.constant 0 : i32
      %dma_start3A_52 = arith.constant 0 : i32
      %dma_start3A_53 = tpu.memref_slice %arg4[%add3A, %dma_start3A_51, %dma_start3A_52] : memref<32x80x128xi32, #tpu.memory_space<hbm>> -> memref<1x80x128xi32, #tpu.memory_space<hbm>>
      %dma_start3A_54 = tpu.memref_squeeze %dma_start3A_53 : memref<1x80x128xi32, #tpu.memory_space<hbm>> -> memref<80x128xi32, #tpu.memory_space<hbm>>
      tpu.enqueue_dma source(%dma_start3A_54 : memref<80x128xi32, #tpu.memory_space<hbm>>) target(%arg9 : memref<80x128xi32, #tpu.memory_space<vmem>>) target_semaphore(%run_scoped3A : memref<!tpu.dma_semaphore, #tpu.memory_space<semaphore_mem>>)
      %dma_wait3A_55 = arith.constant 0 : i32
      %dma_wait3A_56 = arith.constant 0 : i32
      %dma_wait3A_57 = tpu.memref_slice %arg4[%add3A, %dma_wait3A_55, %dma_wait3A_56] : memref<32x80x128xi32, #tpu.memory_space<hbm>> -> memref<1x80x128xi32, #tpu.memory_space<hbm>>
      %dma_wait3A_58 = tpu.memref_squeeze %dma_wait3A_57 : memref<1x80x128xi32, #tpu.memory_space<hbm>> -> memref<80x128xi32, #tpu.memory_space<hbm>>
      %dma_wait3A_59 = arith.constant 0 : i32
      %dma_wait3A_60 = arith.constant 0 : i32
      %dma_wait3A_61 = tpu.memref_slice %arg4[%add3A, %dma_wait3A_59, %dma_wait3A_60] : memref<32x80x128xi32, #tpu.memory_space<hbm>> -> memref<1x80x128xi32, #tpu.memory_space<hbm>>
      %dma_wait3A_62 = tpu.memref_squeeze %dma_wait3A_61 : memref<1x80x128xi32, #tpu.memory_space<hbm>> -> memref<80x128xi32, #tpu.memory_space<hbm>>
      tpu.wait_dma2 semaphore(%run_scoped3A : memref<!tpu.dma_semaphore, #tpu.memory_space<semaphore_mem>>) src(%dma_wait3A_62 : memref<80x128xi32, #tpu.memory_space<hbm>>) dst(%arg9 : memref<80x128xi32, #tpu.memory_space<vmem>>)
      tpu.yield
    }) : () -> ()
    %dma_start3A = arith.constant 0 : i32
    %dma_start3A_3 = arith.constant 0 : i32
    %dma_start3A_4 = tpu.memref_slice %arg3[%add3A, %dma_start3A, %dma_start3A_3] : memref<32x82x128xi32, #tpu.memory_space<hbm>> -> memref<1x1x128xi32, #tpu.memory_space<hbm>>
    %dma_start3A_5 = tpu.memref_squeeze %dma_start3A_4 : memref<1x1x128xi32, #tpu.memory_space<hbm>> -> memref<128xi32, #tpu.memory_space<hbm>>
    %dma_start3A_6 = arith.constant 0 : i32
    %dma_start3A_7 = tpu.memref_slice %arg3[%add3A, %dma_start3A, %dma_start3A_6] : memref<32x82x128xi32, #tpu.memory_space<hbm>> -> memref<1x1x128xi32, #tpu.memory_space<hbm>>
    %dma_start3A_8 = tpu.memref_squeeze %dma_start3A_7 : memref<1x1x128xi32, #tpu.memory_space<hbm>> -> memref<128xi32, #tpu.memory_space<hbm>>
    tpu.enqueue_dma source(%dma_start3A_8 : memref<128xi32, #tpu.memory_space<hbm>>) target(%arg7 : memref<128xi32, #tpu.memory_space<vmem>>) target_semaphore(%arg13 : memref<!tpu.dma_semaphore, #tpu.memory_space<semaphore_mem>>)
    %dma_start3A_9 = arith.constant 1 : i32
    %dma_start3A_10 = arith.constant 0 : i32
    %dma_start3A_11 = tpu.memref_slice %arg3[%add3A, %dma_start3A_9, %dma_start3A_10] : memref<32x82x128xi32, #tpu.memory_space<hbm>> -> memref<1x1x128xi32, #tpu.memory_space<hbm>>
    %dma_start3A_12 = tpu.memref_squeeze %dma_start3A_11 : memref<1x1x128xi32, #tpu.memory_space<hbm>> -> memref<128xi32, #tpu.memory_space<hbm>>
    %dma_start3A_13 = arith.constant 0 : i32
    %dma_start3A_14 = tpu.memref_slice %arg3[%add3A, %dma_start3A_9, %dma_start3A_13] : memref<32x82x128xi32, #tpu.memory_space<hbm>> -> memref<1x1x128xi32, #tpu.memory_space<hbm>>
    %dma_start3A_15 = tpu.memref_squeeze %dma_start3A_14 : memref<1x1x128xi32, #tpu.memory_space<hbm>> -> memref<128xi32, #tpu.memory_space<hbm>>
    tpu.enqueue_dma source(%dma_start3A_15 : memref<128xi32, #tpu.memory_space<hbm>>) target(%arg8 : memref<128xi32, #tpu.memory_space<vmem>>) target_semaphore(%arg14 : memref<!tpu.dma_semaphore, #tpu.memory_space<semaphore_mem>>)
    %dma_wait3A = arith.constant 0 : i32
    %dma_wait3A_16 = arith.constant 0 : i32
    %dma_wait3A_17 = tpu.memref_slice %arg3[%add3A, %dma_wait3A, %dma_wait3A_16] : memref<32x82x128xi32, #tpu.memory_space<hbm>> -> memref<1x1x128xi32, #tpu.memory_space<hbm>>
    %dma_wait3A_18 = tpu.memref_squeeze %dma_wait3A_17 : memref<1x1x128xi32, #tpu.memory_space<hbm>> -> memref<128xi32, #tpu.memory_space<hbm>>
    %dma_wait3A_19 = arith.constant 0 : i32
    %dma_wait3A_20 = tpu.memref_slice %arg3[%add3A, %dma_wait3A, %dma_wait3A_19] : memref<32x82x128xi32, #tpu.memory_space<hbm>> -> memref<1x1x128xi32, #tpu.memory_space<hbm>>
    %dma_wait3A_21 = tpu.memref_squeeze %dma_wait3A_20 : memref<1x1x128xi32, #tpu.memory_space<hbm>> -> memref<128xi32, #tpu.memory_space<hbm>>
    tpu.wait_dma2 semaphore(%arg13 : memref<!tpu.dma_semaphore, #tpu.memory_space<semaphore_mem>>) src(%dma_wait3A_21 : memref<128xi32, #tpu.memory_space<hbm>>) dst(%arg7 : memref<128xi32, #tpu.memory_space<vmem>>)
    %dma_start3A_22 = arith.constant 0 : i32
    %dma_start3A_23 = arith.constant 0 : i32
    %dma_start3A_24 = tpu.memref_slice %arg2[%dma_start3A_22, %dma_start3A_23] : memref<10240x16xf32, #tpu.memory_space<hbm>> -> memref<10240x16xf32, #tpu.memory_space<hbm>>
    tpu.enqueue_indirect_dma source(%dma_start3A_24 : memref<10240x16xf32, #tpu.memory_space<hbm>>) target(%arg10 : memref<128x16xf32, #tpu.memory_space<vmem>>) offsets(%arg7 : memref<128xi32, #tpu.memory_space<vmem>>) semaphore(%arg15 : memref<!tpu.dma_semaphore, #tpu.memory_space<semaphore_mem>>)
    %dma_wait3A_25 = arith.constant 1 : i32
    %dma_wait3A_26 = arith.constant 0 : i32
    %dma_wait3A_27 = tpu.memref_slice %arg3[%add3A, %dma_wait3A_25, %dma_wait3A_26] : memref<32x82x128xi32, #tpu.memory_space<hbm>> -> memref<1x1x128xi32, #tpu.memory_space<hbm>>
    %dma_wait3A_28 = tpu.memref_squeeze %dma_wait3A_27 : memref<1x1x128xi32, #tpu.memory_space<hbm>> -> memref<128xi32, #tpu.memory_space<hbm>>
    %dma_wait3A_29 = arith.constant 0 : i32
    %dma_wait3A_30 = tpu.memref_slice %arg3[%add3A, %dma_wait3A_25, %dma_wait3A_29] : memref<32x82x128xi32, #tpu.memory_space<hbm>> -> memref<1x1x128xi32, #tpu.memory_space<hbm>>
    %dma_wait3A_31 = tpu.memref_squeeze %dma_wait3A_30 : memref<1x1x128xi32, #tpu.memory_space<hbm>> -> memref<128xi32, #tpu.memory_space<hbm>>
    tpu.wait_dma2 semaphore(%arg14 : memref<!tpu.dma_semaphore, #tpu.memory_space<semaphore_mem>>) src(%dma_wait3A_31 : memref<128xi32, #tpu.memory_space<hbm>>) dst(%arg8 : memref<128xi32, #tpu.memory_space<vmem>>)
    %dma_start3A_32 = arith.constant 0 : i32
    %dma_start3A_33 = arith.constant 0 : i32
    %dma_start3A_34 = tpu.memref_slice %arg2[%dma_start3A_32, %dma_start3A_33] : memref<10240x16xf32, #tpu.memory_space<hbm>> -> memref<10240x16xf32, #tpu.memory_space<hbm>>
    tpu.enqueue_indirect_dma source(%dma_start3A_34 : memref<10240x16xf32, #tpu.memory_space<hbm>>) target(%arg11 : memref<128x16xf32, #tpu.memory_space<vmem>>) offsets(%arg8 : memref<128xi32, #tpu.memory_space<vmem>>) semaphore(%arg16 : memref<!tpu.dma_semaphore, #tpu.memory_space<semaphore_mem>>)
    %barrier3A = arith.constant 0 : index
    tpu.barrier barrier_id(%barrier3A)
    %scan3A = arith.constant 0 : i32
    %scan3A_35 = arith.constant 0 : i32
    %scan3A_36 = arith.constant 40 : i32
    %scan3A_37 = arith.addi %scan3A_35, %scan3A_36 : i32
    %scan3A_38 = arith.constant 1 : i32
    scf.for %scan3A_47 = %scan3A_35 to %scan3A_37 step %scan3A_38  : i32 {
      %mul3A_48 = arith.constant 2 : i32
      %mul3A_49 = arith.muli %scan3A_47, %mul3A_48 : i32
      %dma_wait3A_50 = arith.constant 0 : i32
      %dma_wait3A_51 = arith.constant 0 : i32
      %dma_wait3A_52 = tpu.memref_slice %arg2[%dma_wait3A_50, %dma_wait3A_51] : memref<10240x16xf32, #tpu.memory_space<hbm>> -> memref<10240x16xf32, #tpu.memory_space<hbm>>
      tpu.wait_indirect_dma semaphore(%arg15 : memref<!tpu.dma_semaphore, #tpu.memory_space<semaphore_mem>>) src(%dma_wait3A_52 : memref<10240x16xf32, #tpu.memory_space<hbm>>) dst(%arg10 : memref<128x16xf32, #tpu.memory_space<vmem>>)
      "tpu.region"() ({
        %run_scoped3A = tpu.sem_alloc : memref<!tpu.dma_semaphore, #tpu.memory_space<semaphore_mem>>
        %dma_start3A_68 = arith.constant 0 : i32
        %dma_start3A_69 = tpu.memref_slice %arg9[%mul3A_49, %dma_start3A_68] : memref<80x128xi32, #tpu.memory_space<vmem>> -> memref<1x128xi32, #tpu.memory_space<vmem>>
        %dma_start3A_70 = tpu.memref_squeeze %dma_start3A_69 : memref<1x128xi32, #tpu.memory_space<vmem>> -> memref<128xi32, #tpu.memory_space<vmem>>
        %dma_start3A_71 = arith.constant 0 : i32
        %dma_start3A_72 = arith.constant 0 : i32
        %dma_start3A_73 = tpu.memref_slice %arg12[%dma_start3A_71, %dma_start3A_72] : memref<10240x16xf32, #tpu.memory_space<vmem_shared>> -> memref<10240x16xf32, #tpu.memory_space<vmem_shared>>
        tpu.enqueue_indirect_dma source(%arg10 : memref<128x16xf32, #tpu.memory_space<vmem>>) target(%dma_start3A_73 : memref<10240x16xf32, #tpu.memory_space<vmem_shared>>) offsets(%dma_start3A_70 : memref<128xi32, #tpu.memory_space<vmem>>) semaphore(%run_scoped3A : memref<!tpu.dma_semaphore, #tpu.memory_space<semaphore_mem>>) {add = true}
        %dma_wait3A_74 = arith.constant 0 : i32
        %dma_wait3A_75 = tpu.memref_slice %arg9[%mul3A_49, %dma_wait3A_74] : memref<80x128xi32, #tpu.memory_space<vmem>> -> memref<1x128xi32, #tpu.memory_space<vmem>>
        %dma_wait3A_76 = tpu.memref_squeeze %dma_wait3A_75 : memref<1x128xi32, #tpu.memory_space<vmem>> -> memref<128xi32, #tpu.memory_space<vmem>>
        %dma_wait3A_77 = arith.constant 0 : i32
        %dma_wait3A_78 = arith.constant 0 : i32
        %dma_wait3A_79 = tpu.memref_slice %arg12[%dma_wait3A_77, %dma_wait3A_78] : memref<10240x16xf32, #tpu.memory_space<vmem_shared>> -> memref<10240x16xf32, #tpu.memory_space<vmem_shared>>
        tpu.wait_indirect_dma semaphore(%run_scoped3A : memref<!tpu.dma_semaphore, #tpu.memory_space<semaphore_mem>>) src(%arg10 : memref<128x16xf32, #tpu.memory_space<vmem>>) dst(%dma_wait3A_79 : memref<10240x16xf32, #tpu.memory_space<vmem_shared>>)
        tpu.yield
      }) : () -> ()
      %add3A_53 = arith.constant 2 : i32
      %add3A_54 = arith.addi %mul3A_49, %add3A_53 : i32
      "tpu.region"() ({
        %run_scoped3A = tpu.sem_alloc : memref<!tpu.dma_semaphore, #tpu.memory_space<semaphore_mem>>
        %dma_start3A_68 = arith.constant 0 : i32
        %dma_start3A_69 = tpu.memref_slice %arg3[%add3A, %add3A_54, %dma_start3A_68] : memref<32x82x128xi32, #tpu.memory_space<hbm>> -> memref<1x1x128xi32, #tpu.memory_space<hbm>>
        %dma_start3A_70 = tpu.memref_squeeze %dma_start3A_69 : memref<1x1x128xi32, #tpu.memory_space<hbm>> -> memref<128xi32, #tpu.memory_space<hbm>>
        %dma_start3A_71 = arith.constant 0 : i32
        %dma_start3A_72 = tpu.memref_slice %arg3[%add3A, %add3A_54, %dma_start3A_71] : memref<32x82x128xi32, #tpu.memory_space<hbm>> -> memref<1x1x128xi32, #tpu.memory_space<hbm>>
        %dma_start3A_73 = tpu.memref_squeeze %dma_start3A_72 : memref<1x1x128xi32, #tpu.memory_space<hbm>> -> memref<128xi32, #tpu.memory_space<hbm>>
        tpu.enqueue_dma source(%dma_start3A_73 : memref<128xi32, #tpu.memory_space<hbm>>) target(%arg7 : memref<128xi32, #tpu.memory_space<vmem>>) target_semaphore(%run_scoped3A : memref<!tpu.dma_semaphore, #tpu.memory_space<semaphore_mem>>)
        %dma_wait3A_74 = arith.constant 0 : i32
        %dma_wait3A_75 = tpu.memref_slice %arg3[%add3A, %add3A_54, %dma_wait3A_74] : memref<32x82x128xi32, #tpu.memory_space<hbm>> -> memref<1x1x128xi32, #tpu.memory_space<hbm>>
        %dma_wait3A_76 = tpu.memref_squeeze %dma_wait3A_75 : memref<1x1x128xi32, #tpu.memory_space<hbm>> -> memref<128xi32, #tpu.memory_space<hbm>>
        %dma_wait3A_77 = arith.constant 0 : i32
        %dma_wait3A_78 = tpu.memref_slice %arg3[%add3A, %add3A_54, %dma_wait3A_77] : memref<32x82x128xi32, #tpu.memory_space<hbm>> -> memref<1x1x128xi32, #tpu.memory_space<hbm>>
        %dma_wait3A_79 = tpu.memref_squeeze %dma_wait3A_78 : memref<1x1x128xi32, #tpu.memory_space<hbm>> -> memref<128xi32, #tpu.memory_space<hbm>>
        tpu.wait_dma2 semaphore(%run_scoped3A : memref<!tpu.dma_semaphore, #tpu.memory_space<semaphore_mem>>) src(%dma_wait3A_79 : memref<128xi32, #tpu.memory_space<hbm>>) dst(%arg7 : memref<128xi32, #tpu.memory_space<vmem>>)
        tpu.yield
      }) : () -> ()
      %dma_start3A_55 = arith.constant 0 : i32
      %dma_start3A_56 = arith.constant 0 : i32
      %dma_start3A_57 = tpu.memref_slice %arg2[%dma_start3A_55, %dma_start3A_56] : memref<10240x16xf32, #tpu.memory_space<hbm>> -> memref<10240x16xf32, #tpu.memory_space<hbm>>
      tpu.enqueue_indirect_dma source(%dma_start3A_57 : memref<10240x16xf32, #tpu.memory_space<hbm>>) target(%arg10 : memref<128x16xf32, #tpu.memory_space<vmem>>) offsets(%arg7 : memref<128xi32, #tpu.memory_space<vmem>>) semaphore(%arg15 : memref<!tpu.dma_semaphore, #tpu.memory_space<semaphore_mem>>)
      %dma_wait3A_58 = arith.constant 0 : i32
      %dma_wait3A_59 = arith.constant 0 : i32
      %dma_wait3A_60 = tpu.memref_slice %arg2[%dma_wait3A_58, %dma_wait3A_59] : memref<10240x16xf32, #tpu.memory_space<hbm>> -> memref<10240x16xf32, #tpu.memory_space<hbm>>
      tpu.wait_indirect_dma semaphore(%arg16 : memref<!tpu.dma_semaphore, #tpu.memory_space<semaphore_mem>>) src(%dma_wait3A_60 : memref<10240x16xf32, #tpu.memory_space<hbm>>) dst(%arg11 : memref<128x16xf32, #tpu.memory_space<vmem>>)
      %add3A_61 = arith.constant 1 : i32
      %add3A_62 = arith.addi %mul3A_49, %add3A_61 : i32
      "tpu.region"() ({
        %run_scoped3A = tpu.sem_alloc : memref<!tpu.dma_semaphore, #tpu.memory_space<semaphore_mem>>
        %dma_start3A_68 = arith.constant 0 : i32
        %dma_start3A_69 = tpu.memref_slice %arg9[%add3A_62, %dma_start3A_68] : memref<80x128xi32, #tpu.memory_space<vmem>> -> memref<1x128xi32, #tpu.memory_space<vmem>>
        %dma_start3A_70 = tpu.memref_squeeze %dma_start3A_69 : memref<1x128xi32, #tpu.memory_space<vmem>> -> memref<128xi32, #tpu.memory_space<vmem>>
        %dma_start3A_71 = arith.constant 0 : i32
        %dma_start3A_72 = arith.constant 0 : i32
        %dma_start3A_73 = tpu.memref_slice %arg12[%dma_start3A_71, %dma_start3A_72] : memref<10240x16xf32, #tpu.memory_space<vmem_shared>> -> memref<10240x16xf32, #tpu.memory_space<vmem_shared>>
        tpu.enqueue_indirect_dma source(%arg11 : memref<128x16xf32, #tpu.memory_space<vmem>>) target(%dma_start3A_73 : memref<10240x16xf32, #tpu.memory_space<vmem_shared>>) offsets(%dma_start3A_70 : memref<128xi32, #tpu.memory_space<vmem>>) semaphore(%run_scoped3A : memref<!tpu.dma_semaphore, #tpu.memory_space<semaphore_mem>>) {add = true}
        %dma_wait3A_74 = arith.constant 0 : i32
        %dma_wait3A_75 = tpu.memref_slice %arg9[%add3A_62, %dma_wait3A_74] : memref<80x128xi32, #tpu.memory_space<vmem>> -> memref<1x128xi32, #tpu.memory_space<vmem>>
        %dma_wait3A_76 = tpu.memref_squeeze %dma_wait3A_75 : memref<1x128xi32, #tpu.memory_space<vmem>> -> memref<128xi32, #tpu.memory_space<vmem>>
        %dma_wait3A_77 = arith.constant 0 : i32
        %dma_wait3A_78 = arith.constant 0 : i32
        %dma_wait3A_79 = tpu.memref_slice %arg12[%dma_wait3A_77, %dma_wait3A_78] : memref<10240x16xf32, #tpu.memory_space<vmem_shared>> -> memref<10240x16xf32, #tpu.memory_space<vmem_shared>>
        tpu.wait_indirect_dma semaphore(%run_scoped3A : memref<!tpu.dma_semaphore, #tpu.memory_space<semaphore_mem>>) src(%arg11 : memref<128x16xf32, #tpu.memory_space<vmem>>) dst(%dma_wait3A_79 : memref<10240x16xf32, #tpu.memory_space<vmem_shared>>)
        tpu.yield
      }) : () -> ()
      %add3A_63 = arith.constant 3 : i32
      %add3A_64 = arith.addi %mul3A_49, %add3A_63 : i32
      "tpu.region"() ({
        %run_scoped3A = tpu.sem_alloc : memref<!tpu.dma_semaphore, #tpu.memory_space<semaphore_mem>>
        %dma_start3A_68 = arith.constant 0 : i32
        %dma_start3A_69 = tpu.memref_slice %arg3[%add3A, %add3A_64, %dma_start3A_68] : memref<32x82x128xi32, #tpu.memory_space<hbm>> -> memref<1x1x128xi32, #tpu.memory_space<hbm>>
        %dma_start3A_70 = tpu.memref_squeeze %dma_start3A_69 : memref<1x1x128xi32, #tpu.memory_space<hbm>> -> memref<128xi32, #tpu.memory_space<hbm>>
        %dma_start3A_71 = arith.constant 0 : i32
        %dma_start3A_72 = tpu.memref_slice %arg3[%add3A, %add3A_64, %dma_start3A_71] : memref<32x82x128xi32, #tpu.memory_space<hbm>> -> memref<1x1x128xi32, #tpu.memory_space<hbm>>
        %dma_start3A_73 = tpu.memref_squeeze %dma_start3A_72 : memref<1x1x128xi32, #tpu.memory_space<hbm>> -> memref<128xi32, #tpu.memory_space<hbm>>
        tpu.enqueue_dma source(%dma_start3A_73 : memref<128xi32, #tpu.memory_space<hbm>>) target(%arg8 : memref<128xi32, #tpu.memory_space<vmem>>) target_semaphore(%run_scoped3A : memref<!tpu.dma_semaphore, #tpu.memory_space<semaphore_mem>>)
        %dma_wait3A_74 = arith.constant 0 : i32
        %dma_wait3A_75 = tpu.memref_slice %arg3[%add3A, %add3A_64, %dma_wait3A_74] : memref<32x82x128xi32, #tpu.memory_space<hbm>> -> memref<1x1x128xi32, #tpu.memory_space<hbm>>
        %dma_wait3A_76 = tpu.memref_squeeze %dma_wait3A_75 : memref<1x1x128xi32, #tpu.memory_space<hbm>> -> memref<128xi32, #tpu.memory_space<hbm>>
        %dma_wait3A_77 = arith.constant 0 : i32
        %dma_wait3A_78 = tpu.memref_slice %arg3[%add3A, %add3A_64, %dma_wait3A_77] : memref<32x82x128xi32, #tpu.memory_space<hbm>> -> memref<1x1x128xi32, #tpu.memory_space<hbm>>
        %dma_wait3A_79 = tpu.memref_squeeze %dma_wait3A_78 : memref<1x1x128xi32, #tpu.memory_space<hbm>> -> memref<128xi32, #tpu.memory_space<hbm>>
        tpu.wait_dma2 semaphore(%run_scoped3A : memref<!tpu.dma_semaphore, #tpu.memory_space<semaphore_mem>>) src(%dma_wait3A_79 : memref<128xi32, #tpu.memory_space<hbm>>) dst(%arg8 : memref<128xi32, #tpu.memory_space<vmem>>)
        tpu.yield
      }) : () -> ()
      %dma_start3A_65 = arith.constant 0 : i32
      %dma_start3A_66 = arith.constant 0 : i32
      %dma_start3A_67 = tpu.memref_slice %arg2[%dma_start3A_65, %dma_start3A_66] : memref<10240x16xf32, #tpu.memory_space<hbm>> -> memref<10240x16xf32, #tpu.memory_space<hbm>>
      tpu.enqueue_indirect_dma source(%dma_start3A_67 : memref<10240x16xf32, #tpu.memory_space<hbm>>) target(%arg11 : memref<128x16xf32, #tpu.memory_space<vmem>>) offsets(%arg8 : memref<128xi32, #tpu.memory_space<vmem>>) semaphore(%arg16 : memref<!tpu.dma_semaphore, #tpu.memory_space<semaphore_mem>>)
    }
    %scan3A_39 = arith.constant 40 : i32
    %dma_wait3A_40 = arith.constant 0 : i32
    %dma_wait3A_41 = arith.constant 0 : i32
    %dma_wait3A_42 = tpu.memref_slice %arg2[%dma_wait3A_40, %dma_wait3A_41] : memref<10240x16xf32, #tpu.memory_space<hbm>> -> memref<10240x16xf32, #tpu.memory_space<hbm>>
    tpu.wait_indirect_dma semaphore(%arg15 : memref<!tpu.dma_semaphore, #tpu.memory_space<semaphore_mem>>) src(%dma_wait3A_42 : memref<10240x16xf32, #tpu.memory_space<hbm>>) dst(%arg10 : memref<128x16xf32, #tpu.memory_space<vmem>>)
    %dma_wait3A_43 = arith.constant 0 : i32
    %dma_wait3A_44 = arith.constant 0 : i32
    %dma_wait3A_45 = tpu.memref_slice %arg2[%dma_wait3A_43, %dma_wait3A_44] : memref<10240x16xf32, #tpu.memory_space<hbm>> -> memref<10240x16xf32, #tpu.memory_space<hbm>>
    tpu.wait_indirect_dma semaphore(%arg16 : memref<!tpu.dma_semaphore, #tpu.memory_space<semaphore_mem>>) src(%dma_wait3A_45 : memref<10240x16xf32, #tpu.memory_space<hbm>>) dst(%arg11 : memref<128x16xf32, #tpu.memory_space<vmem>>)
    %barrier3A_46 = arith.constant 0 : index
    tpu.barrier barrier_id(%barrier3A_46)
    "tpu.region"() ({
      %run_scoped3A = tpu.sem_alloc : memref<!tpu.dma_semaphore, #tpu.memory_space<semaphore_mem>>
      %dma_start3A_47 = arith.constant 0 : i32
      %dma_start3A_48 = tpu.memref_slice %arg6[%arg0, %mul3A_2, %dma_start3A_47] : memref<2x10240x16xf32, #tpu.memory_space<hbm>> -> memref<1x640x16xf32, #tpu.memory_space<hbm>>
      %dma_start3A_49 = tpu.memref_squeeze %dma_start3A_48 : memref<1x640x16xf32, #tpu.memory_space<hbm>> -> memref<640x16xf32, #tpu.memory_space<hbm>>
      %dma_start3A_50 = arith.constant 0 : i32
      %dma_start3A_51 = tpu.memref_slice %arg12[%mul3A_2, %dma_start3A_50] : memref<10240x16xf32, #tpu.memory_space<vmem_shared>> -> memref<640x16xf32, #tpu.memory_space<vmem_shared>>
      tpu.enqueue_dma source(%dma_start3A_51 : memref<640x16xf32, #tpu.memory_space<vmem_shared>>) target(%dma_start3A_49 : memref<640x16xf32, #tpu.memory_space<hbm>>) target_semaphore(%run_scoped3A : memref<!tpu.dma_semaphore, #tpu.memory_space<semaphore_mem>>)
      %dma_wait3A_52 = arith.constant 0 : i32
      %dma_wait3A_53 = tpu.memref_slice %arg6[%arg0, %mul3A_2, %dma_wait3A_52] : memref<2x10240x16xf32, #tpu.memory_space<hbm>> -> memref<1x640x16xf32, #tpu.memory_space<hbm>>
      %dma_wait3A_54 = tpu.memref_squeeze %dma_wait3A_53 : memref<1x640x16xf32, #tpu.memory_space<hbm>> -> memref<640x16xf32, #tpu.memory_space<hbm>>
      %dma_wait3A_55 = arith.constant 0 : i32
      %dma_wait3A_56 = tpu.memref_slice %arg12[%mul3A_2, %dma_wait3A_55] : memref<10240x16xf32, #tpu.memory_space<vmem_shared>> -> memref<640x16xf32, #tpu.memory_space<vmem_shared>>
      tpu.wait_dma2 semaphore(%run_scoped3A : memref<!tpu.dma_semaphore, #tpu.memory_space<semaphore_mem>>) src(%dma_wait3A_56 : memref<640x16xf32, #tpu.memory_space<vmem_shared>>) dst(%dma_wait3A_54 : memref<640x16xf32, #tpu.memory_space<hbm>>)
      tpu.yield
    }) : () -> ()
    return
  }
}

#map = affine_map<(d0, d1) -> (0, 0)>
#map1 = affine_map<(d0, d1) -> (0, 0, 0)>
module attributes {stable_mosaic.version = 14 : i64} {
  func.func @segsum(%arg0: i32, %arg1: i32, %arg2: memref<10240x128xf32, #tpu.memory_space<hbm>>, %arg3: memref<32x82x128xi32, #tpu.memory_space<hbm>>, %arg4: memref<32x80x128xi32, #tpu.memory_space<hbm>>, %arg5: memref<640x128xf32, #tpu.memory_space<hbm>>, %arg6: memref<2x10240x128xf32, #tpu.memory_space<hbm>>, %arg7: memref<128xi32, #tpu.memory_space<vmem>>, %arg8: memref<128xi32, #tpu.memory_space<vmem>>, %arg9: memref<80x128xi32, #tpu.memory_space<vmem>>, %arg10: memref<128x128xf32, #tpu.memory_space<vmem>>, %arg11: memref<128x128xf32, #tpu.memory_space<vmem>>, %arg12: memref<10240x128xf32, #tpu.memory_space<vmem_shared>>, %arg13: memref<!tpu.dma_semaphore, #tpu.memory_space<semaphore_mem>>, %arg14: memref<!tpu.dma_semaphore, #tpu.memory_space<semaphore_mem>>, %arg15: memref<!tpu.dma_semaphore, #tpu.memory_space<semaphore_mem>>, %arg16: memref<!tpu.dma_semaphore, #tpu.memory_space<semaphore_mem>>) attributes {dimension_semantics = [#tpu.dimension_semantics<core_parallel>, #tpu.dimension_semantics<subcore_parallel>], iteration_bounds = array<i64: 2, 16>, scalar_prefetch = 0 : i64, scratch_operands = 10 : i64, tpu.core_type = #tpu.core_type<sc_vector_subcore>, window_params = [{transform_indices = #map}, {transform_indices = #map1}, {transform_indices = #map1}, {transform_indices = #map}, {transform_indices = #map1}]} {
    %mul3A = arith.constant 2 : i32
    %mul3A_0 = arith.muli %arg1, %mul3A : i32
    %add3A = arith.addi %mul3A_0, %arg0 : i32
    %mul3A_1 = arith.constant 640 : i32
    %mul3A_2 = arith.muli %arg1, %mul3A_1 : i32
    "tpu.region"() ({
      %run_scoped3A = tpu.sem_alloc : memref<!tpu.dma_semaphore, #tpu.memory_space<semaphore_mem>>
      %dma_start3A_47 = arith.constant 0 : i32
      %dma_start3A_48 = tpu.memref_slice %arg12[%mul3A_2, %dma_start3A_47] : memref<10240x128xf32, #tpu.memory_space<vmem_shared>> -> memref<640x128xf32, #tpu.memory_space<vmem_shared>>
      tpu.enqueue_dma source(%arg5 : memref<640x128xf32, #tpu.memory_space<hbm>>) target(%dma_start3A_48 : memref<640x128xf32, #tpu.memory_space<vmem_shared>>) target_semaphore(%run_scoped3A : memref<!tpu.dma_semaphore, #tpu.memory_space<semaphore_mem>>)
      %dma_wait3A_49 = arith.constant 0 : i32
      %dma_wait3A_50 = tpu.memref_slice %arg12[%mul3A_2, %dma_wait3A_49] : memref<10240x128xf32, #tpu.memory_space<vmem_shared>> -> memref<640x128xf32, #tpu.memory_space<vmem_shared>>
      tpu.wait_dma2 semaphore(%run_scoped3A : memref<!tpu.dma_semaphore, #tpu.memory_space<semaphore_mem>>) src(%arg5 : memref<640x128xf32, #tpu.memory_space<hbm>>) dst(%dma_wait3A_50 : memref<640x128xf32, #tpu.memory_space<vmem_shared>>)
      tpu.yield
    }) : () -> ()
    "tpu.region"() ({
      %run_scoped3A = tpu.sem_alloc : memref<!tpu.dma_semaphore, #tpu.memory_space<semaphore_mem>>
      %dma_start3A_47 = arith.constant 0 : i32
      %dma_start3A_48 = arith.constant 0 : i32
      %dma_start3A_49 = tpu.memref_slice %arg4[%add3A, %dma_start3A_47, %dma_start3A_48] : memref<32x80x128xi32, #tpu.memory_space<hbm>> -> memref<1x80x128xi32, #tpu.memory_space<hbm>>
      %dma_start3A_50 = tpu.memref_squeeze %dma_start3A_49 : memref<1x80x128xi32, #tpu.memory_space<hbm>> -> memref<80x128xi32, #tpu.memory_space<hbm>>
      %dma_start3A_51 = arith.constant 0 : i32
      %dma_start3A_52 = arith.constant 0 : i32
      %dma_start3A_53 = tpu.memref_slice %arg4[%add3A, %dma_start3A_51, %dma_start3A_52] : memref<32x80x128xi32, #tpu.memory_space<hbm>> -> memref<1x80x128xi32, #tpu.memory_space<hbm>>
      %dma_start3A_54 = tpu.memref_squeeze %dma_start3A_53 : memref<1x80x128xi32, #tpu.memory_space<hbm>> -> memref<80x128xi32, #tpu.memory_space<hbm>>
      tpu.enqueue_dma source(%dma_start3A_54 : memref<80x128xi32, #tpu.memory_space<hbm>>) target(%arg9 : memref<80x128xi32, #tpu.memory_space<vmem>>) target_semaphore(%run_scoped3A : memref<!tpu.dma_semaphore, #tpu.memory_space<semaphore_mem>>)
      %dma_wait3A_55 = arith.constant 0 : i32
      %dma_wait3A_56 = arith.constant 0 : i32
      %dma_wait3A_57 = tpu.memref_slice %arg4[%add3A, %dma_wait3A_55, %dma_wait3A_56] : memref<32x80x128xi32, #tpu.memory_space<hbm>> -> memref<1x80x128xi32, #tpu.memory_space<hbm>>
      %dma_wait3A_58 = tpu.memref_squeeze %dma_wait3A_57 : memref<1x80x128xi32, #tpu.memory_space<hbm>> -> memref<80x128xi32, #tpu.memory_space<hbm>>
      %dma_wait3A_59 = arith.constant 0 : i32
      %dma_wait3A_60 = arith.constant 0 : i32
      %dma_wait3A_61 = tpu.memref_slice %arg4[%add3A, %dma_wait3A_59, %dma_wait3A_60] : memref<32x80x128xi32, #tpu.memory_space<hbm>> -> memref<1x80x128xi32, #tpu.memory_space<hbm>>
      %dma_wait3A_62 = tpu.memref_squeeze %dma_wait3A_61 : memref<1x80x128xi32, #tpu.memory_space<hbm>> -> memref<80x128xi32, #tpu.memory_space<hbm>>
      tpu.wait_dma2 semaphore(%run_scoped3A : memref<!tpu.dma_semaphore, #tpu.memory_space<semaphore_mem>>) src(%dma_wait3A_62 : memref<80x128xi32, #tpu.memory_space<hbm>>) dst(%arg9 : memref<80x128xi32, #tpu.memory_space<vmem>>)
      tpu.yield
    }) : () -> ()
    %dma_start3A = arith.constant 0 : i32
    %dma_start3A_3 = arith.constant 0 : i32
    %dma_start3A_4 = tpu.memref_slice %arg3[%add3A, %dma_start3A, %dma_start3A_3] : memref<32x82x128xi32, #tpu.memory_space<hbm>> -> memref<1x1x128xi32, #tpu.memory_space<hbm>>
    %dma_start3A_5 = tpu.memref_squeeze %dma_start3A_4 : memref<1x1x128xi32, #tpu.memory_space<hbm>> -> memref<128xi32, #tpu.memory_space<hbm>>
    %dma_start3A_6 = arith.constant 0 : i32
    %dma_start3A_7 = tpu.memref_slice %arg3[%add3A, %dma_start3A, %dma_start3A_6] : memref<32x82x128xi32, #tpu.memory_space<hbm>> -> memref<1x1x128xi32, #tpu.memory_space<hbm>>
    %dma_start3A_8 = tpu.memref_squeeze %dma_start3A_7 : memref<1x1x128xi32, #tpu.memory_space<hbm>> -> memref<128xi32, #tpu.memory_space<hbm>>
    tpu.enqueue_dma source(%dma_start3A_8 : memref<128xi32, #tpu.memory_space<hbm>>) target(%arg7 : memref<128xi32, #tpu.memory_space<vmem>>) target_semaphore(%arg13 : memref<!tpu.dma_semaphore, #tpu.memory_space<semaphore_mem>>)
    %dma_start3A_9 = arith.constant 1 : i32
    %dma_start3A_10 = arith.constant 0 : i32
    %dma_start3A_11 = tpu.memref_slice %arg3[%add3A, %dma_start3A_9, %dma_start3A_10] : memref<32x82x128xi32, #tpu.memory_space<hbm>> -> memref<1x1x128xi32, #tpu.memory_space<hbm>>
    %dma_start3A_12 = tpu.memref_squeeze %dma_start3A_11 : memref<1x1x128xi32, #tpu.memory_space<hbm>> -> memref<128xi32, #tpu.memory_space<hbm>>
    %dma_start3A_13 = arith.constant 0 : i32
    %dma_start3A_14 = tpu.memref_slice %arg3[%add3A, %dma_start3A_9, %dma_start3A_13] : memref<32x82x128xi32, #tpu.memory_space<hbm>> -> memref<1x1x128xi32, #tpu.memory_space<hbm>>
    %dma_start3A_15 = tpu.memref_squeeze %dma_start3A_14 : memref<1x1x128xi32, #tpu.memory_space<hbm>> -> memref<128xi32, #tpu.memory_space<hbm>>
    tpu.enqueue_dma source(%dma_start3A_15 : memref<128xi32, #tpu.memory_space<hbm>>) target(%arg8 : memref<128xi32, #tpu.memory_space<vmem>>) target_semaphore(%arg14 : memref<!tpu.dma_semaphore, #tpu.memory_space<semaphore_mem>>)
    %dma_wait3A = arith.constant 0 : i32
    %dma_wait3A_16 = arith.constant 0 : i32
    %dma_wait3A_17 = tpu.memref_slice %arg3[%add3A, %dma_wait3A, %dma_wait3A_16] : memref<32x82x128xi32, #tpu.memory_space<hbm>> -> memref<1x1x128xi32, #tpu.memory_space<hbm>>
    %dma_wait3A_18 = tpu.memref_squeeze %dma_wait3A_17 : memref<1x1x128xi32, #tpu.memory_space<hbm>> -> memref<128xi32, #tpu.memory_space<hbm>>
    %dma_wait3A_19 = arith.constant 0 : i32
    %dma_wait3A_20 = tpu.memref_slice %arg3[%add3A, %dma_wait3A, %dma_wait3A_19] : memref<32x82x128xi32, #tpu.memory_space<hbm>> -> memref<1x1x128xi32, #tpu.memory_space<hbm>>
    %dma_wait3A_21 = tpu.memref_squeeze %dma_wait3A_20 : memref<1x1x128xi32, #tpu.memory_space<hbm>> -> memref<128xi32, #tpu.memory_space<hbm>>
    tpu.wait_dma2 semaphore(%arg13 : memref<!tpu.dma_semaphore, #tpu.memory_space<semaphore_mem>>) src(%dma_wait3A_21 : memref<128xi32, #tpu.memory_space<hbm>>) dst(%arg7 : memref<128xi32, #tpu.memory_space<vmem>>)
    %dma_start3A_22 = arith.constant 0 : i32
    %dma_start3A_23 = arith.constant 0 : i32
    %dma_start3A_24 = tpu.memref_slice %arg2[%dma_start3A_22, %dma_start3A_23] : memref<10240x128xf32, #tpu.memory_space<hbm>> -> memref<10240x128xf32, #tpu.memory_space<hbm>>
    tpu.enqueue_indirect_dma source(%dma_start3A_24 : memref<10240x128xf32, #tpu.memory_space<hbm>>) target(%arg10 : memref<128x128xf32, #tpu.memory_space<vmem>>) offsets(%arg7 : memref<128xi32, #tpu.memory_space<vmem>>) semaphore(%arg15 : memref<!tpu.dma_semaphore, #tpu.memory_space<semaphore_mem>>)
    %dma_wait3A_25 = arith.constant 1 : i32
    %dma_wait3A_26 = arith.constant 0 : i32
    %dma_wait3A_27 = tpu.memref_slice %arg3[%add3A, %dma_wait3A_25, %dma_wait3A_26] : memref<32x82x128xi32, #tpu.memory_space<hbm>> -> memref<1x1x128xi32, #tpu.memory_space<hbm>>
    %dma_wait3A_28 = tpu.memref_squeeze %dma_wait3A_27 : memref<1x1x128xi32, #tpu.memory_space<hbm>> -> memref<128xi32, #tpu.memory_space<hbm>>
    %dma_wait3A_29 = arith.constant 0 : i32
    %dma_wait3A_30 = tpu.memref_slice %arg3[%add3A, %dma_wait3A_25, %dma_wait3A_29] : memref<32x82x128xi32, #tpu.memory_space<hbm>> -> memref<1x1x128xi32, #tpu.memory_space<hbm>>
    %dma_wait3A_31 = tpu.memref_squeeze %dma_wait3A_30 : memref<1x1x128xi32, #tpu.memory_space<hbm>> -> memref<128xi32, #tpu.memory_space<hbm>>
    tpu.wait_dma2 semaphore(%arg14 : memref<!tpu.dma_semaphore, #tpu.memory_space<semaphore_mem>>) src(%dma_wait3A_31 : memref<128xi32, #tpu.memory_space<hbm>>) dst(%arg8 : memref<128xi32, #tpu.memory_space<vmem>>)
    %dma_start3A_32 = arith.constant 0 : i32
    %dma_start3A_33 = arith.constant 0 : i32
    %dma_start3A_34 = tpu.memref_slice %arg2[%dma_start3A_32, %dma_start3A_33] : memref<10240x128xf32, #tpu.memory_space<hbm>> -> memref<10240x128xf32, #tpu.memory_space<hbm>>
    tpu.enqueue_indirect_dma source(%dma_start3A_34 : memref<10240x128xf32, #tpu.memory_space<hbm>>) target(%arg11 : memref<128x128xf32, #tpu.memory_space<vmem>>) offsets(%arg8 : memref<128xi32, #tpu.memory_space<vmem>>) semaphore(%arg16 : memref<!tpu.dma_semaphore, #tpu.memory_space<semaphore_mem>>)
    %barrier3A = arith.constant 0 : index
    tpu.barrier barrier_id(%barrier3A)
    %scan3A = arith.constant 0 : i32
    %scan3A_35 = arith.constant 0 : i32
    %scan3A_36 = arith.constant 40 : i32
    %scan3A_37 = arith.addi %scan3A_35, %scan3A_36 : i32
    %scan3A_38 = arith.constant 1 : i32
    scf.for %scan3A_47 = %scan3A_35 to %scan3A_37 step %scan3A_38  : i32 {
      %mul3A_48 = arith.constant 2 : i32
      %mul3A_49 = arith.muli %scan3A_47, %mul3A_48 : i32
      %dma_wait3A_50 = arith.constant 0 : i32
      %dma_wait3A_51 = arith.constant 0 : i32
      %dma_wait3A_52 = tpu.memref_slice %arg2[%dma_wait3A_50, %dma_wait3A_51] : memref<10240x128xf32, #tpu.memory_space<hbm>> -> memref<10240x128xf32, #tpu.memory_space<hbm>>
      tpu.wait_indirect_dma semaphore(%arg15 : memref<!tpu.dma_semaphore, #tpu.memory_space<semaphore_mem>>) src(%dma_wait3A_52 : memref<10240x128xf32, #tpu.memory_space<hbm>>) dst(%arg10 : memref<128x128xf32, #tpu.memory_space<vmem>>)
      "tpu.region"() ({
        %run_scoped3A = tpu.sem_alloc : memref<!tpu.dma_semaphore, #tpu.memory_space<semaphore_mem>>
        %dma_start3A_68 = arith.constant 0 : i32
        %dma_start3A_69 = tpu.memref_slice %arg9[%mul3A_49, %dma_start3A_68] : memref<80x128xi32, #tpu.memory_space<vmem>> -> memref<1x128xi32, #tpu.memory_space<vmem>>
        %dma_start3A_70 = tpu.memref_squeeze %dma_start3A_69 : memref<1x128xi32, #tpu.memory_space<vmem>> -> memref<128xi32, #tpu.memory_space<vmem>>
        %dma_start3A_71 = arith.constant 0 : i32
        %dma_start3A_72 = arith.constant 0 : i32
        %dma_start3A_73 = tpu.memref_slice %arg12[%dma_start3A_71, %dma_start3A_72] : memref<10240x128xf32, #tpu.memory_space<vmem_shared>> -> memref<10240x128xf32, #tpu.memory_space<vmem_shared>>
        tpu.enqueue_indirect_dma source(%arg10 : memref<128x128xf32, #tpu.memory_space<vmem>>) target(%dma_start3A_73 : memref<10240x128xf32, #tpu.memory_space<vmem_shared>>) offsets(%dma_start3A_70 : memref<128xi32, #tpu.memory_space<vmem>>) semaphore(%run_scoped3A : memref<!tpu.dma_semaphore, #tpu.memory_space<semaphore_mem>>) {add = true}
        %dma_wait3A_74 = arith.constant 0 : i32
        %dma_wait3A_75 = tpu.memref_slice %arg9[%mul3A_49, %dma_wait3A_74] : memref<80x128xi32, #tpu.memory_space<vmem>> -> memref<1x128xi32, #tpu.memory_space<vmem>>
        %dma_wait3A_76 = tpu.memref_squeeze %dma_wait3A_75 : memref<1x128xi32, #tpu.memory_space<vmem>> -> memref<128xi32, #tpu.memory_space<vmem>>
        %dma_wait3A_77 = arith.constant 0 : i32
        %dma_wait3A_78 = arith.constant 0 : i32
        %dma_wait3A_79 = tpu.memref_slice %arg12[%dma_wait3A_77, %dma_wait3A_78] : memref<10240x128xf32, #tpu.memory_space<vmem_shared>> -> memref<10240x128xf32, #tpu.memory_space<vmem_shared>>
        tpu.wait_indirect_dma semaphore(%run_scoped3A : memref<!tpu.dma_semaphore, #tpu.memory_space<semaphore_mem>>) src(%arg10 : memref<128x128xf32, #tpu.memory_space<vmem>>) dst(%dma_wait3A_79 : memref<10240x128xf32, #tpu.memory_space<vmem_shared>>)
        tpu.yield
      }) : () -> ()
      %add3A_53 = arith.constant 2 : i32
      %add3A_54 = arith.addi %mul3A_49, %add3A_53 : i32
      "tpu.region"() ({
        %run_scoped3A = tpu.sem_alloc : memref<!tpu.dma_semaphore, #tpu.memory_space<semaphore_mem>>
        %dma_start3A_68 = arith.constant 0 : i32
        %dma_start3A_69 = tpu.memref_slice %arg3[%add3A, %add3A_54, %dma_start3A_68] : memref<32x82x128xi32, #tpu.memory_space<hbm>> -> memref<1x1x128xi32, #tpu.memory_space<hbm>>
        %dma_start3A_70 = tpu.memref_squeeze %dma_start3A_69 : memref<1x1x128xi32, #tpu.memory_space<hbm>> -> memref<128xi32, #tpu.memory_space<hbm>>
        %dma_start3A_71 = arith.constant 0 : i32
        %dma_start3A_72 = tpu.memref_slice %arg3[%add3A, %add3A_54, %dma_start3A_71] : memref<32x82x128xi32, #tpu.memory_space<hbm>> -> memref<1x1x128xi32, #tpu.memory_space<hbm>>
        %dma_start3A_73 = tpu.memref_squeeze %dma_start3A_72 : memref<1x1x128xi32, #tpu.memory_space<hbm>> -> memref<128xi32, #tpu.memory_space<hbm>>
        tpu.enqueue_dma source(%dma_start3A_73 : memref<128xi32, #tpu.memory_space<hbm>>) target(%arg7 : memref<128xi32, #tpu.memory_space<vmem>>) target_semaphore(%run_scoped3A : memref<!tpu.dma_semaphore, #tpu.memory_space<semaphore_mem>>)
        %dma_wait3A_74 = arith.constant 0 : i32
        %dma_wait3A_75 = tpu.memref_slice %arg3[%add3A, %add3A_54, %dma_wait3A_74] : memref<32x82x128xi32, #tpu.memory_space<hbm>> -> memref<1x1x128xi32, #tpu.memory_space<hbm>>
        %dma_wait3A_76 = tpu.memref_squeeze %dma_wait3A_75 : memref<1x1x128xi32, #tpu.memory_space<hbm>> -> memref<128xi32, #tpu.memory_space<hbm>>
        %dma_wait3A_77 = arith.constant 0 : i32
        %dma_wait3A_78 = tpu.memref_slice %arg3[%add3A, %add3A_54, %dma_wait3A_77] : memref<32x82x128xi32, #tpu.memory_space<hbm>> -> memref<1x1x128xi32, #tpu.memory_space<hbm>>
        %dma_wait3A_79 = tpu.memref_squeeze %dma_wait3A_78 : memref<1x1x128xi32, #tpu.memory_space<hbm>> -> memref<128xi32, #tpu.memory_space<hbm>>
        tpu.wait_dma2 semaphore(%run_scoped3A : memref<!tpu.dma_semaphore, #tpu.memory_space<semaphore_mem>>) src(%dma_wait3A_79 : memref<128xi32, #tpu.memory_space<hbm>>) dst(%arg7 : memref<128xi32, #tpu.memory_space<vmem>>)
        tpu.yield
      }) : () -> ()
      %dma_start3A_55 = arith.constant 0 : i32
      %dma_start3A_56 = arith.constant 0 : i32
      %dma_start3A_57 = tpu.memref_slice %arg2[%dma_start3A_55, %dma_start3A_56] : memref<10240x128xf32, #tpu.memory_space<hbm>> -> memref<10240x128xf32, #tpu.memory_space<hbm>>
      tpu.enqueue_indirect_dma source(%dma_start3A_57 : memref<10240x128xf32, #tpu.memory_space<hbm>>) target(%arg10 : memref<128x128xf32, #tpu.memory_space<vmem>>) offsets(%arg7 : memref<128xi32, #tpu.memory_space<vmem>>) semaphore(%arg15 : memref<!tpu.dma_semaphore, #tpu.memory_space<semaphore_mem>>)
      %dma_wait3A_58 = arith.constant 0 : i32
      %dma_wait3A_59 = arith.constant 0 : i32
      %dma_wait3A_60 = tpu.memref_slice %arg2[%dma_wait3A_58, %dma_wait3A_59] : memref<10240x128xf32, #tpu.memory_space<hbm>> -> memref<10240x128xf32, #tpu.memory_space<hbm>>
      tpu.wait_indirect_dma semaphore(%arg16 : memref<!tpu.dma_semaphore, #tpu.memory_space<semaphore_mem>>) src(%dma_wait3A_60 : memref<10240x128xf32, #tpu.memory_space<hbm>>) dst(%arg11 : memref<128x128xf32, #tpu.memory_space<vmem>>)
      %add3A_61 = arith.constant 1 : i32
      %add3A_62 = arith.addi %mul3A_49, %add3A_61 : i32
      "tpu.region"() ({
        %run_scoped3A = tpu.sem_alloc : memref<!tpu.dma_semaphore, #tpu.memory_space<semaphore_mem>>
        %dma_start3A_68 = arith.constant 0 : i32
        %dma_start3A_69 = tpu.memref_slice %arg9[%add3A_62, %dma_start3A_68] : memref<80x128xi32, #tpu.memory_space<vmem>> -> memref<1x128xi32, #tpu.memory_space<vmem>>
        %dma_start3A_70 = tpu.memref_squeeze %dma_start3A_69 : memref<1x128xi32, #tpu.memory_space<vmem>> -> memref<128xi32, #tpu.memory_space<vmem>>
        %dma_start3A_71 = arith.constant 0 : i32
        %dma_start3A_72 = arith.constant 0 : i32
        %dma_start3A_73 = tpu.memref_slice %arg12[%dma_start3A_71, %dma_start3A_72] : memref<10240x128xf32, #tpu.memory_space<vmem_shared>> -> memref<10240x128xf32, #tpu.memory_space<vmem_shared>>
        tpu.enqueue_indirect_dma source(%arg11 : memref<128x128xf32, #tpu.memory_space<vmem>>) target(%dma_start3A_73 : memref<10240x128xf32, #tpu.memory_space<vmem_shared>>) offsets(%dma_start3A_70 : memref<128xi32, #tpu.memory_space<vmem>>) semaphore(%run_scoped3A : memref<!tpu.dma_semaphore, #tpu.memory_space<semaphore_mem>>) {add = true}
        %dma_wait3A_74 = arith.constant 0 : i32
        %dma_wait3A_75 = tpu.memref_slice %arg9[%add3A_62, %dma_wait3A_74] : memref<80x128xi32, #tpu.memory_space<vmem>> -> memref<1x128xi32, #tpu.memory_space<vmem>>
        %dma_wait3A_76 = tpu.memref_squeeze %dma_wait3A_75 : memref<1x128xi32, #tpu.memory_space<vmem>> -> memref<128xi32, #tpu.memory_space<vmem>>
        %dma_wait3A_77 = arith.constant 0 : i32
        %dma_wait3A_78 = arith.constant 0 : i32
        %dma_wait3A_79 = tpu.memref_slice %arg12[%dma_wait3A_77, %dma_wait3A_78] : memref<10240x128xf32, #tpu.memory_space<vmem_shared>> -> memref<10240x128xf32, #tpu.memory_space<vmem_shared>>
        tpu.wait_indirect_dma semaphore(%run_scoped3A : memref<!tpu.dma_semaphore, #tpu.memory_space<semaphore_mem>>) src(%arg11 : memref<128x128xf32, #tpu.memory_space<vmem>>) dst(%dma_wait3A_79 : memref<10240x128xf32, #tpu.memory_space<vmem_shared>>)
        tpu.yield
      }) : () -> ()
      %add3A_63 = arith.constant 3 : i32
      %add3A_64 = arith.addi %mul3A_49, %add3A_63 : i32
      "tpu.region"() ({
        %run_scoped3A = tpu.sem_alloc : memref<!tpu.dma_semaphore, #tpu.memory_space<semaphore_mem>>
        %dma_start3A_68 = arith.constant 0 : i32
        %dma_start3A_69 = tpu.memref_slice %arg3[%add3A, %add3A_64, %dma_start3A_68] : memref<32x82x128xi32, #tpu.memory_space<hbm>> -> memref<1x1x128xi32, #tpu.memory_space<hbm>>
        %dma_start3A_70 = tpu.memref_squeeze %dma_start3A_69 : memref<1x1x128xi32, #tpu.memory_space<hbm>> -> memref<128xi32, #tpu.memory_space<hbm>>
        %dma_start3A_71 = arith.constant 0 : i32
        %dma_start3A_72 = tpu.memref_slice %arg3[%add3A, %add3A_64, %dma_start3A_71] : memref<32x82x128xi32, #tpu.memory_space<hbm>> -> memref<1x1x128xi32, #tpu.memory_space<hbm>>
        %dma_start3A_73 = tpu.memref_squeeze %dma_start3A_72 : memref<1x1x128xi32, #tpu.memory_space<hbm>> -> memref<128xi32, #tpu.memory_space<hbm>>
        tpu.enqueue_dma source(%dma_start3A_73 : memref<128xi32, #tpu.memory_space<hbm>>) target(%arg8 : memref<128xi32, #tpu.memory_space<vmem>>) target_semaphore(%run_scoped3A : memref<!tpu.dma_semaphore, #tpu.memory_space<semaphore_mem>>)
        %dma_wait3A_74 = arith.constant 0 : i32
        %dma_wait3A_75 = tpu.memref_slice %arg3[%add3A, %add3A_64, %dma_wait3A_74] : memref<32x82x128xi32, #tpu.memory_space<hbm>> -> memref<1x1x128xi32, #tpu.memory_space<hbm>>
        %dma_wait3A_76 = tpu.memref_squeeze %dma_wait3A_75 : memref<1x1x128xi32, #tpu.memory_space<hbm>> -> memref<128xi32, #tpu.memory_space<hbm>>
        %dma_wait3A_77 = arith.constant 0 : i32
        %dma_wait3A_78 = tpu.memref_slice %arg3[%add3A, %add3A_64, %dma_wait3A_77] : memref<32x82x128xi32, #tpu.memory_space<hbm>> -> memref<1x1x128xi32, #tpu.memory_space<hbm>>
        %dma_wait3A_79 = tpu.memref_squeeze %dma_wait3A_78 : memref<1x1x128xi32, #tpu.memory_space<hbm>> -> memref<128xi32, #tpu.memory_space<hbm>>
        tpu.wait_dma2 semaphore(%run_scoped3A : memref<!tpu.dma_semaphore, #tpu.memory_space<semaphore_mem>>) src(%dma_wait3A_79 : memref<128xi32, #tpu.memory_space<hbm>>) dst(%arg8 : memref<128xi32, #tpu.memory_space<vmem>>)
        tpu.yield
      }) : () -> ()
      %dma_start3A_65 = arith.constant 0 : i32
      %dma_start3A_66 = arith.constant 0 : i32
      %dma_start3A_67 = tpu.memref_slice %arg2[%dma_start3A_65, %dma_start3A_66] : memref<10240x128xf32, #tpu.memory_space<hbm>> -> memref<10240x128xf32, #tpu.memory_space<hbm>>
      tpu.enqueue_indirect_dma source(%dma_start3A_67 : memref<10240x128xf32, #tpu.memory_space<hbm>>) target(%arg11 : memref<128x128xf32, #tpu.memory_space<vmem>>) offsets(%arg8 : memref<128xi32, #tpu.memory_space<vmem>>) semaphore(%arg16 : memref<!tpu.dma_semaphore, #tpu.memory_space<semaphore_mem>>)
    }
    %scan3A_39 = arith.constant 40 : i32
    %dma_wait3A_40 = arith.constant 0 : i32
    %dma_wait3A_41 = arith.constant 0 : i32
    %dma_wait3A_42 = tpu.memref_slice %arg2[%dma_wait3A_40, %dma_wait3A_41] : memref<10240x128xf32, #tpu.memory_space<hbm>> -> memref<10240x128xf32, #tpu.memory_space<hbm>>
    tpu.wait_indirect_dma semaphore(%arg15 : memref<!tpu.dma_semaphore, #tpu.memory_space<semaphore_mem>>) src(%dma_wait3A_42 : memref<10240x128xf32, #tpu.memory_space<hbm>>) dst(%arg10 : memref<128x128xf32, #tpu.memory_space<vmem>>)
    %dma_wait3A_43 = arith.constant 0 : i32
    %dma_wait3A_44 = arith.constant 0 : i32
    %dma_wait3A_45 = tpu.memref_slice %arg2[%dma_wait3A_43, %dma_wait3A_44] : memref<10240x128xf32, #tpu.memory_space<hbm>> -> memref<10240x128xf32, #tpu.memory_space<hbm>>
    tpu.wait_indirect_dma semaphore(%arg16 : memref<!tpu.dma_semaphore, #tpu.memory_space<semaphore_mem>>) src(%dma_wait3A_45 : memref<10240x128xf32, #tpu.memory_space<hbm>>) dst(%arg11 : memref<128x128xf32, #tpu.memory_space<vmem>>)
    %barrier3A_46 = arith.constant 0 : index
    tpu.barrier barrier_id(%barrier3A_46)
    "tpu.region"() ({
      %run_scoped3A = tpu.sem_alloc : memref<!tpu.dma_semaphore, #tpu.memory_space<semaphore_mem>>
      %dma_start3A_47 = arith.constant 0 : i32
      %dma_start3A_48 = tpu.memref_slice %arg6[%arg0, %mul3A_2, %dma_start3A_47] : memref<2x10240x128xf32, #tpu.memory_space<hbm>> -> memref<1x640x128xf32, #tpu.memory_space<hbm>>
      %dma_start3A_49 = tpu.memref_squeeze %dma_start3A_48 : memref<1x640x128xf32, #tpu.memory_space<hbm>> -> memref<640x128xf32, #tpu.memory_space<hbm>>
      %dma_start3A_50 = arith.constant 0 : i32
      %dma_start3A_51 = tpu.memref_slice %arg12[%mul3A_2, %dma_start3A_50] : memref<10240x128xf32, #tpu.memory_space<vmem_shared>> -> memref<640x128xf32, #tpu.memory_space<vmem_shared>>
      tpu.enqueue_dma source(%dma_start3A_51 : memref<640x128xf32, #tpu.memory_space<vmem_shared>>) target(%dma_start3A_49 : memref<640x128xf32, #tpu.memory_space<hbm>>) target_semaphore(%run_scoped3A : memref<!tpu.dma_semaphore, #tpu.memory_space<semaphore_mem>>)
      %dma_wait3A_52 = arith.constant 0 : i32
      %dma_wait3A_53 = tpu.memref_slice %arg6[%arg0, %mul3A_2, %dma_wait3A_52] : memref<2x10240x128xf32, #tpu.memory_space<hbm>> -> memref<1x640x128xf32, #tpu.memory_space<hbm>>
      %dma_wait3A_54 = tpu.memref_squeeze %dma_wait3A_53 : memref<1x640x128xf32, #tpu.memory_space<hbm>> -> memref<640x128xf32, #tpu.memory_space<hbm>>
      %dma_wait3A_55 = arith.constant 0 : i32
      %dma_wait3A_56 = tpu.memref_slice %arg12[%mul3A_2, %dma_wait3A_55] : memref<10240x128xf32, #tpu.memory_space<vmem_shared>> -> memref<640x128xf32, #tpu.memory_space<vmem_shared>>
      tpu.wait_dma2 semaphore(%run_scoped3A : memref<!tpu.dma_semaphore, #tpu.memory_space<semaphore_mem>>) src(%dma_wait3A_56 : memref<640x128xf32, #tpu.memory_space<vmem_shared>>) dst(%dma_wait3A_54 : memref<640x128xf32, #tpu.memory_space<hbm>>)
      tpu.yield
    }) : () -> ()
    return
  }
}

#map = affine_map<(d0, d1) -> (0, 0)>
#map1 = affine_map<(d0, d1) -> (0, 0, 0)>
module attributes {stable_mosaic.version = 14 : i64} {
  func.func @segsum(%arg0: i32, %arg1: i32, %arg2: memref<10240x16xf32, #tpu.memory_space<hbm>>, %arg3: memref<32x82x128xi32, #tpu.memory_space<hbm>>, %arg4: memref<32x80x128xi32, #tpu.memory_space<hbm>>, %arg5: memref<640x16xf32, #tpu.memory_space<hbm>>, %arg6: memref<2x10240x16xf32, #tpu.memory_space<hbm>>, %arg7: memref<128xi32, #tpu.memory_space<vmem>>, %arg8: memref<128xi32, #tpu.memory_space<vmem>>, %arg9: memref<80x128xi32, #tpu.memory_space<vmem>>, %arg10: memref<128x16xf32, #tpu.memory_space<vmem>>, %arg11: memref<128x16xf32, #tpu.memory_space<vmem>>, %arg12: memref<10240x16xf32, #tpu.memory_space<vmem_shared>>, %arg13: memref<!tpu.dma_semaphore, #tpu.memory_space<semaphore_mem>>, %arg14: memref<!tpu.dma_semaphore, #tpu.memory_space<semaphore_mem>>, %arg15: memref<!tpu.dma_semaphore, #tpu.memory_space<semaphore_mem>>, %arg16: memref<!tpu.dma_semaphore, #tpu.memory_space<semaphore_mem>>) attributes {dimension_semantics = [#tpu.dimension_semantics<core_parallel>, #tpu.dimension_semantics<subcore_parallel>], iteration_bounds = array<i64: 2, 16>, scalar_prefetch = 0 : i64, scratch_operands = 10 : i64, tpu.core_type = #tpu.core_type<sc_vector_subcore>, window_params = [{transform_indices = #map}, {transform_indices = #map1}, {transform_indices = #map1}, {transform_indices = #map}, {transform_indices = #map1}]} {
    %mul3A = arith.constant 2 : i32
    %mul3A_0 = arith.muli %arg1, %mul3A : i32
    %add3A = arith.addi %mul3A_0, %arg0 : i32
    %mul3A_1 = arith.constant 640 : i32
    %mul3A_2 = arith.muli %arg1, %mul3A_1 : i32
    "tpu.region"() ({
      %run_scoped3A = tpu.sem_alloc : memref<!tpu.dma_semaphore, #tpu.memory_space<semaphore_mem>>
      %dma_start3A_47 = arith.constant 0 : i32
      %dma_start3A_48 = tpu.memref_slice %arg12[%mul3A_2, %dma_start3A_47] : memref<10240x16xf32, #tpu.memory_space<vmem_shared>> -> memref<640x16xf32, #tpu.memory_space<vmem_shared>>
      tpu.enqueue_dma source(%arg5 : memref<640x16xf32, #tpu.memory_space<hbm>>) target(%dma_start3A_48 : memref<640x16xf32, #tpu.memory_space<vmem_shared>>) target_semaphore(%run_scoped3A : memref<!tpu.dma_semaphore, #tpu.memory_space<semaphore_mem>>)
      %dma_wait3A_49 = arith.constant 0 : i32
      %dma_wait3A_50 = tpu.memref_slice %arg12[%mul3A_2, %dma_wait3A_49] : memref<10240x16xf32, #tpu.memory_space<vmem_shared>> -> memref<640x16xf32, #tpu.memory_space<vmem_shared>>
      tpu.wait_dma2 semaphore(%run_scoped3A : memref<!tpu.dma_semaphore, #tpu.memory_space<semaphore_mem>>) src(%arg5 : memref<640x16xf32, #tpu.memory_space<hbm>>) dst(%dma_wait3A_50 : memref<640x16xf32, #tpu.memory_space<vmem_shared>>)
      tpu.yield
    }) : () -> ()
    "tpu.region"() ({
      %run_scoped3A = tpu.sem_alloc : memref<!tpu.dma_semaphore, #tpu.memory_space<semaphore_mem>>
      %dma_start3A_47 = arith.constant 0 : i32
      %dma_start3A_48 = arith.constant 0 : i32
      %dma_start3A_49 = tpu.memref_slice %arg4[%add3A, %dma_start3A_47, %dma_start3A_48] : memref<32x80x128xi32, #tpu.memory_space<hbm>> -> memref<1x80x128xi32, #tpu.memory_space<hbm>>
      %dma_start3A_50 = tpu.memref_squeeze %dma_start3A_49 : memref<1x80x128xi32, #tpu.memory_space<hbm>> -> memref<80x128xi32, #tpu.memory_space<hbm>>
      %dma_start3A_51 = arith.constant 0 : i32
      %dma_start3A_52 = arith.constant 0 : i32
      %dma_start3A_53 = tpu.memref_slice %arg4[%add3A, %dma_start3A_51, %dma_start3A_52] : memref<32x80x128xi32, #tpu.memory_space<hbm>> -> memref<1x80x128xi32, #tpu.memory_space<hbm>>
      %dma_start3A_54 = tpu.memref_squeeze %dma_start3A_53 : memref<1x80x128xi32, #tpu.memory_space<hbm>> -> memref<80x128xi32, #tpu.memory_space<hbm>>
      tpu.enqueue_dma source(%dma_start3A_54 : memref<80x128xi32, #tpu.memory_space<hbm>>) target(%arg9 : memref<80x128xi32, #tpu.memory_space<vmem>>) target_semaphore(%run_scoped3A : memref<!tpu.dma_semaphore, #tpu.memory_space<semaphore_mem>>)
      %dma_wait3A_55 = arith.constant 0 : i32
      %dma_wait3A_56 = arith.constant 0 : i32
      %dma_wait3A_57 = tpu.memref_slice %arg4[%add3A, %dma_wait3A_55, %dma_wait3A_56] : memref<32x80x128xi32, #tpu.memory_space<hbm>> -> memref<1x80x128xi32, #tpu.memory_space<hbm>>
      %dma_wait3A_58 = tpu.memref_squeeze %dma_wait3A_57 : memref<1x80x128xi32, #tpu.memory_space<hbm>> -> memref<80x128xi32, #tpu.memory_space<hbm>>
      %dma_wait3A_59 = arith.constant 0 : i32
      %dma_wait3A_60 = arith.constant 0 : i32
      %dma_wait3A_61 = tpu.memref_slice %arg4[%add3A, %dma_wait3A_59, %dma_wait3A_60] : memref<32x80x128xi32, #tpu.memory_space<hbm>> -> memref<1x80x128xi32, #tpu.memory_space<hbm>>
      %dma_wait3A_62 = tpu.memref_squeeze %dma_wait3A_61 : memref<1x80x128xi32, #tpu.memory_space<hbm>> -> memref<80x128xi32, #tpu.memory_space<hbm>>
      tpu.wait_dma2 semaphore(%run_scoped3A : memref<!tpu.dma_semaphore, #tpu.memory_space<semaphore_mem>>) src(%dma_wait3A_62 : memref<80x128xi32, #tpu.memory_space<hbm>>) dst(%arg9 : memref<80x128xi32, #tpu.memory_space<vmem>>)
      tpu.yield
    }) : () -> ()
    %dma_start3A = arith.constant 0 : i32
    %dma_start3A_3 = arith.constant 0 : i32
    %dma_start3A_4 = tpu.memref_slice %arg3[%add3A, %dma_start3A, %dma_start3A_3] : memref<32x82x128xi32, #tpu.memory_space<hbm>> -> memref<1x1x128xi32, #tpu.memory_space<hbm>>
    %dma_start3A_5 = tpu.memref_squeeze %dma_start3A_4 : memref<1x1x128xi32, #tpu.memory_space<hbm>> -> memref<128xi32, #tpu.memory_space<hbm>>
    %dma_start3A_6 = arith.constant 0 : i32
    %dma_start3A_7 = tpu.memref_slice %arg3[%add3A, %dma_start3A, %dma_start3A_6] : memref<32x82x128xi32, #tpu.memory_space<hbm>> -> memref<1x1x128xi32, #tpu.memory_space<hbm>>
    %dma_start3A_8 = tpu.memref_squeeze %dma_start3A_7 : memref<1x1x128xi32, #tpu.memory_space<hbm>> -> memref<128xi32, #tpu.memory_space<hbm>>
    tpu.enqueue_dma source(%dma_start3A_8 : memref<128xi32, #tpu.memory_space<hbm>>) target(%arg7 : memref<128xi32, #tpu.memory_space<vmem>>) target_semaphore(%arg13 : memref<!tpu.dma_semaphore, #tpu.memory_space<semaphore_mem>>)
    %dma_start3A_9 = arith.constant 1 : i32
    %dma_start3A_10 = arith.constant 0 : i32
    %dma_start3A_11 = tpu.memref_slice %arg3[%add3A, %dma_start3A_9, %dma_start3A_10] : memref<32x82x128xi32, #tpu.memory_space<hbm>> -> memref<1x1x128xi32, #tpu.memory_space<hbm>>
    %dma_start3A_12 = tpu.memref_squeeze %dma_start3A_11 : memref<1x1x128xi32, #tpu.memory_space<hbm>> -> memref<128xi32, #tpu.memory_space<hbm>>
    %dma_start3A_13 = arith.constant 0 : i32
    %dma_start3A_14 = tpu.memref_slice %arg3[%add3A, %dma_start3A_9, %dma_start3A_13] : memref<32x82x128xi32, #tpu.memory_space<hbm>> -> memref<1x1x128xi32, #tpu.memory_space<hbm>>
    %dma_start3A_15 = tpu.memref_squeeze %dma_start3A_14 : memref<1x1x128xi32, #tpu.memory_space<hbm>> -> memref<128xi32, #tpu.memory_space<hbm>>
    tpu.enqueue_dma source(%dma_start3A_15 : memref<128xi32, #tpu.memory_space<hbm>>) target(%arg8 : memref<128xi32, #tpu.memory_space<vmem>>) target_semaphore(%arg14 : memref<!tpu.dma_semaphore, #tpu.memory_space<semaphore_mem>>)
    %dma_wait3A = arith.constant 0 : i32
    %dma_wait3A_16 = arith.constant 0 : i32
    %dma_wait3A_17 = tpu.memref_slice %arg3[%add3A, %dma_wait3A, %dma_wait3A_16] : memref<32x82x128xi32, #tpu.memory_space<hbm>> -> memref<1x1x128xi32, #tpu.memory_space<hbm>>
    %dma_wait3A_18 = tpu.memref_squeeze %dma_wait3A_17 : memref<1x1x128xi32, #tpu.memory_space<hbm>> -> memref<128xi32, #tpu.memory_space<hbm>>
    %dma_wait3A_19 = arith.constant 0 : i32
    %dma_wait3A_20 = tpu.memref_slice %arg3[%add3A, %dma_wait3A, %dma_wait3A_19] : memref<32x82x128xi32, #tpu.memory_space<hbm>> -> memref<1x1x128xi32, #tpu.memory_space<hbm>>
    %dma_wait3A_21 = tpu.memref_squeeze %dma_wait3A_20 : memref<1x1x128xi32, #tpu.memory_space<hbm>> -> memref<128xi32, #tpu.memory_space<hbm>>
    tpu.wait_dma2 semaphore(%arg13 : memref<!tpu.dma_semaphore, #tpu.memory_space<semaphore_mem>>) src(%dma_wait3A_21 : memref<128xi32, #tpu.memory_space<hbm>>) dst(%arg7 : memref<128xi32, #tpu.memory_space<vmem>>)
    %dma_start3A_22 = arith.constant 0 : i32
    %dma_start3A_23 = arith.constant 0 : i32
    %dma_start3A_24 = tpu.memref_slice %arg2[%dma_start3A_22, %dma_start3A_23] : memref<10240x16xf32, #tpu.memory_space<hbm>> -> memref<10240x16xf32, #tpu.memory_space<hbm>>
    tpu.enqueue_indirect_dma source(%dma_start3A_24 : memref<10240x16xf32, #tpu.memory_space<hbm>>) target(%arg10 : memref<128x16xf32, #tpu.memory_space<vmem>>) offsets(%arg7 : memref<128xi32, #tpu.memory_space<vmem>>) semaphore(%arg15 : memref<!tpu.dma_semaphore, #tpu.memory_space<semaphore_mem>>)
    %dma_wait3A_25 = arith.constant 1 : i32
    %dma_wait3A_26 = arith.constant 0 : i32
    %dma_wait3A_27 = tpu.memref_slice %arg3[%add3A, %dma_wait3A_25, %dma_wait3A_26] : memref<32x82x128xi32, #tpu.memory_space<hbm>> -> memref<1x1x128xi32, #tpu.memory_space<hbm>>
    %dma_wait3A_28 = tpu.memref_squeeze %dma_wait3A_27 : memref<1x1x128xi32, #tpu.memory_space<hbm>> -> memref<128xi32, #tpu.memory_space<hbm>>
    %dma_wait3A_29 = arith.constant 0 : i32
    %dma_wait3A_30 = tpu.memref_slice %arg3[%add3A, %dma_wait3A_25, %dma_wait3A_29] : memref<32x82x128xi32, #tpu.memory_space<hbm>> -> memref<1x1x128xi32, #tpu.memory_space<hbm>>
    %dma_wait3A_31 = tpu.memref_squeeze %dma_wait3A_30 : memref<1x1x128xi32, #tpu.memory_space<hbm>> -> memref<128xi32, #tpu.memory_space<hbm>>
    tpu.wait_dma2 semaphore(%arg14 : memref<!tpu.dma_semaphore, #tpu.memory_space<semaphore_mem>>) src(%dma_wait3A_31 : memref<128xi32, #tpu.memory_space<hbm>>) dst(%arg8 : memref<128xi32, #tpu.memory_space<vmem>>)
    %dma_start3A_32 = arith.constant 0 : i32
    %dma_start3A_33 = arith.constant 0 : i32
    %dma_start3A_34 = tpu.memref_slice %arg2[%dma_start3A_32, %dma_start3A_33] : memref<10240x16xf32, #tpu.memory_space<hbm>> -> memref<10240x16xf32, #tpu.memory_space<hbm>>
    tpu.enqueue_indirect_dma source(%dma_start3A_34 : memref<10240x16xf32, #tpu.memory_space<hbm>>) target(%arg11 : memref<128x16xf32, #tpu.memory_space<vmem>>) offsets(%arg8 : memref<128xi32, #tpu.memory_space<vmem>>) semaphore(%arg16 : memref<!tpu.dma_semaphore, #tpu.memory_space<semaphore_mem>>)
    %barrier3A = arith.constant 0 : index
    tpu.barrier barrier_id(%barrier3A)
    %scan3A = arith.constant 0 : i32
    %scan3A_35 = arith.constant 0 : i32
    %scan3A_36 = arith.constant 40 : i32
    %scan3A_37 = arith.addi %scan3A_35, %scan3A_36 : i32
    %scan3A_38 = arith.constant 1 : i32
    scf.for %scan3A_47 = %scan3A_35 to %scan3A_37 step %scan3A_38  : i32 {
      %mul3A_48 = arith.constant 2 : i32
      %mul3A_49 = arith.muli %scan3A_47, %mul3A_48 : i32
      %dma_wait3A_50 = arith.constant 0 : i32
      %dma_wait3A_51 = arith.constant 0 : i32
      %dma_wait3A_52 = tpu.memref_slice %arg2[%dma_wait3A_50, %dma_wait3A_51] : memref<10240x16xf32, #tpu.memory_space<hbm>> -> memref<10240x16xf32, #tpu.memory_space<hbm>>
      tpu.wait_indirect_dma semaphore(%arg15 : memref<!tpu.dma_semaphore, #tpu.memory_space<semaphore_mem>>) src(%dma_wait3A_52 : memref<10240x16xf32, #tpu.memory_space<hbm>>) dst(%arg10 : memref<128x16xf32, #tpu.memory_space<vmem>>)
      "tpu.region"() ({
        %run_scoped3A = tpu.sem_alloc : memref<!tpu.dma_semaphore, #tpu.memory_space<semaphore_mem>>
        %dma_start3A_68 = arith.constant 0 : i32
        %dma_start3A_69 = tpu.memref_slice %arg9[%mul3A_49, %dma_start3A_68] : memref<80x128xi32, #tpu.memory_space<vmem>> -> memref<1x128xi32, #tpu.memory_space<vmem>>
        %dma_start3A_70 = tpu.memref_squeeze %dma_start3A_69 : memref<1x128xi32, #tpu.memory_space<vmem>> -> memref<128xi32, #tpu.memory_space<vmem>>
        %dma_start3A_71 = arith.constant 0 : i32
        %dma_start3A_72 = arith.constant 0 : i32
        %dma_start3A_73 = tpu.memref_slice %arg12[%dma_start3A_71, %dma_start3A_72] : memref<10240x16xf32, #tpu.memory_space<vmem_shared>> -> memref<10240x16xf32, #tpu.memory_space<vmem_shared>>
        tpu.enqueue_indirect_dma source(%arg10 : memref<128x16xf32, #tpu.memory_space<vmem>>) target(%dma_start3A_73 : memref<10240x16xf32, #tpu.memory_space<vmem_shared>>) offsets(%dma_start3A_70 : memref<128xi32, #tpu.memory_space<vmem>>) semaphore(%run_scoped3A : memref<!tpu.dma_semaphore, #tpu.memory_space<semaphore_mem>>) {add = true}
        %dma_wait3A_74 = arith.constant 0 : i32
        %dma_wait3A_75 = tpu.memref_slice %arg9[%mul3A_49, %dma_wait3A_74] : memref<80x128xi32, #tpu.memory_space<vmem>> -> memref<1x128xi32, #tpu.memory_space<vmem>>
        %dma_wait3A_76 = tpu.memref_squeeze %dma_wait3A_75 : memref<1x128xi32, #tpu.memory_space<vmem>> -> memref<128xi32, #tpu.memory_space<vmem>>
        %dma_wait3A_77 = arith.constant 0 : i32
        %dma_wait3A_78 = arith.constant 0 : i32
        %dma_wait3A_79 = tpu.memref_slice %arg12[%dma_wait3A_77, %dma_wait3A_78] : memref<10240x16xf32, #tpu.memory_space<vmem_shared>> -> memref<10240x16xf32, #tpu.memory_space<vmem_shared>>
        tpu.wait_indirect_dma semaphore(%run_scoped3A : memref<!tpu.dma_semaphore, #tpu.memory_space<semaphore_mem>>) src(%arg10 : memref<128x16xf32, #tpu.memory_space<vmem>>) dst(%dma_wait3A_79 : memref<10240x16xf32, #tpu.memory_space<vmem_shared>>)
        tpu.yield
      }) : () -> ()
      %add3A_53 = arith.constant 2 : i32
      %add3A_54 = arith.addi %mul3A_49, %add3A_53 : i32
      "tpu.region"() ({
        %run_scoped3A = tpu.sem_alloc : memref<!tpu.dma_semaphore, #tpu.memory_space<semaphore_mem>>
        %dma_start3A_68 = arith.constant 0 : i32
        %dma_start3A_69 = tpu.memref_slice %arg3[%add3A, %add3A_54, %dma_start3A_68] : memref<32x82x128xi32, #tpu.memory_space<hbm>> -> memref<1x1x128xi32, #tpu.memory_space<hbm>>
        %dma_start3A_70 = tpu.memref_squeeze %dma_start3A_69 : memref<1x1x128xi32, #tpu.memory_space<hbm>> -> memref<128xi32, #tpu.memory_space<hbm>>
        %dma_start3A_71 = arith.constant 0 : i32
        %dma_start3A_72 = tpu.memref_slice %arg3[%add3A, %add3A_54, %dma_start3A_71] : memref<32x82x128xi32, #tpu.memory_space<hbm>> -> memref<1x1x128xi32, #tpu.memory_space<hbm>>
        %dma_start3A_73 = tpu.memref_squeeze %dma_start3A_72 : memref<1x1x128xi32, #tpu.memory_space<hbm>> -> memref<128xi32, #tpu.memory_space<hbm>>
        tpu.enqueue_dma source(%dma_start3A_73 : memref<128xi32, #tpu.memory_space<hbm>>) target(%arg7 : memref<128xi32, #tpu.memory_space<vmem>>) target_semaphore(%run_scoped3A : memref<!tpu.dma_semaphore, #tpu.memory_space<semaphore_mem>>)
        %dma_wait3A_74 = arith.constant 0 : i32
        %dma_wait3A_75 = tpu.memref_slice %arg3[%add3A, %add3A_54, %dma_wait3A_74] : memref<32x82x128xi32, #tpu.memory_space<hbm>> -> memref<1x1x128xi32, #tpu.memory_space<hbm>>
        %dma_wait3A_76 = tpu.memref_squeeze %dma_wait3A_75 : memref<1x1x128xi32, #tpu.memory_space<hbm>> -> memref<128xi32, #tpu.memory_space<hbm>>
        %dma_wait3A_77 = arith.constant 0 : i32
        %dma_wait3A_78 = tpu.memref_slice %arg3[%add3A, %add3A_54, %dma_wait3A_77] : memref<32x82x128xi32, #tpu.memory_space<hbm>> -> memref<1x1x128xi32, #tpu.memory_space<hbm>>
        %dma_wait3A_79 = tpu.memref_squeeze %dma_wait3A_78 : memref<1x1x128xi32, #tpu.memory_space<hbm>> -> memref<128xi32, #tpu.memory_space<hbm>>
        tpu.wait_dma2 semaphore(%run_scoped3A : memref<!tpu.dma_semaphore, #tpu.memory_space<semaphore_mem>>) src(%dma_wait3A_79 : memref<128xi32, #tpu.memory_space<hbm>>) dst(%arg7 : memref<128xi32, #tpu.memory_space<vmem>>)
        tpu.yield
      }) : () -> ()
      %dma_start3A_55 = arith.constant 0 : i32
      %dma_start3A_56 = arith.constant 0 : i32
      %dma_start3A_57 = tpu.memref_slice %arg2[%dma_start3A_55, %dma_start3A_56] : memref<10240x16xf32, #tpu.memory_space<hbm>> -> memref<10240x16xf32, #tpu.memory_space<hbm>>
      tpu.enqueue_indirect_dma source(%dma_start3A_57 : memref<10240x16xf32, #tpu.memory_space<hbm>>) target(%arg10 : memref<128x16xf32, #tpu.memory_space<vmem>>) offsets(%arg7 : memref<128xi32, #tpu.memory_space<vmem>>) semaphore(%arg15 : memref<!tpu.dma_semaphore, #tpu.memory_space<semaphore_mem>>)
      %dma_wait3A_58 = arith.constant 0 : i32
      %dma_wait3A_59 = arith.constant 0 : i32
      %dma_wait3A_60 = tpu.memref_slice %arg2[%dma_wait3A_58, %dma_wait3A_59] : memref<10240x16xf32, #tpu.memory_space<hbm>> -> memref<10240x16xf32, #tpu.memory_space<hbm>>
      tpu.wait_indirect_dma semaphore(%arg16 : memref<!tpu.dma_semaphore, #tpu.memory_space<semaphore_mem>>) src(%dma_wait3A_60 : memref<10240x16xf32, #tpu.memory_space<hbm>>) dst(%arg11 : memref<128x16xf32, #tpu.memory_space<vmem>>)
      %add3A_61 = arith.constant 1 : i32
      %add3A_62 = arith.addi %mul3A_49, %add3A_61 : i32
      "tpu.region"() ({
        %run_scoped3A = tpu.sem_alloc : memref<!tpu.dma_semaphore, #tpu.memory_space<semaphore_mem>>
        %dma_start3A_68 = arith.constant 0 : i32
        %dma_start3A_69 = tpu.memref_slice %arg9[%add3A_62, %dma_start3A_68] : memref<80x128xi32, #tpu.memory_space<vmem>> -> memref<1x128xi32, #tpu.memory_space<vmem>>
        %dma_start3A_70 = tpu.memref_squeeze %dma_start3A_69 : memref<1x128xi32, #tpu.memory_space<vmem>> -> memref<128xi32, #tpu.memory_space<vmem>>
        %dma_start3A_71 = arith.constant 0 : i32
        %dma_start3A_72 = arith.constant 0 : i32
        %dma_start3A_73 = tpu.memref_slice %arg12[%dma_start3A_71, %dma_start3A_72] : memref<10240x16xf32, #tpu.memory_space<vmem_shared>> -> memref<10240x16xf32, #tpu.memory_space<vmem_shared>>
        tpu.enqueue_indirect_dma source(%arg11 : memref<128x16xf32, #tpu.memory_space<vmem>>) target(%dma_start3A_73 : memref<10240x16xf32, #tpu.memory_space<vmem_shared>>) offsets(%dma_start3A_70 : memref<128xi32, #tpu.memory_space<vmem>>) semaphore(%run_scoped3A : memref<!tpu.dma_semaphore, #tpu.memory_space<semaphore_mem>>) {add = true}
        %dma_wait3A_74 = arith.constant 0 : i32
        %dma_wait3A_75 = tpu.memref_slice %arg9[%add3A_62, %dma_wait3A_74] : memref<80x128xi32, #tpu.memory_space<vmem>> -> memref<1x128xi32, #tpu.memory_space<vmem>>
        %dma_wait3A_76 = tpu.memref_squeeze %dma_wait3A_75 : memref<1x128xi32, #tpu.memory_space<vmem>> -> memref<128xi32, #tpu.memory_space<vmem>>
        %dma_wait3A_77 = arith.constant 0 : i32
        %dma_wait3A_78 = arith.constant 0 : i32
        %dma_wait3A_79 = tpu.memref_slice %arg12[%dma_wait3A_77, %dma_wait3A_78] : memref<10240x16xf32, #tpu.memory_space<vmem_shared>> -> memref<10240x16xf32, #tpu.memory_space<vmem_shared>>
        tpu.wait_indirect_dma semaphore(%run_scoped3A : memref<!tpu.dma_semaphore, #tpu.memory_space<semaphore_mem>>) src(%arg11 : memref<128x16xf32, #tpu.memory_space<vmem>>) dst(%dma_wait3A_79 : memref<10240x16xf32, #tpu.memory_space<vmem_shared>>)
        tpu.yield
      }) : () -> ()
      %add3A_63 = arith.constant 3 : i32
      %add3A_64 = arith.addi %mul3A_49, %add3A_63 : i32
      "tpu.region"() ({
        %run_scoped3A = tpu.sem_alloc : memref<!tpu.dma_semaphore, #tpu.memory_space<semaphore_mem>>
        %dma_start3A_68 = arith.constant 0 : i32
        %dma_start3A_69 = tpu.memref_slice %arg3[%add3A, %add3A_64, %dma_start3A_68] : memref<32x82x128xi32, #tpu.memory_space<hbm>> -> memref<1x1x128xi32, #tpu.memory_space<hbm>>
        %dma_start3A_70 = tpu.memref_squeeze %dma_start3A_69 : memref<1x1x128xi32, #tpu.memory_space<hbm>> -> memref<128xi32, #tpu.memory_space<hbm>>
        %dma_start3A_71 = arith.constant 0 : i32
        %dma_start3A_72 = tpu.memref_slice %arg3[%add3A, %add3A_64, %dma_start3A_71] : memref<32x82x128xi32, #tpu.memory_space<hbm>> -> memref<1x1x128xi32, #tpu.memory_space<hbm>>
        %dma_start3A_73 = tpu.memref_squeeze %dma_start3A_72 : memref<1x1x128xi32, #tpu.memory_space<hbm>> -> memref<128xi32, #tpu.memory_space<hbm>>
        tpu.enqueue_dma source(%dma_start3A_73 : memref<128xi32, #tpu.memory_space<hbm>>) target(%arg8 : memref<128xi32, #tpu.memory_space<vmem>>) target_semaphore(%run_scoped3A : memref<!tpu.dma_semaphore, #tpu.memory_space<semaphore_mem>>)
        %dma_wait3A_74 = arith.constant 0 : i32
        %dma_wait3A_75 = tpu.memref_slice %arg3[%add3A, %add3A_64, %dma_wait3A_74] : memref<32x82x128xi32, #tpu.memory_space<hbm>> -> memref<1x1x128xi32, #tpu.memory_space<hbm>>
        %dma_wait3A_76 = tpu.memref_squeeze %dma_wait3A_75 : memref<1x1x128xi32, #tpu.memory_space<hbm>> -> memref<128xi32, #tpu.memory_space<hbm>>
        %dma_wait3A_77 = arith.constant 0 : i32
        %dma_wait3A_78 = tpu.memref_slice %arg3[%add3A, %add3A_64, %dma_wait3A_77] : memref<32x82x128xi32, #tpu.memory_space<hbm>> -> memref<1x1x128xi32, #tpu.memory_space<hbm>>
        %dma_wait3A_79 = tpu.memref_squeeze %dma_wait3A_78 : memref<1x1x128xi32, #tpu.memory_space<hbm>> -> memref<128xi32, #tpu.memory_space<hbm>>
        tpu.wait_dma2 semaphore(%run_scoped3A : memref<!tpu.dma_semaphore, #tpu.memory_space<semaphore_mem>>) src(%dma_wait3A_79 : memref<128xi32, #tpu.memory_space<hbm>>) dst(%arg8 : memref<128xi32, #tpu.memory_space<vmem>>)
        tpu.yield
      }) : () -> ()
      %dma_start3A_65 = arith.constant 0 : i32
      %dma_start3A_66 = arith.constant 0 : i32
      %dma_start3A_67 = tpu.memref_slice %arg2[%dma_start3A_65, %dma_start3A_66] : memref<10240x16xf32, #tpu.memory_space<hbm>> -> memref<10240x16xf32, #tpu.memory_space<hbm>>
      tpu.enqueue_indirect_dma source(%dma_start3A_67 : memref<10240x16xf32, #tpu.memory_space<hbm>>) target(%arg11 : memref<128x16xf32, #tpu.memory_space<vmem>>) offsets(%arg8 : memref<128xi32, #tpu.memory_space<vmem>>) semaphore(%arg16 : memref<!tpu.dma_semaphore, #tpu.memory_space<semaphore_mem>>)
    }
    %scan3A_39 = arith.constant 40 : i32
    %dma_wait3A_40 = arith.constant 0 : i32
    %dma_wait3A_41 = arith.constant 0 : i32
    %dma_wait3A_42 = tpu.memref_slice %arg2[%dma_wait3A_40, %dma_wait3A_41] : memref<10240x16xf32, #tpu.memory_space<hbm>> -> memref<10240x16xf32, #tpu.memory_space<hbm>>
    tpu.wait_indirect_dma semaphore(%arg15 : memref<!tpu.dma_semaphore, #tpu.memory_space<semaphore_mem>>) src(%dma_wait3A_42 : memref<10240x16xf32, #tpu.memory_space<hbm>>) dst(%arg10 : memref<128x16xf32, #tpu.memory_space<vmem>>)
    %dma_wait3A_43 = arith.constant 0 : i32
    %dma_wait3A_44 = arith.constant 0 : i32
    %dma_wait3A_45 = tpu.memref_slice %arg2[%dma_wait3A_43, %dma_wait3A_44] : memref<10240x16xf32, #tpu.memory_space<hbm>> -> memref<10240x16xf32, #tpu.memory_space<hbm>>
    tpu.wait_indirect_dma semaphore(%arg16 : memref<!tpu.dma_semaphore, #tpu.memory_space<semaphore_mem>>) src(%dma_wait3A_45 : memref<10240x16xf32, #tpu.memory_space<hbm>>) dst(%arg11 : memref<128x16xf32, #tpu.memory_space<vmem>>)
    %barrier3A_46 = arith.constant 0 : index
    tpu.barrier barrier_id(%barrier3A_46)
    "tpu.region"() ({
      %run_scoped3A = tpu.sem_alloc : memref<!tpu.dma_semaphore, #tpu.memory_space<semaphore_mem>>
      %dma_start3A_47 = arith.constant 0 : i32
      %dma_start3A_48 = tpu.memref_slice %arg6[%arg0, %mul3A_2, %dma_start3A_47] : memref<2x10240x16xf32, #tpu.memory_space<hbm>> -> memref<1x640x16xf32, #tpu.memory_space<hbm>>
      %dma_start3A_49 = tpu.memref_squeeze %dma_start3A_48 : memref<1x640x16xf32, #tpu.memory_space<hbm>> -> memref<640x16xf32, #tpu.memory_space<hbm>>
      %dma_start3A_50 = arith.constant 0 : i32
      %dma_start3A_51 = tpu.memref_slice %arg12[%mul3A_2, %dma_start3A_50] : memref<10240x16xf32, #tpu.memory_space<vmem_shared>> -> memref<640x16xf32, #tpu.memory_space<vmem_shared>>
      tpu.enqueue_dma source(%dma_start3A_51 : memref<640x16xf32, #tpu.memory_space<vmem_shared>>) target(%dma_start3A_49 : memref<640x16xf32, #tpu.memory_space<hbm>>) target_semaphore(%run_scoped3A : memref<!tpu.dma_semaphore, #tpu.memory_space<semaphore_mem>>)
      %dma_wait3A_52 = arith.constant 0 : i32
      %dma_wait3A_53 = tpu.memref_slice %arg6[%arg0, %mul3A_2, %dma_wait3A_52] : memref<2x10240x16xf32, #tpu.memory_space<hbm>> -> memref<1x640x16xf32, #tpu.memory_space<hbm>>
      %dma_wait3A_54 = tpu.memref_squeeze %dma_wait3A_53 : memref<1x640x16xf32, #tpu.memory_space<hbm>> -> memref<640x16xf32, #tpu.memory_space<hbm>>
      %dma_wait3A_55 = arith.constant 0 : i32
      %dma_wait3A_56 = tpu.memref_slice %arg12[%mul3A_2, %dma_wait3A_55] : memref<10240x16xf32, #tpu.memory_space<vmem_shared>> -> memref<640x16xf32, #tpu.memory_space<vmem_shared>>
      tpu.wait_dma2 semaphore(%run_scoped3A : memref<!tpu.dma_semaphore, #tpu.memory_space<semaphore_mem>>) src(%dma_wait3A_56 : memref<640x16xf32, #tpu.memory_space<vmem_shared>>) dst(%dma_wait3A_54 : memref<640x16xf32, #tpu.memory_space<hbm>>)
      tpu.yield
    }) : () -> ()
    return
  }
}

#map = affine_map<(d0, d1) -> (0, 0)>
#map1 = affine_map<(d0, d1) -> (0, 0, 0)>
module attributes {stable_mosaic.version = 14 : i64} {
  func.func @segsum(%arg0: i32, %arg1: i32, %arg2: memref<10240x128xf32, #tpu.memory_space<hbm>>, %arg3: memref<32x82x128xi32, #tpu.memory_space<hbm>>, %arg4: memref<32x80x128xi32, #tpu.memory_space<hbm>>, %arg5: memref<640x128xf32, #tpu.memory_space<hbm>>, %arg6: memref<2x10240x128xf32, #tpu.memory_space<hbm>>, %arg7: memref<128xi32, #tpu.memory_space<vmem>>, %arg8: memref<128xi32, #tpu.memory_space<vmem>>, %arg9: memref<80x128xi32, #tpu.memory_space<vmem>>, %arg10: memref<128x128xf32, #tpu.memory_space<vmem>>, %arg11: memref<128x128xf32, #tpu.memory_space<vmem>>, %arg12: memref<10240x128xf32, #tpu.memory_space<vmem_shared>>, %arg13: memref<!tpu.dma_semaphore, #tpu.memory_space<semaphore_mem>>, %arg14: memref<!tpu.dma_semaphore, #tpu.memory_space<semaphore_mem>>, %arg15: memref<!tpu.dma_semaphore, #tpu.memory_space<semaphore_mem>>, %arg16: memref<!tpu.dma_semaphore, #tpu.memory_space<semaphore_mem>>) attributes {dimension_semantics = [#tpu.dimension_semantics<core_parallel>, #tpu.dimension_semantics<subcore_parallel>], iteration_bounds = array<i64: 2, 16>, scalar_prefetch = 0 : i64, scratch_operands = 10 : i64, tpu.core_type = #tpu.core_type<sc_vector_subcore>, window_params = [{transform_indices = #map}, {transform_indices = #map1}, {transform_indices = #map1}, {transform_indices = #map}, {transform_indices = #map1}]} {
    %mul3A = arith.constant 2 : i32
    %mul3A_0 = arith.muli %arg1, %mul3A : i32
    %add3A = arith.addi %mul3A_0, %arg0 : i32
    %mul3A_1 = arith.constant 640 : i32
    %mul3A_2 = arith.muli %arg1, %mul3A_1 : i32
    "tpu.region"() ({
      %run_scoped3A = tpu.sem_alloc : memref<!tpu.dma_semaphore, #tpu.memory_space<semaphore_mem>>
      %dma_start3A_47 = arith.constant 0 : i32
      %dma_start3A_48 = tpu.memref_slice %arg12[%mul3A_2, %dma_start3A_47] : memref<10240x128xf32, #tpu.memory_space<vmem_shared>> -> memref<640x128xf32, #tpu.memory_space<vmem_shared>>
      tpu.enqueue_dma source(%arg5 : memref<640x128xf32, #tpu.memory_space<hbm>>) target(%dma_start3A_48 : memref<640x128xf32, #tpu.memory_space<vmem_shared>>) target_semaphore(%run_scoped3A : memref<!tpu.dma_semaphore, #tpu.memory_space<semaphore_mem>>)
      %dma_wait3A_49 = arith.constant 0 : i32
      %dma_wait3A_50 = tpu.memref_slice %arg12[%mul3A_2, %dma_wait3A_49] : memref<10240x128xf32, #tpu.memory_space<vmem_shared>> -> memref<640x128xf32, #tpu.memory_space<vmem_shared>>
      tpu.wait_dma2 semaphore(%run_scoped3A : memref<!tpu.dma_semaphore, #tpu.memory_space<semaphore_mem>>) src(%arg5 : memref<640x128xf32, #tpu.memory_space<hbm>>) dst(%dma_wait3A_50 : memref<640x128xf32, #tpu.memory_space<vmem_shared>>)
      tpu.yield
    }) : () -> ()
    "tpu.region"() ({
      %run_scoped3A = tpu.sem_alloc : memref<!tpu.dma_semaphore, #tpu.memory_space<semaphore_mem>>
      %dma_start3A_47 = arith.constant 0 : i32
      %dma_start3A_48 = arith.constant 0 : i32
      %dma_start3A_49 = tpu.memref_slice %arg4[%add3A, %dma_start3A_47, %dma_start3A_48] : memref<32x80x128xi32, #tpu.memory_space<hbm>> -> memref<1x80x128xi32, #tpu.memory_space<hbm>>
      %dma_start3A_50 = tpu.memref_squeeze %dma_start3A_49 : memref<1x80x128xi32, #tpu.memory_space<hbm>> -> memref<80x128xi32, #tpu.memory_space<hbm>>
      %dma_start3A_51 = arith.constant 0 : i32
      %dma_start3A_52 = arith.constant 0 : i32
      %dma_start3A_53 = tpu.memref_slice %arg4[%add3A, %dma_start3A_51, %dma_start3A_52] : memref<32x80x128xi32, #tpu.memory_space<hbm>> -> memref<1x80x128xi32, #tpu.memory_space<hbm>>
      %dma_start3A_54 = tpu.memref_squeeze %dma_start3A_53 : memref<1x80x128xi32, #tpu.memory_space<hbm>> -> memref<80x128xi32, #tpu.memory_space<hbm>>
      tpu.enqueue_dma source(%dma_start3A_54 : memref<80x128xi32, #tpu.memory_space<hbm>>) target(%arg9 : memref<80x128xi32, #tpu.memory_space<vmem>>) target_semaphore(%run_scoped3A : memref<!tpu.dma_semaphore, #tpu.memory_space<semaphore_mem>>)
      %dma_wait3A_55 = arith.constant 0 : i32
      %dma_wait3A_56 = arith.constant 0 : i32
      %dma_wait3A_57 = tpu.memref_slice %arg4[%add3A, %dma_wait3A_55, %dma_wait3A_56] : memref<32x80x128xi32, #tpu.memory_space<hbm>> -> memref<1x80x128xi32, #tpu.memory_space<hbm>>
      %dma_wait3A_58 = tpu.memref_squeeze %dma_wait3A_57 : memref<1x80x128xi32, #tpu.memory_space<hbm>> -> memref<80x128xi32, #tpu.memory_space<hbm>>
      %dma_wait3A_59 = arith.constant 0 : i32
      %dma_wait3A_60 = arith.constant 0 : i32
      %dma_wait3A_61 = tpu.memref_slice %arg4[%add3A, %dma_wait3A_59, %dma_wait3A_60] : memref<32x80x128xi32, #tpu.memory_space<hbm>> -> memref<1x80x128xi32, #tpu.memory_space<hbm>>
      %dma_wait3A_62 = tpu.memref_squeeze %dma_wait3A_61 : memref<1x80x128xi32, #tpu.memory_space<hbm>> -> memref<80x128xi32, #tpu.memory_space<hbm>>
      tpu.wait_dma2 semaphore(%run_scoped3A : memref<!tpu.dma_semaphore, #tpu.memory_space<semaphore_mem>>) src(%dma_wait3A_62 : memref<80x128xi32, #tpu.memory_space<hbm>>) dst(%arg9 : memref<80x128xi32, #tpu.memory_space<vmem>>)
      tpu.yield
    }) : () -> ()
    %dma_start3A = arith.constant 0 : i32
    %dma_start3A_3 = arith.constant 0 : i32
    %dma_start3A_4 = tpu.memref_slice %arg3[%add3A, %dma_start3A, %dma_start3A_3] : memref<32x82x128xi32, #tpu.memory_space<hbm>> -> memref<1x1x128xi32, #tpu.memory_space<hbm>>
    %dma_start3A_5 = tpu.memref_squeeze %dma_start3A_4 : memref<1x1x128xi32, #tpu.memory_space<hbm>> -> memref<128xi32, #tpu.memory_space<hbm>>
    %dma_start3A_6 = arith.constant 0 : i32
    %dma_start3A_7 = tpu.memref_slice %arg3[%add3A, %dma_start3A, %dma_start3A_6] : memref<32x82x128xi32, #tpu.memory_space<hbm>> -> memref<1x1x128xi32, #tpu.memory_space<hbm>>
    %dma_start3A_8 = tpu.memref_squeeze %dma_start3A_7 : memref<1x1x128xi32, #tpu.memory_space<hbm>> -> memref<128xi32, #tpu.memory_space<hbm>>
    tpu.enqueue_dma source(%dma_start3A_8 : memref<128xi32, #tpu.memory_space<hbm>>) target(%arg7 : memref<128xi32, #tpu.memory_space<vmem>>) target_semaphore(%arg13 : memref<!tpu.dma_semaphore, #tpu.memory_space<semaphore_mem>>)
    %dma_start3A_9 = arith.constant 1 : i32
    %dma_start3A_10 = arith.constant 0 : i32
    %dma_start3A_11 = tpu.memref_slice %arg3[%add3A, %dma_start3A_9, %dma_start3A_10] : memref<32x82x128xi32, #tpu.memory_space<hbm>> -> memref<1x1x128xi32, #tpu.memory_space<hbm>>
    %dma_start3A_12 = tpu.memref_squeeze %dma_start3A_11 : memref<1x1x128xi32, #tpu.memory_space<hbm>> -> memref<128xi32, #tpu.memory_space<hbm>>
    %dma_start3A_13 = arith.constant 0 : i32
    %dma_start3A_14 = tpu.memref_slice %arg3[%add3A, %dma_start3A_9, %dma_start3A_13] : memref<32x82x128xi32, #tpu.memory_space<hbm>> -> memref<1x1x128xi32, #tpu.memory_space<hbm>>
    %dma_start3A_15 = tpu.memref_squeeze %dma_start3A_14 : memref<1x1x128xi32, #tpu.memory_space<hbm>> -> memref<128xi32, #tpu.memory_space<hbm>>
    tpu.enqueue_dma source(%dma_start3A_15 : memref<128xi32, #tpu.memory_space<hbm>>) target(%arg8 : memref<128xi32, #tpu.memory_space<vmem>>) target_semaphore(%arg14 : memref<!tpu.dma_semaphore, #tpu.memory_space<semaphore_mem>>)
    %dma_wait3A = arith.constant 0 : i32
    %dma_wait3A_16 = arith.constant 0 : i32
    %dma_wait3A_17 = tpu.memref_slice %arg3[%add3A, %dma_wait3A, %dma_wait3A_16] : memref<32x82x128xi32, #tpu.memory_space<hbm>> -> memref<1x1x128xi32, #tpu.memory_space<hbm>>
    %dma_wait3A_18 = tpu.memref_squeeze %dma_wait3A_17 : memref<1x1x128xi32, #tpu.memory_space<hbm>> -> memref<128xi32, #tpu.memory_space<hbm>>
    %dma_wait3A_19 = arith.constant 0 : i32
    %dma_wait3A_20 = tpu.memref_slice %arg3[%add3A, %dma_wait3A, %dma_wait3A_19] : memref<32x82x128xi32, #tpu.memory_space<hbm>> -> memref<1x1x128xi32, #tpu.memory_space<hbm>>
    %dma_wait3A_21 = tpu.memref_squeeze %dma_wait3A_20 : memref<1x1x128xi32, #tpu.memory_space<hbm>> -> memref<128xi32, #tpu.memory_space<hbm>>
    tpu.wait_dma2 semaphore(%arg13 : memref<!tpu.dma_semaphore, #tpu.memory_space<semaphore_mem>>) src(%dma_wait3A_21 : memref<128xi32, #tpu.memory_space<hbm>>) dst(%arg7 : memref<128xi32, #tpu.memory_space<vmem>>)
    %dma_start3A_22 = arith.constant 0 : i32
    %dma_start3A_23 = arith.constant 0 : i32
    %dma_start3A_24 = tpu.memref_slice %arg2[%dma_start3A_22, %dma_start3A_23] : memref<10240x128xf32, #tpu.memory_space<hbm>> -> memref<10240x128xf32, #tpu.memory_space<hbm>>
    tpu.enqueue_indirect_dma source(%dma_start3A_24 : memref<10240x128xf32, #tpu.memory_space<hbm>>) target(%arg10 : memref<128x128xf32, #tpu.memory_space<vmem>>) offsets(%arg7 : memref<128xi32, #tpu.memory_space<vmem>>) semaphore(%arg15 : memref<!tpu.dma_semaphore, #tpu.memory_space<semaphore_mem>>)
    %dma_wait3A_25 = arith.constant 1 : i32
    %dma_wait3A_26 = arith.constant 0 : i32
    %dma_wait3A_27 = tpu.memref_slice %arg3[%add3A, %dma_wait3A_25, %dma_wait3A_26] : memref<32x82x128xi32, #tpu.memory_space<hbm>> -> memref<1x1x128xi32, #tpu.memory_space<hbm>>
    %dma_wait3A_28 = tpu.memref_squeeze %dma_wait3A_27 : memref<1x1x128xi32, #tpu.memory_space<hbm>> -> memref<128xi32, #tpu.memory_space<hbm>>
    %dma_wait3A_29 = arith.constant 0 : i32
    %dma_wait3A_30 = tpu.memref_slice %arg3[%add3A, %dma_wait3A_25, %dma_wait3A_29] : memref<32x82x128xi32, #tpu.memory_space<hbm>> -> memref<1x1x128xi32, #tpu.memory_space<hbm>>
    %dma_wait3A_31 = tpu.memref_squeeze %dma_wait3A_30 : memref<1x1x128xi32, #tpu.memory_space<hbm>> -> memref<128xi32, #tpu.memory_space<hbm>>
    tpu.wait_dma2 semaphore(%arg14 : memref<!tpu.dma_semaphore, #tpu.memory_space<semaphore_mem>>) src(%dma_wait3A_31 : memref<128xi32, #tpu.memory_space<hbm>>) dst(%arg8 : memref<128xi32, #tpu.memory_space<vmem>>)
    %dma_start3A_32 = arith.constant 0 : i32
    %dma_start3A_33 = arith.constant 0 : i32
    %dma_start3A_34 = tpu.memref_slice %arg2[%dma_start3A_32, %dma_start3A_33] : memref<10240x128xf32, #tpu.memory_space<hbm>> -> memref<10240x128xf32, #tpu.memory_space<hbm>>
    tpu.enqueue_indirect_dma source(%dma_start3A_34 : memref<10240x128xf32, #tpu.memory_space<hbm>>) target(%arg11 : memref<128x128xf32, #tpu.memory_space<vmem>>) offsets(%arg8 : memref<128xi32, #tpu.memory_space<vmem>>) semaphore(%arg16 : memref<!tpu.dma_semaphore, #tpu.memory_space<semaphore_mem>>)
    %barrier3A = arith.constant 0 : index
    tpu.barrier barrier_id(%barrier3A)
    %scan3A = arith.constant 0 : i32
    %scan3A_35 = arith.constant 0 : i32
    %scan3A_36 = arith.constant 40 : i32
    %scan3A_37 = arith.addi %scan3A_35, %scan3A_36 : i32
    %scan3A_38 = arith.constant 1 : i32
    scf.for %scan3A_47 = %scan3A_35 to %scan3A_37 step %scan3A_38  : i32 {
      %mul3A_48 = arith.constant 2 : i32
      %mul3A_49 = arith.muli %scan3A_47, %mul3A_48 : i32
      %dma_wait3A_50 = arith.constant 0 : i32
      %dma_wait3A_51 = arith.constant 0 : i32
      %dma_wait3A_52 = tpu.memref_slice %arg2[%dma_wait3A_50, %dma_wait3A_51] : memref<10240x128xf32, #tpu.memory_space<hbm>> -> memref<10240x128xf32, #tpu.memory_space<hbm>>
      tpu.wait_indirect_dma semaphore(%arg15 : memref<!tpu.dma_semaphore, #tpu.memory_space<semaphore_mem>>) src(%dma_wait3A_52 : memref<10240x128xf32, #tpu.memory_space<hbm>>) dst(%arg10 : memref<128x128xf32, #tpu.memory_space<vmem>>)
      "tpu.region"() ({
        %run_scoped3A = tpu.sem_alloc : memref<!tpu.dma_semaphore, #tpu.memory_space<semaphore_mem>>
        %dma_start3A_68 = arith.constant 0 : i32
        %dma_start3A_69 = tpu.memref_slice %arg9[%mul3A_49, %dma_start3A_68] : memref<80x128xi32, #tpu.memory_space<vmem>> -> memref<1x128xi32, #tpu.memory_space<vmem>>
        %dma_start3A_70 = tpu.memref_squeeze %dma_start3A_69 : memref<1x128xi32, #tpu.memory_space<vmem>> -> memref<128xi32, #tpu.memory_space<vmem>>
        %dma_start3A_71 = arith.constant 0 : i32
        %dma_start3A_72 = arith.constant 0 : i32
        %dma_start3A_73 = tpu.memref_slice %arg12[%dma_start3A_71, %dma_start3A_72] : memref<10240x128xf32, #tpu.memory_space<vmem_shared>> -> memref<10240x128xf32, #tpu.memory_space<vmem_shared>>
        tpu.enqueue_indirect_dma source(%arg10 : memref<128x128xf32, #tpu.memory_space<vmem>>) target(%dma_start3A_73 : memref<10240x128xf32, #tpu.memory_space<vmem_shared>>) offsets(%dma_start3A_70 : memref<128xi32, #tpu.memory_space<vmem>>) semaphore(%run_scoped3A : memref<!tpu.dma_semaphore, #tpu.memory_space<semaphore_mem>>) {add = true}
        %dma_wait3A_74 = arith.constant 0 : i32
        %dma_wait3A_75 = tpu.memref_slice %arg9[%mul3A_49, %dma_wait3A_74] : memref<80x128xi32, #tpu.memory_space<vmem>> -> memref<1x128xi32, #tpu.memory_space<vmem>>
        %dma_wait3A_76 = tpu.memref_squeeze %dma_wait3A_75 : memref<1x128xi32, #tpu.memory_space<vmem>> -> memref<128xi32, #tpu.memory_space<vmem>>
        %dma_wait3A_77 = arith.constant 0 : i32
        %dma_wait3A_78 = arith.constant 0 : i32
        %dma_wait3A_79 = tpu.memref_slice %arg12[%dma_wait3A_77, %dma_wait3A_78] : memref<10240x128xf32, #tpu.memory_space<vmem_shared>> -> memref<10240x128xf32, #tpu.memory_space<vmem_shared>>
        tpu.wait_indirect_dma semaphore(%run_scoped3A : memref<!tpu.dma_semaphore, #tpu.memory_space<semaphore_mem>>) src(%arg10 : memref<128x128xf32, #tpu.memory_space<vmem>>) dst(%dma_wait3A_79 : memref<10240x128xf32, #tpu.memory_space<vmem_shared>>)
        tpu.yield
      }) : () -> ()
      %add3A_53 = arith.constant 2 : i32
      %add3A_54 = arith.addi %mul3A_49, %add3A_53 : i32
      "tpu.region"() ({
        %run_scoped3A = tpu.sem_alloc : memref<!tpu.dma_semaphore, #tpu.memory_space<semaphore_mem>>
        %dma_start3A_68 = arith.constant 0 : i32
        %dma_start3A_69 = tpu.memref_slice %arg3[%add3A, %add3A_54, %dma_start3A_68] : memref<32x82x128xi32, #tpu.memory_space<hbm>> -> memref<1x1x128xi32, #tpu.memory_space<hbm>>
        %dma_start3A_70 = tpu.memref_squeeze %dma_start3A_69 : memref<1x1x128xi32, #tpu.memory_space<hbm>> -> memref<128xi32, #tpu.memory_space<hbm>>
        %dma_start3A_71 = arith.constant 0 : i32
        %dma_start3A_72 = tpu.memref_slice %arg3[%add3A, %add3A_54, %dma_start3A_71] : memref<32x82x128xi32, #tpu.memory_space<hbm>> -> memref<1x1x128xi32, #tpu.memory_space<hbm>>
        %dma_start3A_73 = tpu.memref_squeeze %dma_start3A_72 : memref<1x1x128xi32, #tpu.memory_space<hbm>> -> memref<128xi32, #tpu.memory_space<hbm>>
        tpu.enqueue_dma source(%dma_start3A_73 : memref<128xi32, #tpu.memory_space<hbm>>) target(%arg7 : memref<128xi32, #tpu.memory_space<vmem>>) target_semaphore(%run_scoped3A : memref<!tpu.dma_semaphore, #tpu.memory_space<semaphore_mem>>)
        %dma_wait3A_74 = arith.constant 0 : i32
        %dma_wait3A_75 = tpu.memref_slice %arg3[%add3A, %add3A_54, %dma_wait3A_74] : memref<32x82x128xi32, #tpu.memory_space<hbm>> -> memref<1x1x128xi32, #tpu.memory_space<hbm>>
        %dma_wait3A_76 = tpu.memref_squeeze %dma_wait3A_75 : memref<1x1x128xi32, #tpu.memory_space<hbm>> -> memref<128xi32, #tpu.memory_space<hbm>>
        %dma_wait3A_77 = arith.constant 0 : i32
        %dma_wait3A_78 = tpu.memref_slice %arg3[%add3A, %add3A_54, %dma_wait3A_77] : memref<32x82x128xi32, #tpu.memory_space<hbm>> -> memref<1x1x128xi32, #tpu.memory_space<hbm>>
        %dma_wait3A_79 = tpu.memref_squeeze %dma_wait3A_78 : memref<1x1x128xi32, #tpu.memory_space<hbm>> -> memref<128xi32, #tpu.memory_space<hbm>>
        tpu.wait_dma2 semaphore(%run_scoped3A : memref<!tpu.dma_semaphore, #tpu.memory_space<semaphore_mem>>) src(%dma_wait3A_79 : memref<128xi32, #tpu.memory_space<hbm>>) dst(%arg7 : memref<128xi32, #tpu.memory_space<vmem>>)
        tpu.yield
      }) : () -> ()
      %dma_start3A_55 = arith.constant 0 : i32
      %dma_start3A_56 = arith.constant 0 : i32
      %dma_start3A_57 = tpu.memref_slice %arg2[%dma_start3A_55, %dma_start3A_56] : memref<10240x128xf32, #tpu.memory_space<hbm>> -> memref<10240x128xf32, #tpu.memory_space<hbm>>
      tpu.enqueue_indirect_dma source(%dma_start3A_57 : memref<10240x128xf32, #tpu.memory_space<hbm>>) target(%arg10 : memref<128x128xf32, #tpu.memory_space<vmem>>) offsets(%arg7 : memref<128xi32, #tpu.memory_space<vmem>>) semaphore(%arg15 : memref<!tpu.dma_semaphore, #tpu.memory_space<semaphore_mem>>)
      %dma_wait3A_58 = arith.constant 0 : i32
      %dma_wait3A_59 = arith.constant 0 : i32
      %dma_wait3A_60 = tpu.memref_slice %arg2[%dma_wait3A_58, %dma_wait3A_59] : memref<10240x128xf32, #tpu.memory_space<hbm>> -> memref<10240x128xf32, #tpu.memory_space<hbm>>
      tpu.wait_indirect_dma semaphore(%arg16 : memref<!tpu.dma_semaphore, #tpu.memory_space<semaphore_mem>>) src(%dma_wait3A_60 : memref<10240x128xf32, #tpu.memory_space<hbm>>) dst(%arg11 : memref<128x128xf32, #tpu.memory_space<vmem>>)
      %add3A_61 = arith.constant 1 : i32
      %add3A_62 = arith.addi %mul3A_49, %add3A_61 : i32
      "tpu.region"() ({
        %run_scoped3A = tpu.sem_alloc : memref<!tpu.dma_semaphore, #tpu.memory_space<semaphore_mem>>
        %dma_start3A_68 = arith.constant 0 : i32
        %dma_start3A_69 = tpu.memref_slice %arg9[%add3A_62, %dma_start3A_68] : memref<80x128xi32, #tpu.memory_space<vmem>> -> memref<1x128xi32, #tpu.memory_space<vmem>>
        %dma_start3A_70 = tpu.memref_squeeze %dma_start3A_69 : memref<1x128xi32, #tpu.memory_space<vmem>> -> memref<128xi32, #tpu.memory_space<vmem>>
        %dma_start3A_71 = arith.constant 0 : i32
        %dma_start3A_72 = arith.constant 0 : i32
        %dma_start3A_73 = tpu.memref_slice %arg12[%dma_start3A_71, %dma_start3A_72] : memref<10240x128xf32, #tpu.memory_space<vmem_shared>> -> memref<10240x128xf32, #tpu.memory_space<vmem_shared>>
        tpu.enqueue_indirect_dma source(%arg11 : memref<128x128xf32, #tpu.memory_space<vmem>>) target(%dma_start3A_73 : memref<10240x128xf32, #tpu.memory_space<vmem_shared>>) offsets(%dma_start3A_70 : memref<128xi32, #tpu.memory_space<vmem>>) semaphore(%run_scoped3A : memref<!tpu.dma_semaphore, #tpu.memory_space<semaphore_mem>>) {add = true}
        %dma_wait3A_74 = arith.constant 0 : i32
        %dma_wait3A_75 = tpu.memref_slice %arg9[%add3A_62, %dma_wait3A_74] : memref<80x128xi32, #tpu.memory_space<vmem>> -> memref<1x128xi32, #tpu.memory_space<vmem>>
        %dma_wait3A_76 = tpu.memref_squeeze %dma_wait3A_75 : memref<1x128xi32, #tpu.memory_space<vmem>> -> memref<128xi32, #tpu.memory_space<vmem>>
        %dma_wait3A_77 = arith.constant 0 : i32
        %dma_wait3A_78 = arith.constant 0 : i32
        %dma_wait3A_79 = tpu.memref_slice %arg12[%dma_wait3A_77, %dma_wait3A_78] : memref<10240x128xf32, #tpu.memory_space<vmem_shared>> -> memref<10240x128xf32, #tpu.memory_space<vmem_shared>>
        tpu.wait_indirect_dma semaphore(%run_scoped3A : memref<!tpu.dma_semaphore, #tpu.memory_space<semaphore_mem>>) src(%arg11 : memref<128x128xf32, #tpu.memory_space<vmem>>) dst(%dma_wait3A_79 : memref<10240x128xf32, #tpu.memory_space<vmem_shared>>)
        tpu.yield
      }) : () -> ()
      %add3A_63 = arith.constant 3 : i32
      %add3A_64 = arith.addi %mul3A_49, %add3A_63 : i32
      "tpu.region"() ({
        %run_scoped3A = tpu.sem_alloc : memref<!tpu.dma_semaphore, #tpu.memory_space<semaphore_mem>>
        %dma_start3A_68 = arith.constant 0 : i32
        %dma_start3A_69 = tpu.memref_slice %arg3[%add3A, %add3A_64, %dma_start3A_68] : memref<32x82x128xi32, #tpu.memory_space<hbm>> -> memref<1x1x128xi32, #tpu.memory_space<hbm>>
        %dma_start3A_70 = tpu.memref_squeeze %dma_start3A_69 : memref<1x1x128xi32, #tpu.memory_space<hbm>> -> memref<128xi32, #tpu.memory_space<hbm>>
        %dma_start3A_71 = arith.constant 0 : i32
        %dma_start3A_72 = tpu.memref_slice %arg3[%add3A, %add3A_64, %dma_start3A_71] : memref<32x82x128xi32, #tpu.memory_space<hbm>> -> memref<1x1x128xi32, #tpu.memory_space<hbm>>
        %dma_start3A_73 = tpu.memref_squeeze %dma_start3A_72 : memref<1x1x128xi32, #tpu.memory_space<hbm>> -> memref<128xi32, #tpu.memory_space<hbm>>
        tpu.enqueue_dma source(%dma_start3A_73 : memref<128xi32, #tpu.memory_space<hbm>>) target(%arg8 : memref<128xi32, #tpu.memory_space<vmem>>) target_semaphore(%run_scoped3A : memref<!tpu.dma_semaphore, #tpu.memory_space<semaphore_mem>>)
        %dma_wait3A_74 = arith.constant 0 : i32
        %dma_wait3A_75 = tpu.memref_slice %arg3[%add3A, %add3A_64, %dma_wait3A_74] : memref<32x82x128xi32, #tpu.memory_space<hbm>> -> memref<1x1x128xi32, #tpu.memory_space<hbm>>
        %dma_wait3A_76 = tpu.memref_squeeze %dma_wait3A_75 : memref<1x1x128xi32, #tpu.memory_space<hbm>> -> memref<128xi32, #tpu.memory_space<hbm>>
        %dma_wait3A_77 = arith.constant 0 : i32
        %dma_wait3A_78 = tpu.memref_slice %arg3[%add3A, %add3A_64, %dma_wait3A_77] : memref<32x82x128xi32, #tpu.memory_space<hbm>> -> memref<1x1x128xi32, #tpu.memory_space<hbm>>
        %dma_wait3A_79 = tpu.memref_squeeze %dma_wait3A_78 : memref<1x1x128xi32, #tpu.memory_space<hbm>> -> memref<128xi32, #tpu.memory_space<hbm>>
        tpu.wait_dma2 semaphore(%run_scoped3A : memref<!tpu.dma_semaphore, #tpu.memory_space<semaphore_mem>>) src(%dma_wait3A_79 : memref<128xi32, #tpu.memory_space<hbm>>) dst(%arg8 : memref<128xi32, #tpu.memory_space<vmem>>)
        tpu.yield
      }) : () -> ()
      %dma_start3A_65 = arith.constant 0 : i32
      %dma_start3A_66 = arith.constant 0 : i32
      %dma_start3A_67 = tpu.memref_slice %arg2[%dma_start3A_65, %dma_start3A_66] : memref<10240x128xf32, #tpu.memory_space<hbm>> -> memref<10240x128xf32, #tpu.memory_space<hbm>>
      tpu.enqueue_indirect_dma source(%dma_start3A_67 : memref<10240x128xf32, #tpu.memory_space<hbm>>) target(%arg11 : memref<128x128xf32, #tpu.memory_space<vmem>>) offsets(%arg8 : memref<128xi32, #tpu.memory_space<vmem>>) semaphore(%arg16 : memref<!tpu.dma_semaphore, #tpu.memory_space<semaphore_mem>>)
    }
    %scan3A_39 = arith.constant 40 : i32
    %dma_wait3A_40 = arith.constant 0 : i32
    %dma_wait3A_41 = arith.constant 0 : i32
    %dma_wait3A_42 = tpu.memref_slice %arg2[%dma_wait3A_40, %dma_wait3A_41] : memref<10240x128xf32, #tpu.memory_space<hbm>> -> memref<10240x128xf32, #tpu.memory_space<hbm>>
    tpu.wait_indirect_dma semaphore(%arg15 : memref<!tpu.dma_semaphore, #tpu.memory_space<semaphore_mem>>) src(%dma_wait3A_42 : memref<10240x128xf32, #tpu.memory_space<hbm>>) dst(%arg10 : memref<128x128xf32, #tpu.memory_space<vmem>>)
    %dma_wait3A_43 = arith.constant 0 : i32
    %dma_wait3A_44 = arith.constant 0 : i32
    %dma_wait3A_45 = tpu.memref_slice %arg2[%dma_wait3A_43, %dma_wait3A_44] : memref<10240x128xf32, #tpu.memory_space<hbm>> -> memref<10240x128xf32, #tpu.memory_space<hbm>>
    tpu.wait_indirect_dma semaphore(%arg16 : memref<!tpu.dma_semaphore, #tpu.memory_space<semaphore_mem>>) src(%dma_wait3A_45 : memref<10240x128xf32, #tpu.memory_space<hbm>>) dst(%arg11 : memref<128x128xf32, #tpu.memory_space<vmem>>)
    %barrier3A_46 = arith.constant 0 : index
    tpu.barrier barrier_id(%barrier3A_46)
    "tpu.region"() ({
      %run_scoped3A = tpu.sem_alloc : memref<!tpu.dma_semaphore, #tpu.memory_space<semaphore_mem>>
      %dma_start3A_47 = arith.constant 0 : i32
      %dma_start3A_48 = tpu.memref_slice %arg6[%arg0, %mul3A_2, %dma_start3A_47] : memref<2x10240x128xf32, #tpu.memory_space<hbm>> -> memref<1x640x128xf32, #tpu.memory_space<hbm>>
      %dma_start3A_49 = tpu.memref_squeeze %dma_start3A_48 : memref<1x640x128xf32, #tpu.memory_space<hbm>> -> memref<640x128xf32, #tpu.memory_space<hbm>>
      %dma_start3A_50 = arith.constant 0 : i32
      %dma_start3A_51 = tpu.memref_slice %arg12[%mul3A_2, %dma_start3A_50] : memref<10240x128xf32, #tpu.memory_space<vmem_shared>> -> memref<640x128xf32, #tpu.memory_space<vmem_shared>>
      tpu.enqueue_dma source(%dma_start3A_51 : memref<640x128xf32, #tpu.memory_space<vmem_shared>>) target(%dma_start3A_49 : memref<640x128xf32, #tpu.memory_space<hbm>>) target_semaphore(%run_scoped3A : memref<!tpu.dma_semaphore, #tpu.memory_space<semaphore_mem>>)
      %dma_wait3A_52 = arith.constant 0 : i32
      %dma_wait3A_53 = tpu.memref_slice %arg6[%arg0, %mul3A_2, %dma_wait3A_52] : memref<2x10240x128xf32, #tpu.memory_space<hbm>> -> memref<1x640x128xf32, #tpu.memory_space<hbm>>
      %dma_wait3A_54 = tpu.memref_squeeze %dma_wait3A_53 : memref<1x640x128xf32, #tpu.memory_space<hbm>> -> memref<640x128xf32, #tpu.memory_space<hbm>>
      %dma_wait3A_55 = arith.constant 0 : i32
      %dma_wait3A_56 = tpu.memref_slice %arg12[%mul3A_2, %dma_wait3A_55] : memref<10240x128xf32, #tpu.memory_space<vmem_shared>> -> memref<640x128xf32, #tpu.memory_space<vmem_shared>>
      tpu.wait_dma2 semaphore(%run_scoped3A : memref<!tpu.dma_semaphore, #tpu.memory_space<semaphore_mem>>) src(%dma_wait3A_56 : memref<640x128xf32, #tpu.memory_space<vmem_shared>>) dst(%dma_wait3A_54 : memref<640x128xf32, #tpu.memory_space<hbm>>)
      tpu.yield
    }) : () -> ()
    return
  }
}

#map = affine_map<(d0, d1) -> (0, 0)>
#map1 = affine_map<(d0, d1) -> (0, 0, 0)>
module attributes {stable_mosaic.version = 14 : i64} {
  func.func @segsum(%arg0: i32, %arg1: i32, %arg2: memref<10240x128xf32, #tpu.memory_space<hbm>>, %arg3: memref<32x82x128xi32, #tpu.memory_space<hbm>>, %arg4: memref<32x80x128xi32, #tpu.memory_space<hbm>>, %arg5: memref<640x128xf32, #tpu.memory_space<hbm>>, %arg6: memref<2x10240x128xf32, #tpu.memory_space<hbm>>, %arg7: memref<128xi32, #tpu.memory_space<vmem>>, %arg8: memref<128xi32, #tpu.memory_space<vmem>>, %arg9: memref<80x128xi32, #tpu.memory_space<vmem>>, %arg10: memref<128x128xf32, #tpu.memory_space<vmem>>, %arg11: memref<128x128xf32, #tpu.memory_space<vmem>>, %arg12: memref<10240x128xf32, #tpu.memory_space<vmem_shared>>, %arg13: memref<!tpu.dma_semaphore, #tpu.memory_space<semaphore_mem>>, %arg14: memref<!tpu.dma_semaphore, #tpu.memory_space<semaphore_mem>>, %arg15: memref<!tpu.dma_semaphore, #tpu.memory_space<semaphore_mem>>, %arg16: memref<!tpu.dma_semaphore, #tpu.memory_space<semaphore_mem>>) attributes {dimension_semantics = [#tpu.dimension_semantics<core_parallel>, #tpu.dimension_semantics<subcore_parallel>], iteration_bounds = array<i64: 2, 16>, scalar_prefetch = 0 : i64, scratch_operands = 10 : i64, tpu.core_type = #tpu.core_type<sc_vector_subcore>, window_params = [{transform_indices = #map}, {transform_indices = #map1}, {transform_indices = #map1}, {transform_indices = #map}, {transform_indices = #map1}]} {
    %mul3A = arith.constant 2 : i32
    %mul3A_0 = arith.muli %arg1, %mul3A : i32
    %add3A = arith.addi %mul3A_0, %arg0 : i32
    %mul3A_1 = arith.constant 640 : i32
    %mul3A_2 = arith.muli %arg1, %mul3A_1 : i32
    "tpu.region"() ({
      %run_scoped3A = tpu.sem_alloc : memref<!tpu.dma_semaphore, #tpu.memory_space<semaphore_mem>>
      %dma_start3A_47 = arith.constant 0 : i32
      %dma_start3A_48 = tpu.memref_slice %arg12[%mul3A_2, %dma_start3A_47] : memref<10240x128xf32, #tpu.memory_space<vmem_shared>> -> memref<640x128xf32, #tpu.memory_space<vmem_shared>>
      tpu.enqueue_dma source(%arg5 : memref<640x128xf32, #tpu.memory_space<hbm>>) target(%dma_start3A_48 : memref<640x128xf32, #tpu.memory_space<vmem_shared>>) target_semaphore(%run_scoped3A : memref<!tpu.dma_semaphore, #tpu.memory_space<semaphore_mem>>)
      %dma_wait3A_49 = arith.constant 0 : i32
      %dma_wait3A_50 = tpu.memref_slice %arg12[%mul3A_2, %dma_wait3A_49] : memref<10240x128xf32, #tpu.memory_space<vmem_shared>> -> memref<640x128xf32, #tpu.memory_space<vmem_shared>>
      tpu.wait_dma2 semaphore(%run_scoped3A : memref<!tpu.dma_semaphore, #tpu.memory_space<semaphore_mem>>) src(%arg5 : memref<640x128xf32, #tpu.memory_space<hbm>>) dst(%dma_wait3A_50 : memref<640x128xf32, #tpu.memory_space<vmem_shared>>)
      tpu.yield
    }) : () -> ()
    "tpu.region"() ({
      %run_scoped3A = tpu.sem_alloc : memref<!tpu.dma_semaphore, #tpu.memory_space<semaphore_mem>>
      %dma_start3A_47 = arith.constant 0 : i32
      %dma_start3A_48 = arith.constant 0 : i32
      %dma_start3A_49 = tpu.memref_slice %arg4[%add3A, %dma_start3A_47, %dma_start3A_48] : memref<32x80x128xi32, #tpu.memory_space<hbm>> -> memref<1x80x128xi32, #tpu.memory_space<hbm>>
      %dma_start3A_50 = tpu.memref_squeeze %dma_start3A_49 : memref<1x80x128xi32, #tpu.memory_space<hbm>> -> memref<80x128xi32, #tpu.memory_space<hbm>>
      %dma_start3A_51 = arith.constant 0 : i32
      %dma_start3A_52 = arith.constant 0 : i32
      %dma_start3A_53 = tpu.memref_slice %arg4[%add3A, %dma_start3A_51, %dma_start3A_52] : memref<32x80x128xi32, #tpu.memory_space<hbm>> -> memref<1x80x128xi32, #tpu.memory_space<hbm>>
      %dma_start3A_54 = tpu.memref_squeeze %dma_start3A_53 : memref<1x80x128xi32, #tpu.memory_space<hbm>> -> memref<80x128xi32, #tpu.memory_space<hbm>>
      tpu.enqueue_dma source(%dma_start3A_54 : memref<80x128xi32, #tpu.memory_space<hbm>>) target(%arg9 : memref<80x128xi32, #tpu.memory_space<vmem>>) target_semaphore(%run_scoped3A : memref<!tpu.dma_semaphore, #tpu.memory_space<semaphore_mem>>)
      %dma_wait3A_55 = arith.constant 0 : i32
      %dma_wait3A_56 = arith.constant 0 : i32
      %dma_wait3A_57 = tpu.memref_slice %arg4[%add3A, %dma_wait3A_55, %dma_wait3A_56] : memref<32x80x128xi32, #tpu.memory_space<hbm>> -> memref<1x80x128xi32, #tpu.memory_space<hbm>>
      %dma_wait3A_58 = tpu.memref_squeeze %dma_wait3A_57 : memref<1x80x128xi32, #tpu.memory_space<hbm>> -> memref<80x128xi32, #tpu.memory_space<hbm>>
      %dma_wait3A_59 = arith.constant 0 : i32
      %dma_wait3A_60 = arith.constant 0 : i32
      %dma_wait3A_61 = tpu.memref_slice %arg4[%add3A, %dma_wait3A_59, %dma_wait3A_60] : memref<32x80x128xi32, #tpu.memory_space<hbm>> -> memref<1x80x128xi32, #tpu.memory_space<hbm>>
      %dma_wait3A_62 = tpu.memref_squeeze %dma_wait3A_61 : memref<1x80x128xi32, #tpu.memory_space<hbm>> -> memref<80x128xi32, #tpu.memory_space<hbm>>
      tpu.wait_dma2 semaphore(%run_scoped3A : memref<!tpu.dma_semaphore, #tpu.memory_space<semaphore_mem>>) src(%dma_wait3A_62 : memref<80x128xi32, #tpu.memory_space<hbm>>) dst(%arg9 : memref<80x128xi32, #tpu.memory_space<vmem>>)
      tpu.yield
    }) : () -> ()
    %dma_start3A = arith.constant 0 : i32
    %dma_start3A_3 = arith.constant 0 : i32
    %dma_start3A_4 = tpu.memref_slice %arg3[%add3A, %dma_start3A, %dma_start3A_3] : memref<32x82x128xi32, #tpu.memory_space<hbm>> -> memref<1x1x128xi32, #tpu.memory_space<hbm>>
    %dma_start3A_5 = tpu.memref_squeeze %dma_start3A_4 : memref<1x1x128xi32, #tpu.memory_space<hbm>> -> memref<128xi32, #tpu.memory_space<hbm>>
    %dma_start3A_6 = arith.constant 0 : i32
    %dma_start3A_7 = tpu.memref_slice %arg3[%add3A, %dma_start3A, %dma_start3A_6] : memref<32x82x128xi32, #tpu.memory_space<hbm>> -> memref<1x1x128xi32, #tpu.memory_space<hbm>>
    %dma_start3A_8 = tpu.memref_squeeze %dma_start3A_7 : memref<1x1x128xi32, #tpu.memory_space<hbm>> -> memref<128xi32, #tpu.memory_space<hbm>>
    tpu.enqueue_dma source(%dma_start3A_8 : memref<128xi32, #tpu.memory_space<hbm>>) target(%arg7 : memref<128xi32, #tpu.memory_space<vmem>>) target_semaphore(%arg13 : memref<!tpu.dma_semaphore, #tpu.memory_space<semaphore_mem>>)
    %dma_start3A_9 = arith.constant 1 : i32
    %dma_start3A_10 = arith.constant 0 : i32
    %dma_start3A_11 = tpu.memref_slice %arg3[%add3A, %dma_start3A_9, %dma_start3A_10] : memref<32x82x128xi32, #tpu.memory_space<hbm>> -> memref<1x1x128xi32, #tpu.memory_space<hbm>>
    %dma_start3A_12 = tpu.memref_squeeze %dma_start3A_11 : memref<1x1x128xi32, #tpu.memory_space<hbm>> -> memref<128xi32, #tpu.memory_space<hbm>>
    %dma_start3A_13 = arith.constant 0 : i32
    %dma_start3A_14 = tpu.memref_slice %arg3[%add3A, %dma_start3A_9, %dma_start3A_13] : memref<32x82x128xi32, #tpu.memory_space<hbm>> -> memref<1x1x128xi32, #tpu.memory_space<hbm>>
    %dma_start3A_15 = tpu.memref_squeeze %dma_start3A_14 : memref<1x1x128xi32, #tpu.memory_space<hbm>> -> memref<128xi32, #tpu.memory_space<hbm>>
    tpu.enqueue_dma source(%dma_start3A_15 : memref<128xi32, #tpu.memory_space<hbm>>) target(%arg8 : memref<128xi32, #tpu.memory_space<vmem>>) target_semaphore(%arg14 : memref<!tpu.dma_semaphore, #tpu.memory_space<semaphore_mem>>)
    %dma_wait3A = arith.constant 0 : i32
    %dma_wait3A_16 = arith.constant 0 : i32
    %dma_wait3A_17 = tpu.memref_slice %arg3[%add3A, %dma_wait3A, %dma_wait3A_16] : memref<32x82x128xi32, #tpu.memory_space<hbm>> -> memref<1x1x128xi32, #tpu.memory_space<hbm>>
    %dma_wait3A_18 = tpu.memref_squeeze %dma_wait3A_17 : memref<1x1x128xi32, #tpu.memory_space<hbm>> -> memref<128xi32, #tpu.memory_space<hbm>>
    %dma_wait3A_19 = arith.constant 0 : i32
    %dma_wait3A_20 = tpu.memref_slice %arg3[%add3A, %dma_wait3A, %dma_wait3A_19] : memref<32x82x128xi32, #tpu.memory_space<hbm>> -> memref<1x1x128xi32, #tpu.memory_space<hbm>>
    %dma_wait3A_21 = tpu.memref_squeeze %dma_wait3A_20 : memref<1x1x128xi32, #tpu.memory_space<hbm>> -> memref<128xi32, #tpu.memory_space<hbm>>
    tpu.wait_dma2 semaphore(%arg13 : memref<!tpu.dma_semaphore, #tpu.memory_space<semaphore_mem>>) src(%dma_wait3A_21 : memref<128xi32, #tpu.memory_space<hbm>>) dst(%arg7 : memref<128xi32, #tpu.memory_space<vmem>>)
    %dma_start3A_22 = arith.constant 0 : i32
    %dma_start3A_23 = arith.constant 0 : i32
    %dma_start3A_24 = tpu.memref_slice %arg2[%dma_start3A_22, %dma_start3A_23] : memref<10240x128xf32, #tpu.memory_space<hbm>> -> memref<10240x128xf32, #tpu.memory_space<hbm>>
    tpu.enqueue_indirect_dma source(%dma_start3A_24 : memref<10240x128xf32, #tpu.memory_space<hbm>>) target(%arg10 : memref<128x128xf32, #tpu.memory_space<vmem>>) offsets(%arg7 : memref<128xi32, #tpu.memory_space<vmem>>) semaphore(%arg15 : memref<!tpu.dma_semaphore, #tpu.memory_space<semaphore_mem>>)
    %dma_wait3A_25 = arith.constant 1 : i32
    %dma_wait3A_26 = arith.constant 0 : i32
    %dma_wait3A_27 = tpu.memref_slice %arg3[%add3A, %dma_wait3A_25, %dma_wait3A_26] : memref<32x82x128xi32, #tpu.memory_space<hbm>> -> memref<1x1x128xi32, #tpu.memory_space<hbm>>
    %dma_wait3A_28 = tpu.memref_squeeze %dma_wait3A_27 : memref<1x1x128xi32, #tpu.memory_space<hbm>> -> memref<128xi32, #tpu.memory_space<hbm>>
    %dma_wait3A_29 = arith.constant 0 : i32
    %dma_wait3A_30 = tpu.memref_slice %arg3[%add3A, %dma_wait3A_25, %dma_wait3A_29] : memref<32x82x128xi32, #tpu.memory_space<hbm>> -> memref<1x1x128xi32, #tpu.memory_space<hbm>>
    %dma_wait3A_31 = tpu.memref_squeeze %dma_wait3A_30 : memref<1x1x128xi32, #tpu.memory_space<hbm>> -> memref<128xi32, #tpu.memory_space<hbm>>
    tpu.wait_dma2 semaphore(%arg14 : memref<!tpu.dma_semaphore, #tpu.memory_space<semaphore_mem>>) src(%dma_wait3A_31 : memref<128xi32, #tpu.memory_space<hbm>>) dst(%arg8 : memref<128xi32, #tpu.memory_space<vmem>>)
    %dma_start3A_32 = arith.constant 0 : i32
    %dma_start3A_33 = arith.constant 0 : i32
    %dma_start3A_34 = tpu.memref_slice %arg2[%dma_start3A_32, %dma_start3A_33] : memref<10240x128xf32, #tpu.memory_space<hbm>> -> memref<10240x128xf32, #tpu.memory_space<hbm>>
    tpu.enqueue_indirect_dma source(%dma_start3A_34 : memref<10240x128xf32, #tpu.memory_space<hbm>>) target(%arg11 : memref<128x128xf32, #tpu.memory_space<vmem>>) offsets(%arg8 : memref<128xi32, #tpu.memory_space<vmem>>) semaphore(%arg16 : memref<!tpu.dma_semaphore, #tpu.memory_space<semaphore_mem>>)
    %barrier3A = arith.constant 0 : index
    tpu.barrier barrier_id(%barrier3A)
    %scan3A = arith.constant 0 : i32
    %scan3A_35 = arith.constant 0 : i32
    %scan3A_36 = arith.constant 40 : i32
    %scan3A_37 = arith.addi %scan3A_35, %scan3A_36 : i32
    %scan3A_38 = arith.constant 1 : i32
    scf.for %scan3A_47 = %scan3A_35 to %scan3A_37 step %scan3A_38  : i32 {
      %mul3A_48 = arith.constant 2 : i32
      %mul3A_49 = arith.muli %scan3A_47, %mul3A_48 : i32
      %dma_wait3A_50 = arith.constant 0 : i32
      %dma_wait3A_51 = arith.constant 0 : i32
      %dma_wait3A_52 = tpu.memref_slice %arg2[%dma_wait3A_50, %dma_wait3A_51] : memref<10240x128xf32, #tpu.memory_space<hbm>> -> memref<10240x128xf32, #tpu.memory_space<hbm>>
      tpu.wait_indirect_dma semaphore(%arg15 : memref<!tpu.dma_semaphore, #tpu.memory_space<semaphore_mem>>) src(%dma_wait3A_52 : memref<10240x128xf32, #tpu.memory_space<hbm>>) dst(%arg10 : memref<128x128xf32, #tpu.memory_space<vmem>>)
      "tpu.region"() ({
        %run_scoped3A = tpu.sem_alloc : memref<!tpu.dma_semaphore, #tpu.memory_space<semaphore_mem>>
        %dma_start3A_68 = arith.constant 0 : i32
        %dma_start3A_69 = tpu.memref_slice %arg9[%mul3A_49, %dma_start3A_68] : memref<80x128xi32, #tpu.memory_space<vmem>> -> memref<1x128xi32, #tpu.memory_space<vmem>>
        %dma_start3A_70 = tpu.memref_squeeze %dma_start3A_69 : memref<1x128xi32, #tpu.memory_space<vmem>> -> memref<128xi32, #tpu.memory_space<vmem>>
        %dma_start3A_71 = arith.constant 0 : i32
        %dma_start3A_72 = arith.constant 0 : i32
        %dma_start3A_73 = tpu.memref_slice %arg12[%dma_start3A_71, %dma_start3A_72] : memref<10240x128xf32, #tpu.memory_space<vmem_shared>> -> memref<10240x128xf32, #tpu.memory_space<vmem_shared>>
        tpu.enqueue_indirect_dma source(%arg10 : memref<128x128xf32, #tpu.memory_space<vmem>>) target(%dma_start3A_73 : memref<10240x128xf32, #tpu.memory_space<vmem_shared>>) offsets(%dma_start3A_70 : memref<128xi32, #tpu.memory_space<vmem>>) semaphore(%run_scoped3A : memref<!tpu.dma_semaphore, #tpu.memory_space<semaphore_mem>>) {add = true}
        %dma_wait3A_74 = arith.constant 0 : i32
        %dma_wait3A_75 = tpu.memref_slice %arg9[%mul3A_49, %dma_wait3A_74] : memref<80x128xi32, #tpu.memory_space<vmem>> -> memref<1x128xi32, #tpu.memory_space<vmem>>
        %dma_wait3A_76 = tpu.memref_squeeze %dma_wait3A_75 : memref<1x128xi32, #tpu.memory_space<vmem>> -> memref<128xi32, #tpu.memory_space<vmem>>
        %dma_wait3A_77 = arith.constant 0 : i32
        %dma_wait3A_78 = arith.constant 0 : i32
        %dma_wait3A_79 = tpu.memref_slice %arg12[%dma_wait3A_77, %dma_wait3A_78] : memref<10240x128xf32, #tpu.memory_space<vmem_shared>> -> memref<10240x128xf32, #tpu.memory_space<vmem_shared>>
        tpu.wait_indirect_dma semaphore(%run_scoped3A : memref<!tpu.dma_semaphore, #tpu.memory_space<semaphore_mem>>) src(%arg10 : memref<128x128xf32, #tpu.memory_space<vmem>>) dst(%dma_wait3A_79 : memref<10240x128xf32, #tpu.memory_space<vmem_shared>>)
        tpu.yield
      }) : () -> ()
      %add3A_53 = arith.constant 2 : i32
      %add3A_54 = arith.addi %mul3A_49, %add3A_53 : i32
      "tpu.region"() ({
        %run_scoped3A = tpu.sem_alloc : memref<!tpu.dma_semaphore, #tpu.memory_space<semaphore_mem>>
        %dma_start3A_68 = arith.constant 0 : i32
        %dma_start3A_69 = tpu.memref_slice %arg3[%add3A, %add3A_54, %dma_start3A_68] : memref<32x82x128xi32, #tpu.memory_space<hbm>> -> memref<1x1x128xi32, #tpu.memory_space<hbm>>
        %dma_start3A_70 = tpu.memref_squeeze %dma_start3A_69 : memref<1x1x128xi32, #tpu.memory_space<hbm>> -> memref<128xi32, #tpu.memory_space<hbm>>
        %dma_start3A_71 = arith.constant 0 : i32
        %dma_start3A_72 = tpu.memref_slice %arg3[%add3A, %add3A_54, %dma_start3A_71] : memref<32x82x128xi32, #tpu.memory_space<hbm>> -> memref<1x1x128xi32, #tpu.memory_space<hbm>>
        %dma_start3A_73 = tpu.memref_squeeze %dma_start3A_72 : memref<1x1x128xi32, #tpu.memory_space<hbm>> -> memref<128xi32, #tpu.memory_space<hbm>>
        tpu.enqueue_dma source(%dma_start3A_73 : memref<128xi32, #tpu.memory_space<hbm>>) target(%arg7 : memref<128xi32, #tpu.memory_space<vmem>>) target_semaphore(%run_scoped3A : memref<!tpu.dma_semaphore, #tpu.memory_space<semaphore_mem>>)
        %dma_wait3A_74 = arith.constant 0 : i32
        %dma_wait3A_75 = tpu.memref_slice %arg3[%add3A, %add3A_54, %dma_wait3A_74] : memref<32x82x128xi32, #tpu.memory_space<hbm>> -> memref<1x1x128xi32, #tpu.memory_space<hbm>>
        %dma_wait3A_76 = tpu.memref_squeeze %dma_wait3A_75 : memref<1x1x128xi32, #tpu.memory_space<hbm>> -> memref<128xi32, #tpu.memory_space<hbm>>
        %dma_wait3A_77 = arith.constant 0 : i32
        %dma_wait3A_78 = tpu.memref_slice %arg3[%add3A, %add3A_54, %dma_wait3A_77] : memref<32x82x128xi32, #tpu.memory_space<hbm>> -> memref<1x1x128xi32, #tpu.memory_space<hbm>>
        %dma_wait3A_79 = tpu.memref_squeeze %dma_wait3A_78 : memref<1x1x128xi32, #tpu.memory_space<hbm>> -> memref<128xi32, #tpu.memory_space<hbm>>
        tpu.wait_dma2 semaphore(%run_scoped3A : memref<!tpu.dma_semaphore, #tpu.memory_space<semaphore_mem>>) src(%dma_wait3A_79 : memref<128xi32, #tpu.memory_space<hbm>>) dst(%arg7 : memref<128xi32, #tpu.memory_space<vmem>>)
        tpu.yield
      }) : () -> ()
      %dma_start3A_55 = arith.constant 0 : i32
      %dma_start3A_56 = arith.constant 0 : i32
      %dma_start3A_57 = tpu.memref_slice %arg2[%dma_start3A_55, %dma_start3A_56] : memref<10240x128xf32, #tpu.memory_space<hbm>> -> memref<10240x128xf32, #tpu.memory_space<hbm>>
      tpu.enqueue_indirect_dma source(%dma_start3A_57 : memref<10240x128xf32, #tpu.memory_space<hbm>>) target(%arg10 : memref<128x128xf32, #tpu.memory_space<vmem>>) offsets(%arg7 : memref<128xi32, #tpu.memory_space<vmem>>) semaphore(%arg15 : memref<!tpu.dma_semaphore, #tpu.memory_space<semaphore_mem>>)
      %dma_wait3A_58 = arith.constant 0 : i32
      %dma_wait3A_59 = arith.constant 0 : i32
      %dma_wait3A_60 = tpu.memref_slice %arg2[%dma_wait3A_58, %dma_wait3A_59] : memref<10240x128xf32, #tpu.memory_space<hbm>> -> memref<10240x128xf32, #tpu.memory_space<hbm>>
      tpu.wait_indirect_dma semaphore(%arg16 : memref<!tpu.dma_semaphore, #tpu.memory_space<semaphore_mem>>) src(%dma_wait3A_60 : memref<10240x128xf32, #tpu.memory_space<hbm>>) dst(%arg11 : memref<128x128xf32, #tpu.memory_space<vmem>>)
      %add3A_61 = arith.constant 1 : i32
      %add3A_62 = arith.addi %mul3A_49, %add3A_61 : i32
      "tpu.region"() ({
        %run_scoped3A = tpu.sem_alloc : memref<!tpu.dma_semaphore, #tpu.memory_space<semaphore_mem>>
        %dma_start3A_68 = arith.constant 0 : i32
        %dma_start3A_69 = tpu.memref_slice %arg9[%add3A_62, %dma_start3A_68] : memref<80x128xi32, #tpu.memory_space<vmem>> -> memref<1x128xi32, #tpu.memory_space<vmem>>
        %dma_start3A_70 = tpu.memref_squeeze %dma_start3A_69 : memref<1x128xi32, #tpu.memory_space<vmem>> -> memref<128xi32, #tpu.memory_space<vmem>>
        %dma_start3A_71 = arith.constant 0 : i32
        %dma_start3A_72 = arith.constant 0 : i32
        %dma_start3A_73 = tpu.memref_slice %arg12[%dma_start3A_71, %dma_start3A_72] : memref<10240x128xf32, #tpu.memory_space<vmem_shared>> -> memref<10240x128xf32, #tpu.memory_space<vmem_shared>>
        tpu.enqueue_indirect_dma source(%arg11 : memref<128x128xf32, #tpu.memory_space<vmem>>) target(%dma_start3A_73 : memref<10240x128xf32, #tpu.memory_space<vmem_shared>>) offsets(%dma_start3A_70 : memref<128xi32, #tpu.memory_space<vmem>>) semaphore(%run_scoped3A : memref<!tpu.dma_semaphore, #tpu.memory_space<semaphore_mem>>) {add = true}
        %dma_wait3A_74 = arith.constant 0 : i32
        %dma_wait3A_75 = tpu.memref_slice %arg9[%add3A_62, %dma_wait3A_74] : memref<80x128xi32, #tpu.memory_space<vmem>> -> memref<1x128xi32, #tpu.memory_space<vmem>>
        %dma_wait3A_76 = tpu.memref_squeeze %dma_wait3A_75 : memref<1x128xi32, #tpu.memory_space<vmem>> -> memref<128xi32, #tpu.memory_space<vmem>>
        %dma_wait3A_77 = arith.constant 0 : i32
        %dma_wait3A_78 = arith.constant 0 : i32
        %dma_wait3A_79 = tpu.memref_slice %arg12[%dma_wait3A_77, %dma_wait3A_78] : memref<10240x128xf32, #tpu.memory_space<vmem_shared>> -> memref<10240x128xf32, #tpu.memory_space<vmem_shared>>
        tpu.wait_indirect_dma semaphore(%run_scoped3A : memref<!tpu.dma_semaphore, #tpu.memory_space<semaphore_mem>>) src(%arg11 : memref<128x128xf32, #tpu.memory_space<vmem>>) dst(%dma_wait3A_79 : memref<10240x128xf32, #tpu.memory_space<vmem_shared>>)
        tpu.yield
      }) : () -> ()
      %add3A_63 = arith.constant 3 : i32
      %add3A_64 = arith.addi %mul3A_49, %add3A_63 : i32
      "tpu.region"() ({
        %run_scoped3A = tpu.sem_alloc : memref<!tpu.dma_semaphore, #tpu.memory_space<semaphore_mem>>
        %dma_start3A_68 = arith.constant 0 : i32
        %dma_start3A_69 = tpu.memref_slice %arg3[%add3A, %add3A_64, %dma_start3A_68] : memref<32x82x128xi32, #tpu.memory_space<hbm>> -> memref<1x1x128xi32, #tpu.memory_space<hbm>>
        %dma_start3A_70 = tpu.memref_squeeze %dma_start3A_69 : memref<1x1x128xi32, #tpu.memory_space<hbm>> -> memref<128xi32, #tpu.memory_space<hbm>>
        %dma_start3A_71 = arith.constant 0 : i32
        %dma_start3A_72 = tpu.memref_slice %arg3[%add3A, %add3A_64, %dma_start3A_71] : memref<32x82x128xi32, #tpu.memory_space<hbm>> -> memref<1x1x128xi32, #tpu.memory_space<hbm>>
        %dma_start3A_73 = tpu.memref_squeeze %dma_start3A_72 : memref<1x1x128xi32, #tpu.memory_space<hbm>> -> memref<128xi32, #tpu.memory_space<hbm>>
        tpu.enqueue_dma source(%dma_start3A_73 : memref<128xi32, #tpu.memory_space<hbm>>) target(%arg8 : memref<128xi32, #tpu.memory_space<vmem>>) target_semaphore(%run_scoped3A : memref<!tpu.dma_semaphore, #tpu.memory_space<semaphore_mem>>)
        %dma_wait3A_74 = arith.constant 0 : i32
        %dma_wait3A_75 = tpu.memref_slice %arg3[%add3A, %add3A_64, %dma_wait3A_74] : memref<32x82x128xi32, #tpu.memory_space<hbm>> -> memref<1x1x128xi32, #tpu.memory_space<hbm>>
        %dma_wait3A_76 = tpu.memref_squeeze %dma_wait3A_75 : memref<1x1x128xi32, #tpu.memory_space<hbm>> -> memref<128xi32, #tpu.memory_space<hbm>>
        %dma_wait3A_77 = arith.constant 0 : i32
        %dma_wait3A_78 = tpu.memref_slice %arg3[%add3A, %add3A_64, %dma_wait3A_77] : memref<32x82x128xi32, #tpu.memory_space<hbm>> -> memref<1x1x128xi32, #tpu.memory_space<hbm>>
        %dma_wait3A_79 = tpu.memref_squeeze %dma_wait3A_78 : memref<1x1x128xi32, #tpu.memory_space<hbm>> -> memref<128xi32, #tpu.memory_space<hbm>>
        tpu.wait_dma2 semaphore(%run_scoped3A : memref<!tpu.dma_semaphore, #tpu.memory_space<semaphore_mem>>) src(%dma_wait3A_79 : memref<128xi32, #tpu.memory_space<hbm>>) dst(%arg8 : memref<128xi32, #tpu.memory_space<vmem>>)
        tpu.yield
      }) : () -> ()
      %dma_start3A_65 = arith.constant 0 : i32
      %dma_start3A_66 = arith.constant 0 : i32
      %dma_start3A_67 = tpu.memref_slice %arg2[%dma_start3A_65, %dma_start3A_66] : memref<10240x128xf32, #tpu.memory_space<hbm>> -> memref<10240x128xf32, #tpu.memory_space<hbm>>
      tpu.enqueue_indirect_dma source(%dma_start3A_67 : memref<10240x128xf32, #tpu.memory_space<hbm>>) target(%arg11 : memref<128x128xf32, #tpu.memory_space<vmem>>) offsets(%arg8 : memref<128xi32, #tpu.memory_space<vmem>>) semaphore(%arg16 : memref<!tpu.dma_semaphore, #tpu.memory_space<semaphore_mem>>)
    }
    %scan3A_39 = arith.constant 40 : i32
    %dma_wait3A_40 = arith.constant 0 : i32
    %dma_wait3A_41 = arith.constant 0 : i32
    %dma_wait3A_42 = tpu.memref_slice %arg2[%dma_wait3A_40, %dma_wait3A_41] : memref<10240x128xf32, #tpu.memory_space<hbm>> -> memref<10240x128xf32, #tpu.memory_space<hbm>>
    tpu.wait_indirect_dma semaphore(%arg15 : memref<!tpu.dma_semaphore, #tpu.memory_space<semaphore_mem>>) src(%dma_wait3A_42 : memref<10240x128xf32, #tpu.memory_space<hbm>>) dst(%arg10 : memref<128x128xf32, #tpu.memory_space<vmem>>)
    %dma_wait3A_43 = arith.constant 0 : i32
    %dma_wait3A_44 = arith.constant 0 : i32
    %dma_wait3A_45 = tpu.memref_slice %arg2[%dma_wait3A_43, %dma_wait3A_44] : memref<10240x128xf32, #tpu.memory_space<hbm>> -> memref<10240x128xf32, #tpu.memory_space<hbm>>
    tpu.wait_indirect_dma semaphore(%arg16 : memref<!tpu.dma_semaphore, #tpu.memory_space<semaphore_mem>>) src(%dma_wait3A_45 : memref<10240x128xf32, #tpu.memory_space<hbm>>) dst(%arg11 : memref<128x128xf32, #tpu.memory_space<vmem>>)
    %barrier3A_46 = arith.constant 0 : index
    tpu.barrier barrier_id(%barrier3A_46)
    "tpu.region"() ({
      %run_scoped3A = tpu.sem_alloc : memref<!tpu.dma_semaphore, #tpu.memory_space<semaphore_mem>>
      %dma_start3A_47 = arith.constant 0 : i32
      %dma_start3A_48 = tpu.memref_slice %arg6[%arg0, %mul3A_2, %dma_start3A_47] : memref<2x10240x128xf32, #tpu.memory_space<hbm>> -> memref<1x640x128xf32, #tpu.memory_space<hbm>>
      %dma_start3A_49 = tpu.memref_squeeze %dma_start3A_48 : memref<1x640x128xf32, #tpu.memory_space<hbm>> -> memref<640x128xf32, #tpu.memory_space<hbm>>
      %dma_start3A_50 = arith.constant 0 : i32
      %dma_start3A_51 = tpu.memref_slice %arg12[%mul3A_2, %dma_start3A_50] : memref<10240x128xf32, #tpu.memory_space<vmem_shared>> -> memref<640x128xf32, #tpu.memory_space<vmem_shared>>
      tpu.enqueue_dma source(%dma_start3A_51 : memref<640x128xf32, #tpu.memory_space<vmem_shared>>) target(%dma_start3A_49 : memref<640x128xf32, #tpu.memory_space<hbm>>) target_semaphore(%run_scoped3A : memref<!tpu.dma_semaphore, #tpu.memory_space<semaphore_mem>>)
      %dma_wait3A_52 = arith.constant 0 : i32
      %dma_wait3A_53 = tpu.memref_slice %arg6[%arg0, %mul3A_2, %dma_wait3A_52] : memref<2x10240x128xf32, #tpu.memory_space<hbm>> -> memref<1x640x128xf32, #tpu.memory_space<hbm>>
      %dma_wait3A_54 = tpu.memref_squeeze %dma_wait3A_53 : memref<1x640x128xf32, #tpu.memory_space<hbm>> -> memref<640x128xf32, #tpu.memory_space<hbm>>
      %dma_wait3A_55 = arith.constant 0 : i32
      %dma_wait3A_56 = tpu.memref_slice %arg12[%mul3A_2, %dma_wait3A_55] : memref<10240x128xf32, #tpu.memory_space<vmem_shared>> -> memref<640x128xf32, #tpu.memory_space<vmem_shared>>
      tpu.wait_dma2 semaphore(%run_scoped3A : memref<!tpu.dma_semaphore, #tpu.memory_space<semaphore_mem>>) src(%dma_wait3A_56 : memref<640x128xf32, #tpu.memory_space<vmem_shared>>) dst(%dma_wait3A_54 : memref<640x128xf32, #tpu.memory_space<hbm>>)
      tpu.yield
    }) : () -> ()
    return
  }
}

#map = affine_map<(d0, d1) -> (0, 0)>
#map1 = affine_map<(d0, d1) -> (0, 0, 0)>
module attributes {stable_mosaic.version = 14 : i64} {
  func.func @segsum(%arg0: i32, %arg1: i32, %arg2: memref<10240x64xf32, #tpu.memory_space<hbm>>, %arg3: memref<32x82x128xi32, #tpu.memory_space<hbm>>, %arg4: memref<32x80x128xi32, #tpu.memory_space<hbm>>, %arg5: memref<640x64xf32, #tpu.memory_space<hbm>>, %arg6: memref<2x10240x64xf32, #tpu.memory_space<hbm>>, %arg7: memref<128xi32, #tpu.memory_space<vmem>>, %arg8: memref<128xi32, #tpu.memory_space<vmem>>, %arg9: memref<80x128xi32, #tpu.memory_space<vmem>>, %arg10: memref<128x64xf32, #tpu.memory_space<vmem>>, %arg11: memref<128x64xf32, #tpu.memory_space<vmem>>, %arg12: memref<10240x64xf32, #tpu.memory_space<vmem_shared>>, %arg13: memref<!tpu.dma_semaphore, #tpu.memory_space<semaphore_mem>>, %arg14: memref<!tpu.dma_semaphore, #tpu.memory_space<semaphore_mem>>, %arg15: memref<!tpu.dma_semaphore, #tpu.memory_space<semaphore_mem>>, %arg16: memref<!tpu.dma_semaphore, #tpu.memory_space<semaphore_mem>>) attributes {dimension_semantics = [#tpu.dimension_semantics<core_parallel>, #tpu.dimension_semantics<subcore_parallel>], iteration_bounds = array<i64: 2, 16>, scalar_prefetch = 0 : i64, scratch_operands = 10 : i64, tpu.core_type = #tpu.core_type<sc_vector_subcore>, window_params = [{transform_indices = #map}, {transform_indices = #map1}, {transform_indices = #map1}, {transform_indices = #map}, {transform_indices = #map1}]} {
    %mul3A = arith.constant 2 : i32
    %mul3A_0 = arith.muli %arg1, %mul3A : i32
    %add3A = arith.addi %mul3A_0, %arg0 : i32
    %mul3A_1 = arith.constant 640 : i32
    %mul3A_2 = arith.muli %arg1, %mul3A_1 : i32
    "tpu.region"() ({
      %run_scoped3A = tpu.sem_alloc : memref<!tpu.dma_semaphore, #tpu.memory_space<semaphore_mem>>
      %dma_start3A_47 = arith.constant 0 : i32
      %dma_start3A_48 = tpu.memref_slice %arg12[%mul3A_2, %dma_start3A_47] : memref<10240x64xf32, #tpu.memory_space<vmem_shared>> -> memref<640x64xf32, #tpu.memory_space<vmem_shared>>
      tpu.enqueue_dma source(%arg5 : memref<640x64xf32, #tpu.memory_space<hbm>>) target(%dma_start3A_48 : memref<640x64xf32, #tpu.memory_space<vmem_shared>>) target_semaphore(%run_scoped3A : memref<!tpu.dma_semaphore, #tpu.memory_space<semaphore_mem>>)
      %dma_wait3A_49 = arith.constant 0 : i32
      %dma_wait3A_50 = tpu.memref_slice %arg12[%mul3A_2, %dma_wait3A_49] : memref<10240x64xf32, #tpu.memory_space<vmem_shared>> -> memref<640x64xf32, #tpu.memory_space<vmem_shared>>
      tpu.wait_dma2 semaphore(%run_scoped3A : memref<!tpu.dma_semaphore, #tpu.memory_space<semaphore_mem>>) src(%arg5 : memref<640x64xf32, #tpu.memory_space<hbm>>) dst(%dma_wait3A_50 : memref<640x64xf32, #tpu.memory_space<vmem_shared>>)
      tpu.yield
    }) : () -> ()
    "tpu.region"() ({
      %run_scoped3A = tpu.sem_alloc : memref<!tpu.dma_semaphore, #tpu.memory_space<semaphore_mem>>
      %dma_start3A_47 = arith.constant 0 : i32
      %dma_start3A_48 = arith.constant 0 : i32
      %dma_start3A_49 = tpu.memref_slice %arg4[%add3A, %dma_start3A_47, %dma_start3A_48] : memref<32x80x128xi32, #tpu.memory_space<hbm>> -> memref<1x80x128xi32, #tpu.memory_space<hbm>>
      %dma_start3A_50 = tpu.memref_squeeze %dma_start3A_49 : memref<1x80x128xi32, #tpu.memory_space<hbm>> -> memref<80x128xi32, #tpu.memory_space<hbm>>
      %dma_start3A_51 = arith.constant 0 : i32
      %dma_start3A_52 = arith.constant 0 : i32
      %dma_start3A_53 = tpu.memref_slice %arg4[%add3A, %dma_start3A_51, %dma_start3A_52] : memref<32x80x128xi32, #tpu.memory_space<hbm>> -> memref<1x80x128xi32, #tpu.memory_space<hbm>>
      %dma_start3A_54 = tpu.memref_squeeze %dma_start3A_53 : memref<1x80x128xi32, #tpu.memory_space<hbm>> -> memref<80x128xi32, #tpu.memory_space<hbm>>
      tpu.enqueue_dma source(%dma_start3A_54 : memref<80x128xi32, #tpu.memory_space<hbm>>) target(%arg9 : memref<80x128xi32, #tpu.memory_space<vmem>>) target_semaphore(%run_scoped3A : memref<!tpu.dma_semaphore, #tpu.memory_space<semaphore_mem>>)
      %dma_wait3A_55 = arith.constant 0 : i32
      %dma_wait3A_56 = arith.constant 0 : i32
      %dma_wait3A_57 = tpu.memref_slice %arg4[%add3A, %dma_wait3A_55, %dma_wait3A_56] : memref<32x80x128xi32, #tpu.memory_space<hbm>> -> memref<1x80x128xi32, #tpu.memory_space<hbm>>
      %dma_wait3A_58 = tpu.memref_squeeze %dma_wait3A_57 : memref<1x80x128xi32, #tpu.memory_space<hbm>> -> memref<80x128xi32, #tpu.memory_space<hbm>>
      %dma_wait3A_59 = arith.constant 0 : i32
      %dma_wait3A_60 = arith.constant 0 : i32
      %dma_wait3A_61 = tpu.memref_slice %arg4[%add3A, %dma_wait3A_59, %dma_wait3A_60] : memref<32x80x128xi32, #tpu.memory_space<hbm>> -> memref<1x80x128xi32, #tpu.memory_space<hbm>>
      %dma_wait3A_62 = tpu.memref_squeeze %dma_wait3A_61 : memref<1x80x128xi32, #tpu.memory_space<hbm>> -> memref<80x128xi32, #tpu.memory_space<hbm>>
      tpu.wait_dma2 semaphore(%run_scoped3A : memref<!tpu.dma_semaphore, #tpu.memory_space<semaphore_mem>>) src(%dma_wait3A_62 : memref<80x128xi32, #tpu.memory_space<hbm>>) dst(%arg9 : memref<80x128xi32, #tpu.memory_space<vmem>>)
      tpu.yield
    }) : () -> ()
    %dma_start3A = arith.constant 0 : i32
    %dma_start3A_3 = arith.constant 0 : i32
    %dma_start3A_4 = tpu.memref_slice %arg3[%add3A, %dma_start3A, %dma_start3A_3] : memref<32x82x128xi32, #tpu.memory_space<hbm>> -> memref<1x1x128xi32, #tpu.memory_space<hbm>>
    %dma_start3A_5 = tpu.memref_squeeze %dma_start3A_4 : memref<1x1x128xi32, #tpu.memory_space<hbm>> -> memref<128xi32, #tpu.memory_space<hbm>>
    %dma_start3A_6 = arith.constant 0 : i32
    %dma_start3A_7 = tpu.memref_slice %arg3[%add3A, %dma_start3A, %dma_start3A_6] : memref<32x82x128xi32, #tpu.memory_space<hbm>> -> memref<1x1x128xi32, #tpu.memory_space<hbm>>
    %dma_start3A_8 = tpu.memref_squeeze %dma_start3A_7 : memref<1x1x128xi32, #tpu.memory_space<hbm>> -> memref<128xi32, #tpu.memory_space<hbm>>
    tpu.enqueue_dma source(%dma_start3A_8 : memref<128xi32, #tpu.memory_space<hbm>>) target(%arg7 : memref<128xi32, #tpu.memory_space<vmem>>) target_semaphore(%arg13 : memref<!tpu.dma_semaphore, #tpu.memory_space<semaphore_mem>>)
    %dma_start3A_9 = arith.constant 1 : i32
    %dma_start3A_10 = arith.constant 0 : i32
    %dma_start3A_11 = tpu.memref_slice %arg3[%add3A, %dma_start3A_9, %dma_start3A_10] : memref<32x82x128xi32, #tpu.memory_space<hbm>> -> memref<1x1x128xi32, #tpu.memory_space<hbm>>
    %dma_start3A_12 = tpu.memref_squeeze %dma_start3A_11 : memref<1x1x128xi32, #tpu.memory_space<hbm>> -> memref<128xi32, #tpu.memory_space<hbm>>
    %dma_start3A_13 = arith.constant 0 : i32
    %dma_start3A_14 = tpu.memref_slice %arg3[%add3A, %dma_start3A_9, %dma_start3A_13] : memref<32x82x128xi32, #tpu.memory_space<hbm>> -> memref<1x1x128xi32, #tpu.memory_space<hbm>>
    %dma_start3A_15 = tpu.memref_squeeze %dma_start3A_14 : memref<1x1x128xi32, #tpu.memory_space<hbm>> -> memref<128xi32, #tpu.memory_space<hbm>>
    tpu.enqueue_dma source(%dma_start3A_15 : memref<128xi32, #tpu.memory_space<hbm>>) target(%arg8 : memref<128xi32, #tpu.memory_space<vmem>>) target_semaphore(%arg14 : memref<!tpu.dma_semaphore, #tpu.memory_space<semaphore_mem>>)
    %dma_wait3A = arith.constant 0 : i32
    %dma_wait3A_16 = arith.constant 0 : i32
    %dma_wait3A_17 = tpu.memref_slice %arg3[%add3A, %dma_wait3A, %dma_wait3A_16] : memref<32x82x128xi32, #tpu.memory_space<hbm>> -> memref<1x1x128xi32, #tpu.memory_space<hbm>>
    %dma_wait3A_18 = tpu.memref_squeeze %dma_wait3A_17 : memref<1x1x128xi32, #tpu.memory_space<hbm>> -> memref<128xi32, #tpu.memory_space<hbm>>
    %dma_wait3A_19 = arith.constant 0 : i32
    %dma_wait3A_20 = tpu.memref_slice %arg3[%add3A, %dma_wait3A, %dma_wait3A_19] : memref<32x82x128xi32, #tpu.memory_space<hbm>> -> memref<1x1x128xi32, #tpu.memory_space<hbm>>
    %dma_wait3A_21 = tpu.memref_squeeze %dma_wait3A_20 : memref<1x1x128xi32, #tpu.memory_space<hbm>> -> memref<128xi32, #tpu.memory_space<hbm>>
    tpu.wait_dma2 semaphore(%arg13 : memref<!tpu.dma_semaphore, #tpu.memory_space<semaphore_mem>>) src(%dma_wait3A_21 : memref<128xi32, #tpu.memory_space<hbm>>) dst(%arg7 : memref<128xi32, #tpu.memory_space<vmem>>)
    %dma_start3A_22 = arith.constant 0 : i32
    %dma_start3A_23 = arith.constant 0 : i32
    %dma_start3A_24 = tpu.memref_slice %arg2[%dma_start3A_22, %dma_start3A_23] : memref<10240x64xf32, #tpu.memory_space<hbm>> -> memref<10240x64xf32, #tpu.memory_space<hbm>>
    tpu.enqueue_indirect_dma source(%dma_start3A_24 : memref<10240x64xf32, #tpu.memory_space<hbm>>) target(%arg10 : memref<128x64xf32, #tpu.memory_space<vmem>>) offsets(%arg7 : memref<128xi32, #tpu.memory_space<vmem>>) semaphore(%arg15 : memref<!tpu.dma_semaphore, #tpu.memory_space<semaphore_mem>>)
    %dma_wait3A_25 = arith.constant 1 : i32
    %dma_wait3A_26 = arith.constant 0 : i32
    %dma_wait3A_27 = tpu.memref_slice %arg3[%add3A, %dma_wait3A_25, %dma_wait3A_26] : memref<32x82x128xi32, #tpu.memory_space<hbm>> -> memref<1x1x128xi32, #tpu.memory_space<hbm>>
    %dma_wait3A_28 = tpu.memref_squeeze %dma_wait3A_27 : memref<1x1x128xi32, #tpu.memory_space<hbm>> -> memref<128xi32, #tpu.memory_space<hbm>>
    %dma_wait3A_29 = arith.constant 0 : i32
    %dma_wait3A_30 = tpu.memref_slice %arg3[%add3A, %dma_wait3A_25, %dma_wait3A_29] : memref<32x82x128xi32, #tpu.memory_space<hbm>> -> memref<1x1x128xi32, #tpu.memory_space<hbm>>
    %dma_wait3A_31 = tpu.memref_squeeze %dma_wait3A_30 : memref<1x1x128xi32, #tpu.memory_space<hbm>> -> memref<128xi32, #tpu.memory_space<hbm>>
    tpu.wait_dma2 semaphore(%arg14 : memref<!tpu.dma_semaphore, #tpu.memory_space<semaphore_mem>>) src(%dma_wait3A_31 : memref<128xi32, #tpu.memory_space<hbm>>) dst(%arg8 : memref<128xi32, #tpu.memory_space<vmem>>)
    %dma_start3A_32 = arith.constant 0 : i32
    %dma_start3A_33 = arith.constant 0 : i32
    %dma_start3A_34 = tpu.memref_slice %arg2[%dma_start3A_32, %dma_start3A_33] : memref<10240x64xf32, #tpu.memory_space<hbm>> -> memref<10240x64xf32, #tpu.memory_space<hbm>>
    tpu.enqueue_indirect_dma source(%dma_start3A_34 : memref<10240x64xf32, #tpu.memory_space<hbm>>) target(%arg11 : memref<128x64xf32, #tpu.memory_space<vmem>>) offsets(%arg8 : memref<128xi32, #tpu.memory_space<vmem>>) semaphore(%arg16 : memref<!tpu.dma_semaphore, #tpu.memory_space<semaphore_mem>>)
    %barrier3A = arith.constant 0 : index
    tpu.barrier barrier_id(%barrier3A)
    %scan3A = arith.constant 0 : i32
    %scan3A_35 = arith.constant 0 : i32
    %scan3A_36 = arith.constant 40 : i32
    %scan3A_37 = arith.addi %scan3A_35, %scan3A_36 : i32
    %scan3A_38 = arith.constant 1 : i32
    scf.for %scan3A_47 = %scan3A_35 to %scan3A_37 step %scan3A_38  : i32 {
      %mul3A_48 = arith.constant 2 : i32
      %mul3A_49 = arith.muli %scan3A_47, %mul3A_48 : i32
      %dma_wait3A_50 = arith.constant 0 : i32
      %dma_wait3A_51 = arith.constant 0 : i32
      %dma_wait3A_52 = tpu.memref_slice %arg2[%dma_wait3A_50, %dma_wait3A_51] : memref<10240x64xf32, #tpu.memory_space<hbm>> -> memref<10240x64xf32, #tpu.memory_space<hbm>>
      tpu.wait_indirect_dma semaphore(%arg15 : memref<!tpu.dma_semaphore, #tpu.memory_space<semaphore_mem>>) src(%dma_wait3A_52 : memref<10240x64xf32, #tpu.memory_space<hbm>>) dst(%arg10 : memref<128x64xf32, #tpu.memory_space<vmem>>)
      "tpu.region"() ({
        %run_scoped3A = tpu.sem_alloc : memref<!tpu.dma_semaphore, #tpu.memory_space<semaphore_mem>>
        %dma_start3A_68 = arith.constant 0 : i32
        %dma_start3A_69 = tpu.memref_slice %arg9[%mul3A_49, %dma_start3A_68] : memref<80x128xi32, #tpu.memory_space<vmem>> -> memref<1x128xi32, #tpu.memory_space<vmem>>
        %dma_start3A_70 = tpu.memref_squeeze %dma_start3A_69 : memref<1x128xi32, #tpu.memory_space<vmem>> -> memref<128xi32, #tpu.memory_space<vmem>>
        %dma_start3A_71 = arith.constant 0 : i32
        %dma_start3A_72 = arith.constant 0 : i32
        %dma_start3A_73 = tpu.memref_slice %arg12[%dma_start3A_71, %dma_start3A_72] : memref<10240x64xf32, #tpu.memory_space<vmem_shared>> -> memref<10240x64xf32, #tpu.memory_space<vmem_shared>>
        tpu.enqueue_indirect_dma source(%arg10 : memref<128x64xf32, #tpu.memory_space<vmem>>) target(%dma_start3A_73 : memref<10240x64xf32, #tpu.memory_space<vmem_shared>>) offsets(%dma_start3A_70 : memref<128xi32, #tpu.memory_space<vmem>>) semaphore(%run_scoped3A : memref<!tpu.dma_semaphore, #tpu.memory_space<semaphore_mem>>) {add = true}
        %dma_wait3A_74 = arith.constant 0 : i32
        %dma_wait3A_75 = tpu.memref_slice %arg9[%mul3A_49, %dma_wait3A_74] : memref<80x128xi32, #tpu.memory_space<vmem>> -> memref<1x128xi32, #tpu.memory_space<vmem>>
        %dma_wait3A_76 = tpu.memref_squeeze %dma_wait3A_75 : memref<1x128xi32, #tpu.memory_space<vmem>> -> memref<128xi32, #tpu.memory_space<vmem>>
        %dma_wait3A_77 = arith.constant 0 : i32
        %dma_wait3A_78 = arith.constant 0 : i32
        %dma_wait3A_79 = tpu.memref_slice %arg12[%dma_wait3A_77, %dma_wait3A_78] : memref<10240x64xf32, #tpu.memory_space<vmem_shared>> -> memref<10240x64xf32, #tpu.memory_space<vmem_shared>>
        tpu.wait_indirect_dma semaphore(%run_scoped3A : memref<!tpu.dma_semaphore, #tpu.memory_space<semaphore_mem>>) src(%arg10 : memref<128x64xf32, #tpu.memory_space<vmem>>) dst(%dma_wait3A_79 : memref<10240x64xf32, #tpu.memory_space<vmem_shared>>)
        tpu.yield
      }) : () -> ()
      %add3A_53 = arith.constant 2 : i32
      %add3A_54 = arith.addi %mul3A_49, %add3A_53 : i32
      "tpu.region"() ({
        %run_scoped3A = tpu.sem_alloc : memref<!tpu.dma_semaphore, #tpu.memory_space<semaphore_mem>>
        %dma_start3A_68 = arith.constant 0 : i32
        %dma_start3A_69 = tpu.memref_slice %arg3[%add3A, %add3A_54, %dma_start3A_68] : memref<32x82x128xi32, #tpu.memory_space<hbm>> -> memref<1x1x128xi32, #tpu.memory_space<hbm>>
        %dma_start3A_70 = tpu.memref_squeeze %dma_start3A_69 : memref<1x1x128xi32, #tpu.memory_space<hbm>> -> memref<128xi32, #tpu.memory_space<hbm>>
        %dma_start3A_71 = arith.constant 0 : i32
        %dma_start3A_72 = tpu.memref_slice %arg3[%add3A, %add3A_54, %dma_start3A_71] : memref<32x82x128xi32, #tpu.memory_space<hbm>> -> memref<1x1x128xi32, #tpu.memory_space<hbm>>
        %dma_start3A_73 = tpu.memref_squeeze %dma_start3A_72 : memref<1x1x128xi32, #tpu.memory_space<hbm>> -> memref<128xi32, #tpu.memory_space<hbm>>
        tpu.enqueue_dma source(%dma_start3A_73 : memref<128xi32, #tpu.memory_space<hbm>>) target(%arg7 : memref<128xi32, #tpu.memory_space<vmem>>) target_semaphore(%run_scoped3A : memref<!tpu.dma_semaphore, #tpu.memory_space<semaphore_mem>>)
        %dma_wait3A_74 = arith.constant 0 : i32
        %dma_wait3A_75 = tpu.memref_slice %arg3[%add3A, %add3A_54, %dma_wait3A_74] : memref<32x82x128xi32, #tpu.memory_space<hbm>> -> memref<1x1x128xi32, #tpu.memory_space<hbm>>
        %dma_wait3A_76 = tpu.memref_squeeze %dma_wait3A_75 : memref<1x1x128xi32, #tpu.memory_space<hbm>> -> memref<128xi32, #tpu.memory_space<hbm>>
        %dma_wait3A_77 = arith.constant 0 : i32
        %dma_wait3A_78 = tpu.memref_slice %arg3[%add3A, %add3A_54, %dma_wait3A_77] : memref<32x82x128xi32, #tpu.memory_space<hbm>> -> memref<1x1x128xi32, #tpu.memory_space<hbm>>
        %dma_wait3A_79 = tpu.memref_squeeze %dma_wait3A_78 : memref<1x1x128xi32, #tpu.memory_space<hbm>> -> memref<128xi32, #tpu.memory_space<hbm>>
        tpu.wait_dma2 semaphore(%run_scoped3A : memref<!tpu.dma_semaphore, #tpu.memory_space<semaphore_mem>>) src(%dma_wait3A_79 : memref<128xi32, #tpu.memory_space<hbm>>) dst(%arg7 : memref<128xi32, #tpu.memory_space<vmem>>)
        tpu.yield
      }) : () -> ()
      %dma_start3A_55 = arith.constant 0 : i32
      %dma_start3A_56 = arith.constant 0 : i32
      %dma_start3A_57 = tpu.memref_slice %arg2[%dma_start3A_55, %dma_start3A_56] : memref<10240x64xf32, #tpu.memory_space<hbm>> -> memref<10240x64xf32, #tpu.memory_space<hbm>>
      tpu.enqueue_indirect_dma source(%dma_start3A_57 : memref<10240x64xf32, #tpu.memory_space<hbm>>) target(%arg10 : memref<128x64xf32, #tpu.memory_space<vmem>>) offsets(%arg7 : memref<128xi32, #tpu.memory_space<vmem>>) semaphore(%arg15 : memref<!tpu.dma_semaphore, #tpu.memory_space<semaphore_mem>>)
      %dma_wait3A_58 = arith.constant 0 : i32
      %dma_wait3A_59 = arith.constant 0 : i32
      %dma_wait3A_60 = tpu.memref_slice %arg2[%dma_wait3A_58, %dma_wait3A_59] : memref<10240x64xf32, #tpu.memory_space<hbm>> -> memref<10240x64xf32, #tpu.memory_space<hbm>>
      tpu.wait_indirect_dma semaphore(%arg16 : memref<!tpu.dma_semaphore, #tpu.memory_space<semaphore_mem>>) src(%dma_wait3A_60 : memref<10240x64xf32, #tpu.memory_space<hbm>>) dst(%arg11 : memref<128x64xf32, #tpu.memory_space<vmem>>)
      %add3A_61 = arith.constant 1 : i32
      %add3A_62 = arith.addi %mul3A_49, %add3A_61 : i32
      "tpu.region"() ({
        %run_scoped3A = tpu.sem_alloc : memref<!tpu.dma_semaphore, #tpu.memory_space<semaphore_mem>>
        %dma_start3A_68 = arith.constant 0 : i32
        %dma_start3A_69 = tpu.memref_slice %arg9[%add3A_62, %dma_start3A_68] : memref<80x128xi32, #tpu.memory_space<vmem>> -> memref<1x128xi32, #tpu.memory_space<vmem>>
        %dma_start3A_70 = tpu.memref_squeeze %dma_start3A_69 : memref<1x128xi32, #tpu.memory_space<vmem>> -> memref<128xi32, #tpu.memory_space<vmem>>
        %dma_start3A_71 = arith.constant 0 : i32
        %dma_start3A_72 = arith.constant 0 : i32
        %dma_start3A_73 = tpu.memref_slice %arg12[%dma_start3A_71, %dma_start3A_72] : memref<10240x64xf32, #tpu.memory_space<vmem_shared>> -> memref<10240x64xf32, #tpu.memory_space<vmem_shared>>
        tpu.enqueue_indirect_dma source(%arg11 : memref<128x64xf32, #tpu.memory_space<vmem>>) target(%dma_start3A_73 : memref<10240x64xf32, #tpu.memory_space<vmem_shared>>) offsets(%dma_start3A_70 : memref<128xi32, #tpu.memory_space<vmem>>) semaphore(%run_scoped3A : memref<!tpu.dma_semaphore, #tpu.memory_space<semaphore_mem>>) {add = true}
        %dma_wait3A_74 = arith.constant 0 : i32
        %dma_wait3A_75 = tpu.memref_slice %arg9[%add3A_62, %dma_wait3A_74] : memref<80x128xi32, #tpu.memory_space<vmem>> -> memref<1x128xi32, #tpu.memory_space<vmem>>
        %dma_wait3A_76 = tpu.memref_squeeze %dma_wait3A_75 : memref<1x128xi32, #tpu.memory_space<vmem>> -> memref<128xi32, #tpu.memory_space<vmem>>
        %dma_wait3A_77 = arith.constant 0 : i32
        %dma_wait3A_78 = arith.constant 0 : i32
        %dma_wait3A_79 = tpu.memref_slice %arg12[%dma_wait3A_77, %dma_wait3A_78] : memref<10240x64xf32, #tpu.memory_space<vmem_shared>> -> memref<10240x64xf32, #tpu.memory_space<vmem_shared>>
        tpu.wait_indirect_dma semaphore(%run_scoped3A : memref<!tpu.dma_semaphore, #tpu.memory_space<semaphore_mem>>) src(%arg11 : memref<128x64xf32, #tpu.memory_space<vmem>>) dst(%dma_wait3A_79 : memref<10240x64xf32, #tpu.memory_space<vmem_shared>>)
        tpu.yield
      }) : () -> ()
      %add3A_63 = arith.constant 3 : i32
      %add3A_64 = arith.addi %mul3A_49, %add3A_63 : i32
      "tpu.region"() ({
        %run_scoped3A = tpu.sem_alloc : memref<!tpu.dma_semaphore, #tpu.memory_space<semaphore_mem>>
        %dma_start3A_68 = arith.constant 0 : i32
        %dma_start3A_69 = tpu.memref_slice %arg3[%add3A, %add3A_64, %dma_start3A_68] : memref<32x82x128xi32, #tpu.memory_space<hbm>> -> memref<1x1x128xi32, #tpu.memory_space<hbm>>
        %dma_start3A_70 = tpu.memref_squeeze %dma_start3A_69 : memref<1x1x128xi32, #tpu.memory_space<hbm>> -> memref<128xi32, #tpu.memory_space<hbm>>
        %dma_start3A_71 = arith.constant 0 : i32
        %dma_start3A_72 = tpu.memref_slice %arg3[%add3A, %add3A_64, %dma_start3A_71] : memref<32x82x128xi32, #tpu.memory_space<hbm>> -> memref<1x1x128xi32, #tpu.memory_space<hbm>>
        %dma_start3A_73 = tpu.memref_squeeze %dma_start3A_72 : memref<1x1x128xi32, #tpu.memory_space<hbm>> -> memref<128xi32, #tpu.memory_space<hbm>>
        tpu.enqueue_dma source(%dma_start3A_73 : memref<128xi32, #tpu.memory_space<hbm>>) target(%arg8 : memref<128xi32, #tpu.memory_space<vmem>>) target_semaphore(%run_scoped3A : memref<!tpu.dma_semaphore, #tpu.memory_space<semaphore_mem>>)
        %dma_wait3A_74 = arith.constant 0 : i32
        %dma_wait3A_75 = tpu.memref_slice %arg3[%add3A, %add3A_64, %dma_wait3A_74] : memref<32x82x128xi32, #tpu.memory_space<hbm>> -> memref<1x1x128xi32, #tpu.memory_space<hbm>>
        %dma_wait3A_76 = tpu.memref_squeeze %dma_wait3A_75 : memref<1x1x128xi32, #tpu.memory_space<hbm>> -> memref<128xi32, #tpu.memory_space<hbm>>
        %dma_wait3A_77 = arith.constant 0 : i32
        %dma_wait3A_78 = tpu.memref_slice %arg3[%add3A, %add3A_64, %dma_wait3A_77] : memref<32x82x128xi32, #tpu.memory_space<hbm>> -> memref<1x1x128xi32, #tpu.memory_space<hbm>>
        %dma_wait3A_79 = tpu.memref_squeeze %dma_wait3A_78 : memref<1x1x128xi32, #tpu.memory_space<hbm>> -> memref<128xi32, #tpu.memory_space<hbm>>
        tpu.wait_dma2 semaphore(%run_scoped3A : memref<!tpu.dma_semaphore, #tpu.memory_space<semaphore_mem>>) src(%dma_wait3A_79 : memref<128xi32, #tpu.memory_space<hbm>>) dst(%arg8 : memref<128xi32, #tpu.memory_space<vmem>>)
        tpu.yield
      }) : () -> ()
      %dma_start3A_65 = arith.constant 0 : i32
      %dma_start3A_66 = arith.constant 0 : i32
      %dma_start3A_67 = tpu.memref_slice %arg2[%dma_start3A_65, %dma_start3A_66] : memref<10240x64xf32, #tpu.memory_space<hbm>> -> memref<10240x64xf32, #tpu.memory_space<hbm>>
      tpu.enqueue_indirect_dma source(%dma_start3A_67 : memref<10240x64xf32, #tpu.memory_space<hbm>>) target(%arg11 : memref<128x64xf32, #tpu.memory_space<vmem>>) offsets(%arg8 : memref<128xi32, #tpu.memory_space<vmem>>) semaphore(%arg16 : memref<!tpu.dma_semaphore, #tpu.memory_space<semaphore_mem>>)
    }
    %scan3A_39 = arith.constant 40 : i32
    %dma_wait3A_40 = arith.constant 0 : i32
    %dma_wait3A_41 = arith.constant 0 : i32
    %dma_wait3A_42 = tpu.memref_slice %arg2[%dma_wait3A_40, %dma_wait3A_41] : memref<10240x64xf32, #tpu.memory_space<hbm>> -> memref<10240x64xf32, #tpu.memory_space<hbm>>
    tpu.wait_indirect_dma semaphore(%arg15 : memref<!tpu.dma_semaphore, #tpu.memory_space<semaphore_mem>>) src(%dma_wait3A_42 : memref<10240x64xf32, #tpu.memory_space<hbm>>) dst(%arg10 : memref<128x64xf32, #tpu.memory_space<vmem>>)
    %dma_wait3A_43 = arith.constant 0 : i32
    %dma_wait3A_44 = arith.constant 0 : i32
    %dma_wait3A_45 = tpu.memref_slice %arg2[%dma_wait3A_43, %dma_wait3A_44] : memref<10240x64xf32, #tpu.memory_space<hbm>> -> memref<10240x64xf32, #tpu.memory_space<hbm>>
    tpu.wait_indirect_dma semaphore(%arg16 : memref<!tpu.dma_semaphore, #tpu.memory_space<semaphore_mem>>) src(%dma_wait3A_45 : memref<10240x64xf32, #tpu.memory_space<hbm>>) dst(%arg11 : memref<128x64xf32, #tpu.memory_space<vmem>>)
    %barrier3A_46 = arith.constant 0 : index
    tpu.barrier barrier_id(%barrier3A_46)
    "tpu.region"() ({
      %run_scoped3A = tpu.sem_alloc : memref<!tpu.dma_semaphore, #tpu.memory_space<semaphore_mem>>
      %dma_start3A_47 = arith.constant 0 : i32
      %dma_start3A_48 = tpu.memref_slice %arg6[%arg0, %mul3A_2, %dma_start3A_47] : memref<2x10240x64xf32, #tpu.memory_space<hbm>> -> memref<1x640x64xf32, #tpu.memory_space<hbm>>
      %dma_start3A_49 = tpu.memref_squeeze %dma_start3A_48 : memref<1x640x64xf32, #tpu.memory_space<hbm>> -> memref<640x64xf32, #tpu.memory_space<hbm>>
      %dma_start3A_50 = arith.constant 0 : i32
      %dma_start3A_51 = tpu.memref_slice %arg12[%mul3A_2, %dma_start3A_50] : memref<10240x64xf32, #tpu.memory_space<vmem_shared>> -> memref<640x64xf32, #tpu.memory_space<vmem_shared>>
      tpu.enqueue_dma source(%dma_start3A_51 : memref<640x64xf32, #tpu.memory_space<vmem_shared>>) target(%dma_start3A_49 : memref<640x64xf32, #tpu.memory_space<hbm>>) target_semaphore(%run_scoped3A : memref<!tpu.dma_semaphore, #tpu.memory_space<semaphore_mem>>)
      %dma_wait3A_52 = arith.constant 0 : i32
      %dma_wait3A_53 = tpu.memref_slice %arg6[%arg0, %mul3A_2, %dma_wait3A_52] : memref<2x10240x64xf32, #tpu.memory_space<hbm>> -> memref<1x640x64xf32, #tpu.memory_space<hbm>>
      %dma_wait3A_54 = tpu.memref_squeeze %dma_wait3A_53 : memref<1x640x64xf32, #tpu.memory_space<hbm>> -> memref<640x64xf32, #tpu.memory_space<hbm>>
      %dma_wait3A_55 = arith.constant 0 : i32
      %dma_wait3A_56 = tpu.memref_slice %arg12[%mul3A_2, %dma_wait3A_55] : memref<10240x64xf32, #tpu.memory_space<vmem_shared>> -> memref<640x64xf32, #tpu.memory_space<vmem_shared>>
      tpu.wait_dma2 semaphore(%run_scoped3A : memref<!tpu.dma_semaphore, #tpu.memory_space<semaphore_mem>>) src(%dma_wait3A_56 : memref<640x64xf32, #tpu.memory_space<vmem_shared>>) dst(%dma_wait3A_54 : memref<640x64xf32, #tpu.memory_space<hbm>>)
      tpu.yield
    }) : () -> ()
    return
  }
}

#map = affine_map<(d0, d1) -> (0, 0)>
#map1 = affine_map<(d0, d1) -> (0, 0, 0)>
module attributes {stable_mosaic.version = 14 : i64} {
  func.func @segsum(%arg0: i32, %arg1: i32, %arg2: memref<10240x64xf32, #tpu.memory_space<hbm>>, %arg3: memref<32x82x128xi32, #tpu.memory_space<hbm>>, %arg4: memref<32x80x128xi32, #tpu.memory_space<hbm>>, %arg5: memref<640x64xf32, #tpu.memory_space<hbm>>, %arg6: memref<2x10240x64xf32, #tpu.memory_space<hbm>>, %arg7: memref<128xi32, #tpu.memory_space<vmem>>, %arg8: memref<128xi32, #tpu.memory_space<vmem>>, %arg9: memref<80x128xi32, #tpu.memory_space<vmem>>, %arg10: memref<128x64xf32, #tpu.memory_space<vmem>>, %arg11: memref<128x64xf32, #tpu.memory_space<vmem>>, %arg12: memref<10240x64xf32, #tpu.memory_space<vmem_shared>>, %arg13: memref<!tpu.dma_semaphore, #tpu.memory_space<semaphore_mem>>, %arg14: memref<!tpu.dma_semaphore, #tpu.memory_space<semaphore_mem>>, %arg15: memref<!tpu.dma_semaphore, #tpu.memory_space<semaphore_mem>>, %arg16: memref<!tpu.dma_semaphore, #tpu.memory_space<semaphore_mem>>) attributes {dimension_semantics = [#tpu.dimension_semantics<core_parallel>, #tpu.dimension_semantics<subcore_parallel>], iteration_bounds = array<i64: 2, 16>, scalar_prefetch = 0 : i64, scratch_operands = 10 : i64, tpu.core_type = #tpu.core_type<sc_vector_subcore>, window_params = [{transform_indices = #map}, {transform_indices = #map1}, {transform_indices = #map1}, {transform_indices = #map}, {transform_indices = #map1}]} {
    %mul3A = arith.constant 2 : i32
    %mul3A_0 = arith.muli %arg1, %mul3A : i32
    %add3A = arith.addi %mul3A_0, %arg0 : i32
    %mul3A_1 = arith.constant 640 : i32
    %mul3A_2 = arith.muli %arg1, %mul3A_1 : i32
    "tpu.region"() ({
      %run_scoped3A = tpu.sem_alloc : memref<!tpu.dma_semaphore, #tpu.memory_space<semaphore_mem>>
      %dma_start3A_47 = arith.constant 0 : i32
      %dma_start3A_48 = tpu.memref_slice %arg12[%mul3A_2, %dma_start3A_47] : memref<10240x64xf32, #tpu.memory_space<vmem_shared>> -> memref<640x64xf32, #tpu.memory_space<vmem_shared>>
      tpu.enqueue_dma source(%arg5 : memref<640x64xf32, #tpu.memory_space<hbm>>) target(%dma_start3A_48 : memref<640x64xf32, #tpu.memory_space<vmem_shared>>) target_semaphore(%run_scoped3A : memref<!tpu.dma_semaphore, #tpu.memory_space<semaphore_mem>>)
      %dma_wait3A_49 = arith.constant 0 : i32
      %dma_wait3A_50 = tpu.memref_slice %arg12[%mul3A_2, %dma_wait3A_49] : memref<10240x64xf32, #tpu.memory_space<vmem_shared>> -> memref<640x64xf32, #tpu.memory_space<vmem_shared>>
      tpu.wait_dma2 semaphore(%run_scoped3A : memref<!tpu.dma_semaphore, #tpu.memory_space<semaphore_mem>>) src(%arg5 : memref<640x64xf32, #tpu.memory_space<hbm>>) dst(%dma_wait3A_50 : memref<640x64xf32, #tpu.memory_space<vmem_shared>>)
      tpu.yield
    }) : () -> ()
    "tpu.region"() ({
      %run_scoped3A = tpu.sem_alloc : memref<!tpu.dma_semaphore, #tpu.memory_space<semaphore_mem>>
      %dma_start3A_47 = arith.constant 0 : i32
      %dma_start3A_48 = arith.constant 0 : i32
      %dma_start3A_49 = tpu.memref_slice %arg4[%add3A, %dma_start3A_47, %dma_start3A_48] : memref<32x80x128xi32, #tpu.memory_space<hbm>> -> memref<1x80x128xi32, #tpu.memory_space<hbm>>
      %dma_start3A_50 = tpu.memref_squeeze %dma_start3A_49 : memref<1x80x128xi32, #tpu.memory_space<hbm>> -> memref<80x128xi32, #tpu.memory_space<hbm>>
      %dma_start3A_51 = arith.constant 0 : i32
      %dma_start3A_52 = arith.constant 0 : i32
      %dma_start3A_53 = tpu.memref_slice %arg4[%add3A, %dma_start3A_51, %dma_start3A_52] : memref<32x80x128xi32, #tpu.memory_space<hbm>> -> memref<1x80x128xi32, #tpu.memory_space<hbm>>
      %dma_start3A_54 = tpu.memref_squeeze %dma_start3A_53 : memref<1x80x128xi32, #tpu.memory_space<hbm>> -> memref<80x128xi32, #tpu.memory_space<hbm>>
      tpu.enqueue_dma source(%dma_start3A_54 : memref<80x128xi32, #tpu.memory_space<hbm>>) target(%arg9 : memref<80x128xi32, #tpu.memory_space<vmem>>) target_semaphore(%run_scoped3A : memref<!tpu.dma_semaphore, #tpu.memory_space<semaphore_mem>>)
      %dma_wait3A_55 = arith.constant 0 : i32
      %dma_wait3A_56 = arith.constant 0 : i32
      %dma_wait3A_57 = tpu.memref_slice %arg4[%add3A, %dma_wait3A_55, %dma_wait3A_56] : memref<32x80x128xi32, #tpu.memory_space<hbm>> -> memref<1x80x128xi32, #tpu.memory_space<hbm>>
      %dma_wait3A_58 = tpu.memref_squeeze %dma_wait3A_57 : memref<1x80x128xi32, #tpu.memory_space<hbm>> -> memref<80x128xi32, #tpu.memory_space<hbm>>
      %dma_wait3A_59 = arith.constant 0 : i32
      %dma_wait3A_60 = arith.constant 0 : i32
      %dma_wait3A_61 = tpu.memref_slice %arg4[%add3A, %dma_wait3A_59, %dma_wait3A_60] : memref<32x80x128xi32, #tpu.memory_space<hbm>> -> memref<1x80x128xi32, #tpu.memory_space<hbm>>
      %dma_wait3A_62 = tpu.memref_squeeze %dma_wait3A_61 : memref<1x80x128xi32, #tpu.memory_space<hbm>> -> memref<80x128xi32, #tpu.memory_space<hbm>>
      tpu.wait_dma2 semaphore(%run_scoped3A : memref<!tpu.dma_semaphore, #tpu.memory_space<semaphore_mem>>) src(%dma_wait3A_62 : memref<80x128xi32, #tpu.memory_space<hbm>>) dst(%arg9 : memref<80x128xi32, #tpu.memory_space<vmem>>)
      tpu.yield
    }) : () -> ()
    %dma_start3A = arith.constant 0 : i32
    %dma_start3A_3 = arith.constant 0 : i32
    %dma_start3A_4 = tpu.memref_slice %arg3[%add3A, %dma_start3A, %dma_start3A_3] : memref<32x82x128xi32, #tpu.memory_space<hbm>> -> memref<1x1x128xi32, #tpu.memory_space<hbm>>
    %dma_start3A_5 = tpu.memref_squeeze %dma_start3A_4 : memref<1x1x128xi32, #tpu.memory_space<hbm>> -> memref<128xi32, #tpu.memory_space<hbm>>
    %dma_start3A_6 = arith.constant 0 : i32
    %dma_start3A_7 = tpu.memref_slice %arg3[%add3A, %dma_start3A, %dma_start3A_6] : memref<32x82x128xi32, #tpu.memory_space<hbm>> -> memref<1x1x128xi32, #tpu.memory_space<hbm>>
    %dma_start3A_8 = tpu.memref_squeeze %dma_start3A_7 : memref<1x1x128xi32, #tpu.memory_space<hbm>> -> memref<128xi32, #tpu.memory_space<hbm>>
    tpu.enqueue_dma source(%dma_start3A_8 : memref<128xi32, #tpu.memory_space<hbm>>) target(%arg7 : memref<128xi32, #tpu.memory_space<vmem>>) target_semaphore(%arg13 : memref<!tpu.dma_semaphore, #tpu.memory_space<semaphore_mem>>)
    %dma_start3A_9 = arith.constant 1 : i32
    %dma_start3A_10 = arith.constant 0 : i32
    %dma_start3A_11 = tpu.memref_slice %arg3[%add3A, %dma_start3A_9, %dma_start3A_10] : memref<32x82x128xi32, #tpu.memory_space<hbm>> -> memref<1x1x128xi32, #tpu.memory_space<hbm>>
    %dma_start3A_12 = tpu.memref_squeeze %dma_start3A_11 : memref<1x1x128xi32, #tpu.memory_space<hbm>> -> memref<128xi32, #tpu.memory_space<hbm>>
    %dma_start3A_13 = arith.constant 0 : i32
    %dma_start3A_14 = tpu.memref_slice %arg3[%add3A, %dma_start3A_9, %dma_start3A_13] : memref<32x82x128xi32, #tpu.memory_space<hbm>> -> memref<1x1x128xi32, #tpu.memory_space<hbm>>
    %dma_start3A_15 = tpu.memref_squeeze %dma_start3A_14 : memref<1x1x128xi32, #tpu.memory_space<hbm>> -> memref<128xi32, #tpu.memory_space<hbm>>
    tpu.enqueue_dma source(%dma_start3A_15 : memref<128xi32, #tpu.memory_space<hbm>>) target(%arg8 : memref<128xi32, #tpu.memory_space<vmem>>) target_semaphore(%arg14 : memref<!tpu.dma_semaphore, #tpu.memory_space<semaphore_mem>>)
    %dma_wait3A = arith.constant 0 : i32
    %dma_wait3A_16 = arith.constant 0 : i32
    %dma_wait3A_17 = tpu.memref_slice %arg3[%add3A, %dma_wait3A, %dma_wait3A_16] : memref<32x82x128xi32, #tpu.memory_space<hbm>> -> memref<1x1x128xi32, #tpu.memory_space<hbm>>
    %dma_wait3A_18 = tpu.memref_squeeze %dma_wait3A_17 : memref<1x1x128xi32, #tpu.memory_space<hbm>> -> memref<128xi32, #tpu.memory_space<hbm>>
    %dma_wait3A_19 = arith.constant 0 : i32
    %dma_wait3A_20 = tpu.memref_slice %arg3[%add3A, %dma_wait3A, %dma_wait3A_19] : memref<32x82x128xi32, #tpu.memory_space<hbm>> -> memref<1x1x128xi32, #tpu.memory_space<hbm>>
    %dma_wait3A_21 = tpu.memref_squeeze %dma_wait3A_20 : memref<1x1x128xi32, #tpu.memory_space<hbm>> -> memref<128xi32, #tpu.memory_space<hbm>>
    tpu.wait_dma2 semaphore(%arg13 : memref<!tpu.dma_semaphore, #tpu.memory_space<semaphore_mem>>) src(%dma_wait3A_21 : memref<128xi32, #tpu.memory_space<hbm>>) dst(%arg7 : memref<128xi32, #tpu.memory_space<vmem>>)
    %dma_start3A_22 = arith.constant 0 : i32
    %dma_start3A_23 = arith.constant 0 : i32
    %dma_start3A_24 = tpu.memref_slice %arg2[%dma_start3A_22, %dma_start3A_23] : memref<10240x64xf32, #tpu.memory_space<hbm>> -> memref<10240x64xf32, #tpu.memory_space<hbm>>
    tpu.enqueue_indirect_dma source(%dma_start3A_24 : memref<10240x64xf32, #tpu.memory_space<hbm>>) target(%arg10 : memref<128x64xf32, #tpu.memory_space<vmem>>) offsets(%arg7 : memref<128xi32, #tpu.memory_space<vmem>>) semaphore(%arg15 : memref<!tpu.dma_semaphore, #tpu.memory_space<semaphore_mem>>)
    %dma_wait3A_25 = arith.constant 1 : i32
    %dma_wait3A_26 = arith.constant 0 : i32
    %dma_wait3A_27 = tpu.memref_slice %arg3[%add3A, %dma_wait3A_25, %dma_wait3A_26] : memref<32x82x128xi32, #tpu.memory_space<hbm>> -> memref<1x1x128xi32, #tpu.memory_space<hbm>>
    %dma_wait3A_28 = tpu.memref_squeeze %dma_wait3A_27 : memref<1x1x128xi32, #tpu.memory_space<hbm>> -> memref<128xi32, #tpu.memory_space<hbm>>
    %dma_wait3A_29 = arith.constant 0 : i32
    %dma_wait3A_30 = tpu.memref_slice %arg3[%add3A, %dma_wait3A_25, %dma_wait3A_29] : memref<32x82x128xi32, #tpu.memory_space<hbm>> -> memref<1x1x128xi32, #tpu.memory_space<hbm>>
    %dma_wait3A_31 = tpu.memref_squeeze %dma_wait3A_30 : memref<1x1x128xi32, #tpu.memory_space<hbm>> -> memref<128xi32, #tpu.memory_space<hbm>>
    tpu.wait_dma2 semaphore(%arg14 : memref<!tpu.dma_semaphore, #tpu.memory_space<semaphore_mem>>) src(%dma_wait3A_31 : memref<128xi32, #tpu.memory_space<hbm>>) dst(%arg8 : memref<128xi32, #tpu.memory_space<vmem>>)
    %dma_start3A_32 = arith.constant 0 : i32
    %dma_start3A_33 = arith.constant 0 : i32
    %dma_start3A_34 = tpu.memref_slice %arg2[%dma_start3A_32, %dma_start3A_33] : memref<10240x64xf32, #tpu.memory_space<hbm>> -> memref<10240x64xf32, #tpu.memory_space<hbm>>
    tpu.enqueue_indirect_dma source(%dma_start3A_34 : memref<10240x64xf32, #tpu.memory_space<hbm>>) target(%arg11 : memref<128x64xf32, #tpu.memory_space<vmem>>) offsets(%arg8 : memref<128xi32, #tpu.memory_space<vmem>>) semaphore(%arg16 : memref<!tpu.dma_semaphore, #tpu.memory_space<semaphore_mem>>)
    %barrier3A = arith.constant 0 : index
    tpu.barrier barrier_id(%barrier3A)
    %scan3A = arith.constant 0 : i32
    %scan3A_35 = arith.constant 0 : i32
    %scan3A_36 = arith.constant 40 : i32
    %scan3A_37 = arith.addi %scan3A_35, %scan3A_36 : i32
    %scan3A_38 = arith.constant 1 : i32
    scf.for %scan3A_47 = %scan3A_35 to %scan3A_37 step %scan3A_38  : i32 {
      %mul3A_48 = arith.constant 2 : i32
      %mul3A_49 = arith.muli %scan3A_47, %mul3A_48 : i32
      %dma_wait3A_50 = arith.constant 0 : i32
      %dma_wait3A_51 = arith.constant 0 : i32
      %dma_wait3A_52 = tpu.memref_slice %arg2[%dma_wait3A_50, %dma_wait3A_51] : memref<10240x64xf32, #tpu.memory_space<hbm>> -> memref<10240x64xf32, #tpu.memory_space<hbm>>
      tpu.wait_indirect_dma semaphore(%arg15 : memref<!tpu.dma_semaphore, #tpu.memory_space<semaphore_mem>>) src(%dma_wait3A_52 : memref<10240x64xf32, #tpu.memory_space<hbm>>) dst(%arg10 : memref<128x64xf32, #tpu.memory_space<vmem>>)
      "tpu.region"() ({
        %run_scoped3A = tpu.sem_alloc : memref<!tpu.dma_semaphore, #tpu.memory_space<semaphore_mem>>
        %dma_start3A_68 = arith.constant 0 : i32
        %dma_start3A_69 = tpu.memref_slice %arg9[%mul3A_49, %dma_start3A_68] : memref<80x128xi32, #tpu.memory_space<vmem>> -> memref<1x128xi32, #tpu.memory_space<vmem>>
        %dma_start3A_70 = tpu.memref_squeeze %dma_start3A_69 : memref<1x128xi32, #tpu.memory_space<vmem>> -> memref<128xi32, #tpu.memory_space<vmem>>
        %dma_start3A_71 = arith.constant 0 : i32
        %dma_start3A_72 = arith.constant 0 : i32
        %dma_start3A_73 = tpu.memref_slice %arg12[%dma_start3A_71, %dma_start3A_72] : memref<10240x64xf32, #tpu.memory_space<vmem_shared>> -> memref<10240x64xf32, #tpu.memory_space<vmem_shared>>
        tpu.enqueue_indirect_dma source(%arg10 : memref<128x64xf32, #tpu.memory_space<vmem>>) target(%dma_start3A_73 : memref<10240x64xf32, #tpu.memory_space<vmem_shared>>) offsets(%dma_start3A_70 : memref<128xi32, #tpu.memory_space<vmem>>) semaphore(%run_scoped3A : memref<!tpu.dma_semaphore, #tpu.memory_space<semaphore_mem>>) {add = true}
        %dma_wait3A_74 = arith.constant 0 : i32
        %dma_wait3A_75 = tpu.memref_slice %arg9[%mul3A_49, %dma_wait3A_74] : memref<80x128xi32, #tpu.memory_space<vmem>> -> memref<1x128xi32, #tpu.memory_space<vmem>>
        %dma_wait3A_76 = tpu.memref_squeeze %dma_wait3A_75 : memref<1x128xi32, #tpu.memory_space<vmem>> -> memref<128xi32, #tpu.memory_space<vmem>>
        %dma_wait3A_77 = arith.constant 0 : i32
        %dma_wait3A_78 = arith.constant 0 : i32
        %dma_wait3A_79 = tpu.memref_slice %arg12[%dma_wait3A_77, %dma_wait3A_78] : memref<10240x64xf32, #tpu.memory_space<vmem_shared>> -> memref<10240x64xf32, #tpu.memory_space<vmem_shared>>
        tpu.wait_indirect_dma semaphore(%run_scoped3A : memref<!tpu.dma_semaphore, #tpu.memory_space<semaphore_mem>>) src(%arg10 : memref<128x64xf32, #tpu.memory_space<vmem>>) dst(%dma_wait3A_79 : memref<10240x64xf32, #tpu.memory_space<vmem_shared>>)
        tpu.yield
      }) : () -> ()
      %add3A_53 = arith.constant 2 : i32
      %add3A_54 = arith.addi %mul3A_49, %add3A_53 : i32
      "tpu.region"() ({
        %run_scoped3A = tpu.sem_alloc : memref<!tpu.dma_semaphore, #tpu.memory_space<semaphore_mem>>
        %dma_start3A_68 = arith.constant 0 : i32
        %dma_start3A_69 = tpu.memref_slice %arg3[%add3A, %add3A_54, %dma_start3A_68] : memref<32x82x128xi32, #tpu.memory_space<hbm>> -> memref<1x1x128xi32, #tpu.memory_space<hbm>>
        %dma_start3A_70 = tpu.memref_squeeze %dma_start3A_69 : memref<1x1x128xi32, #tpu.memory_space<hbm>> -> memref<128xi32, #tpu.memory_space<hbm>>
        %dma_start3A_71 = arith.constant 0 : i32
        %dma_start3A_72 = tpu.memref_slice %arg3[%add3A, %add3A_54, %dma_start3A_71] : memref<32x82x128xi32, #tpu.memory_space<hbm>> -> memref<1x1x128xi32, #tpu.memory_space<hbm>>
        %dma_start3A_73 = tpu.memref_squeeze %dma_start3A_72 : memref<1x1x128xi32, #tpu.memory_space<hbm>> -> memref<128xi32, #tpu.memory_space<hbm>>
        tpu.enqueue_dma source(%dma_start3A_73 : memref<128xi32, #tpu.memory_space<hbm>>) target(%arg7 : memref<128xi32, #tpu.memory_space<vmem>>) target_semaphore(%run_scoped3A : memref<!tpu.dma_semaphore, #tpu.memory_space<semaphore_mem>>)
        %dma_wait3A_74 = arith.constant 0 : i32
        %dma_wait3A_75 = tpu.memref_slice %arg3[%add3A, %add3A_54, %dma_wait3A_74] : memref<32x82x128xi32, #tpu.memory_space<hbm>> -> memref<1x1x128xi32, #tpu.memory_space<hbm>>
        %dma_wait3A_76 = tpu.memref_squeeze %dma_wait3A_75 : memref<1x1x128xi32, #tpu.memory_space<hbm>> -> memref<128xi32, #tpu.memory_space<hbm>>
        %dma_wait3A_77 = arith.constant 0 : i32
        %dma_wait3A_78 = tpu.memref_slice %arg3[%add3A, %add3A_54, %dma_wait3A_77] : memref<32x82x128xi32, #tpu.memory_space<hbm>> -> memref<1x1x128xi32, #tpu.memory_space<hbm>>
        %dma_wait3A_79 = tpu.memref_squeeze %dma_wait3A_78 : memref<1x1x128xi32, #tpu.memory_space<hbm>> -> memref<128xi32, #tpu.memory_space<hbm>>
        tpu.wait_dma2 semaphore(%run_scoped3A : memref<!tpu.dma_semaphore, #tpu.memory_space<semaphore_mem>>) src(%dma_wait3A_79 : memref<128xi32, #tpu.memory_space<hbm>>) dst(%arg7 : memref<128xi32, #tpu.memory_space<vmem>>)
        tpu.yield
      }) : () -> ()
      %dma_start3A_55 = arith.constant 0 : i32
      %dma_start3A_56 = arith.constant 0 : i32
      %dma_start3A_57 = tpu.memref_slice %arg2[%dma_start3A_55, %dma_start3A_56] : memref<10240x64xf32, #tpu.memory_space<hbm>> -> memref<10240x64xf32, #tpu.memory_space<hbm>>
      tpu.enqueue_indirect_dma source(%dma_start3A_57 : memref<10240x64xf32, #tpu.memory_space<hbm>>) target(%arg10 : memref<128x64xf32, #tpu.memory_space<vmem>>) offsets(%arg7 : memref<128xi32, #tpu.memory_space<vmem>>) semaphore(%arg15 : memref<!tpu.dma_semaphore, #tpu.memory_space<semaphore_mem>>)
      %dma_wait3A_58 = arith.constant 0 : i32
      %dma_wait3A_59 = arith.constant 0 : i32
      %dma_wait3A_60 = tpu.memref_slice %arg2[%dma_wait3A_58, %dma_wait3A_59] : memref<10240x64xf32, #tpu.memory_space<hbm>> -> memref<10240x64xf32, #tpu.memory_space<hbm>>
      tpu.wait_indirect_dma semaphore(%arg16 : memref<!tpu.dma_semaphore, #tpu.memory_space<semaphore_mem>>) src(%dma_wait3A_60 : memref<10240x64xf32, #tpu.memory_space<hbm>>) dst(%arg11 : memref<128x64xf32, #tpu.memory_space<vmem>>)
      %add3A_61 = arith.constant 1 : i32
      %add3A_62 = arith.addi %mul3A_49, %add3A_61 : i32
      "tpu.region"() ({
        %run_scoped3A = tpu.sem_alloc : memref<!tpu.dma_semaphore, #tpu.memory_space<semaphore_mem>>
        %dma_start3A_68 = arith.constant 0 : i32
        %dma_start3A_69 = tpu.memref_slice %arg9[%add3A_62, %dma_start3A_68] : memref<80x128xi32, #tpu.memory_space<vmem>> -> memref<1x128xi32, #tpu.memory_space<vmem>>
        %dma_start3A_70 = tpu.memref_squeeze %dma_start3A_69 : memref<1x128xi32, #tpu.memory_space<vmem>> -> memref<128xi32, #tpu.memory_space<vmem>>
        %dma_start3A_71 = arith.constant 0 : i32
        %dma_start3A_72 = arith.constant 0 : i32
        %dma_start3A_73 = tpu.memref_slice %arg12[%dma_start3A_71, %dma_start3A_72] : memref<10240x64xf32, #tpu.memory_space<vmem_shared>> -> memref<10240x64xf32, #tpu.memory_space<vmem_shared>>
        tpu.enqueue_indirect_dma source(%arg11 : memref<128x64xf32, #tpu.memory_space<vmem>>) target(%dma_start3A_73 : memref<10240x64xf32, #tpu.memory_space<vmem_shared>>) offsets(%dma_start3A_70 : memref<128xi32, #tpu.memory_space<vmem>>) semaphore(%run_scoped3A : memref<!tpu.dma_semaphore, #tpu.memory_space<semaphore_mem>>) {add = true}
        %dma_wait3A_74 = arith.constant 0 : i32
        %dma_wait3A_75 = tpu.memref_slice %arg9[%add3A_62, %dma_wait3A_74] : memref<80x128xi32, #tpu.memory_space<vmem>> -> memref<1x128xi32, #tpu.memory_space<vmem>>
        %dma_wait3A_76 = tpu.memref_squeeze %dma_wait3A_75 : memref<1x128xi32, #tpu.memory_space<vmem>> -> memref<128xi32, #tpu.memory_space<vmem>>
        %dma_wait3A_77 = arith.constant 0 : i32
        %dma_wait3A_78 = arith.constant 0 : i32
        %dma_wait3A_79 = tpu.memref_slice %arg12[%dma_wait3A_77, %dma_wait3A_78] : memref<10240x64xf32, #tpu.memory_space<vmem_shared>> -> memref<10240x64xf32, #tpu.memory_space<vmem_shared>>
        tpu.wait_indirect_dma semaphore(%run_scoped3A : memref<!tpu.dma_semaphore, #tpu.memory_space<semaphore_mem>>) src(%arg11 : memref<128x64xf32, #tpu.memory_space<vmem>>) dst(%dma_wait3A_79 : memref<10240x64xf32, #tpu.memory_space<vmem_shared>>)
        tpu.yield
      }) : () -> ()
      %add3A_63 = arith.constant 3 : i32
      %add3A_64 = arith.addi %mul3A_49, %add3A_63 : i32
      "tpu.region"() ({
        %run_scoped3A = tpu.sem_alloc : memref<!tpu.dma_semaphore, #tpu.memory_space<semaphore_mem>>
        %dma_start3A_68 = arith.constant 0 : i32
        %dma_start3A_69 = tpu.memref_slice %arg3[%add3A, %add3A_64, %dma_start3A_68] : memref<32x82x128xi32, #tpu.memory_space<hbm>> -> memref<1x1x128xi32, #tpu.memory_space<hbm>>
        %dma_start3A_70 = tpu.memref_squeeze %dma_start3A_69 : memref<1x1x128xi32, #tpu.memory_space<hbm>> -> memref<128xi32, #tpu.memory_space<hbm>>
        %dma_start3A_71 = arith.constant 0 : i32
        %dma_start3A_72 = tpu.memref_slice %arg3[%add3A, %add3A_64, %dma_start3A_71] : memref<32x82x128xi32, #tpu.memory_space<hbm>> -> memref<1x1x128xi32, #tpu.memory_space<hbm>>
        %dma_start3A_73 = tpu.memref_squeeze %dma_start3A_72 : memref<1x1x128xi32, #tpu.memory_space<hbm>> -> memref<128xi32, #tpu.memory_space<hbm>>
        tpu.enqueue_dma source(%dma_start3A_73 : memref<128xi32, #tpu.memory_space<hbm>>) target(%arg8 : memref<128xi32, #tpu.memory_space<vmem>>) target_semaphore(%run_scoped3A : memref<!tpu.dma_semaphore, #tpu.memory_space<semaphore_mem>>)
        %dma_wait3A_74 = arith.constant 0 : i32
        %dma_wait3A_75 = tpu.memref_slice %arg3[%add3A, %add3A_64, %dma_wait3A_74] : memref<32x82x128xi32, #tpu.memory_space<hbm>> -> memref<1x1x128xi32, #tpu.memory_space<hbm>>
        %dma_wait3A_76 = tpu.memref_squeeze %dma_wait3A_75 : memref<1x1x128xi32, #tpu.memory_space<hbm>> -> memref<128xi32, #tpu.memory_space<hbm>>
        %dma_wait3A_77 = arith.constant 0 : i32
        %dma_wait3A_78 = tpu.memref_slice %arg3[%add3A, %add3A_64, %dma_wait3A_77] : memref<32x82x128xi32, #tpu.memory_space<hbm>> -> memref<1x1x128xi32, #tpu.memory_space<hbm>>
        %dma_wait3A_79 = tpu.memref_squeeze %dma_wait3A_78 : memref<1x1x128xi32, #tpu.memory_space<hbm>> -> memref<128xi32, #tpu.memory_space<hbm>>
        tpu.wait_dma2 semaphore(%run_scoped3A : memref<!tpu.dma_semaphore, #tpu.memory_space<semaphore_mem>>) src(%dma_wait3A_79 : memref<128xi32, #tpu.memory_space<hbm>>) dst(%arg8 : memref<128xi32, #tpu.memory_space<vmem>>)
        tpu.yield
      }) : () -> ()
      %dma_start3A_65 = arith.constant 0 : i32
      %dma_start3A_66 = arith.constant 0 : i32
      %dma_start3A_67 = tpu.memref_slice %arg2[%dma_start3A_65, %dma_start3A_66] : memref<10240x64xf32, #tpu.memory_space<hbm>> -> memref<10240x64xf32, #tpu.memory_space<hbm>>
      tpu.enqueue_indirect_dma source(%dma_start3A_67 : memref<10240x64xf32, #tpu.memory_space<hbm>>) target(%arg11 : memref<128x64xf32, #tpu.memory_space<vmem>>) offsets(%arg8 : memref<128xi32, #tpu.memory_space<vmem>>) semaphore(%arg16 : memref<!tpu.dma_semaphore, #tpu.memory_space<semaphore_mem>>)
    }
    %scan3A_39 = arith.constant 40 : i32
    %dma_wait3A_40 = arith.constant 0 : i32
    %dma_wait3A_41 = arith.constant 0 : i32
    %dma_wait3A_42 = tpu.memref_slice %arg2[%dma_wait3A_40, %dma_wait3A_41] : memref<10240x64xf32, #tpu.memory_space<hbm>> -> memref<10240x64xf32, #tpu.memory_space<hbm>>
    tpu.wait_indirect_dma semaphore(%arg15 : memref<!tpu.dma_semaphore, #tpu.memory_space<semaphore_mem>>) src(%dma_wait3A_42 : memref<10240x64xf32, #tpu.memory_space<hbm>>) dst(%arg10 : memref<128x64xf32, #tpu.memory_space<vmem>>)
    %dma_wait3A_43 = arith.constant 0 : i32
    %dma_wait3A_44 = arith.constant 0 : i32
    %dma_wait3A_45 = tpu.memref_slice %arg2[%dma_wait3A_43, %dma_wait3A_44] : memref<10240x64xf32, #tpu.memory_space<hbm>> -> memref<10240x64xf32, #tpu.memory_space<hbm>>
    tpu.wait_indirect_dma semaphore(%arg16 : memref<!tpu.dma_semaphore, #tpu.memory_space<semaphore_mem>>) src(%dma_wait3A_45 : memref<10240x64xf32, #tpu.memory_space<hbm>>) dst(%arg11 : memref<128x64xf32, #tpu.memory_space<vmem>>)
    %barrier3A_46 = arith.constant 0 : index
    tpu.barrier barrier_id(%barrier3A_46)
    "tpu.region"() ({
      %run_scoped3A = tpu.sem_alloc : memref<!tpu.dma_semaphore, #tpu.memory_space<semaphore_mem>>
      %dma_start3A_47 = arith.constant 0 : i32
      %dma_start3A_48 = tpu.memref_slice %arg6[%arg0, %mul3A_2, %dma_start3A_47] : memref<2x10240x64xf32, #tpu.memory_space<hbm>> -> memref<1x640x64xf32, #tpu.memory_space<hbm>>
      %dma_start3A_49 = tpu.memref_squeeze %dma_start3A_48 : memref<1x640x64xf32, #tpu.memory_space<hbm>> -> memref<640x64xf32, #tpu.memory_space<hbm>>
      %dma_start3A_50 = arith.constant 0 : i32
      %dma_start3A_51 = tpu.memref_slice %arg12[%mul3A_2, %dma_start3A_50] : memref<10240x64xf32, #tpu.memory_space<vmem_shared>> -> memref<640x64xf32, #tpu.memory_space<vmem_shared>>
      tpu.enqueue_dma source(%dma_start3A_51 : memref<640x64xf32, #tpu.memory_space<vmem_shared>>) target(%dma_start3A_49 : memref<640x64xf32, #tpu.memory_space<hbm>>) target_semaphore(%run_scoped3A : memref<!tpu.dma_semaphore, #tpu.memory_space<semaphore_mem>>)
      %dma_wait3A_52 = arith.constant 0 : i32
      %dma_wait3A_53 = tpu.memref_slice %arg6[%arg0, %mul3A_2, %dma_wait3A_52] : memref<2x10240x64xf32, #tpu.memory_space<hbm>> -> memref<1x640x64xf32, #tpu.memory_space<hbm>>
      %dma_wait3A_54 = tpu.memref_squeeze %dma_wait3A_53 : memref<1x640x64xf32, #tpu.memory_space<hbm>> -> memref<640x64xf32, #tpu.memory_space<hbm>>
      %dma_wait3A_55 = arith.constant 0 : i32
      %dma_wait3A_56 = tpu.memref_slice %arg12[%mul3A_2, %dma_wait3A_55] : memref<10240x64xf32, #tpu.memory_space<vmem_shared>> -> memref<640x64xf32, #tpu.memory_space<vmem_shared>>
      tpu.wait_dma2 semaphore(%run_scoped3A : memref<!tpu.dma_semaphore, #tpu.memory_space<semaphore_mem>>) src(%dma_wait3A_56 : memref<640x64xf32, #tpu.memory_space<vmem_shared>>) dst(%dma_wait3A_54 : memref<640x64xf32, #tpu.memory_space<hbm>>)
      tpu.yield
    }) : () -> ()
    return
  }
}

module attributes {stable_mosaic.version = 14 : i64} {
  func.func @_recip_body(%arg0: i32, %arg1: memref<512x16xf32, #tpu.memory_space<vmem>>, %arg2: memref<512x16xf32, #tpu.memory_space<vmem>>, %arg3: memref<512x16xf32, #tpu.memory_space<vmem>>, %arg4: memref<512x16xf32, #tpu.memory_space<vmem>>, %arg5: memref<512x128xf32, #tpu.memory_space<vmem>>, %arg6: memref<512x128xf32, #tpu.memory_space<vmem>>) attributes {dimension_semantics = [#tpu.dimension_semantics<arbitrary>], iteration_bounds = array<i64: 20>, scalar_prefetch = 0 : i64, scratch_operands = 0 : i64, tpu.core_type = #tpu.core_type<tc>, window_params = [{transform_indices = @transform_0, window_bounds = array<i64: 512, 16>}, {transform_indices = @transform_1, window_bounds = array<i64: 512, 16>}, {transform_indices = @transform_2, window_bounds = array<i64: 512, 16>}, {transform_indices = @transform_3, window_bounds = array<i64: 512, 16>}, {transform_indices = @transform_4, window_bounds = array<i64: 512, 128>}, {transform_indices = @transform_5, window_bounds = array<i64: 512, 128>}]} {
    %get3A = arith.constant 0 : index
    %get3A_0 = arith.constant 0 : index
    %get3A_1 = vector.load %arg1[%get3A, %get3A_0] : memref<512x16xf32, #tpu.memory_space<vmem>>, vector<512x16xf32>
    %get3A_2 = arith.constant 0 : index
    %get3A_3 = arith.constant 0 : index
    %get3A_4 = vector.load %arg2[%get3A_2, %get3A_3] : memref<512x16xf32, #tpu.memory_space<vmem>>, vector<512x16xf32>
    %add3A = arith.addf %get3A_1, %get3A_4 : vector<512x16xf32>
    %get3A_5 = arith.constant 0 : index
    %get3A_6 = arith.constant 0 : index
    %get3A_7 = vector.load %arg3[%get3A_5, %get3A_6] : memref<512x16xf32, #tpu.memory_space<vmem>>, vector<512x16xf32>
    %get3A_8 = arith.constant 0 : index
    %get3A_9 = arith.constant 0 : index
    %get3A_10 = vector.load %arg4[%get3A_8, %get3A_9] : memref<512x16xf32, #tpu.memory_space<vmem>>, vector<512x16xf32>
    %add3A_11 = arith.addf %get3A_7, %get3A_10 : vector<512x16xf32>
    %slice3A = vector.extract_strided_slice %add3A {offsets = [0, 0], sizes = [512, 1], strides = [1, 1]} : vector<512x16xf32> to vector<512x1xf32>
    %max3A = arith.constant 1.000000e+00 : f32
    %max3A_12 = vector.broadcast %max3A : f32 to vector<512x1xf32>
    %max3A_13 = arith.maximumf %slice3A, %max3A_12 : vector<512x1xf32>
    %div3A = arith.constant 1.000000e+00 : f32
    %div3A_14 = vector.broadcast %div3A : f32 to vector<512x1xf32>
    %div3A_15 = arith.divf %div3A_14, %max3A_13 : vector<512x1xf32>
    %slice3A_16 = vector.extract_strided_slice %add3A_11 {offsets = [0, 0], sizes = [512, 1], strides = [1, 1]} : vector<512x16xf32> to vector<512x1xf32>
    %max3A_17 = arith.constant 1.000000e+00 : f32
    %max3A_18 = vector.broadcast %max3A_17 : f32 to vector<512x1xf32>
    %max3A_19 = arith.maximumf %slice3A_16, %max3A_18 : vector<512x1xf32>
    %div3A_20 = arith.constant 1.000000e+00 : f32
    %div3A_21 = vector.broadcast %div3A_20 : f32 to vector<512x1xf32>
    %div3A_22 = arith.divf %div3A_21, %max3A_19 : vector<512x1xf32>
    %broadcast_in_dim3A = vector.shape_cast %div3A_15 : vector<512x1xf32> to vector<512x1xf32>
    %broadcast_in_dim3A_23 = vector.broadcast %broadcast_in_dim3A : vector<512x1xf32> to vector<512x128xf32>
    %swap3A = arith.constant 0 : index
    %swap3A_24 = arith.constant 0 : index
    %swap3A_25 = vector.load %arg5[%swap3A, %swap3A_24] : memref<512x128xf32, #tpu.memory_space<vmem>>, vector<512x128xf32>
    tpu.vector_store %arg5[%swap3A, %swap3A_24], %broadcast_in_dim3A_23 {strides = array<i32>} : memref<512x128xf32, #tpu.memory_space<vmem>>, vector<512x128xf32>,
    %broadcast_in_dim3A_26 = vector.shape_cast %div3A_22 : vector<512x1xf32> to vector<512x1xf32>
    %broadcast_in_dim3A_27 = vector.broadcast %broadcast_in_dim3A_26 : vector<512x1xf32> to vector<512x128xf32>
    %swap3A_28 = arith.constant 0 : index
    %swap3A_29 = arith.constant 0 : index
    %swap3A_30 = vector.load %arg6[%swap3A_28, %swap3A_29] : memref<512x128xf32, #tpu.memory_space<vmem>>, vector<512x128xf32>
    tpu.vector_store %arg6[%swap3A_28, %swap3A_29], %broadcast_in_dim3A_27 {strides = array<i32>} : memref<512x128xf32, #tpu.memory_space<vmem>>, vector<512x128xf32>,
    return
  }
  func.func @transform_0(%arg0: i32) -> (i32, i32) {
    %c0_i32 = arith.constant 0 : i32
    %c0_i32_0 = arith.constant 0 : i32
    return %arg0, %c0_i32 : i32, i32
  }
  func.func @transform_1(%arg0: i32) -> (i32, i32) {
    %c0_i32 = arith.constant 0 : i32
    %c0_i32_0 = arith.constant 0 : i32
    return %arg0, %c0_i32 : i32, i32
  }
  func.func @transform_2(%arg0: i32) -> (i32, i32) {
    %c0_i32 = arith.constant 0 : i32
    %c0_i32_0 = arith.constant 0 : i32
    return %arg0, %c0_i32 : i32, i32
  }
  func.func @transform_3(%arg0: i32) -> (i32, i32) {
    %c0_i32 = arith.constant 0 : i32
    %c0_i32_0 = arith.constant 0 : i32
    return %arg0, %c0_i32 : i32, i32
  }
  func.func @transform_4(%arg0: i32) -> (i32, i32) {
    %c0_i32 = arith.constant 0 : i32
    %c0_i32_0 = arith.constant 0 : i32
    return %arg0, %c0_i32 : i32, i32
  }
  func.func @transform_5(%arg0: i32) -> (i32, i32) {
    %c0_i32 = arith.constant 0 : i32
    %c0_i32_0 = arith.constant 0 : i32
    return %arg0, %c0_i32 : i32, i32
  }
}

module attributes {stable_mosaic.version = 14 : i64} {
  func.func @body(%arg0: i32, %arg1: memref<512x128xf32, #tpu.memory_space<vmem>>, %arg2: memref<512x128xf32, #tpu.memory_space<vmem>>, %arg3: memref<512x128xf32, #tpu.memory_space<vmem>>, %arg4: memref<512x128xf32, #tpu.memory_space<vmem>>) attributes {dimension_semantics = [#tpu.dimension_semantics<arbitrary>], iteration_bounds = array<i64: 20>, scalar_prefetch = 0 : i64, scratch_operands = 0 : i64, tpu.core_type = #tpu.core_type<tc>, window_params = [{transform_indices = @transform_0, window_bounds = array<i64: 512, 128>}, {transform_indices = @transform_1, window_bounds = array<i64: 512, 128>}, {transform_indices = @transform_2, window_bounds = array<i64: 512, 128>}, {transform_indices = @transform_3, window_bounds = array<i64: 512, 128>}]} {
    %get3A = arith.constant 0 : index
    %get3A_0 = arith.constant 0 : index
    %get3A_1 = vector.load %arg1[%get3A, %get3A_0] : memref<512x128xf32, #tpu.memory_space<vmem>>, vector<512x128xf32>
    %get3A_2 = arith.constant 0 : index
    %get3A_3 = arith.constant 0 : index
    %get3A_4 = vector.load %arg2[%get3A_2, %get3A_3] : memref<512x128xf32, #tpu.memory_space<vmem>>, vector<512x128xf32>
    %add3A = arith.addf %get3A_1, %get3A_4 : vector<512x128xf32>
    %get3A_5 = arith.constant 0 : index
    %get3A_6 = arith.constant 0 : index
    %get3A_7 = vector.load %arg3[%get3A_5, %get3A_6] : memref<512x128xf32, #tpu.memory_space<vmem>>, vector<512x128xf32>
    %mul3A = arith.mulf %add3A, %get3A_7 : vector<512x128xf32>
    %swap3A = arith.constant 0 : index
    %swap3A_8 = arith.constant 0 : index
    %swap3A_9 = vector.load %arg4[%swap3A, %swap3A_8] : memref<512x128xf32, #tpu.memory_space<vmem>>, vector<512x128xf32>
    tpu.vector_store %arg4[%swap3A, %swap3A_8], %mul3A {strides = array<i32>} : memref<512x128xf32, #tpu.memory_space<vmem>>, vector<512x128xf32>,
    return
  }
  func.func @transform_0(%arg0: i32) -> (i32, i32) {
    %c0_i32 = arith.constant 0 : i32
    %c0_i32_0 = arith.constant 0 : i32
    return %arg0, %c0_i32 : i32, i32
  }
  func.func @transform_1(%arg0: i32) -> (i32, i32) {
    %c0_i32 = arith.constant 0 : i32
    %c0_i32_0 = arith.constant 0 : i32
    return %arg0, %c0_i32 : i32, i32
  }
  func.func @transform_2(%arg0: i32) -> (i32, i32) {
    %c0_i32 = arith.constant 0 : i32
    %c0_i32_0 = arith.constant 0 : i32
    return %arg0, %c0_i32 : i32, i32
  }
  func.func @transform_3(%arg0: i32) -> (i32, i32) {
    %c0_i32 = arith.constant 0 : i32
    %c0_i32_0 = arith.constant 0 : i32
    return %arg0, %c0_i32 : i32, i32
  }
}

module attributes {stable_mosaic.version = 14 : i64} {
  func.func @body(%arg0: i32, %arg1: memref<512x128xf32, #tpu.memory_space<vmem>>, %arg2: memref<512x128xf32, #tpu.memory_space<vmem>>, %arg3: memref<512x128xf32, #tpu.memory_space<vmem>>, %arg4: memref<128x128xf32, #tpu.memory_space<vmem>>, %arg5: memref<1x128xf32, #tpu.memory_space<vmem>>, %arg6: memref<512x128xf32, #tpu.memory_space<vmem>>) attributes {dimension_semantics = [#tpu.dimension_semantics<arbitrary>], iteration_bounds = array<i64: 20>, scalar_prefetch = 0 : i64, scratch_operands = 0 : i64, tpu.core_type = #tpu.core_type<tc>, window_params = [{transform_indices = @transform_0, window_bounds = array<i64: 512, 128>}, {transform_indices = @transform_1, window_bounds = array<i64: 512, 128>}, {transform_indices = @transform_2, window_bounds = array<i64: 512, 128>}, {pipeline_mode = #tpu.pipeline_mode<synchronous>, transform_indices = @transform_3, window_bounds = array<i64: 128, 128>}, {pipeline_mode = #tpu.pipeline_mode<synchronous>, transform_indices = @transform_4, window_bounds = array<i64: 1, 128>}, {transform_indices = @transform_5, window_bounds = array<i64: 512, 128>}]} {
    %get3A = arith.constant 0 : index
    %get3A_0 = arith.constant 0 : index
    %get3A_1 = vector.load %arg1[%get3A, %get3A_0] : memref<512x128xf32, #tpu.memory_space<vmem>>, vector<512x128xf32>
    %get3A_2 = arith.constant 0 : index
    %get3A_3 = arith.constant 0 : index
    %get3A_4 = vector.load %arg2[%get3A_2, %get3A_3] : memref<512x128xf32, #tpu.memory_space<vmem>>, vector<512x128xf32>
    %add3A = arith.addf %get3A_1, %get3A_4 : vector<512x128xf32>
    %get3A_5 = arith.constant 0 : index
    %get3A_6 = arith.constant 0 : index
    %get3A_7 = vector.load %arg3[%get3A_5, %get3A_6] : memref<512x128xf32, #tpu.memory_space<vmem>>, vector<512x128xf32>
    %mul3A = arith.mulf %add3A, %get3A_7 : vector<512x128xf32>
    %get3A_8 = arith.constant 0 : index
    %get3A_9 = arith.constant 0 : index
    %get3A_10 = vector.load %arg4[%get3A_8, %get3A_9] : memref<128x128xf32, #tpu.memory_space<vmem>>, vector<128x128xf32>
    %dot_general3A = arith.constant dense<0.000000e+00> : vector<512x128xf32>
    %dot_general3A_11 = tpu.matmul %mul3A, %get3A_10, %dot_general3A {dimension_numbers = #tpu.dot_dimension_numbers<[1], [0], [0], [1], [0, 0, 1, 1], [], []>, precision = #tpu.contract_precision<fp32>, transpose_lhs_hint = false} : vector<512x128xf32>, vector<128x128xf32>, vector<512x128xf32> -> vector<512x128xf32>
    %get3A_12 = arith.constant 0 : index
    %get3A_13 = arith.constant 0 : index
    %get3A_14 = vector.load %arg5[%get3A_12, %get3A_13] : memref<1x128xf32, #tpu.memory_space<vmem>>, vector<1x128xf32>
    %add3A_15 = vector.broadcast %get3A_14 : vector<1x128xf32> to vector<512x128xf32>
    %add3A_16 = arith.addf %dot_general3A_11, %add3A_15 : vector<512x128xf32>
    %max3A = arith.constant 0.000000e+00 : f32
    %max3A_17 = vector.broadcast %max3A : f32 to vector<512x128xf32>
    %max3A_18 = arith.maximumf %add3A_16, %max3A_17 : vector<512x128xf32>
    %swap3A = arith.constant 0 : index
    %swap3A_19 = arith.constant 0 : index
    %swap3A_20 = vector.load %arg6[%swap3A, %swap3A_19] : memref<512x128xf32, #tpu.memory_space<vmem>>, vector<512x128xf32>
    tpu.vector_store %arg6[%swap3A, %swap3A_19], %max3A_18 {strides = array<i32>} : memref<512x128xf32, #tpu.memory_space<vmem>>, vector<512x128xf32>,
    return
  }
  func.func @transform_0(%arg0: i32) -> (i32, i32) {
    %c0_i32 = arith.constant 0 : i32
    %c0_i32_0 = arith.constant 0 : i32
    return %arg0, %c0_i32 : i32, i32
  }
  func.func @transform_1(%arg0: i32) -> (i32, i32) {
    %c0_i32 = arith.constant 0 : i32
    %c0_i32_0 = arith.constant 0 : i32
    return %arg0, %c0_i32 : i32, i32
  }
  func.func @transform_2(%arg0: i32) -> (i32, i32) {
    %c0_i32 = arith.constant 0 : i32
    %c0_i32_0 = arith.constant 0 : i32
    return %arg0, %c0_i32 : i32, i32
  }
  func.func @transform_3(%arg0: i32) -> (i32, i32) {
    %c0_i32 = arith.constant 0 : i32
    %c0_i32_0 = arith.constant 0 : i32
    %c0_i32_1 = arith.constant 0 : i32
    return %c0_i32, %c0_i32_0 : i32, i32
  }
  func.func @transform_4(%arg0: i32) -> (i32, i32) {
    %c0_i32 = arith.constant 0 : i32
    %c0_i32_0 = arith.constant 0 : i32
    %c0_i32_1 = arith.constant 0 : i32
    return %c0_i32, %c0_i32_0 : i32, i32
  }
  func.func @transform_5(%arg0: i32) -> (i32, i32) {
    %c0_i32 = arith.constant 0 : i32
    %c0_i32_0 = arith.constant 0 : i32
    return %arg0, %c0_i32 : i32, i32
  }
}

module attributes {stable_mosaic.version = 14 : i64} {
  func.func @body(%arg0: i32, %arg1: memref<512x128xf32, #tpu.memory_space<vmem>>, %arg2: memref<512x128xf32, #tpu.memory_space<vmem>>, %arg3: memref<512x128xf32, #tpu.memory_space<vmem>>, %arg4: memref<128x128xf32, #tpu.memory_space<vmem>>, %arg5: memref<1x128xf32, #tpu.memory_space<vmem>>, %arg6: memref<128x64xf32, #tpu.memory_space<vmem>>, %arg7: memref<512x64xf32, #tpu.memory_space<vmem>>) attributes {dimension_semantics = [#tpu.dimension_semantics<arbitrary>], iteration_bounds = array<i64: 20>, scalar_prefetch = 0 : i64, scratch_operands = 0 : i64, tpu.core_type = #tpu.core_type<tc>, window_params = [{transform_indices = @transform_0, window_bounds = array<i64: 512, 128>}, {transform_indices = @transform_1, window_bounds = array<i64: 512, 128>}, {transform_indices = @transform_2, window_bounds = array<i64: 512, 128>}, {pipeline_mode = #tpu.pipeline_mode<synchronous>, transform_indices = @transform_3, window_bounds = array<i64: 128, 128>}, {pipeline_mode = #tpu.pipeline_mode<synchronous>, transform_indices = @transform_4, window_bounds = array<i64: 1, 128>}, {pipeline_mode = #tpu.pipeline_mode<synchronous>, transform_indices = @transform_5, window_bounds = array<i64: 128, 64>}, {transform_indices = @transform_6, window_bounds = array<i64: 512, 64>}]} {
    %get3A = arith.constant 0 : index
    %get3A_0 = arith.constant 0 : index
    %get3A_1 = vector.load %arg1[%get3A, %get3A_0] : memref<512x128xf32, #tpu.memory_space<vmem>>, vector<512x128xf32>
    %get3A_2 = arith.constant 0 : index
    %get3A_3 = arith.constant 0 : index
    %get3A_4 = vector.load %arg2[%get3A_2, %get3A_3] : memref<512x128xf32, #tpu.memory_space<vmem>>, vector<512x128xf32>
    %add3A = arith.addf %get3A_1, %get3A_4 : vector<512x128xf32>
    %get3A_5 = arith.constant 0 : index
    %get3A_6 = arith.constant 0 : index
    %get3A_7 = vector.load %arg3[%get3A_5, %get3A_6] : memref<512x128xf32, #tpu.memory_space<vmem>>, vector<512x128xf32>
    %mul3A = arith.mulf %add3A, %get3A_7 : vector<512x128xf32>
    %get3A_8 = arith.constant 0 : index
    %get3A_9 = arith.constant 0 : index
    %get3A_10 = vector.load %arg4[%get3A_8, %get3A_9] : memref<128x128xf32, #tpu.memory_space<vmem>>, vector<128x128xf32>
    %dot_general3A = arith.constant dense<0.000000e+00> : vector<512x128xf32>
    %dot_general3A_11 = tpu.matmul %mul3A, %get3A_10, %dot_general3A {dimension_numbers = #tpu.dot_dimension_numbers<[1], [0], [0], [1], [0, 0, 1, 1], [], []>, precision = #tpu.contract_precision<fp32>, transpose_lhs_hint = false} : vector<512x128xf32>, vector<128x128xf32>, vector<512x128xf32> -> vector<512x128xf32>
    %get3A_12 = arith.constant 0 : index
    %get3A_13 = arith.constant 0 : index
    %get3A_14 = vector.load %arg5[%get3A_12, %get3A_13] : memref<1x128xf32, #tpu.memory_space<vmem>>, vector<1x128xf32>
    %add3A_15 = vector.broadcast %get3A_14 : vector<1x128xf32> to vector<512x128xf32>
    %add3A_16 = arith.addf %dot_general3A_11, %add3A_15 : vector<512x128xf32>
    %max3A = arith.constant 0.000000e+00 : f32
    %max3A_17 = vector.broadcast %max3A : f32 to vector<512x128xf32>
    %max3A_18 = arith.maximumf %add3A_16, %max3A_17 : vector<512x128xf32>
    %get3A_19 = arith.constant 0 : index
    %get3A_20 = arith.constant 0 : index
    %get3A_21 = vector.load %arg6[%get3A_19, %get3A_20] : memref<128x64xf32, #tpu.memory_space<vmem>>, vector<128x64xf32>
    %dot_general3A_22 = arith.constant dense<0.000000e+00> : vector<512x64xf32>
    %dot_general3A_23 = tpu.matmul %max3A_18, %get3A_21, %dot_general3A_22 {dimension_numbers = #tpu.dot_dimension_numbers<[1], [0], [0], [1], [0, 0, 1, 1], [], []>, precision = #tpu.contract_precision<fp32>, transpose_lhs_hint = false} : vector<512x128xf32>, vector<128x64xf32>, vector<512x64xf32> -> vector<512x64xf32>
    %swap3A = arith.constant 0 : index
    %swap3A_24 = arith.constant 0 : index
    %swap3A_25 = vector.load %arg7[%swap3A, %swap3A_24] : memref<512x64xf32, #tpu.memory_space<vmem>>, vector<512x64xf32>
    tpu.vector_store %arg7[%swap3A, %swap3A_24], %dot_general3A_23 {strides = array<i32>} : memref<512x64xf32, #tpu.memory_space<vmem>>, vector<512x64xf32>,
    return
  }
  func.func @transform_0(%arg0: i32) -> (i32, i32) {
    %c0_i32 = arith.constant 0 : i32
    %c0_i32_0 = arith.constant 0 : i32
    return %arg0, %c0_i32 : i32, i32
  }
  func.func @transform_1(%arg0: i32) -> (i32, i32) {
    %c0_i32 = arith.constant 0 : i32
    %c0_i32_0 = arith.constant 0 : i32
    return %arg0, %c0_i32 : i32, i32
  }
  func.func @transform_2(%arg0: i32) -> (i32, i32) {
    %c0_i32 = arith.constant 0 : i32
    %c0_i32_0 = arith.constant 0 : i32
    return %arg0, %c0_i32 : i32, i32
  }
  func.func @transform_3(%arg0: i32) -> (i32, i32) {
    %c0_i32 = arith.constant 0 : i32
    %c0_i32_0 = arith.constant 0 : i32
    %c0_i32_1 = arith.constant 0 : i32
    return %c0_i32, %c0_i32_0 : i32, i32
  }
  func.func @transform_4(%arg0: i32) -> (i32, i32) {
    %c0_i32 = arith.constant 0 : i32
    %c0_i32_0 = arith.constant 0 : i32
    %c0_i32_1 = arith.constant 0 : i32
    return %c0_i32, %c0_i32_0 : i32, i32
  }
  func.func @transform_5(%arg0: i32) -> (i32, i32) {
    %c0_i32 = arith.constant 0 : i32
    %c0_i32_0 = arith.constant 0 : i32
    %c0_i32_1 = arith.constant 0 : i32
    return %c0_i32, %c0_i32_0 : i32, i32
  }
  func.func @transform_6(%arg0: i32) -> (i32, i32) {
    %c0_i32 = arith.constant 0 : i32
    %c0_i32_0 = arith.constant 0 : i32
    return %arg0, %c0_i32 : i32, i32
  }
}

module attributes {stable_mosaic.version = 14 : i64} {
  func.func @body(%arg0: i32, %arg1: memref<512x64xf32, #tpu.memory_space<vmem>>, %arg2: memref<512x64xf32, #tpu.memory_space<vmem>>, %arg3: memref<512x128xf32, #tpu.memory_space<vmem>>, %arg4: memref<512x64xf32, #tpu.memory_space<vmem>>) attributes {dimension_semantics = [#tpu.dimension_semantics<arbitrary>], iteration_bounds = array<i64: 20>, scalar_prefetch = 0 : i64, scratch_operands = 0 : i64, tpu.core_type = #tpu.core_type<tc>, window_params = [{transform_indices = @transform_0, window_bounds = array<i64: 512, 64>}, {transform_indices = @transform_1, window_bounds = array<i64: 512, 64>}, {transform_indices = @transform_2, window_bounds = array<i64: 512, 128>}, {transform_indices = @transform_3, window_bounds = array<i64: 512, 64>}]} {
    %get3A = arith.constant 0 : index
    %get3A_0 = arith.constant 0 : index
    %get3A_1 = vector.load %arg1[%get3A, %get3A_0] : memref<512x64xf32, #tpu.memory_space<vmem>>, vector<512x64xf32>
    %get3A_2 = arith.constant 0 : index
    %get3A_3 = arith.constant 0 : index
    %get3A_4 = vector.load %arg2[%get3A_2, %get3A_3] : memref<512x64xf32, #tpu.memory_space<vmem>>, vector<512x64xf32>
    %add3A = arith.addf %get3A_1, %get3A_4 : vector<512x64xf32>
    %get3A_5 = arith.constant 0 : index
    %get3A_6 = arith.constant 0 : index
    %get3A_7 = vector.load %arg3[%get3A_5, %get3A_6] : memref<512x128xf32, #tpu.memory_space<vmem>>, vector<512x128xf32>
    %slice3A = vector.extract_strided_slice %get3A_7 {offsets = [0, 0], sizes = [512, 64], strides = [1, 1]} : vector<512x128xf32> to vector<512x64xf32>
    %mul3A = arith.mulf %add3A, %slice3A : vector<512x64xf32>
    %swap3A = arith.constant 0 : index
    %swap3A_8 = arith.constant 0 : index
    %swap3A_9 = vector.load %arg4[%swap3A, %swap3A_8] : memref<512x64xf32, #tpu.memory_space<vmem>>, vector<512x64xf32>
    tpu.vector_store %arg4[%swap3A, %swap3A_8], %mul3A {strides = array<i32>} : memref<512x64xf32, #tpu.memory_space<vmem>>, vector<512x64xf32>,
    return
  }
  func.func @transform_0(%arg0: i32) -> (i32, i32) {
    %c0_i32 = arith.constant 0 : i32
    %c0_i32_0 = arith.constant 0 : i32
    return %arg0, %c0_i32 : i32, i32
  }
  func.func @transform_1(%arg0: i32) -> (i32, i32) {
    %c0_i32 = arith.constant 0 : i32
    %c0_i32_0 = arith.constant 0 : i32
    return %arg0, %c0_i32 : i32, i32
  }
  func.func @transform_2(%arg0: i32) -> (i32, i32) {
    %c0_i32 = arith.constant 0 : i32
    %c0_i32_0 = arith.constant 0 : i32
    return %arg0, %c0_i32 : i32, i32
  }
  func.func @transform_3(%arg0: i32) -> (i32, i32) {
    %c0_i32 = arith.constant 0 : i32
    %c0_i32_0 = arith.constant 0 : i32
    return %arg0, %c0_i32 : i32, i32
  }
}

module attributes {stable_mosaic.version = 14 : i64} {
  func.func @body(%arg0: i32, %arg1: memref<512x64xf32, #tpu.memory_space<vmem>>, %arg2: memref<512x64xf32, #tpu.memory_space<vmem>>, %arg3: memref<512x128xf32, #tpu.memory_space<vmem>>, %arg4: memref<1x64xf32, #tpu.memory_space<vmem>>, %arg5: memref<512x40xf32, #tpu.memory_space<vmem>>) attributes {dimension_semantics = [#tpu.dimension_semantics<arbitrary>], iteration_bounds = array<i64: 20>, scalar_prefetch = 0 : i64, scratch_operands = 0 : i64, tpu.core_type = #tpu.core_type<tc>, window_params = [{transform_indices = @transform_0, window_bounds = array<i64: 512, 64>}, {transform_indices = @transform_1, window_bounds = array<i64: 512, 64>}, {transform_indices = @transform_2, window_bounds = array<i64: 512, 128>}, {pipeline_mode = #tpu.pipeline_mode<synchronous>, transform_indices = @transform_3, window_bounds = array<i64: 1, 64>}, {transform_indices = @transform_4, window_bounds = array<i64: 512, 40>}]} {
    %get3A = arith.constant 0 : index
    %get3A_0 = arith.constant 0 : index
    %get3A_1 = vector.load %arg1[%get3A, %get3A_0] : memref<512x64xf32, #tpu.memory_space<vmem>>, vector<512x64xf32>
    %get3A_2 = arith.constant 0 : index
    %get3A_3 = arith.constant 0 : index
    %get3A_4 = vector.load %arg2[%get3A_2, %get3A_3] : memref<512x64xf32, #tpu.memory_space<vmem>>, vector<512x64xf32>
    %add3A = arith.addf %get3A_1, %get3A_4 : vector<512x64xf32>
    %get3A_5 = arith.constant 0 : index
    %get3A_6 = arith.constant 0 : index
    %get3A_7 = vector.load %arg3[%get3A_5, %get3A_6] : memref<512x128xf32, #tpu.memory_space<vmem>>, vector<512x128xf32>
    %slice3A = vector.extract_strided_slice %get3A_7 {offsets = [0, 0], sizes = [512, 64], strides = [1, 1]} : vector<512x128xf32> to vector<512x64xf32>
    %mul3A = arith.mulf %add3A, %slice3A : vector<512x64xf32>
    %slice3A_8 = vector.extract_strided_slice %mul3A {offsets = [0, 0], sizes = [512, 40], strides = [1, 1]} : vector<512x64xf32> to vector<512x40xf32>
    %get3A_9 = arith.constant 0 : index
    %get3A_10 = arith.constant 0 : index
    %get3A_11 = vector.load %arg4[%get3A_9, %get3A_10] : memref<1x64xf32, #tpu.memory_space<vmem>>, vector<1x64xf32>
    %slice3A_12 = vector.extract_strided_slice %get3A_11 {offsets = [0, 0], sizes = [1, 40], strides = [1, 1]} : vector<1x64xf32> to vector<1x40xf32>
    %add3A_13 = vector.broadcast %slice3A_12 : vector<1x40xf32> to vector<512x40xf32>
    %add3A_14 = arith.addf %slice3A_8, %add3A_13 : vector<512x40xf32>
    %reduce_max3A = arith.constant dense<0xFF800000> : vector<512xf32>
    %reduce_max3A_15 = vector.multi_reduction <maximumf>, %add3A_14, %reduce_max3A [1] : vector<512x40xf32> to vector<512xf32>
    %broadcast_in_dim3A = vector.shape_cast %reduce_max3A_15 : vector<512xf32> to vector<512x1xf32>
    %sub3A = vector.broadcast %broadcast_in_dim3A : vector<512x1xf32> to vector<512x40xf32>
    %sub3A_16 = arith.subf %add3A_14, %sub3A : vector<512x40xf32>
    %exp3A = math.exp %sub3A_16 : vector<512x40xf32>
    %reduce_sum3A = arith.constant dense<0.000000e+00> : vector<512xf32>
    %reduce_sum3A_17 = vector.multi_reduction <add>, %exp3A, %reduce_sum3A [1] : vector<512x40xf32> to vector<512xf32>
    %broadcast_in_dim3A_18 = vector.shape_cast %reduce_sum3A_17 : vector<512xf32> to vector<512x1xf32>
    %log3A = math.log %broadcast_in_dim3A_18 : vector<512x1xf32>
    %add3A_19 = arith.addf %log3A, %broadcast_in_dim3A : vector<512x1xf32>
    %sub3A_20 = vector.broadcast %add3A_19 : vector<512x1xf32> to vector<512x40xf32>
    %sub3A_21 = arith.subf %add3A_14, %sub3A_20 : vector<512x40xf32>
    %swap3A = arith.constant 0 : index
    %swap3A_22 = arith.constant 0 : index
    %swap3A_23 = vector.load %arg5[%swap3A, %swap3A_22] : memref<512x40xf32, #tpu.memory_space<vmem>>, vector<512x40xf32>
    tpu.vector_store %arg5[%swap3A, %swap3A_22], %sub3A_21 {strides = array<i32>} : memref<512x40xf32, #tpu.memory_space<vmem>>, vector<512x40xf32>,
    return
  }
  func.func @transform_0(%arg0: i32) -> (i32, i32) {
    %c0_i32 = arith.constant 0 : i32
    %c0_i32_0 = arith.constant 0 : i32
    return %arg0, %c0_i32 : i32, i32
  }
  func.func @transform_1(%arg0: i32) -> (i32, i32) {
    %c0_i32 = arith.constant 0 : i32
    %c0_i32_0 = arith.constant 0 : i32
    return %arg0, %c0_i32 : i32, i32
  }
  func.func @transform_2(%arg0: i32) -> (i32, i32) {
    %c0_i32 = arith.constant 0 : i32
    %c0_i32_0 = arith.constant 0 : i32
    return %arg0, %c0_i32 : i32, i32
  }
  func.func @transform_3(%arg0: i32) -> (i32, i32) {
    %c0_i32 = arith.constant 0 : i32
    %c0_i32_0 = arith.constant 0 : i32
    %c0_i32_1 = arith.constant 0 : i32
    return %c0_i32, %c0_i32_0 : i32, i32
  }
  func.func @transform_4(%arg0: i32) -> (i32, i32) {
    %c0_i32 = arith.constant 0 : i32
    %c0_i32_0 = arith.constant 0 : i32
    return %arg0, %c0_i32 : i32, i32
  }
}

</mosaic_0001>

<sc_bundles>
// kernel: kernel.17.cloned.1.call-start
scs
__scs_entry_jumppad:
0x0: {  	(pc) =	sbr.rel $0x88, $3  }
0x1: {  	(tag) =	ssettag $0x0;
	lr =	simm.s32 $0x1  }
0x2: {  	[smem:$0x3F98] =	sst lr;
	_ =	strace $0xD0000000  }
0x3: {  	_ = 	snop  }
0x4: {  	_ = 	snop  }
0x5: {  	_ = 	snop  }
0x6: {  	_ = 	snop  }
0x7: {  	_ = 	snop  }
__scs_overlays_trampoline_lowered:
0x8: {  	[smem:$0x3FA7] =	sst s0  }
0x9: {  	[smem:$0x3FA8] =	sst s1  }
0xa: {  	[smem:$0x3FA9] =	sst s2  }
0xb: {  	[smem:$0x3FAA] =	sst s3  }
0xc: {  	[smem:$0x3FAB] =	sst s4  }
0xd: {  	[smem:$0x3FAC] =	sst s5  }
0xe: {  	[smem:$0x3FAD] =	sst s6  }
0xf: {  	[smem:$0x3FAE] =	sst s7  }
0x10: {  	[smem:$0x3FAF] =	sst s8  }
0x11: {  	[smem:$0x3FB0] =	sst s9;
	s0 =	simm.s32 @!p0 $0x0  }
0x12: {  	s1 =	sld [smem:$0x3F96];
	s0 =	simm.s32 @p0 $0x1  }
0x13: {  	[smem:$0x3FB1] =	sst s0;
	s0 =	simm.s32 @!p1 $0x0  }
0x14: {  	s2 =	sld [smem:$0x3F95];
	s0 =	simm.s32 @p1 $0x1  }
0x15: {  	[smem:$0x3FB2] =	sst s0;
	s0 =	simm.s32 @!p2 $0x0  }
0x16: {  	s3 =	sld [smem:$0x3FDB];
	s0 =	simm.s32 @p2 $0x1  }
0x17: {  	s4 =	simm.s32 $0x1BF5;
	[smem:$0x3FB4] =	sst s0  }
0x18: {  	s0 =	sld [smem:$0x3F97];
	_ =	swait.ge [sflag:s4], $0x0  }
0x19: {  	s7 =	sld [smem:$0x3F98]  }
0x1a: {  	s8 =	sadd.s32 $0xFFFFE003, lr  }
0x1b: {  	s9 =	sadd.s32 $0xFFFFFEF7, lr;
	s5 =	simm.s32 $0xFFFFFFFF;
	p2 =	slt.u32 s8, $0xFFFFF086  }
0x1c: {  	p1 =	slt.u32 s9, $0xF7A;
	s5 =	simm.s32 @!p2 $0x0  }
0x1d: {  	s5 =	simm.s32 @p1 $0x1;
	p0 =	seq.s32 s7, s2  }
0x1e: {  	s7 =	smul.u32 @!p0 $0xF7A, s2;
	p2 =	seq.s32 @!p0 s5, $0x0  }
0x1f: {  	s9 =	smul.u32 $0xF7A, s1;
	s8 =	simm.s32 @!p0 $0x1BF5;
	p2 =	por !p2, p0  }
0x20: {  	[sflag:s8] =	ssyncset.s32 @!p0 $0xFFFFF086;
	s6 =	sadd.s32 @!p0 s3, s7;
	s7 =	simm.s32 @!p0 $0x108  }
0x21: {  	s3 =	sadd.s32 s3, s9;
	s6 =	sadd.s32 @!p0 $0x88, s6;
	s7 =	simm.s32 @p2 $0x1082  }
0x22: {  	[simem:s7], [sflag:s8] =	dma.local @!p0 [hbm:s6], $0xF7A  }
0x23: {  	s9 =	sor.u32 $0xD0000000, s2;
	s6 =	simm.s32 $0x108;
	_ =	swait.ge @!p0 [sflag:s8], $0x0  }
0x24: {  	s3 =	sadd.s32 $0x88, s3;
	s6 =	simm.s32 @!p1 $0x1082;
	[sflag:s4] =	ssyncset.s32 $0xFFFFF086  }
0x25: {  	[simem:s6], [sflag:s4] =	dma.local [hbm:s3], $0xF7A  }
0x26: {  	[smem:$0x3F98] =	sst s1;
	(tag) =	ssettag s2;
	_ =	strace s9  }
0x27: {  	s1 =	sld [smem:$0x3FA8]  }
0x28: {  	s2 =	sld [smem:$0x3FA9]  }
0x29: {  	s4 =	sld [smem:$0x3FAB]  }
0x2a: {  	p0 =	seq.s32 s5, $0x0;
	s5 =	sld [smem:$0x3FAC]  }
0x2b: {  	s6 =	sld [smem:$0x3FAD]  }
0x2c: {  	s7 =	sld [smem:$0x3FAE]  }
0x2d: {  	s3 =	simm.s32 $0x108;
	s8 =	sld [smem:$0x3FAF]  }
0x2e: {  	s3 =	simm.s32 @!p0 $0x1082;
	s9 =	sld [smem:$0x3FB0]  }
0x2f: {  	lr =	sadd.s32 s0, s3;
	s0 =	sld [smem:$0x3FA7]  }
0x30: {  	s3 =	sld [smem:$0x3FAA]  }
0x31: {  	[smem:$0x3FB3] =	sst s10  }
0x32: {  	s10 =	sld [smem:$0x3FB1];
	_ =	sdelay $0x3  }
0x33: {  	p0 =	seq.s32 s10, $0x1;
	s10 =	sld [smem:$0x3FB3];
	_ =	sdelay $0x3  }
0x34: {  	[smem:$0x3FB3] =	sst s10  }
0x35: {  	s10 =	sld [smem:$0x3FB2];
	_ =	sdelay $0x3  }
0x36: {  	p1 =	seq.s32 s10, $0x1;
	s10 =	sld [smem:$0x3FB3];
	_ =	sdelay $0x3  }
0x37: {  	[smem:$0x3FB3] =	sst s10  }
0x38: {  	s10 =	sld [smem:$0x3FB4]  }
0x39: {  	_ = 	snop;
	(pc) =	sbr.ind lr, $3  }
0x3a: {  	_ = 	snop  }
0x3b: {  	_ = 	snop  }
0x3c: {  	p2 =	seq.s32 s10, $0x1;
	s10 =	sld [smem:$0x3FB3]  }
0x3d: {  	_ =	shalt  }
0x3e: {  	_ =	shalt  }
0x3f: {  	_ =	shalt  }
0x40: {  	_ =	shalt  }
0x41: {  	_ =	shalt  }
0x42: {  	_ =	shalt  }
0x43: {  	_ =	shalt  }
0x44: {  	_ =	shalt  }
0x45: {  	_ =	shalt  }
0x46: {  	_ =	shalt  }
0x47: {  	_ =	shalt  }
0x48: {  	_ =	shalt  }
0x49: {  	_ =	shalt  }
0x4a: {  	_ =	shalt  }
0x4b: {  	_ =	shalt  }
0x4c: {  	_ =	shalt  }
0x4d: {  	_ =	shalt  }
0x4e: {  	_ =	shalt  }
0x4f: {  	_ =	shalt  }
0x50: {  	_ =	shalt  }
0x51: {  	_ =	shalt  }
0x52: {  	_ =	shalt  }
0x53: {  	_ =	shalt  }
0x54: {  	_ =	shalt  }
0x55: {  	_ =	shalt  }
0x56: {  	_ =	shalt  }
0x57: {  	_ =	shalt  }
0x58: {  	_ =	shalt  }
0x59: {  	_ =	shalt  }
0x5a: {  	_ =	shalt  }
0x5b: {  	_ =	shalt  }
0x5c: {  	_ =	shalt  }
0x5d: {  	_ =	shalt  }
0x5e: {  	_ =	shalt  }
0x5f: {  	_ =	shalt  }
0x60: {  	_ =	shalt  }
0x61: {  	_ =	shalt  }
0x62: {  	_ =	shalt  }
0x63: {  	_ =	shalt  }
0x64: {  	_ =	shalt  }
0x65: {  	_ =	shalt  }
0x66: {  	_ =	shalt  }
0x67: {  	_ =	shalt  }
0x68: {  	_ =	shalt  }
0x69: {  	_ =	shalt  }
0x6a: {  	_ =	shalt  }
0x6b: {  	_ =	shalt  }
0x6c: {  	_ =	shalt  }
0x6d: {  	_ =	shalt  }
0x6e: {  	_ =	shalt  }
0x6f: {  	_ =	shalt  }
0x70: {  	_ =	shalt  }
0x71: {  	_ =	shalt  }
0x72: {  	_ =	shalt  }
0x73: {  	_ =	shalt  }
0x74: {  	_ =	shalt  }
0x75: {  	_ =	shalt  }
0x76: {  	_ =	shalt  }
0x77: {  	_ =	shalt  }
0x78: {  	_ =	shalt  }
0x79: {  	_ =	shalt  }
0x7a: {  	_ =	shalt  }
0x7b: {  	_ =	shalt  }
0x7c: {  	_ =	shalt  }
0x7d: {  	_ =	shalt  }
0x7e: {  	_ =	shalt  }
0x7f: {  	_ =	shalt  }
0x80: {  	_ =	shalt  }
0x81: {  	_ =	shalt  }
0x82: {  	_ =	shalt  }
0x83: {  	_ =	shalt  }
0x84: {  	_ =	shalt  }
0x85: {  	_ =	shalt  }
0x86: {  	_ =	shalt  }
0x87: {  	_ =	shalt  }
.Lfunc_end0:
.L_simem_size_0:
called_computation_lowered:
.L_overlay_start_0:
0x88: {  	s2 =	sld [smem:$0x3FD9]  }
0x89: {  	s3 =	sld [smem:$0x3FFE];
	_ =	sdelay $0x1  }
0x8a: {  	s1 =	srdreg.scid  }
0x8b: {  	s0 =	sand.u32 $0x1, s1  }
0x8c: {  	s17 =	sshll.u32 s0, $0xA;
	s2 =	sadd.s32 s3, s2  }
0x8d: {  	s2 =	sadd.s32 s2, s17  }
0x8e: {  	[smem:$0x3FBF] =	sst s2  }
0x8f: {  	_ = 	snop  }
0x90: {  	s18 =	sld [smem:$0x3FD0];
	(tm) =	ssettm $0x1  }
0x91: {  	s19 =	sld [smem:$0x3FFB];
	_ =	sdelay $0x3  }
0x92: {  	_ =	strace s19  }
0x93: {  	s2 =	sld [smem:$0x3FFC];
	_ =	sdelay $0x3  }
0x94: {  	_ =	strace s2  }
0x95: {  	s2 =	sld [smem:$0x3FFD];
	_ =	sdelay $0x3  }
0x96: {  	_ =	strace s2  }
0x97: {  	_ =	strace $0x8FFFFFFF  }
0x98: {  	s20 =	sld [smem:$0x3FDB];
	_ =	sdelay $0x1  }
0x99: {  	s4 =	simm.s32 $_scs_section_size  }
0x9a: {  	s5 =	simm.s32 $_size__tile_overlayer_lowered;
	s6 =	simm.s32 $_tile_overlayer_lowered  }
0x9b: {  	s7 =	simm.s32 $0x1BFF;
	s21 =	sshll.u32 s6, $0x1;
	s4 =	sadd.s32 s4, s20  }
0x9c: {  	s22 =	simm.s32 $0x0;
	s5 =	sshll.u32 s5, $0x1;
	s6 =	sadd.s32 s21, s4  }
0x9d: {  	[timem:s22], [sflag:s7] =	dma.local [hbm:s6], s5  }
0x9e: {  	_ =	swait.ge [sflag:s7], s5  }
0x9f: {  	s5 =	ssub.s32 $0x0, s5;
	[sflag:s7] =	ssyncset.done $0x0  }
0xa0: {  	[sflag:s7] =	ssyncadd.s32 s5;
	_ =	sdelay $0x1  }
0xa1: {  	s23 =	simm.s32 $0x1B8B  }
0xa2: {  	_ =	swait.ge [sflag:s23], $0x1  }
0xa3: {  	[sflag:s23] =	ssyncset.done $0x0  }
0xa4: {  	[sflag:s23] =	ssyncadd.s32 $0xFFFFFFFF  }
0xa5: {  	s5 =	sld [smem:$0x0]  }
0xa6: {  	s6 =	sand.u32 $0xFFFFFFFE, s1  }
0xa7: {  	p0 =	sne.s32 s1, s6  }
0xa8: {  	s6 =	sshll.u32 @p0 s6, $0xE  }
0xa9: {  	s6 =	sadd.s32 @p0 $0x11B8D, s6;
	s7 =	sshll.u32 @p0 s5, $0x11  }
0xaa: {  	s6 =	sor.u32 @p0 s7, s6  }
0xab: {  	[sflag:s6] =	ssyncadd.remote.s32 @p0 $0x1;
	_ =	sdelay $0x1  }
0xac: {  	s6 =	simm.s32 @p0 $0x1B8D  }
0xad: {  	_ =	swait.eq @p0 [sflag:s6], $0x1  }
0xae: {  	[sflag:s6] =	ssyncadd.s32 @p0 $0xFFFFFFFF  }
0xaf: {  	s7 =	sshll.u32 @!p0 s1, $0xE  }
0xb0: {  	s7 =	sor.u32 @!p0 $0x4000, s7;
	s6 =	simm.s32 @!p0 $0x1B8D  }
0xb1: {  	s5 =	sshll.u32 @!p0 s5, $0x11;
	s7 =	sadd.s32 @!p0 $0x11B8D, s7;
	_ =	swait.eq @!p0 [sflag:s6], $0x1  }
0xb2: {  	s5 =	sor.u32 @!p0 s5, s7;
	[sflag:s6] =	ssyncadd.s32 @!p0 $0xFFFFFFFF  }
0xb3: {  	s25 =	simm.s32 $0x1B8E;
	s24 =	sld [smem:$0x3FFE];
	[sflag:s5] =	ssyncadd.remote.s32 @!p0 $0x1  }
0xb4: {  	s26 =	simm.s32 $execute0_lowered;
	[smem:$0x3FD2] =	sst s25  }
0xb5: {  	s6 =	sshll.u32 s26, $0x1;
	_ =	strace $0x80000049;
	[dreg:$0x1] =	wrdreg $0xFFFFFFFF  }
0xb6: {  	s28 =	simm.s32 $_size_execute0_lowered;
	s4 =	sadd.s32 s4, s6;
	[dreg:$0x0] =	wrdreg $0x0  }
0xb7: {  	s6 =	sshll.u32 s28, $0x1;
	[dreg:$0x2] =	wrdreg s4  }
0xb8: {  	[dreg:$0x3] =	wrdreg s6  }
0xb9: {  	[dreg:$0x4] =	wrdreg $0xC0  }
0xba: {  	_ =	task [dreg:s22], $0x5FFFF  }
0xbb: {  	[dreg:$0x1] =	wrdreg $0xFFFFFFFF  }
0xbc: {  	[dreg:$0x0] =	wrdreg $0x60  }
0xbd: {  	[dreg:$0x2] =	wrdreg s24  }
0xbe: {  	[dreg:$0x3] =	wrdreg s18  }
0xbf: {  	[dreg:$0x4] =	wrdreg $0x39000  }
0xc0: {  	[dreg:$0x5] =	wrdreg $0x9  }
0xc1: {  	_ =	task.clear_ibuf [dreg:s22], $0x6FFFF;
	_ =	strace $0x90000049  }
0xc2: {  	s29 =	simm.s32 $0x9;
	_ =	strace $0x8000004B  }
0xc3: {  	_ =	swait.ge [sflag:s29], $0x1  }
0xc4: {  	[sflag:s29] =	ssyncadd.s32 $0xFFFFFFFF  }
0xc5: {  	_ =	strace $0x9000004B  }
0xc6: {  	_ =	sfence  }
0xc7: {  	s30 =	sld [smem:$0x0];
	_ =	sdelay $0x2  }
0xc8: {  	s31 =	sshll.u32 s1, $0xD;
	s1 =	sshrl.u32 s1, $0x2  }
0xc9: {  	s4 =	sand.u32 $0x4000, s31;
	s1 =	sadd.s32 s1, s30  }
0xca: {  	s0 =	sor.u32 s4, s0;
	s1 =	sshll.u32 s1, $0x11  }
0xcb: {  	s0 =	sor.u32 s1, s0  }
0xcc: {  	s0 =	sadd.s32 $0x8F2B, s0  }
0xcd: {  	[sflag:s0] =	ssyncadd.remote.s32 $0x1  }
0xce: {  	_ =	sfence.sel $0xFFFF  }
0xcf: {  	[dreg:$0x0] =	wrdreg $0xFFFFFFFF;
	(pc) =	sbr.abs _section_cstart, $3  }
0xd0: {  	[dreg:$0x1] =	wrdreg $0xFFFFFFFF  }
0xd1: {  	_ =	task.clear_ibuf [dreg:s22], $0x2FFFF;
	_ =	strace $0x9FFFFFFF  }
0xd2: {  	(tm) =	ssettm $0x7FFFFFFF  }
0xd3: {  	_ =	shalt  }
tec
execute0_lowered:
.L_overlay_start_1:
0x0: {  	(tag) =	ssettag $0x1  }
0x1: {  	s7 =	rddreg [dreg:$0x0];
	s1 =	srdreg.scid  }
0x2: {  	s0 =	stileid.u32;
	s2 =	rddreg [dreg:$0x1]  }
0x3: {  	s3 =	rddreg [dreg:$0x2];
	s4 =	simm.s32 $0x0;
	s17 =	simm.s32 $0x100  }
0x4: {  	s18 =	simm.s32 $0x80;
	s19 =	simm.s32 $0x1;
	s20 =	simm.s32 $0x2900  }
0x5: {  	s21 =	simm.s32 $0x2;
	s22 =	simm.s32 $0x3100;
	s23 =	simm.s32 $0x3  }
0x6: {  	s24 =	simm.s32 $0x4;
	s25 =	simm.s32 $0x0;
	s10 =	smul.u32 $0x2800, s0  }
0x7: {  	s8 =	sand.u32 $0x1, s1;
	s1 =	rddreg [dreg:$0x3];
	s14 =	smul.u32 $0x5200, s0  }
0x8: {  	s29 =	sshll.u32 s0, $0x1;
	[smem:$0x7FF] =	sst s4;
	s11 =	smul.u32 $0x28000, s8  }
0x9: {  	s9 =	sor.u32 s8, s29;
	s13 =	ssub.s32 $0x2, s8;
	s8 =	smul.u32 $0x2900, s8  }
0xa: {  	s5 =	sadd.s32 $0x19000, s7;
	s31 =	sshll.u32 s0, $0x6;
	s6 =	smul.u32 $0x500, s9  }
0xb: {  	_ =	strace $0x8000004A;
	s9 =	smul.u32 $0x2900, s9;
	s15 =	sshrl.u32 s13, $0x1  }
0xc: {  	s30 =	sadd.s32 s10, s3;
	s11 =	sadd.s32 s10, s11;
	s13 =	ssub.s32 s13, s15  }
0xd: {  	s14 =	sadd.s32 s8, s14;
	s15 =	sshrl.u32 s30, $0x3;
	s12 =	sadd.s32 s6, s7  }
0xe: {  	s6 =	sadd.s32 $0x1E000, s7;
	s11 =	sshrl.u32 s11, $0x3;
	s9 =	sshrl.u32 s9, $0x3  }
0xf: {  	s16 =	sadd.s32 $0x180, s14;
	s14 =	sadd.s32 $0x100, s14;
	s11 =	sadd.s32 s11, s7  }
0x10: {  	s7 =	sor.u32 $0x1C05, s31;
	s8 =	sadd.s32 s2, s9;
	s9 =	sadd.s32 $0x28600, s12  }
0x11: {  	s16 =	sshrl.u32 s16, $0x3;
	s12 =	smax.u32 s13, $0x1;
	s10 =	sadd.s32 $0x10, s8  }
0x12: {  	s11 =	sadd.s32 $0x32600, s11;
	s13 =	sadd.s32 s16, s2;
	s16 =	simm.s32 $0x5  }
.LBB2_1:
0x13: {  	[spmem:s15], [sflag:s7] =	dma.local [hbm:s6], $0x500  }
0x14: {  	_ =	swait.ge [sflag:s16], $0x500  }
0x15: {  	[sflag:s16] =	ssyncset.done $0x0  }
0x16: {  	[sflag:s16] =	ssyncadd.s32 $0xFFFFFB00  }
0x17: {  	[tilespmem:s17], [sflag:$0x5] =	stream.linear.gather [hbm4b:s9+s4], $0x2800, $0x38;
	[tilespmem:$0x6100] =	vst v63  }
0x18: {  	_ =	swait.ge [sflag:s16], $0x2800  }
0x19: {  	[sflag:s16] =	ssyncset.done $0x0  }
0x1a: {  	[sflag:s16] =	ssyncadd.s32 $0xFFFFD800  }
0x1b: {  	[tilespmem:s4], [sflag:$0x1] =	stream.linear.gather [hbm4b:s8+s4], $0x80, $0x38;
	[tilespmem:$0x6100] =	vst v63  }
0x1c: {  	_ = 	snop  }
0x1d: {  	[tilespmem:s18], [sflag:$0x2] =	stream.linear.gather [hbm4b:s10+s4], $0x80, $0x38;
	[tilespmem:$0x6100] =	vst v63  }
0x1e: {  	_ =	swait.ge [sflag:s19], $0x80  }
0x1f: {  	[sflag:s19] =	ssyncset.done $0x0  }
0x20: {  	[sflag:s19] =	ssyncadd.s32 $0xFFFFFF80  }
0x21: {  	[tilespmem:s20], [sflag:$0x3] =	stream.indirect.gather [hbm4b:s5+s18], $0x10, s4, s18, $0xb8;
	[tilespmem:$0x6100] =	vst v63  }
0x22: {  	_ =	swait.ge [sflag:s21], $0x80  }
0x23: {  	[sflag:s21] =	ssyncset.done $0x0  }
0x24: {  	[sflag:s21] =	ssyncadd.s32 $0xFFFFFF80  }
0x25: {  	[tilespmem:s22], [sflag:$0x4] =	stream.indirect.gather [hbm4b:s5+s18], $0x10, s18, s18, $0xb8;
	[tilespmem:$0x6100] =	vst v63  }
0x26: {  	[bflag:$0x0] =	sbarrier.arrive $0xFFFF  }
0x27: {  	_ =	swait.ge [sflag:s23], $0x800  }
0x28: {  	[sflag:s23] =	ssyncset.done $0x0  }
0x29: {  	s26 =	simm.s32 $0x100;
	[sflag:s23] =	ssyncadd.s32 $0xFFFFF800  }
0x2a: {  	[spmem:s3] =	stream.indirect.scatter.add.f32 [tilespmem:s20], [sflag:$0x5], $0x10, s26, s18, $0xb8;
	[tilespmem:$0x6100] =	vst v63  }
0x2b: {  	_ =	swait.ge [sflag:s16], $0x800  }
0x2c: {  	s31 =	sshrl.u32 s14, $0x3;
	[sflag:s16] =	ssyncset.done $0x0  }
0x2d: {  	s26 =	sadd.s32 s2, s31;
	[sflag:s16] =	ssyncadd.s32 $0xFFFFF800  }
0x2e: {  	[tilespmem:s4], [sflag:$0x5] =	stream.linear.gather [hbm4b:s26+s4], $0x80, $0x38;
	[tilespmem:$0x6100] =	vst v63  }
0x2f: {  	_ =	swait.ge [sflag:s16], $0x80  }
0x30: {  	[sflag:s16] =	ssyncset.done $0x0  }
0x31: {  	[sflag:s16] =	ssyncadd.s32 $0xFFFFFF80  }
0x32: {  	[tilespmem:s20], [sflag:$0x3] =	stream.indirect.gather [hbm4b:s5+s18], $0x10, s4, s18, $0xb8;
	[tilespmem:$0x6100] =	vst v63  }
0x33: {  	_ =	swait.ge [sflag:s24], $0x800  }
0x34: {  	[sflag:s24] =	ssyncset.done $0x0  }
0x35: {  	s30 =	simm.s32 $0x180;
	[sflag:s24] =	ssyncadd.s32 $0xFFFFF800  }
0x36: {  	[spmem:s3] =	stream.indirect.scatter.add.f32 [tilespmem:s22], [sflag:$0x5], $0x10, s30, s18, $0xb8;
	[tilespmem:$0x6100] =	vst v63  }
0x37: {  	_ =	swait.ge [sflag:s16], $0x800  }
0x38: {  	[sflag:s16] =	ssyncset.done $0x0  }
0x39: {  	s31 =	sadd.s32 $0x0, s13;
	[sflag:s16] =	ssyncadd.s32 $0xFFFFF800  }
0x3a: {  	[tilespmem:s18], [sflag:$0x5] =	stream.linear.gather [hbm4b:s31+s4], $0x80, $0x38;
	[tilespmem:$0x6100] =	vst v63  }
0x3b: {  	_ =	swait.ge [sflag:s16], $0x80  }
0x3c: {  	s28 =	sadd.s32 $0x100, s14;
	[sflag:s16] =	ssyncset.done $0x0  }
0x3d: {  	s29 =	simm.s32 $0x280;
	s26 =	simm.s32 $0x20;
	[sflag:s16] =	ssyncadd.s32 $0xFFFFFF80  }
.LBB2_2:
0x3e: {  	[tilespmem:s22], [sflag:$0x4] =	stream.indirect.gather [hbm4b:s5+s18], $0x10, s18, s18, $0xb8;
	[tilespmem:$0x6100] =	vst v63  }
0x3f: {  	s30 =	smov.u32 s26  }
0x40: {  	p0 =	sne.s32 s26, $0x4E0;
	s26 =	sadd.s32 $0x20, s26;
	_ =	swait.ge [sflag:s23], $0x800  }
0x41: {  	[sflag:s23] =	ssyncset.done $0x0  }
0x42: {  	s31 =	sadd.s32 $0xFFFFFF80, s29;
	[sflag:s23] =	ssyncadd.s32 $0xFFFFF800  }
0x43: {  	[spmem:s3] =	stream.indirect.scatter.add.f32 [tilespmem:s20], [sflag:$0x5], $0x10, s31, s18, $0xb8;
	[tilespmem:$0x6100] =	vst v63  }
0x44: {  	_ =	swait.ge [sflag:s16], $0x800  }
0x45: {  	s31 =	sshrl.u32 s28, $0x3;
	[sflag:s16] =	ssyncset.done $0x0  }
0x46: {  	s31 =	sadd.s32 s2, s31;
	[sflag:s16] =	ssyncadd.s32 $0xFFFFF800  }
0x47: {  	[tilespmem:s4], [sflag:$0x5] =	stream.linear.gather [hbm4b:s31+s4], $0x80, $0x38;
	[tilespmem:$0x6100] =	vst v63  }
0x48: {  	_ =	swait.ge [sflag:s16], $0x80  }
0x49: {  	[sflag:s16] =	ssyncset.done $0x0  }
0x4a: {  	[sflag:s16] =	ssyncadd.s32 $0xFFFFFF80  }
0x4b: {  	[tilespmem:s20], [sflag:$0x3] =	stream.indirect.gather [hbm4b:s5+s18], $0x10, s4, s18, $0xb8;
	[tilespmem:$0x6100] =	vst v63  }
0x4c: {  	_ =	swait.ge [sflag:s24], $0x800  }
0x4d: {  	[sflag:s24] =	ssyncset.done $0x0  }
0x4e: {  	[sflag:s24] =	ssyncadd.s32 $0xFFFFF800  }
0x4f: {  	[spmem:s3] =	stream.indirect.scatter.add.f32 [tilespmem:s22], [sflag:$0x5], $0x10, s29, s18, $0xb8;
	[tilespmem:$0x6100] =	vst v63  }
0x50: {  	_ =	swait.ge [sflag:s16], $0x800  }
0x51: {  	[sflag:s16] =	ssyncset.done $0x0  }
.Ltmp0:
0x52: {  	s30 =	sadd.s32 s30, s13;
	[sflag:s16] =	ssyncadd.s32 $0xFFFFF800;
	(pc) =	sbr.rel @p0 .LBB2_2-.Ltmp0, $4  }
0x53: {  	[tilespmem:s18], [sflag:$0x5] =	stream.linear.gather [hbm4b:s30+s4], $0x80, $0x38;
	[tilespmem:$0x6100] =	vst v63  }
0x54: {  	_ =	swait.ge [sflag:s16], $0x80  }
0x55: {  	[sflag:s16] =	ssyncset.done $0x0  }
0x56: {  	s28 =	sadd.s32 $0x100, s28;
	s29 =	sadd.s32 $0x100, s29;
	[sflag:s16] =	ssyncadd.s32 $0xFFFFFF80  }
0x57: {  	[tilespmem:s22], [sflag:$0x4] =	stream.indirect.gather [hbm4b:s5+s18], $0x10, s18, s18, $0xb8;
	[tilespmem:$0x6100] =	vst v63  }
0x58: {  	_ =	swait.ge [sflag:s23], $0x800  }
0x59: {  	[sflag:s23] =	ssyncset.done $0x0  }
0x5a: {  	[sflag:s23] =	ssyncadd.s32 $0xFFFFF800  }
0x5b: {  	_ =	swait.ge [sflag:s24], $0x800  }
0x5c: {  	s25 =	sadd.s32 $0x1, s25;
	[sflag:s24] =	ssyncset.done $0x0  }
0x5d: {  	p0 =	sne.s32 s25, s12;
	[sflag:s24] =	ssyncadd.s32 $0xFFFFF800  }
.Ltmp1:
0x5e: {  	[bflag:$0x0] =	sbarrier.arrive $0xFFFF;
	(pc) =	sbr.rel @p0 .LBB2_1-.Ltmp1, $4  }
0x5f: {  	[hbm:s11], [sflag:s7] =	dma.local [spmem:s15], $0x500  }
0x60: {  	_ =	swait.ge [sflag:s16], $0x500  }
0x61: {  	[sflag:s16] =	ssyncset.done $0x0  }
0x62: {  	[sflag:s16] =	ssyncadd.s32 $0xFFFFFB00  }
0x63: {  	_ =	sfence.sel $0x180000  }
0x64: {  	[bflag:$0x0] =	sbarrier.arrive $0xFFFF  }
0x65: {  	p0 =	sne.s32 s0, $0x0;
	_ =	strace $0x9000004A  }
0x66: {  	s0 =	sadd.s32 @!p0 $0x100000, s1;
	[bflag:$0x2] =	sbarrier.arrive $0xFFFF  }
0x67: {  	[sflag:s0] =	ssyncadd.tile.s32 @!p0 $0x1;
	_ =	shalt  }
.Lfunc_end2:
_tile_overlayer_lowered:
.L_overlay_start_2:
0x68: {  	(tag) =	ssettag $0x2  }
0x69: {  	s0 =	rddreg [dreg:$0x0];
	s2 =	stileid.u32  }
0x6a: {  	s1 =	rddreg [dreg:$0x1];
	p0 =	sne.s32 s2, $0x0  }
0x6b: {  	s3 =	rddreg [dreg:$0x2];
	[bflag:$0x3] =	sbarrier.arrive $0xFFFF;
	s2 =	simm.s32 @!p0 $0x1C05  }
0x6c: {  	[timem:s3], [sflag:s2] =	dma.local @!p0 [hbm:s0], s1  }
0x6d: {  	s0 =	simm.s32 @!p0 $0x5  }
0x6e: {  	_ =	swait.ge @!p0 [sflag:s0], s1  }
0x6f: {  	s1 =	ssub.s32 @!p0 $0x0, s1;
	[sflag:s0] =	ssyncset.done @!p0 $0x0  }
0x70: {  	[sflag:s0] =	ssyncadd.s32 @!p0 s1  }
0x71: {  	[bflag:$0x3] =	sbarrier.arrive $0xFFFF  }
0x72: {  	_ =	shalt  }

// kernel: kernel.20.cloned.1.call-start
scs
__scs_entry_jumppad:
0x0: {  	(pc) =	sbr.rel $0x88, $3  }
0x1: {  	(tag) =	ssettag $0x0;
	lr =	simm.s32 $0x1  }
0x2: {  	[smem:$0x3F98] =	sst lr;
	_ =	strace $0xD0000000  }
0x3: {  	_ = 	snop  }
0x4: {  	_ = 	snop  }
0x5: {  	_ = 	snop  }
0x6: {  	_ = 	snop  }
0x7: {  	_ = 	snop  }
__scs_overlays_trampoline_lowered:
0x8: {  	[smem:$0x3FA7] =	sst s0  }
0x9: {  	[smem:$0x3FA8] =	sst s1  }
0xa: {  	[smem:$0x3FA9] =	sst s2  }
0xb: {  	[smem:$0x3FAA] =	sst s3  }
0xc: {  	[smem:$0x3FAB] =	sst s4  }
0xd: {  	[smem:$0x3FAC] =	sst s5  }
0xe: {  	[smem:$0x3FAD] =	sst s6  }
0xf: {  	[smem:$0x3FAE] =	sst s7  }
0x10: {  	[smem:$0x3FAF] =	sst s8  }
0x11: {  	[smem:$0x3FB0] =	sst s9;
	s0 =	simm.s32 @!p0 $0x0  }
0x12: {  	s1 =	sld [smem:$0x3F96];
	s0 =	simm.s32 @p0 $0x1  }
0x13: {  	[smem:$0x3FB1] =	sst s0;
	s0 =	simm.s32 @!p1 $0x0  }
0x14: {  	s2 =	sld [smem:$0x3F95];
	s0 =	simm.s32 @p1 $0x1  }
0x15: {  	[smem:$0x3FB2] =	sst s0;
	s0 =	simm.s32 @!p2 $0x0  }
0x16: {  	s3 =	sld [smem:$0x3FDB];
	s0 =	simm.s32 @p2 $0x1  }
0x17: {  	s4 =	simm.s32 $0x1BF5;
	[smem:$0x3FB4] =	sst s0  }
0x18: {  	s0 =	sld [smem:$0x3F97];
	_ =	swait.ge [sflag:s4], $0x0  }
0x19: {  	s7 =	sld [smem:$0x3F98]  }
0x1a: {  	s8 =	sadd.s32 $0xFFFFE003, lr  }
0x1b: {  	s9 =	sadd.s32 $0xFFFFFEF7, lr;
	s5 =	simm.s32 $0xFFFFFFFF;
	p2 =	slt.u32 s8, $0xFFFFF086  }
0x1c: {  	p1 =	slt.u32 s9, $0xF7A;
	s5 =	simm.s32 @!p2 $0x0  }
0x1d: {  	s5 =	simm.s32 @p1 $0x1;
	p0 =	seq.s32 s7, s2  }
0x1e: {  	s7 =	smul.u32 @!p0 $0xF7A, s2;
	p2 =	seq.s32 @!p0 s5, $0x0  }
0x1f: {  	s9 =	smul.u32 $0xF7A, s1;
	s8 =	simm.s32 @!p0 $0x1BF5;
	p2 =	por !p2, p0  }
0x20: {  	[sflag:s8] =	ssyncset.s32 @!p0 $0xFFFFF086;
	s6 =	sadd.s32 @!p0 s3, s7;
	s7 =	simm.s32 @!p0 $0x108  }
0x21: {  	s3 =	sadd.s32 s3, s9;
	s6 =	sadd.s32 @!p0 $0x88, s6;
	s7 =	simm.s32 @p2 $0x1082  }
0x22: {  	[simem:s7], [sflag:s8] =	dma.local @!p0 [hbm:s6], $0xF7A  }
0x23: {  	s9 =	sor.u32 $0xD0000000, s2;
	s6 =	simm.s32 $0x108;
	_ =	swait.ge @!p0 [sflag:s8], $0x0  }
0x24: {  	s3 =	sadd.s32 $0x88, s3;
	s6 =	simm.s32 @!p1 $0x1082;
	[sflag:s4] =	ssyncset.s32 $0xFFFFF086  }
0x25: {  	[simem:s6], [sflag:s4] =	dma.local [hbm:s3], $0xF7A  }
0x26: {  	[smem:$0x3F98] =	sst s1;
	(tag) =	ssettag s2;
	_ =	strace s9  }
0x27: {  	s1 =	sld [smem:$0x3FA8]  }
0x28: {  	s2 =	sld [smem:$0x3FA9]  }
0x29: {  	s4 =	sld [smem:$0x3FAB]  }
0x2a: {  	p0 =	seq.s32 s5, $0x0;
	s5 =	sld [smem:$0x3FAC]  }
0x2b: {  	s6 =	sld [smem:$0x3FAD]  }
0x2c: {  	s7 =	sld [smem:$0x3FAE]  }
0x2d: {  	s3 =	simm.s32 $0x108;
	s8 =	sld [smem:$0x3FAF]  }
0x2e: {  	s3 =	simm.s32 @!p0 $0x1082;
	s9 =	sld [smem:$0x3FB0]  }
0x2f: {  	lr =	sadd.s32 s0, s3;
	s0 =	sld [smem:$0x3FA7]  }
0x30: {  	s3 =	sld [smem:$0x3FAA]  }
0x31: {  	[smem:$0x3FB3] =	sst s10  }
0x32: {  	s10 =	sld [smem:$0x3FB1];
	_ =	sdelay $0x3  }
0x33: {  	p0 =	seq.s32 s10, $0x1;
	s10 =	sld [smem:$0x3FB3];
	_ =	sdelay $0x3  }
0x34: {  	[smem:$0x3FB3] =	sst s10  }
0x35: {  	s10 =	sld [smem:$0x3FB2];
	_ =	sdelay $0x3  }
0x36: {  	p1 =	seq.s32 s10, $0x1;
	s10 =	sld [smem:$0x3FB3];
	_ =	sdelay $0x3  }
0x37: {  	[smem:$0x3FB3] =	sst s10  }
0x38: {  	s10 =	sld [smem:$0x3FB4]  }
0x39: {  	_ = 	snop;
	(pc) =	sbr.ind lr, $3  }
0x3a: {  	_ = 	snop  }
0x3b: {  	_ = 	snop  }
0x3c: {  	p2 =	seq.s32 s10, $0x1;
	s10 =	sld [smem:$0x3FB3]  }
0x3d: {  	_ =	shalt  }
0x3e: {  	_ =	shalt  }
0x3f: {  	_ =	shalt  }
0x40: {  	_ =	shalt  }
0x41: {  	_ =	shalt  }
0x42: {  	_ =	shalt  }
0x43: {  	_ =	shalt  }
0x44: {  	_ =	shalt  }
0x45: {  	_ =	shalt  }
0x46: {  	_ =	shalt  }
0x47: {  	_ =	shalt  }
0x48: {  	_ =	shalt  }
0x49: {  	_ =	shalt  }
0x4a: {  	_ =	shalt  }
0x4b: {  	_ =	shalt  }
0x4c: {  	_ =	shalt  }
0x4d: {  	_ =	shalt  }
0x4e: {  	_ =	shalt  }
0x4f: {  	_ =	shalt  }
0x50: {  	_ =	shalt  }
0x51: {  	_ =	shalt  }
0x52: {  	_ =	shalt  }
0x53: {  	_ =	shalt  }
0x54: {  	_ =	shalt  }
0x55: {  	_ =	shalt  }
0x56: {  	_ =	shalt  }
0x57: {  	_ =	shalt  }
0x58: {  	_ =	shalt  }
0x59: {  	_ =	shalt  }
0x5a: {  	_ =	shalt  }
0x5b: {  	_ =	shalt  }
0x5c: {  	_ =	shalt  }
0x5d: {  	_ =	shalt  }
0x5e: {  	_ =	shalt  }
0x5f: {  	_ =	shalt  }
0x60: {  	_ =	shalt  }
0x61: {  	_ =	shalt  }
0x62: {  	_ =	shalt  }
0x63: {  	_ =	shalt  }
0x64: {  	_ =	shalt  }
0x65: {  	_ =	shalt  }
0x66: {  	_ =	shalt  }
0x67: {  	_ =	shalt  }
0x68: {  	_ =	shalt  }
0x69: {  	_ =	shalt  }
0x6a: {  	_ =	shalt  }
0x6b: {  	_ =	shalt  }
0x6c: {  	_ =	shalt  }
0x6d: {  	_ =	shalt  }
0x6e: {  	_ =	shalt  }
0x6f: {  	_ =	shalt  }
0x70: {  	_ =	shalt  }
0x71: {  	_ =	shalt  }
0x72: {  	_ =	shalt  }
0x73: {  	_ =	shalt  }
0x74: {  	_ =	shalt  }
0x75: {  	_ =	shalt  }
0x76: {  	_ =	shalt  }
0x77: {  	_ =	shalt  }
0x78: {  	_ =	shalt  }
0x79: {  	_ =	shalt  }
0x7a: {  	_ =	shalt  }
0x7b: {  	_ =	shalt  }
0x7c: {  	_ =	shalt  }
0x7d: {  	_ =	shalt  }
0x7e: {  	_ =	shalt  }
0x7f: {  	_ =	shalt  }
0x80: {  	_ =	shalt  }
0x81: {  	_ =	shalt  }
0x82: {  	_ =	shalt  }
0x83: {  	_ =	shalt  }
0x84: {  	_ =	shalt  }
0x85: {  	_ =	shalt  }
0x86: {  	_ =	shalt  }
0x87: {  	_ =	shalt  }
.Lfunc_end0:
.L_simem_size_0:
called_computation.1_lowered:
.L_overlay_start_0:
0x88: {  	s2 =	sld [smem:$0x3FD9]  }
0x89: {  	s3 =	sld [smem:$0x3FFE];
	_ =	sdelay $0x1  }
0x8a: {  	s1 =	srdreg.scid  }
0x8b: {  	s0 =	sand.u32 $0x1, s1  }
0x8c: {  	s16 =	sshll.u32 s0, $0xA;
	s2 =	sadd.s32 s3, s2  }
0x8d: {  	s2 =	sadd.s32 s2, s16  }
0x8e: {  	[smem:$0x3FBF] =	sst s2  }
0x8f: {  	_ = 	snop  }
0x90: {  	(tm) =	ssettm $0x1  }
0x91: {  	s17 =	sld [smem:$0x3FFB];
	_ =	sdelay $0x3  }
0x92: {  	_ =	strace s17  }
0x93: {  	s2 =	sld [smem:$0x3FFC];
	_ =	sdelay $0x3  }
0x94: {  	_ =	strace s2  }
0x95: {  	s2 =	sld [smem:$0x3FFD];
	_ =	sdelay $0x3  }
0x96: {  	_ =	strace s2  }
0x97: {  	_ =	strace $0x8FFFFFFF  }
0x98: {  	s18 =	sld [smem:$0x3FDB];
	_ =	sdelay $0x1  }
0x99: {  	s19 =	simm.s32 $_scs_section_size  }
0x9a: {  	s4 =	simm.s32 $_size__tile_overlayer_lowered;
	s5 =	simm.s32 $_tile_overlayer_lowered  }
0x9b: {  	s22 =	simm.s32 $0x1BFF;
	s21 =	sshll.u32 s5, $0x1;
	s2 =	sadd.s32 s19, s18  }
0x9c: {  	s6 =	simm.s32 $0x0;
	s20 =	sshll.u32 s4, $0x1;
	s4 =	sadd.s32 s21, s2  }
0x9d: {  	[timem:s6], [sflag:s22] =	dma.local [hbm:s4], s20  }
0x9e: {  	_ =	swait.ge [sflag:s22], s20  }
0x9f: {  	s3 =	ssub.s32 $0x0, s20;
	[sflag:s22] =	ssyncset.done $0x0  }
0xa0: {  	[sflag:s22] =	ssyncadd.s32 s3;
	_ =	sdelay $0x1  }
0xa1: {  	s23 =	simm.s32 $0x1B8B  }
0xa2: {  	_ =	swait.ge [sflag:s23], $0x1  }
0xa3: {  	[sflag:s23] =	ssyncset.done $0x0  }
0xa4: {  	s25 =	simm.s32 $0x1B8E;
	s24 =	sld [smem:$0x3FFE];
	[sflag:s23] =	ssyncadd.s32 $0xFFFFFFFF  }
0xa5: {  	s26 =	simm.s32 $execute0_lowered;
	[smem:$0x3FD2] =	sst s25  }
0xa6: {  	s4 =	sshll.u32 s26, $0x1;
	_ =	strace $0x80000046;
	[dreg:$0x1] =	wrdreg $0xFFFFFFFF  }
0xa7: {  	s28 =	simm.s32 $_size_execute0_lowered;
	s2 =	sadd.s32 s2, s4;
	[dreg:$0x0] =	wrdreg $0x0  }
0xa8: {  	s4 =	sshll.u32 s28, $0x1;
	[dreg:$0x2] =	wrdreg s2  }
0xa9: {  	[dreg:$0x3] =	wrdreg s4  }
0xaa: {  	[dreg:$0x4] =	wrdreg $0xC0  }
0xab: {  	_ =	task [dreg:s6], $0x5FFFF  }
0xac: {  	[dreg:$0x1] =	wrdreg $0xFFFFFFFF  }
0xad: {  	[dreg:$0x0] =	wrdreg $0x60  }
0xae: {  	[dreg:$0x2] =	wrdreg s24  }
0xaf: {  	[dreg:$0x3] =	wrdreg $0x39000  }
0xb0: {  	[dreg:$0x4] =	wrdreg $0xA  }
0xb1: {  	_ =	task.clear_ibuf [dreg:s6], $0x5FFFF;
	_ =	strace $0x90000046  }
0xb2: {  	s29 =	simm.s32 $0xA;
	_ =	strace $0x80000048  }
0xb3: {  	_ =	swait.ge [sflag:s29], $0x1  }
0xb4: {  	[sflag:s29] =	ssyncadd.s32 $0xFFFFFFFF  }
0xb5: {  	_ =	strace $0x90000048  }
0xb6: {  	_ =	sfence  }
0xb7: {  	s30 =	sld [smem:$0x0];
	_ =	sdelay $0x2  }
0xb8: {  	s31 =	sshll.u32 s1, $0xD;
	s1 =	sshrl.u32 s1, $0x2  }
0xb9: {  	s3 =	sand.u32 $0x4000, s31;
	s1 =	sadd.s32 s1, s30  }
0xba: {  	s0 =	sor.u32 s3, s0;
	s1 =	sshll.u32 s1, $0x11  }
0xbb: {  	s0 =	sor.u32 s1, s0  }
0xbc: {  	s0 =	sadd.s32 $0x8F2B, s0  }
0xbd: {  	[sflag:s0] =	ssyncadd.remote.s32 $0x1  }
0xbe: {  	_ =	sfence.sel $0xFFFF  }
0xbf: {  	[dreg:$0x0] =	wrdreg $0xFFFFFFFF;
	(pc) =	sbr.abs _section_cstart, $3  }
0xc0: {  	[dreg:$0x1] =	wrdreg $0xFFFFFFFF  }
0xc1: {  	_ =	task.clear_ibuf [dreg:s6], $0x2FFFF;
	_ =	strace $0x9FFFFFFF  }
0xc2: {  	(tm) =	ssettm $0x7FFFFFFF  }
0xc3: {  	_ =	shalt  }
tec
execute0_lowered:
.L_overlay_start_1:
0x0: {  	(tag) =	ssettag $0x1  }
0x1: {  	s7 =	rddreg [dreg:$0x0];
	s1 =	srdreg.scid  }
0x2: {  	s0 =	stileid.u32;
	s2 =	rddreg [dreg:$0x1]  }
0x3: {  	s3 =	simm.s32 $0x0;
	s17 =	simm.s32 $0x100;
	s18 =	simm.s32 $0x80  }
0x4: {  	s19 =	simm.s32 $0x1;
	s20 =	simm.s32 $0x2900;
	s21 =	simm.s32 $0x2  }
0x5: {  	s22 =	simm.s32 $0x3100;
	s23 =	simm.s32 $0x3;
	s24 =	simm.s32 $0x4  }
0x6: {  	s25 =	simm.s32 $0x0;
	s8 =	sand.u32 $0x1, s1;
	s10 =	smul.u32 $0x2800, s0  }
0x7: {  	s4 =	sshll.u32 s0, $0x1;
	s1 =	rddreg [dreg:$0x2];
	s14 =	smul.u32 $0x5200, s0  }
0x8: {  	[smem:$0x7FF] =	sst s3;
	s5 =	sadd.s32 $0xEC00, s7;
	s11 =	smul.u32 $0x28000, s8  }
0x9: {  	s9 =	sor.u32 s8, s4;
	s13 =	ssub.s32 $0x2, s8;
	s8 =	smul.u32 $0x2900, s8  }
0xa: {  	s31 =	sshll.u32 s0, $0x6;
	_ =	strace $0x80000047;
	s6 =	smul.u32 $0x500, s9  }
0xb: {  	s4 =	sadd.s32 $0x19000, s7;
	s9 =	smul.u32 $0x2900, s9;
	s15 =	sshrl.u32 s13, $0x1  }
0xc: {  	s30 =	sadd.s32 s10, s2;
	s11 =	sadd.s32 s10, s11;
	s13 =	ssub.s32 s13, s15  }
0xd: {  	s14 =	sadd.s32 s8, s14;
	s15 =	sshrl.u32 s30, $0x3;
	s12 =	sadd.s32 s6, s7  }
0xe: {  	s6 =	sadd.s32 $0x1E000, s7;
	s11 =	sshrl.u32 s11, $0x3;
	s9 =	sshrl.u32 s9, $0x3  }
0xf: {  	s16 =	sadd.s32 $0x180, s14;
	s14 =	sadd.s32 $0x100, s14;
	s11 =	sadd.s32 s11, s7  }
0x10: {  	s7 =	sor.u32 $0x1C05, s31;
	s8 =	sadd.s32 s5, s9;
	s9 =	sadd.s32 $0x4C00, s12  }
0x11: {  	s16 =	sshrl.u32 s16, $0x3;
	s12 =	smax.u32 s13, $0x1;
	s10 =	sadd.s32 $0x10, s8  }
0x12: {  	s11 =	sadd.s32 $0x1E600, s11;
	s13 =	sadd.s32 s16, s5;
	s16 =	simm.s32 $0x5  }
.LBB2_1:
0x13: {  	[spmem:s15], [sflag:s7] =	dma.local [hbm:s6], $0x500  }
0x14: {  	_ =	swait.ge [sflag:s16], $0x500  }
0x15: {  	[sflag:s16] =	ssyncset.done $0x0  }
0x16: {  	[sflag:s16] =	ssyncadd.s32 $0xFFFFFB00  }
0x17: {  	[tilespmem:s17], [sflag:$0x5] =	stream.linear.gather [hbm4b:s9+s3], $0x2800, $0x38;
	[tilespmem:$0x6100] =	vst v63  }
0x18: {  	_ =	swait.ge [sflag:s16], $0x2800  }
0x19: {  	[sflag:s16] =	ssyncset.done $0x0  }
0x1a: {  	[sflag:s16] =	ssyncadd.s32 $0xFFFFD800  }
0x1b: {  	[tilespmem:s3], [sflag:$0x1] =	stream.linear.gather [hbm4b:s8+s3], $0x80, $0x38;
	[tilespmem:$0x6100] =	vst v63  }
0x1c: {  	_ = 	snop  }
0x1d: {  	[tilespmem:s18], [sflag:$0x2] =	stream.linear.gather [hbm4b:s10+s3], $0x80, $0x38;
	[tilespmem:$0x6100] =	vst v63  }
0x1e: {  	_ =	swait.ge [sflag:s19], $0x80  }
0x1f: {  	[sflag:s19] =	ssyncset.done $0x0  }
0x20: {  	[sflag:s19] =	ssyncadd.s32 $0xFFFFFF80  }
0x21: {  	[tilespmem:s20], [sflag:$0x3] =	stream.indirect.gather [hbm4b:s4+s18], $0x10, s3, s18, $0xb8;
	[tilespmem:$0x6100] =	vst v63  }
0x22: {  	_ =	swait.ge [sflag:s21], $0x80  }
0x23: {  	[sflag:s21] =	ssyncset.done $0x0  }
0x24: {  	[sflag:s21] =	ssyncadd.s32 $0xFFFFFF80  }
0x25: {  	[tilespmem:s22], [sflag:$0x4] =	stream.indirect.gather [hbm4b:s4+s18], $0x10, s18, s18, $0xb8;
	[tilespmem:$0x6100] =	vst v63  }
0x26: {  	[bflag:$0x0] =	sbarrier.arrive $0xFFFF  }
0x27: {  	_ =	swait.ge [sflag:s23], $0x800  }
0x28: {  	[sflag:s23] =	ssyncset.done $0x0  }
0x29: {  	s26 =	simm.s32 $0x100;
	[sflag:s23] =	ssyncadd.s32 $0xFFFFF800  }
0x2a: {  	[spmem:s2] =	stream.indirect.scatter.add.f32 [tilespmem:s20], [sflag:$0x5], $0x10, s26, s18, $0xb8;
	[tilespmem:$0x6100] =	vst v63  }
0x2b: {  	_ =	swait.ge [sflag:s16], $0x800  }
0x2c: {  	s31 =	sshrl.u32 s14, $0x3;
	[sflag:s16] =	ssyncset.done $0x0  }
0x2d: {  	s26 =	sadd.s32 s5, s31;
	[sflag:s16] =	ssyncadd.s32 $0xFFFFF800  }
0x2e: {  	[tilespmem:s3], [sflag:$0x5] =	stream.linear.gather [hbm4b:s26+s3], $0x80, $0x38;
	[tilespmem:$0x6100] =	vst v63  }
0x2f: {  	_ =	swait.ge [sflag:s16], $0x80  }
0x30: {  	[sflag:s16] =	ssyncset.done $0x0  }
0x31: {  	[sflag:s16] =	ssyncadd.s32 $0xFFFFFF80  }
0x32: {  	[tilespmem:s20], [sflag:$0x3] =	stream.indirect.gather [hbm4b:s4+s18], $0x10, s3, s18, $0xb8;
	[tilespmem:$0x6100] =	vst v63  }
0x33: {  	_ =	swait.ge [sflag:s24], $0x800  }
0x34: {  	[sflag:s24] =	ssyncset.done $0x0  }
0x35: {  	s30 =	simm.s32 $0x180;
	[sflag:s24] =	ssyncadd.s32 $0xFFFFF800  }
0x36: {  	[spmem:s2] =	stream.indirect.scatter.add.f32 [tilespmem:s22], [sflag:$0x5], $0x10, s30, s18, $0xb8;
	[tilespmem:$0x6100] =	vst v63  }
0x37: {  	_ =	swait.ge [sflag:s16], $0x800  }
0x38: {  	[sflag:s16] =	ssyncset.done $0x0  }
0x39: {  	s31 =	sadd.s32 $0x0, s13;
	[sflag:s16] =	ssyncadd.s32 $0xFFFFF800  }
0x3a: {  	[tilespmem:s18], [sflag:$0x5] =	stream.linear.gather [hbm4b:s31+s3], $0x80, $0x38;
	[tilespmem:$0x6100] =	vst v63  }
0x3b: {  	_ =	swait.ge [sflag:s16], $0x80  }
0x3c: {  	s28 =	sadd.s32 $0x100, s14;
	[sflag:s16] =	ssyncset.done $0x0  }
0x3d: {  	s29 =	simm.s32 $0x280;
	s26 =	simm.s32 $0x20;
	[sflag:s16] =	ssyncadd.s32 $0xFFFFFF80  }
.LBB2_2:
0x3e: {  	[tilespmem:s22], [sflag:$0x4] =	stream.indirect.gather [hbm4b:s4+s18], $0x10, s18, s18, $0xb8;
	[tilespmem:$0x6100] =	vst v63  }
0x3f: {  	s30 =	smov.u32 s26  }
0x40: {  	p0 =	sne.s32 s26, $0x4E0;
	s26 =	sadd.s32 $0x20, s26;
	_ =	swait.ge [sflag:s23], $0x800  }
0x41: {  	[sflag:s23] =	ssyncset.done $0x0  }
0x42: {  	s31 =	sadd.s32 $0xFFFFFF80, s29;
	[sflag:s23] =	ssyncadd.s32 $0xFFFFF800  }
0x43: {  	[spmem:s2] =	stream.indirect.scatter.add.f32 [tilespmem:s20], [sflag:$0x5], $0x10, s31, s18, $0xb8;
	[tilespmem:$0x6100] =	vst v63  }
0x44: {  	_ =	swait.ge [sflag:s16], $0x800  }
0x45: {  	s31 =	sshrl.u32 s28, $0x3;
	[sflag:s16] =	ssyncset.done $0x0  }
0x46: {  	s31 =	sadd.s32 s5, s31;
	[sflag:s16] =	ssyncadd.s32 $0xFFFFF800  }
0x47: {  	[tilespmem:s3], [sflag:$0x5] =	stream.linear.gather [hbm4b:s31+s3], $0x80, $0x38;
	[tilespmem:$0x6100] =	vst v63  }
0x48: {  	_ =	swait.ge [sflag:s16], $0x80  }
0x49: {  	[sflag:s16] =	ssyncset.done $0x0  }
0x4a: {  	[sflag:s16] =	ssyncadd.s32 $0xFFFFFF80  }
0x4b: {  	[tilespmem:s20], [sflag:$0x3] =	stream.indirect.gather [hbm4b:s4+s18], $0x10, s3, s18, $0xb8;
	[tilespmem:$0x6100] =	vst v63  }
0x4c: {  	_ =	swait.ge [sflag:s24], $0x800  }
0x4d: {  	[sflag:s24] =	ssyncset.done $0x0  }
0x4e: {  	[sflag:s24] =	ssyncadd.s32 $0xFFFFF800  }
0x4f: {  	[spmem:s2] =	stream.indirect.scatter.add.f32 [tilespmem:s22], [sflag:$0x5], $0x10, s29, s18, $0xb8;
	[tilespmem:$0x6100] =	vst v63  }
0x50: {  	_ =	swait.ge [sflag:s16], $0x800  }
0x51: {  	[sflag:s16] =	ssyncset.done $0x0  }
.Ltmp0:
0x52: {  	s30 =	sadd.s32 s30, s13;
	[sflag:s16] =	ssyncadd.s32 $0xFFFFF800;
	(pc) =	sbr.rel @p0 .LBB2_2-.Ltmp0, $4  }
0x53: {  	[tilespmem:s18], [sflag:$0x5] =	stream.linear.gather [hbm4b:s30+s3], $0x80, $0x38;
	[tilespmem:$0x6100] =	vst v63  }
0x54: {  	_ =	swait.ge [sflag:s16], $0x80  }
0x55: {  	[sflag:s16] =	ssyncset.done $0x0  }
0x56: {  	s28 =	sadd.s32 $0x100, s28;
	s29 =	sadd.s32 $0x100, s29;
	[sflag:s16] =	ssyncadd.s32 $0xFFFFFF80  }
0x57: {  	[tilespmem:s22], [sflag:$0x4] =	stream.indirect.gather [hbm4b:s4+s18], $0x10, s18, s18, $0xb8;
	[tilespmem:$0x6100] =	vst v63  }
0x58: {  	_ =	swait.ge [sflag:s23], $0x800  }
0x59: {  	[sflag:s23] =	ssyncset.done $0x0  }
0x5a: {  	[sflag:s23] =	ssyncadd.s32 $0xFFFFF800  }
0x5b: {  	_ =	swait.ge [sflag:s24], $0x800  }
0x5c: {  	s25 =	sadd.s32 $0x1, s25;
	[sflag:s24] =	ssyncset.done $0x0  }
0x5d: {  	p0 =	sne.s32 s25, s12;
	[sflag:s24] =	ssyncadd.s32 $0xFFFFF800  }
.Ltmp1:
0x5e: {  	[bflag:$0x0] =	sbarrier.arrive $0xFFFF;
	(pc) =	sbr.rel @p0 .LBB2_1-.Ltmp1, $4  }
0x5f: {  	[hbm:s11], [sflag:s7] =	dma.local [spmem:s15], $0x500  }
0x60: {  	_ =	swait.ge [sflag:s16], $0x500  }
0x61: {  	[sflag:s16] =	ssyncset.done $0x0  }
0x62: {  	[sflag:s16] =	ssyncadd.s32 $0xFFFFFB00  }
0x63: {  	_ =	sfence.sel $0x180000  }
0x64: {  	[bflag:$0x0] =	sbarrier.arrive $0xFFFF  }
0x65: {  	p0 =	sne.s32 s0, $0x0;
	_ =	strace $0x90000047  }
0x66: {  	s0 =	sadd.s32 @!p0 $0x100000, s1;
	[bflag:$0x2] =	sbarrier.arrive $0xFFFF  }
0x67: {  	[sflag:s0] =	ssyncadd.tile.s32 @!p0 $0x1;
	_ =	shalt  }
.Lfunc_end2:
_tile_overlayer_lowered:
.L_overlay_start_2:
0x68: {  	(tag) =	ssettag $0x2  }
0x69: {  	s0 =	rddreg [dreg:$0x0];
	s2 =	stileid.u32  }
0x6a: {  	s1 =	rddreg [dreg:$0x1];
	p0 =	sne.s32 s2, $0x0  }
0x6b: {  	s3 =	rddreg [dreg:$0x2];
	[bflag:$0x3] =	sbarrier.arrive $0xFFFF;
	s2 =	simm.s32 @!p0 $0x1C05  }
0x6c: {  	[timem:s3], [sflag:s2] =	dma.local @!p0 [hbm:s0], s1  }
0x6d: {  	s0 =	simm.s32 @!p0 $0x5  }
0x6e: {  	_ =	swait.ge @!p0 [sflag:s0], s1  }
0x6f: {  	s1 =	ssub.s32 @!p0 $0x0, s1;
	[sflag:s0] =	ssyncset.done @!p0 $0x0  }
0x70: {  	[sflag:s0] =	ssyncadd.s32 @!p0 s1  }
0x71: {  	[bflag:$0x3] =	sbarrier.arrive $0xFFFF  }
0x72: {  	_ =	shalt  }

// kernel: kernel.23.cloned.1.call-start
scs
__scs_entry_jumppad:
0x0: {  	(pc) =	sbr.rel $0x88, $3  }
0x1: {  	(tag) =	ssettag $0x0;
	lr =	simm.s32 $0x1  }
0x2: {  	[smem:$0x3F98] =	sst lr;
	_ =	strace $0xD0000000  }
0x3: {  	_ = 	snop  }
0x4: {  	_ = 	snop  }
0x5: {  	_ = 	snop  }
0x6: {  	_ = 	snop  }
0x7: {  	_ = 	snop  }
__scs_overlays_trampoline_lowered:
0x8: {  	[smem:$0x3FA7] =	sst s0  }
0x9: {  	[smem:$0x3FA8] =	sst s1  }
0xa: {  	[smem:$0x3FA9] =	sst s2  }
0xb: {  	[smem:$0x3FAA] =	sst s3  }
0xc: {  	[smem:$0x3FAB] =	sst s4  }
0xd: {  	[smem:$0x3FAC] =	sst s5  }
0xe: {  	[smem:$0x3FAD] =	sst s6  }
0xf: {  	[smem:$0x3FAE] =	sst s7  }
0x10: {  	[smem:$0x3FAF] =	sst s8  }
0x11: {  	[smem:$0x3FB0] =	sst s9;
	s0 =	simm.s32 @!p0 $0x0  }
0x12: {  	s1 =	sld [smem:$0x3F96];
	s0 =	simm.s32 @p0 $0x1  }
0x13: {  	[smem:$0x3FB1] =	sst s0;
	s0 =	simm.s32 @!p1 $0x0  }
0x14: {  	s2 =	sld [smem:$0x3F95];
	s0 =	simm.s32 @p1 $0x1  }
0x15: {  	[smem:$0x3FB2] =	sst s0;
	s0 =	simm.s32 @!p2 $0x0  }
0x16: {  	s3 =	sld [smem:$0x3FDB];
	s0 =	simm.s32 @p2 $0x1  }
0x17: {  	s4 =	simm.s32 $0x1BF5;
	[smem:$0x3FB4] =	sst s0  }
0x18: {  	s0 =	sld [smem:$0x3F97];
	_ =	swait.ge [sflag:s4], $0x0  }
0x19: {  	s7 =	sld [smem:$0x3F98]  }
0x1a: {  	s8 =	sadd.s32 $0xFFFFE003, lr  }
0x1b: {  	s9 =	sadd.s32 $0xFFFFFEF7, lr;
	s5 =	simm.s32 $0xFFFFFFFF;
	p2 =	slt.u32 s8, $0xFFFFF086  }
0x1c: {  	p1 =	slt.u32 s9, $0xF7A;
	s5 =	simm.s32 @!p2 $0x0  }
0x1d: {  	s5 =	simm.s32 @p1 $0x1;
	p0 =	seq.s32 s7, s2  }
0x1e: {  	s7 =	smul.u32 @!p0 $0xF7A, s2;
	p2 =	seq.s32 @!p0 s5, $0x0  }
0x1f: {  	s9 =	smul.u32 $0xF7A, s1;
	s8 =	simm.s32 @!p0 $0x1BF5;
	p2 =	por !p2, p0  }
0x20: {  	[sflag:s8] =	ssyncset.s32 @!p0 $0xFFFFF086;
	s6 =	sadd.s32 @!p0 s3, s7;
	s7 =	simm.s32 @!p0 $0x108  }
0x21: {  	s3 =	sadd.s32 s3, s9;
	s6 =	sadd.s32 @!p0 $0x88, s6;
	s7 =	simm.s32 @p2 $0x1082  }
0x22: {  	[simem:s7], [sflag:s8] =	dma.local @!p0 [hbm:s6], $0xF7A  }
0x23: {  	s9 =	sor.u32 $0xD0000000, s2;
	s6 =	simm.s32 $0x108;
	_ =	swait.ge @!p0 [sflag:s8], $0x0  }
0x24: {  	s3 =	sadd.s32 $0x88, s3;
	s6 =	simm.s32 @!p1 $0x1082;
	[sflag:s4] =	ssyncset.s32 $0xFFFFF086  }
0x25: {  	[simem:s6], [sflag:s4] =	dma.local [hbm:s3], $0xF7A  }
0x26: {  	[smem:$0x3F98] =	sst s1;
	(tag) =	ssettag s2;
	_ =	strace s9  }
0x27: {  	s1 =	sld [smem:$0x3FA8]  }
0x28: {  	s2 =	sld [smem:$0x3FA9]  }
0x29: {  	s4 =	sld [smem:$0x3FAB]  }
0x2a: {  	p0 =	seq.s32 s5, $0x0;
	s5 =	sld [smem:$0x3FAC]  }
0x2b: {  	s6 =	sld [smem:$0x3FAD]  }
0x2c: {  	s7 =	sld [smem:$0x3FAE]  }
0x2d: {  	s3 =	simm.s32 $0x108;
	s8 =	sld [smem:$0x3FAF]  }
0x2e: {  	s3 =	simm.s32 @!p0 $0x1082;
	s9 =	sld [smem:$0x3FB0]  }
0x2f: {  	lr =	sadd.s32 s0, s3;
	s0 =	sld [smem:$0x3FA7]  }
0x30: {  	s3 =	sld [smem:$0x3FAA]  }
0x31: {  	[smem:$0x3FB3] =	sst s10  }
0x32: {  	s10 =	sld [smem:$0x3FB1];
	_ =	sdelay $0x3  }
0x33: {  	p0 =	seq.s32 s10, $0x1;
	s10 =	sld [smem:$0x3FB3];
	_ =	sdelay $0x3  }
0x34: {  	[smem:$0x3FB3] =	sst s10  }
0x35: {  	s10 =	sld [smem:$0x3FB2];
	_ =	sdelay $0x3  }
0x36: {  	p1 =	seq.s32 s10, $0x1;
	s10 =	sld [smem:$0x3FB3];
	_ =	sdelay $0x3  }
0x37: {  	[smem:$0x3FB3] =	sst s10  }
0x38: {  	s10 =	sld [smem:$0x3FB4]  }
0x39: {  	_ = 	snop;
	(pc) =	sbr.ind lr, $3  }
0x3a: {  	_ = 	snop  }
0x3b: {  	_ = 	snop  }
0x3c: {  	p2 =	seq.s32 s10, $0x1;
	s10 =	sld [smem:$0x3FB3]  }
0x3d: {  	_ =	shalt  }
0x3e: {  	_ =	shalt  }
0x3f: {  	_ =	shalt  }
0x40: {  	_ =	shalt  }
0x41: {  	_ =	shalt  }
0x42: {  	_ =	shalt  }
0x43: {  	_ =	shalt  }
0x44: {  	_ =	shalt  }
0x45: {  	_ =	shalt  }
0x46: {  	_ =	shalt  }
0x47: {  	_ =	shalt  }
0x48: {  	_ =	shalt  }
0x49: {  	_ =	shalt  }
0x4a: {  	_ =	shalt  }
0x4b: {  	_ =	shalt  }
0x4c: {  	_ =	shalt  }
0x4d: {  	_ =	shalt  }
0x4e: {  	_ =	shalt  }
0x4f: {  	_ =	shalt  }
0x50: {  	_ =	shalt  }
0x51: {  	_ =	shalt  }
0x52: {  	_ =	shalt  }
0x53: {  	_ =	shalt  }
0x54: {  	_ =	shalt  }
0x55: {  	_ =	shalt  }
0x56: {  	_ =	shalt  }
0x57: {  	_ =	shalt  }
0x58: {  	_ =	shalt  }
0x59: {  	_ =	shalt  }
0x5a: {  	_ =	shalt  }
0x5b: {  	_ =	shalt  }
0x5c: {  	_ =	shalt  }
0x5d: {  	_ =	shalt  }
0x5e: {  	_ =	shalt  }
0x5f: {  	_ =	shalt  }
0x60: {  	_ =	shalt  }
0x61: {  	_ =	shalt  }
0x62: {  	_ =	shalt  }
0x63: {  	_ =	shalt  }
0x64: {  	_ =	shalt  }
0x65: {  	_ =	shalt  }
0x66: {  	_ =	shalt  }
0x67: {  	_ =	shalt  }
0x68: {  	_ =	shalt  }
0x69: {  	_ =	shalt  }
0x6a: {  	_ =	shalt  }
0x6b: {  	_ =	shalt  }
0x6c: {  	_ =	shalt  }
0x6d: {  	_ =	shalt  }
0x6e: {  	_ =	shalt  }
0x6f: {  	_ =	shalt  }
0x70: {  	_ =	shalt  }
0x71: {  	_ =	shalt  }
0x72: {  	_ =	shalt  }
0x73: {  	_ =	shalt  }
0x74: {  	_ =	shalt  }
0x75: {  	_ =	shalt  }
0x76: {  	_ =	shalt  }
0x77: {  	_ =	shalt  }
0x78: {  	_ =	shalt  }
0x79: {  	_ =	shalt  }
0x7a: {  	_ =	shalt  }
0x7b: {  	_ =	shalt  }
0x7c: {  	_ =	shalt  }
0x7d: {  	_ =	shalt  }
0x7e: {  	_ =	shalt  }
0x7f: {  	_ =	shalt  }
0x80: {  	_ =	shalt  }
0x81: {  	_ =	shalt  }
0x82: {  	_ =	shalt  }
0x83: {  	_ =	shalt  }
0x84: {  	_ =	shalt  }
0x85: {  	_ =	shalt  }
0x86: {  	_ =	shalt  }
0x87: {  	_ =	shalt  }
.Lfunc_end0:
.L_simem_size_0:
called_computation.2_lowered:
.L_overlay_start_0:
0x88: {  	s2 =	sld [smem:$0x3FD9]  }
0x89: {  	s3 =	sld [smem:$0x3FFE];
	_ =	sdelay $0x1  }
0x8a: {  	s1 =	srdreg.scid  }
0x8b: {  	s0 =	sand.u32 $0x1, s1  }
0x8c: {  	s17 =	sshll.u32 s0, $0xA;
	s2 =	sadd.s32 s3, s2  }
0x8d: {  	s2 =	sadd.s32 s2, s17  }
0x8e: {  	[smem:$0x3FBF] =	sst s2  }
0x8f: {  	_ = 	snop  }
0x90: {  	s18 =	sld [smem:$0x3FD0];
	(tm) =	ssettm $0x1  }
0x91: {  	s19 =	sld [smem:$0x3FFB];
	_ =	sdelay $0x3  }
0x92: {  	_ =	strace s19  }
0x93: {  	s2 =	sld [smem:$0x3FFC];
	_ =	sdelay $0x3  }
0x94: {  	_ =	strace s2  }
0x95: {  	s2 =	sld [smem:$0x3FFD];
	_ =	sdelay $0x3  }
0x96: {  	_ =	strace s2  }
0x97: {  	_ =	strace $0x8FFFFFFF  }
0x98: {  	s20 =	sld [smem:$0x3FDB];
	_ =	sdelay $0x1  }
0x99: {  	s4 =	simm.s32 $_scs_section_size  }
0x9a: {  	s5 =	simm.s32 $_size__tile_overlayer_lowered;
	s6 =	simm.s32 $_tile_overlayer_lowered  }
0x9b: {  	s7 =	simm.s32 $0x1BFF;
	s21 =	sshll.u32 s6, $0x1;
	s4 =	sadd.s32 s4, s20  }
0x9c: {  	s22 =	simm.s32 $0x0;
	s5 =	sshll.u32 s5, $0x1;
	s6 =	sadd.s32 s21, s4  }
0x9d: {  	[timem:s22], [sflag:s7] =	dma.local [hbm:s6], s5  }
0x9e: {  	_ =	swait.ge [sflag:s7], s5  }
0x9f: {  	s5 =	ssub.s32 $0x0, s5;
	[sflag:s7] =	ssyncset.done $0x0  }
0xa0: {  	[sflag:s7] =	ssyncadd.s32 s5;
	_ =	sdelay $0x1  }
0xa1: {  	s23 =	simm.s32 $0x1B8B  }
0xa2: {  	_ =	swait.ge [sflag:s23], $0x1  }
0xa3: {  	[sflag:s23] =	ssyncset.done $0x0  }
0xa4: {  	[sflag:s23] =	ssyncadd.s32 $0xFFFFFFFF  }
0xa5: {  	s5 =	sld [smem:$0x0]  }
0xa6: {  	s6 =	sand.u32 $0xFFFFFFFE, s1  }
0xa7: {  	p0 =	sne.s32 s1, s6  }
0xa8: {  	s6 =	sshll.u32 @p0 s6, $0xE  }
0xa9: {  	s6 =	sadd.s32 @p0 $0x11B8D, s6;
	s7 =	sshll.u32 @p0 s5, $0x11  }
0xaa: {  	s6 =	sor.u32 @p0 s7, s6  }
0xab: {  	[sflag:s6] =	ssyncadd.remote.s32 @p0 $0x1;
	_ =	sdelay $0x1  }
0xac: {  	s6 =	simm.s32 @p0 $0x1B8D  }
0xad: {  	_ =	swait.eq @p0 [sflag:s6], $0x1  }
0xae: {  	[sflag:s6] =	ssyncadd.s32 @p0 $0xFFFFFFFF  }
0xaf: {  	s7 =	sshll.u32 @!p0 s1, $0xE  }
0xb0: {  	s7 =	sor.u32 @!p0 $0x4000, s7;
	s6 =	simm.s32 @!p0 $0x1B8D  }
0xb1: {  	s5 =	sshll.u32 @!p0 s5, $0x11;
	s7 =	sadd.s32 @!p0 $0x11B8D, s7;
	_ =	swait.eq @!p0 [sflag:s6], $0x1  }
0xb2: {  	s5 =	sor.u32 @!p0 s5, s7;
	[sflag:s6] =	ssyncadd.s32 @!p0 $0xFFFFFFFF  }
0xb3: {  	s25 =	simm.s32 $0x1B8E;
	s24 =	sld [smem:$0x3FFE];
	[sflag:s5] =	ssyncadd.remote.s32 @!p0 $0x1  }
0xb4: {  	s26 =	simm.s32 $execute0_lowered;
	[smem:$0x3FD2] =	sst s25  }
0xb5: {  	s6 =	sshll.u32 s26, $0x1;
	_ =	strace $0x8000004C;
	[dreg:$0x1] =	wrdreg $0xFFFFFFFF  }
0xb6: {  	s28 =	simm.s32 $_size_execute0_lowered;
	s4 =	sadd.s32 s4, s6;
	[dreg:$0x0] =	wrdreg $0x0  }
0xb7: {  	s6 =	sshll.u32 s28, $0x1;
	[dreg:$0x2] =	wrdreg s4  }
0xb8: {  	[dreg:$0x3] =	wrdreg s6  }
0xb9: {  	[dreg:$0x4] =	wrdreg $0xC0  }
0xba: {  	_ =	task [dreg:s22], $0x5FFFF  }
0xbb: {  	[dreg:$0x1] =	wrdreg $0xFFFFFFFF  }
0xbc: {  	[dreg:$0x0] =	wrdreg $0x60  }
0xbd: {  	[dreg:$0x2] =	wrdreg s24  }
0xbe: {  	[dreg:$0x3] =	wrdreg s18  }
0xbf: {  	[dreg:$0x4] =	wrdreg $0xA9000  }
0xc0: {  	[dreg:$0x5] =	wrdreg $0xB  }
0xc1: {  	_ =	task.clear_ibuf [dreg:s22], $0x6FFFF;
	_ =	strace $0x9000004C  }
0xc2: {  	s29 =	simm.s32 $0xB;
	_ =	strace $0x8000004E  }
0xc3: {  	_ =	swait.ge [sflag:s29], $0x1  }
0xc4: {  	[sflag:s29] =	ssyncadd.s32 $0xFFFFFFFF  }
0xc5: {  	_ =	strace $0x9000004E  }
0xc6: {  	_ =	sfence  }
0xc7: {  	s30 =	sld [smem:$0x0];
	_ =	sdelay $0x2  }
0xc8: {  	s31 =	sshll.u32 s1, $0xD;
	s1 =	sshrl.u32 s1, $0x2  }
0xc9: {  	s4 =	sand.u32 $0x4000, s31;
	s1 =	sadd.s32 s1, s30  }
0xca: {  	s0 =	sor.u32 s4, s0;
	s1 =	sshll.u32 s1, $0x11  }
0xcb: {  	s0 =	sor.u32 s1, s0  }
0xcc: {  	s0 =	sadd.s32 $0x8F2B, s0  }
0xcd: {  	[sflag:s0] =	ssyncadd.remote.s32 $0x1  }
0xce: {  	_ =	sfence.sel $0xFFFF  }
0xcf: {  	[dreg:$0x0] =	wrdreg $0xFFFFFFFF;
	(pc) =	sbr.abs _section_cstart, $3  }
0xd0: {  	[dreg:$0x1] =	wrdreg $0xFFFFFFFF  }
0xd1: {  	_ =	task.clear_ibuf [dreg:s22], $0x2FFFF;
	_ =	strace $0x9FFFFFFF  }
0xd2: {  	(tm) =	ssettm $0x7FFFFFFF  }
0xd3: {  	_ =	shalt  }
tec
execute0_lowered:
.L_overlay_start_1:
0x0: {  	(tag) =	ssettag $0x1  }
0x1: {  	s7 =	rddreg [dreg:$0x0];
	s1 =	srdreg.scid  }
0x2: {  	s0 =	stileid.u32;
	s2 =	rddreg [dreg:$0x1]  }
0x3: {  	s3 =	rddreg [dreg:$0x2];
	s4 =	simm.s32 $0x0;
	s17 =	simm.s32 $0x100  }
0x4: {  	s18 =	simm.s32 $0x80;
	s19 =	simm.s32 $0x1;
	s20 =	simm.s32 $0x2900  }
0x5: {  	s21 =	simm.s32 $0x2;
	s22 =	simm.s32 $0x6900;
	s23 =	simm.s32 $0x3  }
0x6: {  	s24 =	simm.s32 $0x4;
	s25 =	simm.s32 $0x0;
	s10 =	smul.u32 $0x14000, s0  }
0x7: {  	s8 =	sand.u32 $0x1, s1;
	s1 =	rddreg [dreg:$0x3];
	s14 =	smul.u32 $0x5200, s0  }
0x8: {  	s29 =	sshll.u32 s0, $0x1;
	[smem:$0x7FF] =	sst s4;
	s11 =	smul.u32 $0x140000, s8  }
0x9: {  	s9 =	sor.u32 s8, s29;
	s13 =	ssub.s32 $0x2, s8;
	s8 =	smul.u32 $0x2900, s8  }
0xa: {  	s5 =	sadd.s32 $0x3C600, s7;
	s31 =	sshll.u32 s0, $0x6;
	s6 =	smul.u32 $0x500, s9  }
0xb: {  	_ =	strace $0x8000004D;
	s9 =	smul.u32 $0x2900, s9;
	s15 =	sshrl.u32 s13, $0x1  }
0xc: {  	s30 =	sadd.s32 s10, s3;
	s11 =	sadd.s32 s10, s11;
	s13 =	ssub.s32 s13, s15  }
0xd: {  	s14 =	sadd.s32 s8, s14;
	s15 =	sshrl.u32 s30, $0x3;
	s12 =	sadd.s32 s6, s7  }
0xe: {  	s6 =	sadd.s32 $0x64600, s7;
	s11 =	sshrl.u32 s11, $0x3;
	s9 =	sshrl.u32 s9, $0x3  }
0xf: {  	s16 =	sadd.s32 $0x180, s14;
	s14 =	sadd.s32 $0x100, s14;
	s11 =	sadd.s32 s11, s7  }
0x10: {  	s7 =	sor.u32 $0x1C05, s31;
	s8 =	sadd.s32 s2, s9;
	s9 =	sadd.s32 $0x4C00, s12  }
0x11: {  	s16 =	sshrl.u32 s16, $0x3;
	s12 =	smax.u32 s13, $0x1;
	s10 =	sadd.s32 $0x10, s8  }
0x12: {  	s11 =	sadd.s32 $0x66E00, s11;
	s13 =	sadd.s32 s16, s2;
	s16 =	simm.s32 $0x5  }
.LBB2_1:
0x13: {  	[spmem:s15], [sflag:s7] =	dma.local [hbm:s6], $0x2800  }
0x14: {  	_ =	swait.ge [sflag:s16], $0x2800  }
0x15: {  	[sflag:s16] =	ssyncset.done $0x0  }
0x16: {  	[sflag:s16] =	ssyncadd.s32 $0xFFFFD800  }
0x17: {  	[tilespmem:s17], [sflag:$0x5] =	stream.linear.gather [hbm4b:s9+s4], $0x2800, $0x38;
	[tilespmem:$0x1E900] =	vst v63  }
0x18: {  	_ =	swait.ge [sflag:s16], $0x2800  }
0x19: {  	[sflag:s16] =	ssyncset.done $0x0  }
0x1a: {  	[sflag:s16] =	ssyncadd.s32 $0xFFFFD800  }
0x1b: {  	[tilespmem:s4], [sflag:$0x1] =	stream.linear.gather [hbm4b:s8+s4], $0x80, $0x38;
	[tilespmem:$0x1E900] =	vst v63  }
0x1c: {  	_ = 	snop  }
0x1d: {  	[tilespmem:s18], [sflag:$0x2] =	stream.linear.gather [hbm4b:s10+s4], $0x80, $0x38;
	[tilespmem:$0x1E900] =	vst v63  }
0x1e: {  	_ =	swait.ge [sflag:s19], $0x80  }
0x1f: {  	[sflag:s19] =	ssyncset.done $0x0  }
0x20: {  	[sflag:s19] =	ssyncadd.s32 $0xFFFFFF80  }
0x21: {  	[tilespmem:s20], [sflag:$0x3] =	stream.indirect.gather [hbm4b:s5+s18], $0x80, s4, s18, $0xb8;
	[tilespmem:$0x1E900] =	vst v63  }
0x22: {  	_ =	swait.ge [sflag:s21], $0x80  }
0x23: {  	[sflag:s21] =	ssyncset.done $0x0  }
0x24: {  	[sflag:s21] =	ssyncadd.s32 $0xFFFFFF80  }
0x25: {  	[tilespmem:s22], [sflag:$0x4] =	stream.indirect.gather [hbm4b:s5+s18], $0x80, s18, s18, $0xb8;
	[tilespmem:$0x1E900] =	vst v63  }
0x26: {  	[bflag:$0x0] =	sbarrier.arrive $0xFFFF  }
0x27: {  	_ =	swait.ge [sflag:s23], $0x4000  }
0x28: {  	[sflag:s23] =	ssyncset.done $0x0  }
0x29: {  	s26 =	simm.s32 $0x100;
	[sflag:s23] =	ssyncadd.s32 $0xFFFFC000  }
0x2a: {  	[spmem:s3] =	stream.indirect.scatter.add.f32 [tilespmem:s20], [sflag:$0x5], $0x80, s26, s18, $0xb8;
	[tilespmem:$0x1E900] =	vst v63  }
0x2b: {  	_ =	swait.ge [sflag:s16], $0x4000  }
0x2c: {  	s31 =	sshrl.u32 s14, $0x3;
	[sflag:s16] =	ssyncset.done $0x0  }
0x2d: {  	s26 =	sadd.s32 s2, s31;
	[sflag:s16] =	ssyncadd.s32 $0xFFFFC000  }
0x2e: {  	[tilespmem:s4], [sflag:$0x5] =	stream.linear.gather [hbm4b:s26+s4], $0x80, $0x38;
	[tilespmem:$0x1E900] =	vst v63  }
0x2f: {  	_ =	swait.ge [sflag:s16], $0x80  }
0x30: {  	[sflag:s16] =	ssyncset.done $0x0  }
0x31: {  	[sflag:s16] =	ssyncadd.s32 $0xFFFFFF80  }
0x32: {  	[tilespmem:s20], [sflag:$0x3] =	stream.indirect.gather [hbm4b:s5+s18], $0x80, s4, s18, $0xb8;
	[tilespmem:$0x1E900] =	vst v63  }
0x33: {  	_ =	swait.ge [sflag:s24], $0x4000  }
0x34: {  	[sflag:s24] =	ssyncset.done $0x0  }
0x35: {  	s30 =	simm.s32 $0x180;
	[sflag:s24] =	ssyncadd.s32 $0xFFFFC000  }
0x36: {  	[spmem:s3] =	stream.indirect.scatter.add.f32 [tilespmem:s22], [sflag:$0x5], $0x80, s30, s18, $0xb8;
	[tilespmem:$0x1E900] =	vst v63  }
0x37: {  	_ =	swait.ge [sflag:s16], $0x4000  }
0x38: {  	[sflag:s16] =	ssyncset.done $0x0  }
0x39: {  	s31 =	sadd.s32 $0x0, s13;
	[sflag:s16] =	ssyncadd.s32 $0xFFFFC000  }
0x3a: {  	[tilespmem:s18], [sflag:$0x5] =	stream.linear.gather [hbm4b:s31+s4], $0x80, $0x38;
	[tilespmem:$0x1E900] =	vst v63  }
0x3b: {  	_ =	swait.ge [sflag:s16], $0x80  }
0x3c: {  	s28 =	sadd.s32 $0x100, s14;
	[sflag:s16] =	ssyncset.done $0x0  }
0x3d: {  	s29 =	simm.s32 $0x280;
	s26 =	simm.s32 $0x20;
	[sflag:s16] =	ssyncadd.s32 $0xFFFFFF80  }
.LBB2_2:
0x3e: {  	[tilespmem:s22], [sflag:$0x4] =	stream.indirect.gather [hbm4b:s5+s18], $0x80, s18, s18, $0xb8;
	[tilespmem:$0x1E900] =	vst v63  }
0x3f: {  	s30 =	smov.u32 s26  }
0x40: {  	p0 =	sne.s32 s26, $0x4E0;
	s26 =	sadd.s32 $0x20, s26;
	_ =	swait.ge [sflag:s23], $0x4000  }
0x41: {  	[sflag:s23] =	ssyncset.done $0x0  }
0x42: {  	s31 =	sadd.s32 $0xFFFFFF80, s29;
	[sflag:s23] =	ssyncadd.s32 $0xFFFFC000  }
0x43: {  	[spmem:s3] =	stream.indirect.scatter.add.f32 [tilespmem:s20], [sflag:$0x5], $0x80, s31, s18, $0xb8;
	[tilespmem:$0x1E900] =	vst v63  }
0x44: {  	_ =	swait.ge [sflag:s16], $0x4000  }
0x45: {  	s31 =	sshrl.u32 s28, $0x3;
	[sflag:s16] =	ssyncset.done $0x0  }
0x46: {  	s31 =	sadd.s32 s2, s31;
	[sflag:s16] =	ssyncadd.s32 $0xFFFFC000  }
0x47: {  	[tilespmem:s4], [sflag:$0x5] =	stream.linear.gather [hbm4b:s31+s4], $0x80, $0x38;
	[tilespmem:$0x1E900] =	vst v63  }
0x48: {  	_ =	swait.ge [sflag:s16], $0x80  }
0x49: {  	[sflag:s16] =	ssyncset.done $0x0  }
0x4a: {  	[sflag:s16] =	ssyncadd.s32 $0xFFFFFF80  }
0x4b: {  	[tilespmem:s20], [sflag:$0x3] =	stream.indirect.gather [hbm4b:s5+s18], $0x80, s4, s18, $0xb8;
	[tilespmem:$0x1E900] =	vst v63  }
0x4c: {  	_ =	swait.ge [sflag:s24], $0x4000  }
0x4d: {  	[sflag:s24] =	ssyncset.done $0x0  }
0x4e: {  	[sflag:s24] =	ssyncadd.s32 $0xFFFFC000  }
0x4f: {  	[spmem:s3] =	stream.indirect.scatter.add.f32 [tilespmem:s22], [sflag:$0x5], $0x80, s29, s18, $0xb8;
	[tilespmem:$0x1E900] =	vst v63  }
0x50: {  	_ =	swait.ge [sflag:s16], $0x4000  }
0x51: {  	[sflag:s16] =	ssyncset.done $0x0  }
.Ltmp0:
0x52: {  	s30 =	sadd.s32 s30, s13;
	[sflag:s16] =	ssyncadd.s32 $0xFFFFC000;
	(pc) =	sbr.rel @p0 .LBB2_2-.Ltmp0, $4  }
0x53: {  	[tilespmem:s18], [sflag:$0x5] =	stream.linear.gather [hbm4b:s30+s4], $0x80, $0x38;
	[tilespmem:$0x1E900] =	vst v63  }
0x54: {  	_ =	swait.ge [sflag:s16], $0x80  }
0x55: {  	[sflag:s16] =	ssyncset.done $0x0  }
0x56: {  	s28 =	sadd.s32 $0x100, s28;
	s29 =	sadd.s32 $0x100, s29;
	[sflag:s16] =	ssyncadd.s32 $0xFFFFFF80  }
0x57: {  	[tilespmem:s22], [sflag:$0x4] =	stream.indirect.gather [hbm4b:s5+s18], $0x80, s18, s18, $0xb8;
	[tilespmem:$0x1E900] =	vst v63  }
0x58: {  	_ =	swait.ge [sflag:s23], $0x4000  }
0x59: {  	[sflag:s23] =	ssyncset.done $0x0  }
0x5a: {  	[sflag:s23] =	ssyncadd.s32 $0xFFFFC000  }
0x5b: {  	_ =	swait.ge [sflag:s24], $0x4000  }
0x5c: {  	s25 =	sadd.s32 $0x1, s25;
	[sflag:s24] =	ssyncset.done $0x0  }
0x5d: {  	p0 =	sne.s32 s25, s12;
	[sflag:s24] =	ssyncadd.s32 $0xFFFFC000  }
.Ltmp1:
0x5e: {  	[bflag:$0x0] =	sbarrier.arrive $0xFFFF;
	(pc) =	sbr.rel @p0 .LBB2_1-.Ltmp1, $4  }
0x5f: {  	[hbm:s11], [sflag:s7] =	dma.local [spmem:s15], $0x2800  }
0x60: {  	_ =	swait.ge [sflag:s16], $0x2800  }
0x61: {  	[sflag:s16] =	ssyncset.done $0x0  }
0x62: {  	[sflag:s16] =	ssyncadd.s32 $0xFFFFD800  }
0x63: {  	_ =	sfence.sel $0x180000  }
0x64: {  	[bflag:$0x0] =	sbarrier.arrive $0xFFFF  }
0x65: {  	p0 =	sne.s32 s0, $0x0;
	_ =	strace $0x9000004D  }
0x66: {  	s0 =	sadd.s32 @!p0 $0x100000, s1;
	[bflag:$0x2] =	sbarrier.arrive $0xFFFF  }
0x67: {  	[sflag:s0] =	ssyncadd.tile.s32 @!p0 $0x1;
	_ =	shalt  }
.Lfunc_end2:
_tile_overlayer_lowered:
.L_overlay_start_2:
0x68: {  	(tag) =	ssettag $0x2  }
0x69: {  	s0 =	rddreg [dreg:$0x0];
	s2 =	stileid.u32  }
0x6a: {  	s1 =	rddreg [dreg:$0x1];
	p0 =	sne.s32 s2, $0x0  }
0x6b: {  	s3 =	rddreg [dreg:$0x2];
	[bflag:$0x3] =	sbarrier.arrive $0xFFFF;
	s2 =	simm.s32 @!p0 $0x1C05  }
0x6c: {  	[timem:s3], [sflag:s2] =	dma.local @!p0 [hbm:s0], s1  }
0x6d: {  	s0 =	simm.s32 @!p0 $0x5  }
0x6e: {  	_ =	swait.ge @!p0 [sflag:s0], s1  }
0x6f: {  	s1 =	ssub.s32 @!p0 $0x0, s1;
	[sflag:s0] =	ssyncset.done @!p0 $0x0  }
0x70: {  	[sflag:s0] =	ssyncadd.s32 @!p0 s1  }
0x71: {  	[bflag:$0x3] =	sbarrier.arrive $0xFFFF  }
0x72: {  	_ =	shalt  }

// kernel: kernel.26.cloned.1.call-start
scs
__scs_entry_jumppad:
0x0: {  	(pc) =	sbr.rel $0x88, $3  }
0x1: {  	(tag) =	ssettag $0x0;
	lr =	simm.s32 $0x1  }
0x2: {  	[smem:$0x3F98] =	sst lr;
	_ =	strace $0xD0000000  }
0x3: {  	_ = 	snop  }
0x4: {  	_ = 	snop  }
0x5: {  	_ = 	snop  }
0x6: {  	_ = 	snop  }
0x7: {  	_ = 	snop  }
__scs_overlays_trampoline_lowered:
0x8: {  	[smem:$0x3FA7] =	sst s0  }
0x9: {  	[smem:$0x3FA8] =	sst s1  }
0xa: {  	[smem:$0x3FA9] =	sst s2  }
0xb: {  	[smem:$0x3FAA] =	sst s3  }
0xc: {  	[smem:$0x3FAB] =	sst s4  }
0xd: {  	[smem:$0x3FAC] =	sst s5  }
0xe: {  	[smem:$0x3FAD] =	sst s6  }
0xf: {  	[smem:$0x3FAE] =	sst s7  }
0x10: {  	[smem:$0x3FAF] =	sst s8  }
0x11: {  	[smem:$0x3FB0] =	sst s9;
	s0 =	simm.s32 @!p0 $0x0  }
0x12: {  	s1 =	sld [smem:$0x3F96];
	s0 =	simm.s32 @p0 $0x1  }
0x13: {  	[smem:$0x3FB1] =	sst s0;
	s0 =	simm.s32 @!p1 $0x0  }
0x14: {  	s2 =	sld [smem:$0x3F95];
	s0 =	simm.s32 @p1 $0x1  }
0x15: {  	[smem:$0x3FB2] =	sst s0;
	s0 =	simm.s32 @!p2 $0x0  }
0x16: {  	s3 =	sld [smem:$0x3FDB];
	s0 =	simm.s32 @p2 $0x1  }
0x17: {  	s4 =	simm.s32 $0x1BF5;
	[smem:$0x3FB4] =	sst s0  }
0x18: {  	s0 =	sld [smem:$0x3F97];
	_ =	swait.ge [sflag:s4], $0x0  }
0x19: {  	s7 =	sld [smem:$0x3F98]  }
0x1a: {  	s8 =	sadd.s32 $0xFFFFE003, lr  }
0x1b: {  	s9 =	sadd.s32 $0xFFFFFEF7, lr;
	s5 =	simm.s32 $0xFFFFFFFF;
	p2 =	slt.u32 s8, $0xFFFFF086  }
0x1c: {  	p1 =	slt.u32 s9, $0xF7A;
	s5 =	simm.s32 @!p2 $0x0  }
0x1d: {  	s5 =	simm.s32 @p1 $0x1;
	p0 =	seq.s32 s7, s2  }
0x1e: {  	s7 =	smul.u32 @!p0 $0xF7A, s2;
	p2 =	seq.s32 @!p0 s5, $0x0  }
0x1f: {  	s9 =	smul.u32 $0xF7A, s1;
	s8 =	simm.s32 @!p0 $0x1BF5;
	p2 =	por !p2, p0  }
0x20: {  	[sflag:s8] =	ssyncset.s32 @!p0 $0xFFFFF086;
	s6 =	sadd.s32 @!p0 s3, s7;
	s7 =	simm.s32 @!p0 $0x108  }
0x21: {  	s3 =	sadd.s32 s3, s9;
	s6 =	sadd.s32 @!p0 $0x88, s6;
	s7 =	simm.s32 @p2 $0x1082  }
0x22: {  	[simem:s7], [sflag:s8] =	dma.local @!p0 [hbm:s6], $0xF7A  }
0x23: {  	s9 =	sor.u32 $0xD0000000, s2;
	s6 =	simm.s32 $0x108;
	_ =	swait.ge @!p0 [sflag:s8], $0x0  }
0x24: {  	s3 =	sadd.s32 $0x88, s3;
	s6 =	simm.s32 @!p1 $0x1082;
	[sflag:s4] =	ssyncset.s32 $0xFFFFF086  }
0x25: {  	[simem:s6], [sflag:s4] =	dma.local [hbm:s3], $0xF7A  }
0x26: {  	[smem:$0x3F98] =	sst s1;
	(tag) =	ssettag s2;
	_ =	strace s9  }
0x27: {  	s1 =	sld [smem:$0x3FA8]  }
0x28: {  	s2 =	sld [smem:$0x3FA9]  }
0x29: {  	s4 =	sld [smem:$0x3FAB]  }
0x2a: {  	p0 =	seq.s32 s5, $0x0;
	s5 =	sld [smem:$0x3FAC]  }
0x2b: {  	s6 =	sld [smem:$0x3FAD]  }
0x2c: {  	s7 =	sld [smem:$0x3FAE]  }
0x2d: {  	s3 =	simm.s32 $0x108;
	s8 =	sld [smem:$0x3FAF]  }
0x2e: {  	s3 =	simm.s32 @!p0 $0x1082;
	s9 =	sld [smem:$0x3FB0]  }
0x2f: {  	lr =	sadd.s32 s0, s3;
	s0 =	sld [smem:$0x3FA7]  }
0x30: {  	s3 =	sld [smem:$0x3FAA]  }
0x31: {  	[smem:$0x3FB3] =	sst s10  }
0x32: {  	s10 =	sld [smem:$0x3FB1];
	_ =	sdelay $0x3  }
0x33: {  	p0 =	seq.s32 s10, $0x1;
	s10 =	sld [smem:$0x3FB3];
	_ =	sdelay $0x3  }
0x34: {  	[smem:$0x3FB3] =	sst s10  }
0x35: {  	s10 =	sld [smem:$0x3FB2];
	_ =	sdelay $0x3  }
0x36: {  	p1 =	seq.s32 s10, $0x1;
	s10 =	sld [smem:$0x3FB3];
	_ =	sdelay $0x3  }
0x37: {  	[smem:$0x3FB3] =	sst s10  }
0x38: {  	s10 =	sld [smem:$0x3FB4]  }
0x39: {  	_ = 	snop;
	(pc) =	sbr.ind lr, $3  }
0x3a: {  	_ = 	snop  }
0x3b: {  	_ = 	snop  }
0x3c: {  	p2 =	seq.s32 s10, $0x1;
	s10 =	sld [smem:$0x3FB3]  }
0x3d: {  	_ =	shalt  }
0x3e: {  	_ =	shalt  }
0x3f: {  	_ =	shalt  }
0x40: {  	_ =	shalt  }
0x41: {  	_ =	shalt  }
0x42: {  	_ =	shalt  }
0x43: {  	_ =	shalt  }
0x44: {  	_ =	shalt  }
0x45: {  	_ =	shalt  }
0x46: {  	_ =	shalt  }
0x47: {  	_ =	shalt  }
0x48: {  	_ =	shalt  }
0x49: {  	_ =	shalt  }
0x4a: {  	_ =	shalt  }
0x4b: {  	_ =	shalt  }
0x4c: {  	_ =	shalt  }
0x4d: {  	_ =	shalt  }
0x4e: {  	_ =	shalt  }
0x4f: {  	_ =	shalt  }
0x50: {  	_ =	shalt  }
0x51: {  	_ =	shalt  }
0x52: {  	_ =	shalt  }
0x53: {  	_ =	shalt  }
0x54: {  	_ =	shalt  }
0x55: {  	_ =	shalt  }
0x56: {  	_ =	shalt  }
0x57: {  	_ =	shalt  }
0x58: {  	_ =	shalt  }
0x59: {  	_ =	shalt  }
0x5a: {  	_ =	shalt  }
0x5b: {  	_ =	shalt  }
0x5c: {  	_ =	shalt  }
0x5d: {  	_ =	shalt  }
0x5e: {  	_ =	shalt  }
0x5f: {  	_ =	shalt  }
0x60: {  	_ =	shalt  }
0x61: {  	_ =	shalt  }
0x62: {  	_ =	shalt  }
0x63: {  	_ =	shalt  }
0x64: {  	_ =	shalt  }
0x65: {  	_ =	shalt  }
0x66: {  	_ =	shalt  }
0x67: {  	_ =	shalt  }
0x68: {  	_ =	shalt  }
0x69: {  	_ =	shalt  }
0x6a: {  	_ =	shalt  }
0x6b: {  	_ =	shalt  }
0x6c: {  	_ =	shalt  }
0x6d: {  	_ =	shalt  }
0x6e: {  	_ =	shalt  }
0x6f: {  	_ =	shalt  }
0x70: {  	_ =	shalt  }
0x71: {  	_ =	shalt  }
0x72: {  	_ =	shalt  }
0x73: {  	_ =	shalt  }
0x74: {  	_ =	shalt  }
0x75: {  	_ =	shalt  }
0x76: {  	_ =	shalt  }
0x77: {  	_ =	shalt  }
0x78: {  	_ =	shalt  }
0x79: {  	_ =	shalt  }
0x7a: {  	_ =	shalt  }
0x7b: {  	_ =	shalt  }
0x7c: {  	_ =	shalt  }
0x7d: {  	_ =	shalt  }
0x7e: {  	_ =	shalt  }
0x7f: {  	_ =	shalt  }
0x80: {  	_ =	shalt  }
0x81: {  	_ =	shalt  }
0x82: {  	_ =	shalt  }
0x83: {  	_ =	shalt  }
0x84: {  	_ =	shalt  }
0x85: {  	_ =	shalt  }
0x86: {  	_ =	shalt  }
0x87: {  	_ =	shalt  }
.Lfunc_end0:
.L_simem_size_0:
called_computation.3_lowered:
.L_overlay_start_0:
0x88: {  	s2 =	sld [smem:$0x3FD9]  }
0x89: {  	s3 =	sld [smem:$0x3FFE];
	_ =	sdelay $0x1  }
0x8a: {  	s1 =	srdreg.scid  }
0x8b: {  	s0 =	sand.u32 $0x1, s1  }
0x8c: {  	s16 =	sshll.u32 s0, $0xA;
	s2 =	sadd.s32 s3, s2  }
0x8d: {  	s2 =	sadd.s32 s2, s16  }
0x8e: {  	[smem:$0x3FBF] =	sst s2  }
0x8f: {  	_ = 	snop  }
0x90: {  	(tm) =	ssettm $0x1  }
0x91: {  	s17 =	sld [smem:$0x3FFB];
	_ =	sdelay $0x3  }
0x92: {  	_ =	strace s17  }
0x93: {  	s2 =	sld [smem:$0x3FFC];
	_ =	sdelay $0x3  }
0x94: {  	_ =	strace s2  }
0x95: {  	s2 =	sld [smem:$0x3FFD];
	_ =	sdelay $0x3  }
0x96: {  	_ =	strace s2  }
0x97: {  	_ =	strace $0x8FFFFFFF  }
0x98: {  	s18 =	sld [smem:$0x3FDB];
	_ =	sdelay $0x1  }
0x99: {  	s19 =	simm.s32 $_scs_section_size  }
0x9a: {  	s4 =	simm.s32 $_size__tile_overlayer_lowered;
	s5 =	simm.s32 $_tile_overlayer_lowered  }
0x9b: {  	s22 =	simm.s32 $0x1BFF;
	s21 =	sshll.u32 s5, $0x1;
	s2 =	sadd.s32 s19, s18  }
0x9c: {  	s6 =	simm.s32 $0x0;
	s20 =	sshll.u32 s4, $0x1;
	s4 =	sadd.s32 s21, s2  }
0x9d: {  	[timem:s6], [sflag:s22] =	dma.local [hbm:s4], s20  }
0x9e: {  	_ =	swait.ge [sflag:s22], s20  }
0x9f: {  	s3 =	ssub.s32 $0x0, s20;
	[sflag:s22] =	ssyncset.done $0x0  }
0xa0: {  	[sflag:s22] =	ssyncadd.s32 s3;
	_ =	sdelay $0x1  }
0xa1: {  	s23 =	simm.s32 $0x1B8B  }
0xa2: {  	_ =	swait.ge [sflag:s23], $0x1  }
0xa3: {  	[sflag:s23] =	ssyncset.done $0x0  }
0xa4: {  	s25 =	simm.s32 $0x1B8E;
	s24 =	sld [smem:$0x3FFE];
	[sflag:s23] =	ssyncadd.s32 $0xFFFFFFFF  }
0xa5: {  	s26 =	simm.s32 $execute0_lowered;
	[smem:$0x3FD2] =	sst s25  }
0xa6: {  	s4 =	sshll.u32 s26, $0x1;
	_ =	strace $0x8000004F;
	[dreg:$0x1] =	wrdreg $0xFFFFFFFF  }
0xa7: {  	s28 =	simm.s32 $_size_execute0_lowered;
	s2 =	sadd.s32 s2, s4;
	[dreg:$0x0] =	wrdreg $0x0  }
0xa8: {  	s4 =	sshll.u32 s28, $0x1;
	[dreg:$0x2] =	wrdreg s2  }
0xa9: {  	[dreg:$0x3] =	wrdreg s4  }
0xaa: {  	[dreg:$0x4] =	wrdreg $0xC0  }
0xab: {  	_ =	task [dreg:s6], $0x5FFFF  }
0xac: {  	[dreg:$0x1] =	wrdreg $0xFFFFFFFF  }
0xad: {  	[dreg:$0x0] =	wrdreg $0x60  }
0xae: {  	[dreg:$0x2] =	wrdreg s24  }
0xaf: {  	[dreg:$0x3] =	wrdreg $0xA9000  }
0xb0: {  	[dreg:$0x4] =	wrdreg $0x9  }
0xb1: {  	_ =	task.clear_ibuf [dreg:s6], $0x5FFFF;
	_ =	strace $0x9000004F  }
0xb2: {  	s29 =	simm.s32 $0x9;
	_ =	strace $0x80000051  }
0xb3: {  	_ =	swait.ge [sflag:s29], $0x1  }
0xb4: {  	[sflag:s29] =	ssyncadd.s32 $0xFFFFFFFF  }
0xb5: {  	_ =	strace $0x90000051  }
0xb6: {  	_ =	sfence  }
0xb7: {  	s30 =	sld [smem:$0x0];
	_ =	sdelay $0x2  }
0xb8: {  	s31 =	sshll.u32 s1, $0xD;
	s1 =	sshrl.u32 s1, $0x2  }
0xb9: {  	s3 =	sand.u32 $0x4000, s31;
	s1 =	sadd.s32 s1, s30  }
0xba: {  	s0 =	sor.u32 s3, s0;
	s1 =	sshll.u32 s1, $0x11  }
0xbb: {  	s0 =	sor.u32 s1, s0  }
0xbc: {  	s0 =	sadd.s32 $0x8F2B, s0  }
0xbd: {  	[sflag:s0] =	ssyncadd.remote.s32 $0x1  }
0xbe: {  	_ =	sfence.sel $0xFFFF  }
0xbf: {  	[dreg:$0x0] =	wrdreg $0xFFFFFFFF;
	(pc) =	sbr.abs _section_cstart, $3  }
0xc0: {  	[dreg:$0x1] =	wrdreg $0xFFFFFFFF  }
0xc1: {  	_ =	task.clear_ibuf [dreg:s6], $0x2FFFF;
	_ =	strace $0x9FFFFFFF  }
0xc2: {  	(tm) =	ssettm $0x7FFFFFFF  }
0xc3: {  	_ =	shalt  }
tec
execute0_lowered:
.L_overlay_start_1:
0x0: {  	(tag) =	ssettag $0x1  }
0x1: {  	s7 =	rddreg [dreg:$0x0];
	s1 =	srdreg.scid  }
0x2: {  	s0 =	stileid.u32;
	s2 =	rddreg [dreg:$0x1]  }
0x3: {  	s3 =	simm.s32 $0x0;
	s17 =	simm.s32 $0x100;
	s18 =	simm.s32 $0x80  }
0x4: {  	s19 =	simm.s32 $0x1;
	s20 =	simm.s32 $0x2900;
	s21 =	simm.s32 $0x2  }
0x5: {  	s22 =	simm.s32 $0x6900;
	s23 =	simm.s32 $0x3;
	s24 =	simm.s32 $0x4  }
0x6: {  	s25 =	simm.s32 $0x0;
	s8 =	sand.u32 $0x1, s1;
	s10 =	smul.u32 $0x14000, s0  }
0x7: {  	s4 =	sshll.u32 s0, $0x1;
	s1 =	rddreg [dreg:$0x2];
	s14 =	smul.u32 $0x5200, s0  }
0x8: {  	[smem:$0x7FF] =	sst s3;
	s5 =	sadd.s32 $0xEC00, s7;
	s11 =	smul.u32 $0x140000, s8  }
0x9: {  	s9 =	sor.u32 s8, s4;
	s13 =	ssub.s32 $0x2, s8;
	s8 =	smul.u32 $0x2900, s8  }
0xa: {  	s31 =	sshll.u32 s0, $0x6;
	_ =	strace $0x80000050;
	s6 =	smul.u32 $0x500, s9  }
0xb: {  	s4 =	sadd.s32 $0x32600, s7;
	s9 =	smul.u32 $0x2900, s9;
	s15 =	sshrl.u32 s13, $0x1  }
0xc: {  	s30 =	sadd.s32 s10, s2;
	s11 =	sadd.s32 s10, s11;
	s13 =	ssub.s32 s13, s15  }
0xd: {  	s14 =	sadd.s32 s8, s14;
	s15 =	sshrl.u32 s30, $0x3;
	s12 =	sadd.s32 s6, s7  }
0xe: {  	s6 =	sadd.s32 $0x64600, s7;
	s11 =	sshrl.u32 s11, $0x3;
	s9 =	sshrl.u32 s9, $0x3  }
0xf: {  	s16 =	sadd.s32 $0x180, s14;
	s14 =	sadd.s32 $0x100, s14;
	s11 =	sadd.s32 s11, s7  }
0x10: {  	s7 =	sor.u32 $0x1C05, s31;
	s8 =	sadd.s32 s5, s9;
	s9 =	sadd.s32 $0x28600, s12  }
0x11: {  	s16 =	sshrl.u32 s16, $0x3;
	s12 =	smax.u32 s13, $0x1;
	s10 =	sadd.s32 $0x10, s8  }
0x12: {  	s11 =	sadd.s32 $0x66E00, s11;
	s13 =	sadd.s32 s16, s5;
	s16 =	simm.s32 $0x5  }
.LBB2_1:
0x13: {  	[spmem:s15], [sflag:s7] =	dma.local [hbm:s6], $0x2800  }
0x14: {  	_ =	swait.ge [sflag:s16], $0x2800  }
0x15: {  	[sflag:s16] =	ssyncset.done $0x0  }
0x16: {  	[sflag:s16] =	ssyncadd.s32 $0xFFFFD800  }
0x17: {  	[tilespmem:s17], [sflag:$0x5] =	stream.linear.gather [hbm4b:s9+s3], $0x2800, $0x38;
	[tilespmem:$0x1E900] =	vst v63  }
0x18: {  	_ =	swait.ge [sflag:s16], $0x2800  }
0x19: {  	[sflag:s16] =	ssyncset.done $0x0  }
0x1a: {  	[sflag:s16] =	ssyncadd.s32 $0xFFFFD800  }
0x1b: {  	[tilespmem:s3], [sflag:$0x1] =	stream.linear.gather [hbm4b:s8+s3], $0x80, $0x38;
	[tilespmem:$0x1E900] =	vst v63  }
0x1c: {  	_ = 	snop  }
0x1d: {  	[tilespmem:s18], [sflag:$0x2] =	stream.linear.gather [hbm4b:s10+s3], $0x80, $0x38;
	[tilespmem:$0x1E900] =	vst v63  }
0x1e: {  	_ =	swait.ge [sflag:s19], $0x80  }
0x1f: {  	[sflag:s19] =	ssyncset.done $0x0  }
0x20: {  	[sflag:s19] =	ssyncadd.s32 $0xFFFFFF80  }
0x21: {  	[tilespmem:s20], [sflag:$0x3] =	stream.indirect.gather [hbm4b:s4+s18], $0x80, s3, s18, $0xb8;
	[tilespmem:$0x1E900] =	vst v63  }
0x22: {  	_ =	swait.ge [sflag:s21], $0x80  }
0x23: {  	[sflag:s21] =	ssyncset.done $0x0  }
0x24: {  	[sflag:s21] =	ssyncadd.s32 $0xFFFFFF80  }
0x25: {  	[tilespmem:s22], [sflag:$0x4] =	stream.indirect.gather [hbm4b:s4+s18], $0x80, s18, s18, $0xb8;
	[tilespmem:$0x1E900] =	vst v63  }
0x26: {  	[bflag:$0x0] =	sbarrier.arrive $0xFFFF  }
0x27: {  	_ =	swait.ge [sflag:s23], $0x4000  }
0x28: {  	[sflag:s23] =	ssyncset.done $0x0  }
0x29: {  	s26 =	simm.s32 $0x100;
	[sflag:s23] =	ssyncadd.s32 $0xFFFFC000  }
0x2a: {  	[spmem:s2] =	stream.indirect.scatter.add.f32 [tilespmem:s20], [sflag:$0x5], $0x80, s26, s18, $0xb8;
	[tilespmem:$0x1E900] =	vst v63  }
0x2b: {  	_ =	swait.ge [sflag:s16], $0x4000  }
0x2c: {  	s31 =	sshrl.u32 s14, $0x3;
	[sflag:s16] =	ssyncset.done $0x0  }
0x2d: {  	s26 =	sadd.s32 s5, s31;
	[sflag:s16] =	ssyncadd.s32 $0xFFFFC000  }
0x2e: {  	[tilespmem:s3], [sflag:$0x5] =	stream.linear.gather [hbm4b:s26+s3], $0x80, $0x38;
	[tilespmem:$0x1E900] =	vst v63  }
0x2f: {  	_ =	swait.ge [sflag:s16], $0x80  }
0x30: {  	[sflag:s16] =	ssyncset.done $0x0  }
0x31: {  	[sflag:s16] =	ssyncadd.s32 $0xFFFFFF80  }
0x32: {  	[tilespmem:s20], [sflag:$0x3] =	stream.indirect.gather [hbm4b:s4+s18], $0x80, s3, s18, $0xb8;
	[tilespmem:$0x1E900] =	vst v63  }
0x33: {  	_ =	swait.ge [sflag:s24], $0x4000  }
0x34: {  	[sflag:s24] =	ssyncset.done $0x0  }
0x35: {  	s30 =	simm.s32 $0x180;
	[sflag:s24] =	ssyncadd.s32 $0xFFFFC000  }
0x36: {  	[spmem:s2] =	stream.indirect.scatter.add.f32 [tilespmem:s22], [sflag:$0x5], $0x80, s30, s18, $0xb8;
	[tilespmem:$0x1E900] =	vst v63  }
0x37: {  	_ =	swait.ge [sflag:s16], $0x4000  }
0x38: {  	[sflag:s16] =	ssyncset.done $0x0  }
0x39: {  	s31 =	sadd.s32 $0x0, s13;
	[sflag:s16] =	ssyncadd.s32 $0xFFFFC000  }
0x3a: {  	[tilespmem:s18], [sflag:$0x5] =	stream.linear.gather [hbm4b:s31+s3], $0x80, $0x38;
	[tilespmem:$0x1E900] =	vst v63  }
0x3b: {  	_ =	swait.ge [sflag:s16], $0x80  }
0x3c: {  	s28 =	sadd.s32 $0x100, s14;
	[sflag:s16] =	ssyncset.done $0x0  }
0x3d: {  	s29 =	simm.s32 $0x280;
	s26 =	simm.s32 $0x20;
	[sflag:s16] =	ssyncadd.s32 $0xFFFFFF80  }
.LBB2_2:
0x3e: {  	[tilespmem:s22], [sflag:$0x4] =	stream.indirect.gather [hbm4b:s4+s18], $0x80, s18, s18, $0xb8;
	[tilespmem:$0x1E900] =	vst v63  }
0x3f: {  	s30 =	smov.u32 s26  }
0x40: {  	p0 =	sne.s32 s26, $0x4E0;
	s26 =	sadd.s32 $0x20, s26;
	_ =	swait.ge [sflag:s23], $0x4000  }
0x41: {  	[sflag:s23] =	ssyncset.done $0x0  }
0x42: {  	s31 =	sadd.s32 $0xFFFFFF80, s29;
	[sflag:s23] =	ssyncadd.s32 $0xFFFFC000  }
0x43: {  	[spmem:s2] =	stream.indirect.scatter.add.f32 [tilespmem:s20], [sflag:$0x5], $0x80, s31, s18, $0xb8;
	[tilespmem:$0x1E900] =	vst v63  }
0x44: {  	_ =	swait.ge [sflag:s16], $0x4000  }
0x45: {  	s31 =	sshrl.u32 s28, $0x3;
	[sflag:s16] =	ssyncset.done $0x0  }
0x46: {  	s31 =	sadd.s32 s5, s31;
	[sflag:s16] =	ssyncadd.s32 $0xFFFFC000  }
0x47: {  	[tilespmem:s3], [sflag:$0x5] =	stream.linear.gather [hbm4b:s31+s3], $0x80, $0x38;
	[tilespmem:$0x1E900] =	vst v63  }
0x48: {  	_ =	swait.ge [sflag:s16], $0x80  }
0x49: {  	[sflag:s16] =	ssyncset.done $0x0  }
0x4a: {  	[sflag:s16] =	ssyncadd.s32 $0xFFFFFF80  }
0x4b: {  	[tilespmem:s20], [sflag:$0x3] =	stream.indirect.gather [hbm4b:s4+s18], $0x80, s3, s18, $0xb8;
	[tilespmem:$0x1E900] =	vst v63  }
0x4c: {  	_ =	swait.ge [sflag:s24], $0x4000  }
0x4d: {  	[sflag:s24] =	ssyncset.done $0x0  }
0x4e: {  	[sflag:s24] =	ssyncadd.s32 $0xFFFFC000  }
0x4f: {  	[spmem:s2] =	stream.indirect.scatter.add.f32 [tilespmem:s22], [sflag:$0x5], $0x80, s29, s18, $0xb8;
	[tilespmem:$0x1E900] =	vst v63  }
0x50: {  	_ =	swait.ge [sflag:s16], $0x4000  }
0x51: {  	[sflag:s16] =	ssyncset.done $0x0  }
.Ltmp0:
0x52: {  	s30 =	sadd.s32 s30, s13;
	[sflag:s16] =	ssyncadd.s32 $0xFFFFC000;
	(pc) =	sbr.rel @p0 .LBB2_2-.Ltmp0, $4  }
0x53: {  	[tilespmem:s18], [sflag:$0x5] =	stream.linear.gather [hbm4b:s30+s3], $0x80, $0x38;
	[tilespmem:$0x1E900] =	vst v63  }
0x54: {  	_ =	swait.ge [sflag:s16], $0x80  }
0x55: {  	[sflag:s16] =	ssyncset.done $0x0  }
0x56: {  	s28 =	sadd.s32 $0x100, s28;
	s29 =	sadd.s32 $0x100, s29;
	[sflag:s16] =	ssyncadd.s32 $0xFFFFFF80  }
0x57: {  	[tilespmem:s22], [sflag:$0x4] =	stream.indirect.gather [hbm4b:s4+s18], $0x80, s18, s18, $0xb8;
	[tilespmem:$0x1E900] =	vst v63  }
0x58: {  	_ =	swait.ge [sflag:s23], $0x4000  }
0x59: {  	[sflag:s23] =	ssyncset.done $0x0  }
0x5a: {  	[sflag:s23] =	ssyncadd.s32 $0xFFFFC000  }
0x5b: {  	_ =	swait.ge [sflag:s24], $0x4000  }
0x5c: {  	s25 =	sadd.s32 $0x1, s25;
	[sflag:s24] =	ssyncset.done $0x0  }
0x5d: {  	p0 =	sne.s32 s25, s12;
	[sflag:s24] =	ssyncadd.s32 $0xFFFFC000  }
.Ltmp1:
0x5e: {  	[bflag:$0x0] =	sbarrier.arrive $0xFFFF;
	(pc) =	sbr.rel @p0 .LBB2_1-.Ltmp1, $4  }
0x5f: {  	[hbm:s11], [sflag:s7] =	dma.local [spmem:s15], $0x2800  }
0x60: {  	_ =	swait.ge [sflag:s16], $0x2800  }
0x61: {  	[sflag:s16] =	ssyncset.done $0x0  }
0x62: {  	[sflag:s16] =	ssyncadd.s32 $0xFFFFD800  }
0x63: {  	_ =	sfence.sel $0x180000  }
0x64: {  	[bflag:$0x0] =	sbarrier.arrive $0xFFFF  }
0x65: {  	p0 =	sne.s32 s0, $0x0;
	_ =	strace $0x90000050  }
0x66: {  	s0 =	sadd.s32 @!p0 $0x100000, s1;
	[bflag:$0x2] =	sbarrier.arrive $0xFFFF  }
0x67: {  	[sflag:s0] =	ssyncadd.tile.s32 @!p0 $0x1;
	_ =	shalt  }
.Lfunc_end2:
_tile_overlayer_lowered:
.L_overlay_start_2:
0x68: {  	(tag) =	ssettag $0x2  }
0x69: {  	s0 =	rddreg [dreg:$0x0];
	s2 =	stileid.u32  }
0x6a: {  	s1 =	rddreg [dreg:$0x1];
	p0 =	sne.s32 s2, $0x0  }
0x6b: {  	s3 =	rddreg [dreg:$0x2];
	[bflag:$0x3] =	sbarrier.arrive $0xFFFF;
	s2 =	simm.s32 @!p0 $0x1C05  }
0x6c: {  	[timem:s3], [sflag:s2] =	dma.local @!p0 [hbm:s0], s1  }
0x6d: {  	s0 =	simm.s32 @!p0 $0x5  }
0x6e: {  	_ =	swait.ge @!p0 [sflag:s0], s1  }
0x6f: {  	s1 =	ssub.s32 @!p0 $0x0, s1;
	[sflag:s0] =	ssyncset.done @!p0 $0x0  }
0x70: {  	[sflag:s0] =	ssyncadd.s32 @!p0 s1  }
0x71: {  	[bflag:$0x3] =	sbarrier.arrive $0xFFFF  }
0x72: {  	_ =	shalt  }

// kernel: kernel.29.cloned.1.call-start
scs
__scs_entry_jumppad:
0x0: {  	(pc) =	sbr.rel $0x88, $3  }
0x1: {  	(tag) =	ssettag $0x0;
	lr =	simm.s32 $0x1  }
0x2: {  	[smem:$0x3F98] =	sst lr;
	_ =	strace $0xD0000000  }
0x3: {  	_ = 	snop  }
0x4: {  	_ = 	snop  }
0x5: {  	_ = 	snop  }
0x6: {  	_ = 	snop  }
0x7: {  	_ = 	snop  }
__scs_overlays_trampoline_lowered:
0x8: {  	[smem:$0x3FA7] =	sst s0  }
0x9: {  	[smem:$0x3FA8] =	sst s1  }
0xa: {  	[smem:$0x3FA9] =	sst s2  }
0xb: {  	[smem:$0x3FAA] =	sst s3  }
0xc: {  	[smem:$0x3FAB] =	sst s4  }
0xd: {  	[smem:$0x3FAC] =	sst s5  }
0xe: {  	[smem:$0x3FAD] =	sst s6  }
0xf: {  	[smem:$0x3FAE] =	sst s7  }
0x10: {  	[smem:$0x3FAF] =	sst s8  }
0x11: {  	[smem:$0x3FB0] =	sst s9;
	s0 =	simm.s32 @!p0 $0x0  }
0x12: {  	s1 =	sld [smem:$0x3F96];
	s0 =	simm.s32 @p0 $0x1  }
0x13: {  	[smem:$0x3FB1] =	sst s0;
	s0 =	simm.s32 @!p1 $0x0  }
0x14: {  	s2 =	sld [smem:$0x3F95];
	s0 =	simm.s32 @p1 $0x1  }
0x15: {  	[smem:$0x3FB2] =	sst s0;
	s0 =	simm.s32 @!p2 $0x0  }
0x16: {  	s3 =	sld [smem:$0x3FDB];
	s0 =	simm.s32 @p2 $0x1  }
0x17: {  	s4 =	simm.s32 $0x1BF5;
	[smem:$0x3FB4] =	sst s0  }
0x18: {  	s0 =	sld [smem:$0x3F97];
	_ =	swait.ge [sflag:s4], $0x0  }
0x19: {  	s7 =	sld [smem:$0x3F98]  }
0x1a: {  	s8 =	sadd.s32 $0xFFFFE003, lr  }
0x1b: {  	s9 =	sadd.s32 $0xFFFFFEF7, lr;
	s5 =	simm.s32 $0xFFFFFFFF;
	p2 =	slt.u32 s8, $0xFFFFF086  }
0x1c: {  	p1 =	slt.u32 s9, $0xF7A;
	s5 =	simm.s32 @!p2 $0x0  }
0x1d: {  	s5 =	simm.s32 @p1 $0x1;
	p0 =	seq.s32 s7, s2  }
0x1e: {  	s7 =	smul.u32 @!p0 $0xF7A, s2;
	p2 =	seq.s32 @!p0 s5, $0x0  }
0x1f: {  	s9 =	smul.u32 $0xF7A, s1;
	s8 =	simm.s32 @!p0 $0x1BF5;
	p2 =	por !p2, p0  }
0x20: {  	[sflag:s8] =	ssyncset.s32 @!p0 $0xFFFFF086;
	s6 =	sadd.s32 @!p0 s3, s7;
	s7 =	simm.s32 @!p0 $0x108  }
0x21: {  	s3 =	sadd.s32 s3, s9;
	s6 =	sadd.s32 @!p0 $0x88, s6;
	s7 =	simm.s32 @p2 $0x1082  }
0x22: {  	[simem:s7], [sflag:s8] =	dma.local @!p0 [hbm:s6], $0xF7A  }
0x23: {  	s9 =	sor.u32 $0xD0000000, s2;
	s6 =	simm.s32 $0x108;
	_ =	swait.ge @!p0 [sflag:s8], $0x0  }
0x24: {  	s3 =	sadd.s32 $0x88, s3;
	s6 =	simm.s32 @!p1 $0x1082;
	[sflag:s4] =	ssyncset.s32 $0xFFFFF086  }
0x25: {  	[simem:s6], [sflag:s4] =	dma.local [hbm:s3], $0xF7A  }
0x26: {  	[smem:$0x3F98] =	sst s1;
	(tag) =	ssettag s2;
	_ =	strace s9  }
0x27: {  	s1 =	sld [smem:$0x3FA8]  }
0x28: {  	s2 =	sld [smem:$0x3FA9]  }
0x29: {  	s4 =	sld [smem:$0x3FAB]  }
0x2a: {  	p0 =	seq.s32 s5, $0x0;
	s5 =	sld [smem:$0x3FAC]  }
0x2b: {  	s6 =	sld [smem:$0x3FAD]  }
0x2c: {  	s7 =	sld [smem:$0x3FAE]  }
0x2d: {  	s3 =	simm.s32 $0x108;
	s8 =	sld [smem:$0x3FAF]  }
0x2e: {  	s3 =	simm.s32 @!p0 $0x1082;
	s9 =	sld [smem:$0x3FB0]  }
0x2f: {  	lr =	sadd.s32 s0, s3;
	s0 =	sld [smem:$0x3FA7]  }
0x30: {  	s3 =	sld [smem:$0x3FAA]  }
0x31: {  	[smem:$0x3FB3] =	sst s10  }
0x32: {  	s10 =	sld [smem:$0x3FB1];
	_ =	sdelay $0x3  }
0x33: {  	p0 =	seq.s32 s10, $0x1;
	s10 =	sld [smem:$0x3FB3];
	_ =	sdelay $0x3  }
0x34: {  	[smem:$0x3FB3] =	sst s10  }
0x35: {  	s10 =	sld [smem:$0x3FB2];
	_ =	sdelay $0x3  }
0x36: {  	p1 =	seq.s32 s10, $0x1;
	s10 =	sld [smem:$0x3FB3];
	_ =	sdelay $0x3  }
0x37: {  	[smem:$0x3FB3] =	sst s10  }
0x38: {  	s10 =	sld [smem:$0x3FB4]  }
0x39: {  	_ = 	snop;
	(pc) =	sbr.ind lr, $3  }
0x3a: {  	_ = 	snop  }
0x3b: {  	_ = 	snop  }
0x3c: {  	p2 =	seq.s32 s10, $0x1;
	s10 =	sld [smem:$0x3FB3]  }
0x3d: {  	_ =	shalt  }
0x3e: {  	_ =	shalt  }
0x3f: {  	_ =	shalt  }
0x40: {  	_ =	shalt  }
0x41: {  	_ =	shalt  }
0x42: {  	_ =	shalt  }
0x43: {  	_ =	shalt  }
0x44: {  	_ =	shalt  }
0x45: {  	_ =	shalt  }
0x46: {  	_ =	shalt  }
0x47: {  	_ =	shalt  }
0x48: {  	_ =	shalt  }
0x49: {  	_ =	shalt  }
0x4a: {  	_ =	shalt  }
0x4b: {  	_ =	shalt  }
0x4c: {  	_ =	shalt  }
0x4d: {  	_ =	shalt  }
0x4e: {  	_ =	shalt  }
0x4f: {  	_ =	shalt  }
0x50: {  	_ =	shalt  }
0x51: {  	_ =	shalt  }
0x52: {  	_ =	shalt  }
0x53: {  	_ =	shalt  }
0x54: {  	_ =	shalt  }
0x55: {  	_ =	shalt  }
0x56: {  	_ =	shalt  }
0x57: {  	_ =	shalt  }
0x58: {  	_ =	shalt  }
0x59: {  	_ =	shalt  }
0x5a: {  	_ =	shalt  }
0x5b: {  	_ =	shalt  }
0x5c: {  	_ =	shalt  }
0x5d: {  	_ =	shalt  }
0x5e: {  	_ =	shalt  }
0x5f: {  	_ =	shalt  }
0x60: {  	_ =	shalt  }
0x61: {  	_ =	shalt  }
0x62: {  	_ =	shalt  }
0x63: {  	_ =	shalt  }
0x64: {  	_ =	shalt  }
0x65: {  	_ =	shalt  }
0x66: {  	_ =	shalt  }
0x67: {  	_ =	shalt  }
0x68: {  	_ =	shalt  }
0x69: {  	_ =	shalt  }
0x6a: {  	_ =	shalt  }
0x6b: {  	_ =	shalt  }
0x6c: {  	_ =	shalt  }
0x6d: {  	_ =	shalt  }
0x6e: {  	_ =	shalt  }
0x6f: {  	_ =	shalt  }
0x70: {  	_ =	shalt  }
0x71: {  	_ =	shalt  }
0x72: {  	_ =	shalt  }
0x73: {  	_ =	shalt  }
0x74: {  	_ =	shalt  }
0x75: {  	_ =	shalt  }
0x76: {  	_ =	shalt  }
0x77: {  	_ =	shalt  }
0x78: {  	_ =	shalt  }
0x79: {  	_ =	shalt  }
0x7a: {  	_ =	shalt  }
0x7b: {  	_ =	shalt  }
0x7c: {  	_ =	shalt  }
0x7d: {  	_ =	shalt  }
0x7e: {  	_ =	shalt  }
0x7f: {  	_ =	shalt  }
0x80: {  	_ =	shalt  }
0x81: {  	_ =	shalt  }
0x82: {  	_ =	shalt  }
0x83: {  	_ =	shalt  }
0x84: {  	_ =	shalt  }
0x85: {  	_ =	shalt  }
0x86: {  	_ =	shalt  }
0x87: {  	_ =	shalt  }
.Lfunc_end0:
.L_simem_size_0:
called_computation.4_lowered:
.L_overlay_start_0:
0x88: {  	s2 =	sld [smem:$0x3FD9]  }
0x89: {  	s3 =	sld [smem:$0x3FFE];
	_ =	sdelay $0x1  }
0x8a: {  	s1 =	srdreg.scid  }
0x8b: {  	s0 =	sand.u32 $0x1, s1  }
0x8c: {  	s17 =	sshll.u32 s0, $0xA;
	s2 =	sadd.s32 s3, s2  }
0x8d: {  	s2 =	sadd.s32 s2, s17  }
0x8e: {  	[smem:$0x3FBF] =	sst s2  }
0x8f: {  	_ = 	snop  }
0x90: {  	s2 =	sld [smem:$0x3FD0];
	(tm) =	ssettm $0x1  }
0x91: {  	s18 =	sld [smem:$0x3FFB];
	_ =	sdelay $0x3  }
0x92: {  	_ =	strace s18  }
0x93: {  	s3 =	sld [smem:$0x3FFC];
	_ =	sdelay $0x3  }
0x94: {  	_ =	strace s3  }
0x95: {  	s3 =	sld [smem:$0x3FFD];
	_ =	sdelay $0x3  }
0x96: {  	_ =	strace s3  }
0x97: {  	_ =	strace $0x8FFFFFFF  }
0x98: {  	s19 =	sld [smem:$0x3FDB];
	_ =	sdelay $0x1  }
0x99: {  	s4 =	simm.s32 $_scs_section_size  }
0x9a: {  	s5 =	simm.s32 $_size__tile_overlayer_lowered;
	s6 =	simm.s32 $_tile_overlayer_lowered  }
0x9b: {  	s22 =	simm.s32 $0x1BFF;
	s21 =	sshll.u32 s6, $0x1;
	s3 =	sadd.s32 s4, s19  }
0x9c: {  	s7 =	simm.s32 $0x0;
	s20 =	sshll.u32 s5, $0x1;
	s5 =	sadd.s32 s21, s3  }
0x9d: {  	[timem:s7], [sflag:s22] =	dma.local [hbm:s5], s20  }
0x9e: {  	_ =	swait.ge [sflag:s22], s20  }
0x9f: {  	s4 =	ssub.s32 $0x0, s20;
	[sflag:s22] =	ssyncset.done $0x0  }
0xa0: {  	[sflag:s22] =	ssyncadd.s32 s4;
	_ =	sdelay $0x1  }
0xa1: {  	s23 =	simm.s32 $0x1B8B  }
0xa2: {  	_ =	swait.ge [sflag:s23], $0x1  }
0xa3: {  	[sflag:s23] =	ssyncset.done $0x0  }
0xa4: {  	s25 =	simm.s32 $0x1B8E;
	s24 =	sld [smem:$0x3FFE];
	[sflag:s23] =	ssyncadd.s32 $0xFFFFFFFF  }
0xa5: {  	s26 =	simm.s32 $execute0_lowered;
	[smem:$0x3FD2] =	sst s25  }
0xa6: {  	s5 =	sshll.u32 s26, $0x1;
	_ =	strace $0x80000052;
	[dreg:$0x1] =	wrdreg $0xFFFFFFFF  }
0xa7: {  	s28 =	simm.s32 $_size_execute0_lowered;
	s3 =	sadd.s32 s3, s5;
	[dreg:$0x0] =	wrdreg $0x0  }
0xa8: {  	s5 =	sshll.u32 s28, $0x1;
	[dreg:$0x2] =	wrdreg s3  }
0xa9: {  	[dreg:$0x3] =	wrdreg s5  }
0xaa: {  	[dreg:$0x4] =	wrdreg $0xC0  }
0xab: {  	_ =	task [dreg:s7], $0x5FFFF  }
0xac: {  	[dreg:$0x1] =	wrdreg $0xFFFFFFFF  }
0xad: {  	[dreg:$0x0] =	wrdreg $0x60  }
0xae: {  	[dreg:$0x2] =	wrdreg s24  }
0xaf: {  	[dreg:$0x3] =	wrdreg s2  }
0xb0: {  	[dreg:$0x4] =	wrdreg $0xA9000  }
0xb1: {  	[dreg:$0x5] =	wrdreg $0x9  }
0xb2: {  	_ =	task.clear_ibuf [dreg:s7], $0x6FFFF;
	_ =	strace $0x90000052  }
0xb3: {  	s29 =	simm.s32 $0x9;
	_ =	strace $0x80000054  }
0xb4: {  	_ =	swait.ge [sflag:s29], $0x1  }
0xb5: {  	[sflag:s29] =	ssyncadd.s32 $0xFFFFFFFF  }
0xb6: {  	_ =	strace $0x90000054  }
0xb7: {  	_ =	sfence  }
0xb8: {  	s30 =	sld [smem:$0x0];
	_ =	sdelay $0x2  }
0xb9: {  	s31 =	sshll.u32 s1, $0xD;
	s1 =	sshrl.u32 s1, $0x2  }
0xba: {  	s3 =	sand.u32 $0x4000, s31;
	s1 =	sadd.s32 s1, s30  }
0xbb: {  	s0 =	sor.u32 s3, s0;
	s1 =	sshll.u32 s1, $0x11  }
0xbc: {  	s0 =	sor.u32 s1, s0  }
0xbd: {  	s0 =	sadd.s32 $0x8F2B, s0  }
0xbe: {  	[sflag:s0] =	ssyncadd.remote.s32 $0x1  }
0xbf: {  	_ =	sfence.sel $0xFFFF  }
0xc0: {  	[dreg:$0x0] =	wrdreg $0xFFFFFFFF;
	(pc) =	sbr.abs _section_cstart, $3  }
0xc1: {  	[dreg:$0x1] =	wrdreg $0xFFFFFFFF  }
0xc2: {  	_ =	task.clear_ibuf [dreg:s7], $0x2FFFF;
	_ =	strace $0x9FFFFFFF  }
0xc3: {  	(tm) =	ssettm $0x7FFFFFFF  }
tec
execute0_lowered:
.L_overlay_start_1:
0x0: {  	(tag) =	ssettag $0x1  }
0x1: {  	s7 =	rddreg [dreg:$0x0];
	s1 =	srdreg.scid  }
0x2: {  	s0 =	stileid.u32;
	s2 =	rddreg [dreg:$0x1]  }
0x3: {  	s3 =	rddreg [dreg:$0x2];
	s4 =	simm.s32 $0x0;
	s17 =	simm.s32 $0x100  }
0x4: {  	s18 =	simm.s32 $0x80;
	s19 =	simm.s32 $0x1;
	s20 =	simm.s32 $0x2900  }
0x5: {  	s21 =	simm.s32 $0x2;
	s22 =	simm.s32 $0x6900;
	s23 =	simm.s32 $0x3  }
0x6: {  	s24 =	simm.s32 $0x4;
	s25 =	simm.s32 $0x0;
	s10 =	smul.u32 $0x14000, s0  }
0x7: {  	s8 =	sand.u32 $0x1, s1;
	s1 =	rddreg [dreg:$0x3];
	s14 =	smul.u32 $0x5200, s0  }
0x8: {  	s29 =	sshll.u32 s0, $0x1;
	[smem:$0x7FF] =	sst s4;
	s11 =	smul.u32 $0x140000, s8  }
0x9: {  	s9 =	sor.u32 s8, s29;
	s13 =	ssub.s32 $0x2, s8;
	s8 =	smul.u32 $0x2900, s8  }
0xa: {  	s5 =	sadd.s32 $0x32600, s7;
	s31 =	sshll.u32 s0, $0x6;
	s6 =	smul.u32 $0x500, s9  }
0xb: {  	_ =	strace $0x80000053;
	s9 =	smul.u32 $0x2900, s9;
	s15 =	sshrl.u32 s13, $0x1  }
0xc: {  	s30 =	sadd.s32 s10, s3;
	s11 =	sadd.s32 s10, s11;
	s13 =	ssub.s32 s13, s15  }
0xd: {  	s14 =	sadd.s32 s8, s14;
	s15 =	sshrl.u32 s30, $0x3;
	s12 =	sadd.s32 s6, s7  }
0xe: {  	s6 =	sadd.s32 $0x64600, s7;
	s11 =	sshrl.u32 s11, $0x3;
	s9 =	sshrl.u32 s9, $0x3  }
0xf: {  	s16 =	sadd.s32 $0x180, s14;
	s14 =	sadd.s32 $0x100, s14;
	s11 =	sadd.s32 s11, s7  }
0x10: {  	s7 =	sor.u32 $0x1C05, s31;
	s8 =	sadd.s32 s2, s9;
	s9 =	sadd.s32 $0x4C00, s12  }
0x11: {  	s16 =	sshrl.u32 s16, $0x3;
	s12 =	smax.u32 s13, $0x1;
	s10 =	sadd.s32 $0x10, s8  }
0x12: {  	s11 =	sadd.s32 $0x66E00, s11;
	s13 =	sadd.s32 s16, s2;
	s16 =	simm.s32 $0x5  }
.LBB2_1:
0x13: {  	[spmem:s15], [sflag:s7] =	dma.local [hbm:s6], $0x2800  }
0x14: {  	_ =	swait.ge [sflag:s16], $0x2800  }
0x15: {  	[sflag:s16] =	ssyncset.done $0x0  }
0x16: {  	[sflag:s16] =	ssyncadd.s32 $0xFFFFD800  }
0x17: {  	[tilespmem:s17], [sflag:$0x5] =	stream.linear.gather [hbm4b:s9+s4], $0x2800, $0x38;
	[tilespmem:$0x1E900] =	vst v63  }
0x18: {  	_ =	swait.ge [sflag:s16], $0x2800  }
0x19: {  	[sflag:s16] =	ssyncset.done $0x0  }
0x1a: {  	[sflag:s16] =	ssyncadd.s32 $0xFFFFD800  }
0x1b: {  	[tilespmem:s4], [sflag:$0x1] =	stream.linear.gather [hbm4b:s8+s4], $0x80, $0x38;
	[tilespmem:$0x1E900] =	vst v63  }
0x1c: {  	_ = 	snop  }
0x1d: {  	[tilespmem:s18], [sflag:$0x2] =	stream.linear.gather [hbm4b:s10+s4], $0x80, $0x38;
	[tilespmem:$0x1E900] =	vst v63  }
0x1e: {  	_ =	swait.ge [sflag:s19], $0x80  }
0x1f: {  	[sflag:s19] =	ssyncset.done $0x0  }
0x20: {  	[sflag:s19] =	ssyncadd.s32 $0xFFFFFF80  }
0x21: {  	[tilespmem:s20], [sflag:$0x3] =	stream.indirect.gather [hbm4b:s5+s18], $0x80, s4, s18, $0xb8;
	[tilespmem:$0x1E900] =	vst v63  }
0x22: {  	_ =	swait.ge [sflag:s21], $0x80  }
0x23: {  	[sflag:s21] =	ssyncset.done $0x0  }
0x24: {  	[sflag:s21] =	ssyncadd.s32 $0xFFFFFF80  }
0x25: {  	[tilespmem:s22], [sflag:$0x4] =	stream.indirect.gather [hbm4b:s5+s18], $0x80, s18, s18, $0xb8;
	[tilespmem:$0x1E900] =	vst v63  }
0x26: {  	[bflag:$0x0] =	sbarrier.arrive $0xFFFF  }
0x27: {  	_ =	swait.ge [sflag:s23], $0x4000  }
0x28: {  	[sflag:s23] =	ssyncset.done $0x0  }
0x29: {  	s26 =	simm.s32 $0x100;
	[sflag:s23] =	ssyncadd.s32 $0xFFFFC000  }
0x2a: {  	[spmem:s3] =	stream.indirect.scatter.add.f32 [tilespmem:s20], [sflag:$0x5], $0x80, s26, s18, $0xb8;
	[tilespmem:$0x1E900] =	vst v63  }
0x2b: {  	_ =	swait.ge [sflag:s16], $0x4000  }
0x2c: {  	s31 =	sshrl.u32 s14, $0x3;
	[sflag:s16] =	ssyncset.done $0x0  }
0x2d: {  	s26 =	sadd.s32 s2, s31;
	[sflag:s16] =	ssyncadd.s32 $0xFFFFC000  }
0x2e: {  	[tilespmem:s4], [sflag:$0x5] =	stream.linear.gather [hbm4b:s26+s4], $0x80, $0x38;
	[tilespmem:$0x1E900] =	vst v63  }
0x2f: {  	_ =	swait.ge [sflag:s16], $0x80  }
0x30: {  	[sflag:s16] =	ssyncset.done $0x0  }
0x31: {  	[sflag:s16] =	ssyncadd.s32 $0xFFFFFF80  }
0x32: {  	[tilespmem:s20], [sflag:$0x3] =	stream.indirect.gather [hbm4b:s5+s18], $0x80, s4, s18, $0xb8;
	[tilespmem:$0x1E900] =	vst v63  }
0x33: {  	_ =	swait.ge [sflag:s24], $0x4000  }
0x34: {  	[sflag:s24] =	ssyncset.done $0x0  }
0x35: {  	s30 =	simm.s32 $0x180;
	[sflag:s24] =	ssyncadd.s32 $0xFFFFC000  }
0x36: {  	[spmem:s3] =	stream.indirect.scatter.add.f32 [tilespmem:s22], [sflag:$0x5], $0x80, s30, s18, $0xb8;
	[tilespmem:$0x1E900] =	vst v63  }
0x37: {  	_ =	swait.ge [sflag:s16], $0x4000  }
0x38: {  	[sflag:s16] =	ssyncset.done $0x0  }
0x39: {  	s31 =	sadd.s32 $0x0, s13;
	[sflag:s16] =	ssyncadd.s32 $0xFFFFC000  }
0x3a: {  	[tilespmem:s18], [sflag:$0x5] =	stream.linear.gather [hbm4b:s31+s4], $0x80, $0x38;
	[tilespmem:$0x1E900] =	vst v63  }
0x3b: {  	_ =	swait.ge [sflag:s16], $0x80  }
0x3c: {  	s28 =	sadd.s32 $0x100, s14;
	[sflag:s16] =	ssyncset.done $0x0  }
0x3d: {  	s29 =	simm.s32 $0x280;
	s26 =	simm.s32 $0x20;
	[sflag:s16] =	ssyncadd.s32 $0xFFFFFF80  }
.LBB2_2:
0x3e: {  	[tilespmem:s22], [sflag:$0x4] =	stream.indirect.gather [hbm4b:s5+s18], $0x80, s18, s18, $0xb8;
	[tilespmem:$0x1E900] =	vst v63  }
0x3f: {  	s30 =	smov.u32 s26  }
0x40: {  	p0 =	sne.s32 s26, $0x4E0;
	s26 =	sadd.s32 $0x20, s26;
	_ =	swait.ge [sflag:s23], $0x4000  }
0x41: {  	[sflag:s23] =	ssyncset.done $0x0  }
0x42: {  	s31 =	sadd.s32 $0xFFFFFF80, s29;
	[sflag:s23] =	ssyncadd.s32 $0xFFFFC000  }
0x43: {  	[spmem:s3] =	stream.indirect.scatter.add.f32 [tilespmem:s20], [sflag:$0x5], $0x80, s31, s18, $0xb8;
	[tilespmem:$0x1E900] =	vst v63  }
0x44: {  	_ =	swait.ge [sflag:s16], $0x4000  }
0x45: {  	s31 =	sshrl.u32 s28, $0x3;
	[sflag:s16] =	ssyncset.done $0x0  }
0x46: {  	s31 =	sadd.s32 s2, s31;
	[sflag:s16] =	ssyncadd.s32 $0xFFFFC000  }
0x47: {  	[tilespmem:s4], [sflag:$0x5] =	stream.linear.gather [hbm4b:s31+s4], $0x80, $0x38;
	[tilespmem:$0x1E900] =	vst v63  }
0x48: {  	_ =	swait.ge [sflag:s16], $0x80  }
0x49: {  	[sflag:s16] =	ssyncset.done $0x0  }
0x4a: {  	[sflag:s16] =	ssyncadd.s32 $0xFFFFFF80  }
0x4b: {  	[tilespmem:s20], [sflag:$0x3] =	stream.indirect.gather [hbm4b:s5+s18], $0x80, s4, s18, $0xb8;
	[tilespmem:$0x1E900] =	vst v63  }
0x4c: {  	_ =	swait.ge [sflag:s24], $0x4000  }
0x4d: {  	[sflag:s24] =	ssyncset.done $0x0  }
0x4e: {  	[sflag:s24] =	ssyncadd.s32 $0xFFFFC000  }
0x4f: {  	[spmem:s3] =	stream.indirect.scatter.add.f32 [tilespmem:s22], [sflag:$0x5], $0x80, s29, s18, $0xb8;
	[tilespmem:$0x1E900] =	vst v63  }
0x50: {  	_ =	swait.ge [sflag:s16], $0x4000  }
0x51: {  	[sflag:s16] =	ssyncset.done $0x0  }
.Ltmp0:
0x52: {  	s30 =	sadd.s32 s30, s13;
	[sflag:s16] =	ssyncadd.s32 $0xFFFFC000;
	(pc) =	sbr.rel @p0 .LBB2_2-.Ltmp0, $4  }
0x53: {  	[tilespmem:s18], [sflag:$0x5] =	stream.linear.gather [hbm4b:s30+s4], $0x80, $0x38;
	[tilespmem:$0x1E900] =	vst v63  }
0x54: {  	_ =	swait.ge [sflag:s16], $0x80  }
0x55: {  	[sflag:s16] =	ssyncset.done $0x0  }
0x56: {  	s28 =	sadd.s32 $0x100, s28;
	s29 =	sadd.s32 $0x100, s29;
	[sflag:s16] =	ssyncadd.s32 $0xFFFFFF80  }
0x57: {  	[tilespmem:s22], [sflag:$0x4] =	stream.indirect.gather [hbm4b:s5+s18], $0x80, s18, s18, $0xb8;
	[tilespmem:$0x1E900] =	vst v63  }
0x58: {  	_ =	swait.ge [sflag:s23], $0x4000  }
0x59: {  	[sflag:s23] =	ssyncset.done $0x0  }
0x5a: {  	[sflag:s23] =	ssyncadd.s32 $0xFFFFC000  }
0x5b: {  	_ =	swait.ge [sflag:s24], $0x4000  }
0x5c: {  	s25 =	sadd.s32 $0x1, s25;
	[sflag:s24] =	ssyncset.done $0x0  }
0x5d: {  	p0 =	sne.s32 s25, s12;
	[sflag:s24] =	ssyncadd.s32 $0xFFFFC000  }
.Ltmp1:
0x5e: {  	[bflag:$0x0] =	sbarrier.arrive $0xFFFF;
	(pc) =	sbr.rel @p0 .LBB2_1-.Ltmp1, $4  }
0x5f: {  	[hbm:s11], [sflag:s7] =	dma.local [spmem:s15], $0x2800  }
0x60: {  	_ =	swait.ge [sflag:s16], $0x2800  }
0x61: {  	[sflag:s16] =	ssyncset.done $0x0  }
0x62: {  	[sflag:s16] =	ssyncadd.s32 $0xFFFFD800  }
0x63: {  	_ =	sfence.sel $0x180000  }
0x64: {  	[bflag:$0x0] =	sbarrier.arrive $0xFFFF  }
0x65: {  	p0 =	sne.s32 s0, $0x0;
	_ =	strace $0x90000053  }
0x66: {  	s0 =	sadd.s32 @!p0 $0x100000, s1;
	[bflag:$0x2] =	sbarrier.arrive $0xFFFF  }
0x67: {  	[sflag:s0] =	ssyncadd.tile.s32 @!p0 $0x1;
	_ =	shalt  }
.Lfunc_end2:
_tile_overlayer_lowered:
.L_overlay_start_2:
0x68: {  	(tag) =	ssettag $0x2  }
0x69: {  	s0 =	rddreg [dreg:$0x0];
	s2 =	stileid.u32  }
0x6a: {  	s1 =	rddreg [dreg:$0x1];
	p0 =	sne.s32 s2, $0x0  }
0x6b: {  	s3 =	rddreg [dreg:$0x2];
	[bflag:$0x3] =	sbarrier.arrive $0xFFFF;
	s2 =	simm.s32 @!p0 $0x1C05  }
0x6c: {  	[timem:s3], [sflag:s2] =	dma.local @!p0 [hbm:s0], s1  }
0x6d: {  	s0 =	simm.s32 @!p0 $0x5  }
0x6e: {  	_ =	swait.ge @!p0 [sflag:s0], s1  }
0x6f: {  	s1 =	ssub.s32 @!p0 $0x0, s1;
	[sflag:s0] =	ssyncset.done @!p0 $0x0  }
0x70: {  	[sflag:s0] =	ssyncadd.s32 @!p0 s1  }
0x71: {  	[bflag:$0x3] =	sbarrier.arrive $0xFFFF  }
0x72: {  	_ =	shalt  }

// kernel: kernel.32.cloned.1.call-start
scs
__scs_entry_jumppad:
0x0: {  	(pc) =	sbr.rel $0x88, $3  }
0x1: {  	(tag) =	ssettag $0x0;
	lr =	simm.s32 $0x1  }
0x2: {  	[smem:$0x3F98] =	sst lr;
	_ =	strace $0xD0000000  }
0x3: {  	_ = 	snop  }
0x4: {  	_ = 	snop  }
0x5: {  	_ = 	snop  }
0x6: {  	_ = 	snop  }
0x7: {  	_ = 	snop  }
__scs_overlays_trampoline_lowered:
0x8: {  	[smem:$0x3FA7] =	sst s0  }
0x9: {  	[smem:$0x3FA8] =	sst s1  }
0xa: {  	[smem:$0x3FA9] =	sst s2  }
0xb: {  	[smem:$0x3FAA] =	sst s3  }
0xc: {  	[smem:$0x3FAB] =	sst s4  }
0xd: {  	[smem:$0x3FAC] =	sst s5  }
0xe: {  	[smem:$0x3FAD] =	sst s6  }
0xf: {  	[smem:$0x3FAE] =	sst s7  }
0x10: {  	[smem:$0x3FAF] =	sst s8  }
0x11: {  	[smem:$0x3FB0] =	sst s9;
	s0 =	simm.s32 @!p0 $0x0  }
0x12: {  	s1 =	sld [smem:$0x3F96];
	s0 =	simm.s32 @p0 $0x1  }
0x13: {  	[smem:$0x3FB1] =	sst s0;
	s0 =	simm.s32 @!p1 $0x0  }
0x14: {  	s2 =	sld [smem:$0x3F95];
	s0 =	simm.s32 @p1 $0x1  }
0x15: {  	[smem:$0x3FB2] =	sst s0;
	s0 =	simm.s32 @!p2 $0x0  }
0x16: {  	s3 =	sld [smem:$0x3FDB];
	s0 =	simm.s32 @p2 $0x1  }
0x17: {  	s4 =	simm.s32 $0x1BF5;
	[smem:$0x3FB4] =	sst s0  }
0x18: {  	s0 =	sld [smem:$0x3F97];
	_ =	swait.ge [sflag:s4], $0x0  }
0x19: {  	s7 =	sld [smem:$0x3F98]  }
0x1a: {  	s8 =	sadd.s32 $0xFFFFE003, lr  }
0x1b: {  	s9 =	sadd.s32 $0xFFFFFEF7, lr;
	s5 =	simm.s32 $0xFFFFFFFF;
	p2 =	slt.u32 s8, $0xFFFFF086  }
0x1c: {  	p1 =	slt.u32 s9, $0xF7A;
	s5 =	simm.s32 @!p2 $0x0  }
0x1d: {  	s5 =	simm.s32 @p1 $0x1;
	p0 =	seq.s32 s7, s2  }
0x1e: {  	s7 =	smul.u32 @!p0 $0xF7A, s2;
	p2 =	seq.s32 @!p0 s5, $0x0  }
0x1f: {  	s9 =	smul.u32 $0xF7A, s1;
	s8 =	simm.s32 @!p0 $0x1BF5;
	p2 =	por !p2, p0  }
0x20: {  	[sflag:s8] =	ssyncset.s32 @!p0 $0xFFFFF086;
	s6 =	sadd.s32 @!p0 s3, s7;
	s7 =	simm.s32 @!p0 $0x108  }
0x21: {  	s3 =	sadd.s32 s3, s9;
	s6 =	sadd.s32 @!p0 $0x88, s6;
	s7 =	simm.s32 @p2 $0x1082  }
0x22: {  	[simem:s7], [sflag:s8] =	dma.local @!p0 [hbm:s6], $0xF7A  }
0x23: {  	s9 =	sor.u32 $0xD0000000, s2;
	s6 =	simm.s32 $0x108;
	_ =	swait.ge @!p0 [sflag:s8], $0x0  }
0x24: {  	s3 =	sadd.s32 $0x88, s3;
	s6 =	simm.s32 @!p1 $0x1082;
	[sflag:s4] =	ssyncset.s32 $0xFFFFF086  }
0x25: {  	[simem:s6], [sflag:s4] =	dma.local [hbm:s3], $0xF7A  }
0x26: {  	[smem:$0x3F98] =	sst s1;
	(tag) =	ssettag s2;
	_ =	strace s9  }
0x27: {  	s1 =	sld [smem:$0x3FA8]  }
0x28: {  	s2 =	sld [smem:$0x3FA9]  }
0x29: {  	s4 =	sld [smem:$0x3FAB]  }
0x2a: {  	p0 =	seq.s32 s5, $0x0;
	s5 =	sld [smem:$0x3FAC]  }
0x2b: {  	s6 =	sld [smem:$0x3FAD]  }
0x2c: {  	s7 =	sld [smem:$0x3FAE]  }
0x2d: {  	s3 =	simm.s32 $0x108;
	s8 =	sld [smem:$0x3FAF]  }
0x2e: {  	s3 =	simm.s32 @!p0 $0x1082;
	s9 =	sld [smem:$0x3FB0]  }
0x2f: {  	lr =	sadd.s32 s0, s3;
	s0 =	sld [smem:$0x3FA7]  }
0x30: {  	s3 =	sld [smem:$0x3FAA]  }
0x31: {  	[smem:$0x3FB3] =	sst s10  }
0x32: {  	s10 =	sld [smem:$0x3FB1];
	_ =	sdelay $0x3  }
0x33: {  	p0 =	seq.s32 s10, $0x1;
	s10 =	sld [smem:$0x3FB3];
	_ =	sdelay $0x3  }
0x34: {  	[smem:$0x3FB3] =	sst s10  }
0x35: {  	s10 =	sld [smem:$0x3FB2];
	_ =	sdelay $0x3  }
0x36: {  	p1 =	seq.s32 s10, $0x1;
	s10 =	sld [smem:$0x3FB3];
	_ =	sdelay $0x3  }
0x37: {  	[smem:$0x3FB3] =	sst s10  }
0x38: {  	s10 =	sld [smem:$0x3FB4]  }
0x39: {  	_ = 	snop;
	(pc) =	sbr.ind lr, $3  }
0x3a: {  	_ = 	snop  }
0x3b: {  	_ = 	snop  }
0x3c: {  	p2 =	seq.s32 s10, $0x1;
	s10 =	sld [smem:$0x3FB3]  }
0x3d: {  	_ =	shalt  }
0x3e: {  	_ =	shalt  }
0x3f: {  	_ =	shalt  }
0x40: {  	_ =	shalt  }
0x41: {  	_ =	shalt  }
0x42: {  	_ =	shalt  }
0x43: {  	_ =	shalt  }
0x44: {  	_ =	shalt  }
0x45: {  	_ =	shalt  }
0x46: {  	_ =	shalt  }
0x47: {  	_ =	shalt  }
0x48: {  	_ =	shalt  }
0x49: {  	_ =	shalt  }
0x4a: {  	_ =	shalt  }
0x4b: {  	_ =	shalt  }
0x4c: {  	_ =	shalt  }
0x4d: {  	_ =	shalt  }
0x4e: {  	_ =	shalt  }
0x4f: {  	_ =	shalt  }
0x50: {  	_ =	shalt  }
0x51: {  	_ =	shalt  }
0x52: {  	_ =	shalt  }
0x53: {  	_ =	shalt  }
0x54: {  	_ =	shalt  }
0x55: {  	_ =	shalt  }
0x56: {  	_ =	shalt  }
0x57: {  	_ =	shalt  }
0x58: {  	_ =	shalt  }
0x59: {  	_ =	shalt  }
0x5a: {  	_ =	shalt  }
0x5b: {  	_ =	shalt  }
0x5c: {  	_ =	shalt  }
0x5d: {  	_ =	shalt  }
0x5e: {  	_ =	shalt  }
0x5f: {  	_ =	shalt  }
0x60: {  	_ =	shalt  }
0x61: {  	_ =	shalt  }
0x62: {  	_ =	shalt  }
0x63: {  	_ =	shalt  }
0x64: {  	_ =	shalt  }
0x65: {  	_ =	shalt  }
0x66: {  	_ =	shalt  }
0x67: {  	_ =	shalt  }
0x68: {  	_ =	shalt  }
0x69: {  	_ =	shalt  }
0x6a: {  	_ =	shalt  }
0x6b: {  	_ =	shalt  }
0x6c: {  	_ =	shalt  }
0x6d: {  	_ =	shalt  }
0x6e: {  	_ =	shalt  }
0x6f: {  	_ =	shalt  }
0x70: {  	_ =	shalt  }
0x71: {  	_ =	shalt  }
0x72: {  	_ =	shalt  }
0x73: {  	_ =	shalt  }
0x74: {  	_ =	shalt  }
0x75: {  	_ =	shalt  }
0x76: {  	_ =	shalt  }
0x77: {  	_ =	shalt  }
0x78: {  	_ =	shalt  }
0x79: {  	_ =	shalt  }
0x7a: {  	_ =	shalt  }
0x7b: {  	_ =	shalt  }
0x7c: {  	_ =	shalt  }
0x7d: {  	_ =	shalt  }
0x7e: {  	_ =	shalt  }
0x7f: {  	_ =	shalt  }
0x80: {  	_ =	shalt  }
0x81: {  	_ =	shalt  }
0x82: {  	_ =	shalt  }
0x83: {  	_ =	shalt  }
0x84: {  	_ =	shalt  }
0x85: {  	_ =	shalt  }
0x86: {  	_ =	shalt  }
0x87: {  	_ =	shalt  }
.Lfunc_end0:
.L_simem_size_0:
called_computation.5_lowered:
.L_overlay_start_0:
0x88: {  	s2 =	sld [smem:$0x3FD9]  }
0x89: {  	s3 =	sld [smem:$0x3FFE];
	_ =	sdelay $0x1  }
0x8a: {  	s1 =	srdreg.scid  }
0x8b: {  	s0 =	sand.u32 $0x1, s1  }
0x8c: {  	s16 =	sshll.u32 s0, $0xA;
	s2 =	sadd.s32 s3, s2  }
0x8d: {  	s2 =	sadd.s32 s2, s16  }
0x8e: {  	[smem:$0x3FBF] =	sst s2  }
0x8f: {  	_ = 	snop  }
0x90: {  	(tm) =	ssettm $0x1  }
0x91: {  	s17 =	sld [smem:$0x3FFB];
	_ =	sdelay $0x3  }
0x92: {  	_ =	strace s17  }
0x93: {  	s2 =	sld [smem:$0x3FFC];
	_ =	sdelay $0x3  }
0x94: {  	_ =	strace s2  }
0x95: {  	s2 =	sld [smem:$0x3FFD];
	_ =	sdelay $0x3  }
0x96: {  	_ =	strace s2  }
0x97: {  	_ =	strace $0x8FFFFFFF  }
0x98: {  	s18 =	sld [smem:$0x3FDB];
	_ =	sdelay $0x1  }
0x99: {  	s19 =	simm.s32 $_scs_section_size  }
0x9a: {  	s4 =	simm.s32 $_size__tile_overlayer_lowered;
	s5 =	simm.s32 $_tile_overlayer_lowered  }
0x9b: {  	s22 =	simm.s32 $0x1BFF;
	s21 =	sshll.u32 s5, $0x1;
	s2 =	sadd.s32 s19, s18  }
0x9c: {  	s6 =	simm.s32 $0x0;
	s20 =	sshll.u32 s4, $0x1;
	s4 =	sadd.s32 s21, s2  }
0x9d: {  	[timem:s6], [sflag:s22] =	dma.local [hbm:s4], s20  }
0x9e: {  	_ =	swait.ge [sflag:s22], s20  }
0x9f: {  	s3 =	ssub.s32 $0x0, s20;
	[sflag:s22] =	ssyncset.done $0x0  }
0xa0: {  	[sflag:s22] =	ssyncadd.s32 s3;
	_ =	sdelay $0x1  }
0xa1: {  	s23 =	simm.s32 $0x1B8B  }
0xa2: {  	_ =	swait.ge [sflag:s23], $0x1  }
0xa3: {  	[sflag:s23] =	ssyncset.done $0x0  }
0xa4: {  	s25 =	simm.s32 $0x1B8E;
	s24 =	sld [smem:$0x3FFE];
	[sflag:s23] =	ssyncadd.s32 $0xFFFFFFFF  }
0xa5: {  	s26 =	simm.s32 $execute0_lowered;
	[smem:$0x3FD2] =	sst s25  }
0xa6: {  	s4 =	sshll.u32 s26, $0x1;
	_ =	strace $0x80000055;
	[dreg:$0x1] =	wrdreg $0xFFFFFFFF  }
0xa7: {  	s28 =	simm.s32 $_size_execute0_lowered;
	s2 =	sadd.s32 s2, s4;
	[dreg:$0x0] =	wrdreg $0x0  }
0xa8: {  	s4 =	sshll.u32 s28, $0x1;
	[dreg:$0x2] =	wrdreg s2  }
0xa9: {  	[dreg:$0x3] =	wrdreg s4  }
0xaa: {  	[dreg:$0x4] =	wrdreg $0xC0  }
0xab: {  	_ =	task [dreg:s6], $0x5FFFF  }
0xac: {  	[dreg:$0x1] =	wrdreg $0xFFFFFFFF  }
0xad: {  	[dreg:$0x0] =	wrdreg $0x60  }
0xae: {  	[dreg:$0x2] =	wrdreg s24  }
0xaf: {  	[dreg:$0x3] =	wrdreg $0xA9000  }
0xb0: {  	[dreg:$0x4] =	wrdreg $0x9  }
0xb1: {  	_ =	task.clear_ibuf [dreg:s6], $0x5FFFF;
	_ =	strace $0x90000055  }
0xb2: {  	s29 =	simm.s32 $0x9;
	_ =	strace $0x80000057  }
0xb3: {  	_ =	swait.ge [sflag:s29], $0x1  }
0xb4: {  	[sflag:s29] =	ssyncadd.s32 $0xFFFFFFFF  }
0xb5: {  	_ =	strace $0x90000057  }
0xb6: {  	_ =	sfence  }
0xb7: {  	s30 =	sld [smem:$0x0];
	_ =	sdelay $0x2  }
0xb8: {  	s31 =	sshll.u32 s1, $0xD;
	s1 =	sshrl.u32 s1, $0x2  }
0xb9: {  	s3 =	sand.u32 $0x4000, s31;
	s1 =	sadd.s32 s1, s30  }
0xba: {  	s0 =	sor.u32 s3, s0;
	s1 =	sshll.u32 s1, $0x11  }
0xbb: {  	s0 =	sor.u32 s1, s0  }
0xbc: {  	s0 =	sadd.s32 $0x8F2B, s0  }
0xbd: {  	[sflag:s0] =	ssyncadd.remote.s32 $0x1  }
0xbe: {  	_ =	sfence.sel $0xFFFF  }
0xbf: {  	[dreg:$0x0] =	wrdreg $0xFFFFFFFF;
	(pc) =	sbr.abs _section_cstart, $3  }
0xc0: {  	[dreg:$0x1] =	wrdreg $0xFFFFFFFF  }
0xc1: {  	_ =	task.clear_ibuf [dreg:s6], $0x2FFFF;
	_ =	strace $0x9FFFFFFF  }
0xc2: {  	(tm) =	ssettm $0x7FFFFFFF  }
0xc3: {  	_ =	shalt  }
tec
execute0_lowered:
.L_overlay_start_1:
0x0: {  	(tag) =	ssettag $0x1  }
0x1: {  	s7 =	rddreg [dreg:$0x0];
	s1 =	srdreg.scid  }
0x2: {  	s0 =	stileid.u32;
	s2 =	rddreg [dreg:$0x1]  }
0x3: {  	s3 =	simm.s32 $0x0;
	s17 =	simm.s32 $0x100;
	s18 =	simm.s32 $0x80  }
0x4: {  	s19 =	simm.s32 $0x1;
	s20 =	simm.s32 $0x2900;
	s21 =	simm.s32 $0x2  }
0x5: {  	s22 =	simm.s32 $0x6900;
	s23 =	simm.s32 $0x3;
	s24 =	simm.s32 $0x4  }
0x6: {  	s25 =	simm.s32 $0x0;
	s8 =	sand.u32 $0x1, s1;
	s10 =	smul.u32 $0x14000, s0  }
0x7: {  	s4 =	sshll.u32 s0, $0x1;
	s1 =	rddreg [dreg:$0x2];
	s14 =	smul.u32 $0x5200, s0  }
0x8: {  	[smem:$0x7FF] =	sst s3;
	s5 =	sadd.s32 $0xEC00, s7;
	s11 =	smul.u32 $0x140000, s8  }
0x9: {  	s9 =	sor.u32 s8, s4;
	s13 =	ssub.s32 $0x2, s8;
	s8 =	smul.u32 $0x2900, s8  }
0xa: {  	s31 =	sshll.u32 s0, $0x6;
	_ =	strace $0x80000056;
	s6 =	smul.u32 $0x500, s9  }
0xb: {  	s4 =	sadd.s32 $0x32600, s7;
	s9 =	smul.u32 $0x2900, s9;
	s15 =	sshrl.u32 s13, $0x1  }
0xc: {  	s30 =	sadd.s32 s10, s2;
	s11 =	sadd.s32 s10, s11;
	s13 =	ssub.s32 s13, s15  }
0xd: {  	s14 =	sadd.s32 s8, s14;
	s15 =	sshrl.u32 s30, $0x3;
	s12 =	sadd.s32 s6, s7  }
0xe: {  	s6 =	sadd.s32 $0x64600, s7;
	s11 =	sshrl.u32 s11, $0x3;
	s9 =	sshrl.u32 s9, $0x3  }
0xf: {  	s16 =	sadd.s32 $0x180, s14;
	s14 =	sadd.s32 $0x100, s14;
	s11 =	sadd.s32 s11, s7  }
0x10: {  	s7 =	sor.u32 $0x1C05, s31;
	s8 =	sadd.s32 s5, s9;
	s9 =	sadd.s32 $0x28600, s12  }
0x11: {  	s16 =	sshrl.u32 s16, $0x3;
	s12 =	smax.u32 s13, $0x1;
	s10 =	sadd.s32 $0x10, s8  }
0x12: {  	s11 =	sadd.s32 $0x66E00, s11;
	s13 =	sadd.s32 s16, s5;
	s16 =	simm.s32 $0x5  }
.LBB2_1:
0x13: {  	[spmem:s15], [sflag:s7] =	dma.local [hbm:s6], $0x2800  }
0x14: {  	_ =	swait.ge [sflag:s16], $0x2800  }
0x15: {  	[sflag:s16] =	ssyncset.done $0x0  }
0x16: {  	[sflag:s16] =	ssyncadd.s32 $0xFFFFD800  }
0x17: {  	[tilespmem:s17], [sflag:$0x5] =	stream.linear.gather [hbm4b:s9+s3], $0x2800, $0x38;
	[tilespmem:$0x1E900] =	vst v63  }
0x18: {  	_ =	swait.ge [sflag:s16], $0x2800  }
0x19: {  	[sflag:s16] =	ssyncset.done $0x0  }
0x1a: {  	[sflag:s16] =	ssyncadd.s32 $0xFFFFD800  }
0x1b: {  	[tilespmem:s3], [sflag:$0x1] =	stream.linear.gather [hbm4b:s8+s3], $0x80, $0x38;
	[tilespmem:$0x1E900] =	vst v63  }
0x1c: {  	_ = 	snop  }
0x1d: {  	[tilespmem:s18], [sflag:$0x2] =	stream.linear.gather [hbm4b:s10+s3], $0x80, $0x38;
	[tilespmem:$0x1E900] =	vst v63  }
0x1e: {  	_ =	swait.ge [sflag:s19], $0x80  }
0x1f: {  	[sflag:s19] =	ssyncset.done $0x0  }
0x20: {  	[sflag:s19] =	ssyncadd.s32 $0xFFFFFF80  }
0x21: {  	[tilespmem:s20], [sflag:$0x3] =	stream.indirect.gather [hbm4b:s4+s18], $0x80, s3, s18, $0xb8;
	[tilespmem:$0x1E900] =	vst v63  }
0x22: {  	_ =	swait.ge [sflag:s21], $0x80  }
0x23: {  	[sflag:s21] =	ssyncset.done $0x0  }
0x24: {  	[sflag:s21] =	ssyncadd.s32 $0xFFFFFF80  }
0x25: {  	[tilespmem:s22], [sflag:$0x4] =	stream.indirect.gather [hbm4b:s4+s18], $0x80, s18, s18, $0xb8;
	[tilespmem:$0x1E900] =	vst v63  }
0x26: {  	[bflag:$0x0] =	sbarrier.arrive $0xFFFF  }
0x27: {  	_ =	swait.ge [sflag:s23], $0x4000  }
0x28: {  	[sflag:s23] =	ssyncset.done $0x0  }
0x29: {  	s26 =	simm.s32 $0x100;
	[sflag:s23] =	ssyncadd.s32 $0xFFFFC000  }
0x2a: {  	[spmem:s2] =	stream.indirect.scatter.add.f32 [tilespmem:s20], [sflag:$0x5], $0x80, s26, s18, $0xb8;
	[tilespmem:$0x1E900] =	vst v63  }
0x2b: {  	_ =	swait.ge [sflag:s16], $0x4000  }
0x2c: {  	s31 =	sshrl.u32 s14, $0x3;
	[sflag:s16] =	ssyncset.done $0x0  }
0x2d: {  	s26 =	sadd.s32 s5, s31;
	[sflag:s16] =	ssyncadd.s32 $0xFFFFC000  }
0x2e: {  	[tilespmem:s3], [sflag:$0x5] =	stream.linear.gather [hbm4b:s26+s3], $0x80, $0x38;
	[tilespmem:$0x1E900] =	vst v63  }
0x2f: {  	_ =	swait.ge [sflag:s16], $0x80  }
0x30: {  	[sflag:s16] =	ssyncset.done $0x0  }
0x31: {  	[sflag:s16] =	ssyncadd.s32 $0xFFFFFF80  }
0x32: {  	[tilespmem:s20], [sflag:$0x3] =	stream.indirect.gather [hbm4b:s4+s18], $0x80, s3, s18, $0xb8;
	[tilespmem:$0x1E900] =	vst v63  }
0x33: {  	_ =	swait.ge [sflag:s24], $0x4000  }
0x34: {  	[sflag:s24] =	ssyncset.done $0x0  }
0x35: {  	s30 =	simm.s32 $0x180;
	[sflag:s24] =	ssyncadd.s32 $0xFFFFC000  }
0x36: {  	[spmem:s2] =	stream.indirect.scatter.add.f32 [tilespmem:s22], [sflag:$0x5], $0x80, s30, s18, $0xb8;
	[tilespmem:$0x1E900] =	vst v63  }
0x37: {  	_ =	swait.ge [sflag:s16], $0x4000  }
0x38: {  	[sflag:s16] =	ssyncset.done $0x0  }
0x39: {  	s31 =	sadd.s32 $0x0, s13;
	[sflag:s16] =	ssyncadd.s32 $0xFFFFC000  }
0x3a: {  	[tilespmem:s18], [sflag:$0x5] =	stream.linear.gather [hbm4b:s31+s3], $0x80, $0x38;
	[tilespmem:$0x1E900] =	vst v63  }
0x3b: {  	_ =	swait.ge [sflag:s16], $0x80  }
0x3c: {  	s28 =	sadd.s32 $0x100, s14;
	[sflag:s16] =	ssyncset.done $0x0  }
0x3d: {  	s29 =	simm.s32 $0x280;
	s26 =	simm.s32 $0x20;
	[sflag:s16] =	ssyncadd.s32 $0xFFFFFF80  }
.LBB2_2:
0x3e: {  	[tilespmem:s22], [sflag:$0x4] =	stream.indirect.gather [hbm4b:s4+s18], $0x80, s18, s18, $0xb8;
	[tilespmem:$0x1E900] =	vst v63  }
0x3f: {  	s30 =	smov.u32 s26  }
0x40: {  	p0 =	sne.s32 s26, $0x4E0;
	s26 =	sadd.s32 $0x20, s26;
	_ =	swait.ge [sflag:s23], $0x4000  }
0x41: {  	[sflag:s23] =	ssyncset.done $0x0  }
0x42: {  	s31 =	sadd.s32 $0xFFFFFF80, s29;
	[sflag:s23] =	ssyncadd.s32 $0xFFFFC000  }
0x43: {  	[spmem:s2] =	stream.indirect.scatter.add.f32 [tilespmem:s20], [sflag:$0x5], $0x80, s31, s18, $0xb8;
	[tilespmem:$0x1E900] =	vst v63  }
0x44: {  	_ =	swait.ge [sflag:s16], $0x4000  }
0x45: {  	s31 =	sshrl.u32 s28, $0x3;
	[sflag:s16] =	ssyncset.done $0x0  }
0x46: {  	s31 =	sadd.s32 s5, s31;
	[sflag:s16] =	ssyncadd.s32 $0xFFFFC000  }
0x47: {  	[tilespmem:s3], [sflag:$0x5] =	stream.linear.gather [hbm4b:s31+s3], $0x80, $0x38;
	[tilespmem:$0x1E900] =	vst v63  }
0x48: {  	_ =	swait.ge [sflag:s16], $0x80  }
0x49: {  	[sflag:s16] =	ssyncset.done $0x0  }
0x4a: {  	[sflag:s16] =	ssyncadd.s32 $0xFFFFFF80  }
0x4b: {  	[tilespmem:s20], [sflag:$0x3] =	stream.indirect.gather [hbm4b:s4+s18], $0x80, s3, s18, $0xb8;
	[tilespmem:$0x1E900] =	vst v63  }
0x4c: {  	_ =	swait.ge [sflag:s24], $0x4000  }
0x4d: {  	[sflag:s24] =	ssyncset.done $0x0  }
0x4e: {  	[sflag:s24] =	ssyncadd.s32 $0xFFFFC000  }
0x4f: {  	[spmem:s2] =	stream.indirect.scatter.add.f32 [tilespmem:s22], [sflag:$0x5], $0x80, s29, s18, $0xb8;
	[tilespmem:$0x1E900] =	vst v63  }
0x50: {  	_ =	swait.ge [sflag:s16], $0x4000  }
0x51: {  	[sflag:s16] =	ssyncset.done $0x0  }
.Ltmp0:
0x52: {  	s30 =	sadd.s32 s30, s13;
	[sflag:s16] =	ssyncadd.s32 $0xFFFFC000;
	(pc) =	sbr.rel @p0 .LBB2_2-.Ltmp0, $4  }
0x53: {  	[tilespmem:s18], [sflag:$0x5] =	stream.linear.gather [hbm4b:s30+s3], $0x80, $0x38;
	[tilespmem:$0x1E900] =	vst v63  }
0x54: {  	_ =	swait.ge [sflag:s16], $0x80  }
0x55: {  	[sflag:s16] =	ssyncset.done $0x0  }
0x56: {  	s28 =	sadd.s32 $0x100, s28;
	s29 =	sadd.s32 $0x100, s29;
	[sflag:s16] =	ssyncadd.s32 $0xFFFFFF80  }
0x57: {  	[tilespmem:s22], [sflag:$0x4] =	stream.indirect.gather [hbm4b:s4+s18], $0x80, s18, s18, $0xb8;
	[tilespmem:$0x1E900] =	vst v63  }
0x58: {  	_ =	swait.ge [sflag:s23], $0x4000  }
0x59: {  	[sflag:s23] =	ssyncset.done $0x0  }
0x5a: {  	[sflag:s23] =	ssyncadd.s32 $0xFFFFC000  }
0x5b: {  	_ =	swait.ge [sflag:s24], $0x4000  }
0x5c: {  	s25 =	sadd.s32 $0x1, s25;
	[sflag:s24] =	ssyncset.done $0x0  }
0x5d: {  	p0 =	sne.s32 s25, s12;
	[sflag:s24] =	ssyncadd.s32 $0xFFFFC000  }
.Ltmp1:
0x5e: {  	[bflag:$0x0] =	sbarrier.arrive $0xFFFF;
	(pc) =	sbr.rel @p0 .LBB2_1-.Ltmp1, $4  }
0x5f: {  	[hbm:s11], [sflag:s7] =	dma.local [spmem:s15], $0x2800  }
0x60: {  	_ =	swait.ge [sflag:s16], $0x2800  }
0x61: {  	[sflag:s16] =	ssyncset.done $0x0  }
0x62: {  	[sflag:s16] =	ssyncadd.s32 $0xFFFFD800  }
0x63: {  	_ =	sfence.sel $0x180000  }
0x64: {  	[bflag:$0x0] =	sbarrier.arrive $0xFFFF  }
0x65: {  	p0 =	sne.s32 s0, $0x0;
	_ =	strace $0x90000056  }
0x66: {  	s0 =	sadd.s32 @!p0 $0x100000, s1;
	[bflag:$0x2] =	sbarrier.arrive $0xFFFF  }
0x67: {  	[sflag:s0] =	ssyncadd.tile.s32 @!p0 $0x1;
	_ =	shalt  }
.Lfunc_end2:
_tile_overlayer_lowered:
.L_overlay_start_2:
0x68: {  	(tag) =	ssettag $0x2  }
0x69: {  	s0 =	rddreg [dreg:$0x0];
	s2 =	stileid.u32  }
0x6a: {  	s1 =	rddreg [dreg:$0x1];
	p0 =	sne.s32 s2, $0x0  }
0x6b: {  	s3 =	rddreg [dreg:$0x2];
	[bflag:$0x3] =	sbarrier.arrive $0xFFFF;
	s2 =	simm.s32 @!p0 $0x1C05  }
0x6c: {  	[timem:s3], [sflag:s2] =	dma.local @!p0 [hbm:s0], s1  }
0x6d: {  	s0 =	simm.s32 @!p0 $0x5  }
0x6e: {  	_ =	swait.ge @!p0 [sflag:s0], s1  }
0x6f: {  	s1 =	ssub.s32 @!p0 $0x0, s1;
	[sflag:s0] =	ssyncset.done @!p0 $0x0  }
0x70: {  	[sflag:s0] =	ssyncadd.s32 @!p0 s1  }
0x71: {  	[bflag:$0x3] =	sbarrier.arrive $0xFFFF  }
0x72: {  	_ =	shalt  }

// kernel: kernel.35.cloned.1.call-start
scs
__scs_entry_jumppad:
0x0: {  	(pc) =	sbr.rel $0x88, $3  }
0x1: {  	(tag) =	ssettag $0x0;
	lr =	simm.s32 $0x1  }
0x2: {  	[smem:$0x3F98] =	sst lr;
	_ =	strace $0xD0000000  }
0x3: {  	_ = 	snop  }
0x4: {  	_ = 	snop  }
0x5: {  	_ = 	snop  }
0x6: {  	_ = 	snop  }
0x7: {  	_ = 	snop  }
__scs_overlays_trampoline_lowered:
0x8: {  	[smem:$0x3FA7] =	sst s0  }
0x9: {  	[smem:$0x3FA8] =	sst s1  }
0xa: {  	[smem:$0x3FA9] =	sst s2  }
0xb: {  	[smem:$0x3FAA] =	sst s3  }
0xc: {  	[smem:$0x3FAB] =	sst s4  }
0xd: {  	[smem:$0x3FAC] =	sst s5  }
0xe: {  	[smem:$0x3FAD] =	sst s6  }
0xf: {  	[smem:$0x3FAE] =	sst s7  }
0x10: {  	[smem:$0x3FAF] =	sst s8  }
0x11: {  	[smem:$0x3FB0] =	sst s9;
	s0 =	simm.s32 @!p0 $0x0  }
0x12: {  	s1 =	sld [smem:$0x3F96];
	s0 =	simm.s32 @p0 $0x1  }
0x13: {  	[smem:$0x3FB1] =	sst s0;
	s0 =	simm.s32 @!p1 $0x0  }
0x14: {  	s2 =	sld [smem:$0x3F95];
	s0 =	simm.s32 @p1 $0x1  }
0x15: {  	[smem:$0x3FB2] =	sst s0;
	s0 =	simm.s32 @!p2 $0x0  }
0x16: {  	s3 =	sld [smem:$0x3FDB];
	s0 =	simm.s32 @p2 $0x1  }
0x17: {  	s4 =	simm.s32 $0x1BF5;
	[smem:$0x3FB4] =	sst s0  }
0x18: {  	s0 =	sld [smem:$0x3F97];
	_ =	swait.ge [sflag:s4], $0x0  }
0x19: {  	s7 =	sld [smem:$0x3F98]  }
0x1a: {  	s8 =	sadd.s32 $0xFFFFE003, lr  }
0x1b: {  	s9 =	sadd.s32 $0xFFFFFEF7, lr;
	s5 =	simm.s32 $0xFFFFFFFF;
	p2 =	slt.u32 s8, $0xFFFFF086  }
0x1c: {  	p1 =	slt.u32 s9, $0xF7A;
	s5 =	simm.s32 @!p2 $0x0  }
0x1d: {  	s5 =	simm.s32 @p1 $0x1;
	p0 =	seq.s32 s7, s2  }
0x1e: {  	s7 =	smul.u32 @!p0 $0xF7A, s2;
	p2 =	seq.s32 @!p0 s5, $0x0  }
0x1f: {  	s9 =	smul.u32 $0xF7A, s1;
	s8 =	simm.s32 @!p0 $0x1BF5;
	p2 =	por !p2, p0  }
0x20: {  	[sflag:s8] =	ssyncset.s32 @!p0 $0xFFFFF086;
	s6 =	sadd.s32 @!p0 s3, s7;
	s7 =	simm.s32 @!p0 $0x108  }
0x21: {  	s3 =	sadd.s32 s3, s9;
	s6 =	sadd.s32 @!p0 $0x88, s6;
	s7 =	simm.s32 @p2 $0x1082  }
0x22: {  	[simem:s7], [sflag:s8] =	dma.local @!p0 [hbm:s6], $0xF7A  }
0x23: {  	s9 =	sor.u32 $0xD0000000, s2;
	s6 =	simm.s32 $0x108;
	_ =	swait.ge @!p0 [sflag:s8], $0x0  }
0x24: {  	s3 =	sadd.s32 $0x88, s3;
	s6 =	simm.s32 @!p1 $0x1082;
	[sflag:s4] =	ssyncset.s32 $0xFFFFF086  }
0x25: {  	[simem:s6], [sflag:s4] =	dma.local [hbm:s3], $0xF7A  }
0x26: {  	[smem:$0x3F98] =	sst s1;
	(tag) =	ssettag s2;
	_ =	strace s9  }
0x27: {  	s1 =	sld [smem:$0x3FA8]  }
0x28: {  	s2 =	sld [smem:$0x3FA9]  }
0x29: {  	s4 =	sld [smem:$0x3FAB]  }
0x2a: {  	p0 =	seq.s32 s5, $0x0;
	s5 =	sld [smem:$0x3FAC]  }
0x2b: {  	s6 =	sld [smem:$0x3FAD]  }
0x2c: {  	s7 =	sld [smem:$0x3FAE]  }
0x2d: {  	s3 =	simm.s32 $0x108;
	s8 =	sld [smem:$0x3FAF]  }
0x2e: {  	s3 =	simm.s32 @!p0 $0x1082;
	s9 =	sld [smem:$0x3FB0]  }
0x2f: {  	lr =	sadd.s32 s0, s3;
	s0 =	sld [smem:$0x3FA7]  }
0x30: {  	s3 =	sld [smem:$0x3FAA]  }
0x31: {  	[smem:$0x3FB3] =	sst s10  }
0x32: {  	s10 =	sld [smem:$0x3FB1];
	_ =	sdelay $0x3  }
0x33: {  	p0 =	seq.s32 s10, $0x1;
	s10 =	sld [smem:$0x3FB3];
	_ =	sdelay $0x3  }
0x34: {  	[smem:$0x3FB3] =	sst s10  }
0x35: {  	s10 =	sld [smem:$0x3FB2];
	_ =	sdelay $0x3  }
0x36: {  	p1 =	seq.s32 s10, $0x1;
	s10 =	sld [smem:$0x3FB3];
	_ =	sdelay $0x3  }
0x37: {  	[smem:$0x3FB3] =	sst s10  }
0x38: {  	s10 =	sld [smem:$0x3FB4]  }
0x39: {  	_ = 	snop;
	(pc) =	sbr.ind lr, $3  }
0x3a: {  	_ = 	snop  }
0x3b: {  	_ = 	snop  }
0x3c: {  	p2 =	seq.s32 s10, $0x1;
	s10 =	sld [smem:$0x3FB3]  }
0x3d: {  	_ =	shalt  }
0x3e: {  	_ =	shalt  }
0x3f: {  	_ =	shalt  }
0x40: {  	_ =	shalt  }
0x41: {  	_ =	shalt  }
0x42: {  	_ =	shalt  }
0x43: {  	_ =	shalt  }
0x44: {  	_ =	shalt  }
0x45: {  	_ =	shalt  }
0x46: {  	_ =	shalt  }
0x47: {  	_ =	shalt  }
0x48: {  	_ =	shalt  }
0x49: {  	_ =	shalt  }
0x4a: {  	_ =	shalt  }
0x4b: {  	_ =	shalt  }
0x4c: {  	_ =	shalt  }
0x4d: {  	_ =	shalt  }
0x4e: {  	_ =	shalt  }
0x4f: {  	_ =	shalt  }
0x50: {  	_ =	shalt  }
0x51: {  	_ =	shalt  }
0x52: {  	_ =	shalt  }
0x53: {  	_ =	shalt  }
0x54: {  	_ =	shalt  }
0x55: {  	_ =	shalt  }
0x56: {  	_ =	shalt  }
0x57: {  	_ =	shalt  }
0x58: {  	_ =	shalt  }
0x59: {  	_ =	shalt  }
0x5a: {  	_ =	shalt  }
0x5b: {  	_ =	shalt  }
0x5c: {  	_ =	shalt  }
0x5d: {  	_ =	shalt  }
0x5e: {  	_ =	shalt  }
0x5f: {  	_ =	shalt  }
0x60: {  	_ =	shalt  }
0x61: {  	_ =	shalt  }
0x62: {  	_ =	shalt  }
0x63: {  	_ =	shalt  }
0x64: {  	_ =	shalt  }
0x65: {  	_ =	shalt  }
0x66: {  	_ =	shalt  }
0x67: {  	_ =	shalt  }
0x68: {  	_ =	shalt  }
0x69: {  	_ =	shalt  }
0x6a: {  	_ =	shalt  }
0x6b: {  	_ =	shalt  }
0x6c: {  	_ =	shalt  }
0x6d: {  	_ =	shalt  }
0x6e: {  	_ =	shalt  }
0x6f: {  	_ =	shalt  }
0x70: {  	_ =	shalt  }
0x71: {  	_ =	shalt  }
0x72: {  	_ =	shalt  }
0x73: {  	_ =	shalt  }
0x74: {  	_ =	shalt  }
0x75: {  	_ =	shalt  }
0x76: {  	_ =	shalt  }
0x77: {  	_ =	shalt  }
0x78: {  	_ =	shalt  }
0x79: {  	_ =	shalt  }
0x7a: {  	_ =	shalt  }
0x7b: {  	_ =	shalt  }
0x7c: {  	_ =	shalt  }
0x7d: {  	_ =	shalt  }
0x7e: {  	_ =	shalt  }
0x7f: {  	_ =	shalt  }
0x80: {  	_ =	shalt  }
0x81: {  	_ =	shalt  }
0x82: {  	_ =	shalt  }
0x83: {  	_ =	shalt  }
0x84: {  	_ =	shalt  }
0x85: {  	_ =	shalt  }
0x86: {  	_ =	shalt  }
0x87: {  	_ =	shalt  }
.Lfunc_end0:
.L_simem_size_0:
called_computation.6_lowered:
.L_overlay_start_0:
0x88: {  	s2 =	sld [smem:$0x3FD9]  }
0x89: {  	s3 =	sld [smem:$0x3FFE];
	_ =	sdelay $0x1  }
0x8a: {  	s1 =	srdreg.scid  }
0x8b: {  	s0 =	sand.u32 $0x1, s1  }
0x8c: {  	s17 =	sshll.u32 s0, $0xA;
	s2 =	sadd.s32 s3, s2  }
0x8d: {  	s2 =	sadd.s32 s2, s17  }
0x8e: {  	[smem:$0x3FBF] =	sst s2  }
0x8f: {  	_ = 	snop  }
0x90: {  	s2 =	sld [smem:$0x3FD0];
	(tm) =	ssettm $0x1  }
0x91: {  	s18 =	sld [smem:$0x3FFB];
	_ =	sdelay $0x3  }
0x92: {  	_ =	strace s18  }
0x93: {  	s3 =	sld [smem:$0x3FFC];
	_ =	sdelay $0x3  }
0x94: {  	_ =	strace s3  }
0x95: {  	s3 =	sld [smem:$0x3FFD];
	_ =	sdelay $0x3  }
0x96: {  	_ =	strace s3  }
0x97: {  	_ =	strace $0x8FFFFFFF  }
0x98: {  	s19 =	sld [smem:$0x3FDB];
	_ =	sdelay $0x1  }
0x99: {  	s4 =	simm.s32 $_scs_section_size  }
0x9a: {  	s5 =	simm.s32 $_size__tile_overlayer_lowered;
	s6 =	simm.s32 $_tile_overlayer_lowered  }
0x9b: {  	s22 =	simm.s32 $0x1BFF;
	s21 =	sshll.u32 s6, $0x1;
	s3 =	sadd.s32 s4, s19  }
0x9c: {  	s7 =	simm.s32 $0x0;
	s20 =	sshll.u32 s5, $0x1;
	s5 =	sadd.s32 s21, s3  }
0x9d: {  	[timem:s7], [sflag:s22] =	dma.local [hbm:s5], s20  }
0x9e: {  	_ =	swait.ge [sflag:s22], s20  }
0x9f: {  	s4 =	ssub.s32 $0x0, s20;
	[sflag:s22] =	ssyncset.done $0x0  }
0xa0: {  	[sflag:s22] =	ssyncadd.s32 s4;
	_ =	sdelay $0x1  }
0xa1: {  	s23 =	simm.s32 $0x1B8B  }
0xa2: {  	_ =	swait.ge [sflag:s23], $0x1  }
0xa3: {  	[sflag:s23] =	ssyncset.done $0x0  }
0xa4: {  	s25 =	simm.s32 $0x1B8E;
	s24 =	sld [smem:$0x3FFE];
	[sflag:s23] =	ssyncadd.s32 $0xFFFFFFFF  }
0xa5: {  	s26 =	simm.s32 $execute0_lowered;
	[smem:$0x3FD2] =	sst s25  }
0xa6: {  	s5 =	sshll.u32 s26, $0x1;
	_ =	strace $0x80000058;
	[dreg:$0x1] =	wrdreg $0xFFFFFFFF  }
0xa7: {  	s28 =	simm.s32 $_size_execute0_lowered;
	s3 =	sadd.s32 s3, s5;
	[dreg:$0x0] =	wrdreg $0x0  }
0xa8: {  	s5 =	sshll.u32 s28, $0x1;
	[dreg:$0x2] =	wrdreg s3  }
0xa9: {  	[dreg:$0x3] =	wrdreg s5  }
0xaa: {  	[dreg:$0x4] =	wrdreg $0xC0  }
0xab: {  	_ =	task [dreg:s7], $0x5FFFF  }
0xac: {  	[dreg:$0x1] =	wrdreg $0xFFFFFFFF  }
0xad: {  	[dreg:$0x0] =	wrdreg $0x60  }
0xae: {  	[dreg:$0x2] =	wrdreg s24  }
0xaf: {  	[dreg:$0x3] =	wrdreg s2  }
0xb0: {  	[dreg:$0x4] =	wrdreg $0x69000  }
0xb1: {  	[dreg:$0x5] =	wrdreg $0x9  }
0xb2: {  	_ =	task.clear_ibuf [dreg:s7], $0x6FFFF;
	_ =	strace $0x90000058  }
0xb3: {  	s29 =	simm.s32 $0x9;
	_ =	strace $0x8000005A  }
0xb4: {  	_ =	swait.ge [sflag:s29], $0x1  }
0xb5: {  	[sflag:s29] =	ssyncadd.s32 $0xFFFFFFFF  }
0xb6: {  	_ =	strace $0x9000005A  }
0xb7: {  	_ =	sfence  }
0xb8: {  	s30 =	sld [smem:$0x0];
	_ =	sdelay $0x2  }
0xb9: {  	s31 =	sshll.u32 s1, $0xD;
	s1 =	sshrl.u32 s1, $0x2  }
0xba: {  	s3 =	sand.u32 $0x4000, s31;
	s1 =	sadd.s32 s1, s30  }
0xbb: {  	s0 =	sor.u32 s3, s0;
	s1 =	sshll.u32 s1, $0x11  }
0xbc: {  	s0 =	sor.u32 s1, s0  }
0xbd: {  	s0 =	sadd.s32 $0x8F2B, s0  }
0xbe: {  	[sflag:s0] =	ssyncadd.remote.s32 $0x1  }
0xbf: {  	_ =	sfence.sel $0xFFFF  }
0xc0: {  	[dreg:$0x0] =	wrdreg $0xFFFFFFFF;
	(pc) =	sbr.abs _section_cstart, $3  }
0xc1: {  	[dreg:$0x1] =	wrdreg $0xFFFFFFFF  }
0xc2: {  	_ =	task.clear_ibuf [dreg:s7], $0x2FFFF;
	_ =	strace $0x9FFFFFFF  }
0xc3: {  	(tm) =	ssettm $0x7FFFFFFF  }
tec
execute0_lowered:
.L_overlay_start_1:
0x0: {  	(tag) =	ssettag $0x1  }
0x1: {  	s7 =	rddreg [dreg:$0x0];
	s1 =	srdreg.scid  }
0x2: {  	s0 =	stileid.u32;
	s2 =	rddreg [dreg:$0x1]  }
0x3: {  	s3 =	rddreg [dreg:$0x2];
	s4 =	simm.s32 $0x0;
	s17 =	simm.s32 $0x100  }
0x4: {  	s18 =	simm.s32 $0x80;
	s19 =	simm.s32 $0x1;
	s20 =	simm.s32 $0x2900  }
0x5: {  	s21 =	simm.s32 $0x2;
	s22 =	simm.s32 $0x4900;
	s23 =	simm.s32 $0x3  }
0x6: {  	s24 =	simm.s32 $0x4;
	s25 =	simm.s32 $0x0;
	s10 =	smul.u32 $0xA000, s0  }
0x7: {  	s8 =	sand.u32 $0x1, s1;
	s1 =	rddreg [dreg:$0x3];
	s14 =	smul.u32 $0x5200, s0  }
0x8: {  	s29 =	sshll.u32 s0, $0x1;
	[smem:$0x7FF] =	sst s4;
	s11 =	smul.u32 $0xA0000, s8  }
0x9: {  	s9 =	sor.u32 s8, s29;
	s13 =	ssub.s32 $0x2, s8;
	s8 =	smul.u32 $0x2900, s8  }
0xa: {  	s5 =	sadd.s32 $0x32600, s7;
	s31 =	sshll.u32 s0, $0x6;
	s6 =	smul.u32 $0x500, s9  }
0xb: {  	_ =	strace $0x80000059;
	s9 =	smul.u32 $0x2900, s9;
	s15 =	sshrl.u32 s13, $0x1  }
0xc: {  	s30 =	sadd.s32 s10, s3;
	s11 =	sadd.s32 s10, s11;
	s13 =	ssub.s32 s13, s15  }
0xd: {  	s14 =	sadd.s32 s8, s14;
	s15 =	sshrl.u32 s30, $0x3;
	s12 =	sadd.s32 s6, s7  }
0xe: {  	s6 =	sadd.s32 $0x19000, s7;
	s11 =	sshrl.u32 s11, $0x3;
	s9 =	sshrl.u32 s9, $0x3  }
0xf: {  	s16 =	sadd.s32 $0x180, s14;
	s14 =	sadd.s32 $0x100, s14;
	s11 =	sadd.s32 s11, s7  }
0x10: {  	s7 =	sor.u32 $0x1C05, s31;
	s8 =	sadd.s32 s2, s9;
	s9 =	sadd.s32 $0x4C00, s12  }
0x11: {  	s16 =	sshrl.u32 s16, $0x3;
	s12 =	smax.u32 s13, $0x1;
	s10 =	sadd.s32 $0x10, s8  }
0x12: {  	s11 =	sadd.s32 $0x5A800, s11;
	s13 =	sadd.s32 s16, s2;
	s16 =	simm.s32 $0x5  }
.LBB2_1:
0x13: {  	[spmem:s15], [sflag:s7] =	dma.local [hbm:s6], $0x1400  }
0x14: {  	_ =	swait.ge [sflag:s16], $0x1400  }
0x15: {  	[sflag:s16] =	ssyncset.done $0x0  }
0x16: {  	[sflag:s16] =	ssyncadd.s32 $0xFFFFEC00  }
0x17: {  	[tilespmem:s17], [sflag:$0x5] =	stream.linear.gather [hbm4b:s9+s4], $0x2800, $0x38;
	[tilespmem:$0x10900] =	vst v63  }
0x18: {  	_ =	swait.ge [sflag:s16], $0x2800  }
0x19: {  	[sflag:s16] =	ssyncset.done $0x0  }
0x1a: {  	[sflag:s16] =	ssyncadd.s32 $0xFFFFD800  }
0x1b: {  	[tilespmem:s4], [sflag:$0x1] =	stream.linear.gather [hbm4b:s8+s4], $0x80, $0x38;
	[tilespmem:$0x10900] =	vst v63  }
0x1c: {  	_ = 	snop  }
0x1d: {  	[tilespmem:s18], [sflag:$0x2] =	stream.linear.gather [hbm4b:s10+s4], $0x80, $0x38;
	[tilespmem:$0x10900] =	vst v63  }
0x1e: {  	_ =	swait.ge [sflag:s19], $0x80  }
0x1f: {  	[sflag:s19] =	ssyncset.done $0x0  }
0x20: {  	[sflag:s19] =	ssyncadd.s32 $0xFFFFFF80  }
0x21: {  	[tilespmem:s20], [sflag:$0x3] =	stream.indirect.gather [hbm4b:s5+s18], $0x40, s4, s18, $0xb8;
	[tilespmem:$0x10900] =	vst v63  }
0x22: {  	_ =	swait.ge [sflag:s21], $0x80  }
0x23: {  	[sflag:s21] =	ssyncset.done $0x0  }
0x24: {  	[sflag:s21] =	ssyncadd.s32 $0xFFFFFF80  }
0x25: {  	[tilespmem:s22], [sflag:$0x4] =	stream.indirect.gather [hbm4b:s5+s18], $0x40, s18, s18, $0xb8;
	[tilespmem:$0x10900] =	vst v63  }
0x26: {  	[bflag:$0x0] =	sbarrier.arrive $0xFFFF  }
0x27: {  	_ =	swait.ge [sflag:s23], $0x2000  }
0x28: {  	[sflag:s23] =	ssyncset.done $0x0  }
0x29: {  	s26 =	simm.s32 $0x100;
	[sflag:s23] =	ssyncadd.s32 $0xFFFFE000  }
0x2a: {  	[spmem:s3] =	stream.indirect.scatter.add.f32 [tilespmem:s20], [sflag:$0x5], $0x40, s26, s18, $0xb8;
	[tilespmem:$0x10900] =	vst v63  }
0x2b: {  	_ =	swait.ge [sflag:s16], $0x2000  }
0x2c: {  	s31 =	sshrl.u32 s14, $0x3;
	[sflag:s16] =	ssyncset.done $0x0  }
0x2d: {  	s26 =	sadd.s32 s2, s31;
	[sflag:s16] =	ssyncadd.s32 $0xFFFFE000  }
0x2e: {  	[tilespmem:s4], [sflag:$0x5] =	stream.linear.gather [hbm4b:s26+s4], $0x80, $0x38;
	[tilespmem:$0x10900] =	vst v63  }
0x2f: {  	_ =	swait.ge [sflag:s16], $0x80  }
0x30: {  	[sflag:s16] =	ssyncset.done $0x0  }
0x31: {  	[sflag:s16] =	ssyncadd.s32 $0xFFFFFF80  }
0x32: {  	[tilespmem:s20], [sflag:$0x3] =	stream.indirect.gather [hbm4b:s5+s18], $0x40, s4, s18, $0xb8;
	[tilespmem:$0x10900] =	vst v63  }
0x33: {  	_ =	swait.ge [sflag:s24], $0x2000  }
0x34: {  	[sflag:s24] =	ssyncset.done $0x0  }
0x35: {  	s30 =	simm.s32 $0x180;
	[sflag:s24] =	ssyncadd.s32 $0xFFFFE000  }
0x36: {  	[spmem:s3] =	stream.indirect.scatter.add.f32 [tilespmem:s22], [sflag:$0x5], $0x40, s30, s18, $0xb8;
	[tilespmem:$0x10900] =	vst v63  }
0x37: {  	_ =	swait.ge [sflag:s16], $0x2000  }
0x38: {  	[sflag:s16] =	ssyncset.done $0x0  }
0x39: {  	s31 =	sadd.s32 $0x0, s13;
	[sflag:s16] =	ssyncadd.s32 $0xFFFFE000  }
0x3a: {  	[tilespmem:s18], [sflag:$0x5] =	stream.linear.gather [hbm4b:s31+s4], $0x80, $0x38;
	[tilespmem:$0x10900] =	vst v63  }
0x3b: {  	_ =	swait.ge [sflag:s16], $0x80  }
0x3c: {  	s28 =	sadd.s32 $0x100, s14;
	[sflag:s16] =	ssyncset.done $0x0  }
0x3d: {  	s29 =	simm.s32 $0x280;
	s26 =	simm.s32 $0x20;
	[sflag:s16] =	ssyncadd.s32 $0xFFFFFF80  }
.LBB2_2:
0x3e: {  	[tilespmem:s22], [sflag:$0x4] =	stream.indirect.gather [hbm4b:s5+s18], $0x40, s18, s18, $0xb8;
	[tilespmem:$0x10900] =	vst v63  }
0x3f: {  	s30 =	smov.u32 s26  }
0x40: {  	p0 =	sne.s32 s26, $0x4E0;
	s26 =	sadd.s32 $0x20, s26;
	_ =	swait.ge [sflag:s23], $0x2000  }
0x41: {  	[sflag:s23] =	ssyncset.done $0x0  }
0x42: {  	s31 =	sadd.s32 $0xFFFFFF80, s29;
	[sflag:s23] =	ssyncadd.s32 $0xFFFFE000  }
0x43: {  	[spmem:s3] =	stream.indirect.scatter.add.f32 [tilespmem:s20], [sflag:$0x5], $0x40, s31, s18, $0xb8;
	[tilespmem:$0x10900] =	vst v63  }
0x44: {  	_ =	swait.ge [sflag:s16], $0x2000  }
0x45: {  	s31 =	sshrl.u32 s28, $0x3;
	[sflag:s16] =	ssyncset.done $0x0  }
0x46: {  	s31 =	sadd.s32 s2, s31;
	[sflag:s16] =	ssyncadd.s32 $0xFFFFE000  }
0x47: {  	[tilespmem:s4], [sflag:$0x5] =	stream.linear.gather [hbm4b:s31+s4], $0x80, $0x38;
	[tilespmem:$0x10900] =	vst v63  }
0x48: {  	_ =	swait.ge [sflag:s16], $0x80  }
0x49: {  	[sflag:s16] =	ssyncset.done $0x0  }
0x4a: {  	[sflag:s16] =	ssyncadd.s32 $0xFFFFFF80  }
0x4b: {  	[tilespmem:s20], [sflag:$0x3] =	stream.indirect.gather [hbm4b:s5+s18], $0x40, s4, s18, $0xb8;
	[tilespmem:$0x10900] =	vst v63  }
0x4c: {  	_ =	swait.ge [sflag:s24], $0x2000  }
0x4d: {  	[sflag:s24] =	ssyncset.done $0x0  }
0x4e: {  	[sflag:s24] =	ssyncadd.s32 $0xFFFFE000  }
0x4f: {  	[spmem:s3] =	stream.indirect.scatter.add.f32 [tilespmem:s22], [sflag:$0x5], $0x40, s29, s18, $0xb8;
	[tilespmem:$0x10900] =	vst v63  }
0x50: {  	_ =	swait.ge [sflag:s16], $0x2000  }
0x51: {  	[sflag:s16] =	ssyncset.done $0x0  }
.Ltmp0:
0x52: {  	s30 =	sadd.s32 s30, s13;
	[sflag:s16] =	ssyncadd.s32 $0xFFFFE000;
	(pc) =	sbr.rel @p0 .LBB2_2-.Ltmp0, $4  }
0x53: {  	[tilespmem:s18], [sflag:$0x5] =	stream.linear.gather [hbm4b:s30+s4], $0x80, $0x38;
	[tilespmem:$0x10900] =	vst v63  }
0x54: {  	_ =	swait.ge [sflag:s16], $0x80  }
0x55: {  	[sflag:s16] =	ssyncset.done $0x0  }
0x56: {  	s28 =	sadd.s32 $0x100, s28;
	s29 =	sadd.s32 $0x100, s29;
	[sflag:s16] =	ssyncadd.s32 $0xFFFFFF80  }
0x57: {  	[tilespmem:s22], [sflag:$0x4] =	stream.indirect.gather [hbm4b:s5+s18], $0x40, s18, s18, $0xb8;
	[tilespmem:$0x10900] =	vst v63  }
0x58: {  	_ =	swait.ge [sflag:s23], $0x2000  }
0x59: {  	[sflag:s23] =	ssyncset.done $0x0  }
0x5a: {  	[sflag:s23] =	ssyncadd.s32 $0xFFFFE000  }
0x5b: {  	_ =	swait.ge [sflag:s24], $0x2000  }
0x5c: {  	s25 =	sadd.s32 $0x1, s25;
	[sflag:s24] =	ssyncset.done $0x0  }
0x5d: {  	p0 =	sne.s32 s25, s12;
	[sflag:s24] =	ssyncadd.s32 $0xFFFFE000  }
.Ltmp1:
0x5e: {  	[bflag:$0x0] =	sbarrier.arrive $0xFFFF;
	(pc) =	sbr.rel @p0 .LBB2_1-.Ltmp1, $4  }
0x5f: {  	[hbm:s11], [sflag:s7] =	dma.local [spmem:s15], $0x1400  }
0x60: {  	_ =	swait.ge [sflag:s16], $0x1400  }
0x61: {  	[sflag:s16] =	ssyncset.done $0x0  }
0x62: {  	[sflag:s16] =	ssyncadd.s32 $0xFFFFEC00  }
0x63: {  	_ =	sfence.sel $0x180000  }
0x64: {  	[bflag:$0x0] =	sbarrier.arrive $0xFFFF  }
0x65: {  	p0 =	sne.s32 s0, $0x0;
	_ =	strace $0x90000059  }
0x66: {  	s0 =	sadd.s32 @!p0 $0x100000, s1;
	[bflag:$0x2] =	sbarrier.arrive $0xFFFF  }
0x67: {  	[sflag:s0] =	ssyncadd.tile.s32 @!p0 $0x1;
	_ =	shalt  }
.Lfunc_end2:
_tile_overlayer_lowered:
.L_overlay_start_2:
0x68: {  	(tag) =	ssettag $0x2  }
0x69: {  	s0 =	rddreg [dreg:$0x0];
	s2 =	stileid.u32  }
0x6a: {  	s1 =	rddreg [dreg:$0x1];
	p0 =	sne.s32 s2, $0x0  }
0x6b: {  	s3 =	rddreg [dreg:$0x2];
	[bflag:$0x3] =	sbarrier.arrive $0xFFFF;
	s2 =	simm.s32 @!p0 $0x1C05  }
0x6c: {  	[timem:s3], [sflag:s2] =	dma.local @!p0 [hbm:s0], s1  }
0x6d: {  	s0 =	simm.s32 @!p0 $0x5  }
0x6e: {  	_ =	swait.ge @!p0 [sflag:s0], s1  }
0x6f: {  	s1 =	ssub.s32 @!p0 $0x0, s1;
	[sflag:s0] =	ssyncset.done @!p0 $0x0  }
0x70: {  	[sflag:s0] =	ssyncadd.s32 @!p0 s1  }
0x71: {  	[bflag:$0x3] =	sbarrier.arrive $0xFFFF  }
0x72: {  	_ =	shalt  }

// kernel: kernel.38.cloned.1.call-start
scs
__scs_entry_jumppad:
0x0: {  	(pc) =	sbr.rel $0x88, $3  }
0x1: {  	(tag) =	ssettag $0x0;
	lr =	simm.s32 $0x1  }
0x2: {  	[smem:$0x3F98] =	sst lr;
	_ =	strace $0xD0000000  }
0x3: {  	_ = 	snop  }
0x4: {  	_ = 	snop  }
0x5: {  	_ = 	snop  }
0x6: {  	_ = 	snop  }
0x7: {  	_ = 	snop  }
__scs_overlays_trampoline_lowered:
0x8: {  	[smem:$0x3FA7] =	sst s0  }
0x9: {  	[smem:$0x3FA8] =	sst s1  }
0xa: {  	[smem:$0x3FA9] =	sst s2  }
0xb: {  	[smem:$0x3FAA] =	sst s3  }
0xc: {  	[smem:$0x3FAB] =	sst s4  }
0xd: {  	[smem:$0x3FAC] =	sst s5  }
0xe: {  	[smem:$0x3FAD] =	sst s6  }
0xf: {  	[smem:$0x3FAE] =	sst s7  }
0x10: {  	[smem:$0x3FAF] =	sst s8  }
0x11: {  	[smem:$0x3FB0] =	sst s9;
	s0 =	simm.s32 @!p0 $0x0  }
0x12: {  	s1 =	sld [smem:$0x3F96];
	s0 =	simm.s32 @p0 $0x1  }
0x13: {  	[smem:$0x3FB1] =	sst s0;
	s0 =	simm.s32 @!p1 $0x0  }
0x14: {  	s2 =	sld [smem:$0x3F95];
	s0 =	simm.s32 @p1 $0x1  }
0x15: {  	[smem:$0x3FB2] =	sst s0;
	s0 =	simm.s32 @!p2 $0x0  }
0x16: {  	s3 =	sld [smem:$0x3FDB];
	s0 =	simm.s32 @p2 $0x1  }
0x17: {  	s4 =	simm.s32 $0x1BF5;
	[smem:$0x3FB4] =	sst s0  }
0x18: {  	s0 =	sld [smem:$0x3F97];
	_ =	swait.ge [sflag:s4], $0x0  }
0x19: {  	s7 =	sld [smem:$0x3F98]  }
0x1a: {  	s8 =	sadd.s32 $0xFFFFE003, lr  }
0x1b: {  	s9 =	sadd.s32 $0xFFFFFEF7, lr;
	s5 =	simm.s32 $0xFFFFFFFF;
	p2 =	slt.u32 s8, $0xFFFFF086  }
0x1c: {  	p1 =	slt.u32 s9, $0xF7A;
	s5 =	simm.s32 @!p2 $0x0  }
0x1d: {  	s5 =	simm.s32 @p1 $0x1;
	p0 =	seq.s32 s7, s2  }
0x1e: {  	s7 =	smul.u32 @!p0 $0xF7A, s2;
	p2 =	seq.s32 @!p0 s5, $0x0  }
0x1f: {  	s9 =	smul.u32 $0xF7A, s1;
	s8 =	simm.s32 @!p0 $0x1BF5;
	p2 =	por !p2, p0  }
0x20: {  	[sflag:s8] =	ssyncset.s32 @!p0 $0xFFFFF086;
	s6 =	sadd.s32 @!p0 s3, s7;
	s7 =	simm.s32 @!p0 $0x108  }
0x21: {  	s3 =	sadd.s32 s3, s9;
	s6 =	sadd.s32 @!p0 $0x88, s6;
	s7 =	simm.s32 @p2 $0x1082  }
0x22: {  	[simem:s7], [sflag:s8] =	dma.local @!p0 [hbm:s6], $0xF7A  }
0x23: {  	s9 =	sor.u32 $0xD0000000, s2;
	s6 =	simm.s32 $0x108;
	_ =	swait.ge @!p0 [sflag:s8], $0x0  }
0x24: {  	s3 =	sadd.s32 $0x88, s3;
	s6 =	simm.s32 @!p1 $0x1082;
	[sflag:s4] =	ssyncset.s32 $0xFFFFF086  }
0x25: {  	[simem:s6], [sflag:s4] =	dma.local [hbm:s3], $0xF7A  }
0x26: {  	[smem:$0x3F98] =	sst s1;
	(tag) =	ssettag s2;
	_ =	strace s9  }
0x27: {  	s1 =	sld [smem:$0x3FA8]  }
0x28: {  	s2 =	sld [smem:$0x3FA9]  }
0x29: {  	s4 =	sld [smem:$0x3FAB]  }
0x2a: {  	p0 =	seq.s32 s5, $0x0;
	s5 =	sld [smem:$0x3FAC]  }
0x2b: {  	s6 =	sld [smem:$0x3FAD]  }
0x2c: {  	s7 =	sld [smem:$0x3FAE]  }
0x2d: {  	s3 =	simm.s32 $0x108;
	s8 =	sld [smem:$0x3FAF]  }
0x2e: {  	s3 =	simm.s32 @!p0 $0x1082;
	s9 =	sld [smem:$0x3FB0]  }
0x2f: {  	lr =	sadd.s32 s0, s3;
	s0 =	sld [smem:$0x3FA7]  }
0x30: {  	s3 =	sld [smem:$0x3FAA]  }
0x31: {  	[smem:$0x3FB3] =	sst s10  }
0x32: {  	s10 =	sld [smem:$0x3FB1];
	_ =	sdelay $0x3  }
0x33: {  	p0 =	seq.s32 s10, $0x1;
	s10 =	sld [smem:$0x3FB3];
	_ =	sdelay $0x3  }
0x34: {  	[smem:$0x3FB3] =	sst s10  }
0x35: {  	s10 =	sld [smem:$0x3FB2];
	_ =	sdelay $0x3  }
0x36: {  	p1 =	seq.s32 s10, $0x1;
	s10 =	sld [smem:$0x3FB3];
	_ =	sdelay $0x3  }
0x37: {  	[smem:$0x3FB3] =	sst s10  }
0x38: {  	s10 =	sld [smem:$0x3FB4]  }
0x39: {  	_ = 	snop;
	(pc) =	sbr.ind lr, $3  }
0x3a: {  	_ = 	snop  }
0x3b: {  	_ = 	snop  }
0x3c: {  	p2 =	seq.s32 s10, $0x1;
	s10 =	sld [smem:$0x3FB3]  }
0x3d: {  	_ =	shalt  }
0x3e: {  	_ =	shalt  }
0x3f: {  	_ =	shalt  }
0x40: {  	_ =	shalt  }
0x41: {  	_ =	shalt  }
0x42: {  	_ =	shalt  }
0x43: {  	_ =	shalt  }
0x44: {  	_ =	shalt  }
0x45: {  	_ =	shalt  }
0x46: {  	_ =	shalt  }
0x47: {  	_ =	shalt  }
0x48: {  	_ =	shalt  }
0x49: {  	_ =	shalt  }
0x4a: {  	_ =	shalt  }
0x4b: {  	_ =	shalt  }
0x4c: {  	_ =	shalt  }
0x4d: {  	_ =	shalt  }
0x4e: {  	_ =	shalt  }
0x4f: {  	_ =	shalt  }
0x50: {  	_ =	shalt  }
0x51: {  	_ =	shalt  }
0x52: {  	_ =	shalt  }
0x53: {  	_ =	shalt  }
0x54: {  	_ =	shalt  }
0x55: {  	_ =	shalt  }
0x56: {  	_ =	shalt  }
0x57: {  	_ =	shalt  }
0x58: {  	_ =	shalt  }
0x59: {  	_ =	shalt  }
0x5a: {  	_ =	shalt  }
0x5b: {  	_ =	shalt  }
0x5c: {  	_ =	shalt  }
0x5d: {  	_ =	shalt  }
0x5e: {  	_ =	shalt  }
0x5f: {  	_ =	shalt  }
0x60: {  	_ =	shalt  }
0x61: {  	_ =	shalt  }
0x62: {  	_ =	shalt  }
0x63: {  	_ =	shalt  }
0x64: {  	_ =	shalt  }
0x65: {  	_ =	shalt  }
0x66: {  	_ =	shalt  }
0x67: {  	_ =	shalt  }
0x68: {  	_ =	shalt  }
0x69: {  	_ =	shalt  }
0x6a: {  	_ =	shalt  }
0x6b: {  	_ =	shalt  }
0x6c: {  	_ =	shalt  }
0x6d: {  	_ =	shalt  }
0x6e: {  	_ =	shalt  }
0x6f: {  	_ =	shalt  }
0x70: {  	_ =	shalt  }
0x71: {  	_ =	shalt  }
0x72: {  	_ =	shalt  }
0x73: {  	_ =	shalt  }
0x74: {  	_ =	shalt  }
0x75: {  	_ =	shalt  }
0x76: {  	_ =	shalt  }
0x77: {  	_ =	shalt  }
0x78: {  	_ =	shalt  }
0x79: {  	_ =	shalt  }
0x7a: {  	_ =	shalt  }
0x7b: {  	_ =	shalt  }
0x7c: {  	_ =	shalt  }
0x7d: {  	_ =	shalt  }
0x7e: {  	_ =	shalt  }
0x7f: {  	_ =	shalt  }
0x80: {  	_ =	shalt  }
0x81: {  	_ =	shalt  }
0x82: {  	_ =	shalt  }
0x83: {  	_ =	shalt  }
0x84: {  	_ =	shalt  }
0x85: {  	_ =	shalt  }
0x86: {  	_ =	shalt  }
0x87: {  	_ =	shalt  }
.Lfunc_end0:
.L_simem_size_0:
called_computation.7_lowered:
.L_overlay_start_0:
0x88: {  	s2 =	sld [smem:$0x3FD9]  }
0x89: {  	s3 =	sld [smem:$0x3FFE];
	_ =	sdelay $0x1  }
0x8a: {  	s1 =	srdreg.scid  }
0x8b: {  	s0 =	sand.u32 $0x1, s1  }
0x8c: {  	s16 =	sshll.u32 s0, $0xA;
	s2 =	sadd.s32 s3, s2  }
0x8d: {  	s2 =	sadd.s32 s2, s16  }
0x8e: {  	[smem:$0x3FBF] =	sst s2  }
0x8f: {  	_ = 	snop  }
0x90: {  	(tm) =	ssettm $0x1  }
0x91: {  	s17 =	sld [smem:$0x3FFB];
	_ =	sdelay $0x3  }
0x92: {  	_ =	strace s17  }
0x93: {  	s2 =	sld [smem:$0x3FFC];
	_ =	sdelay $0x3  }
0x94: {  	_ =	strace s2  }
0x95: {  	s2 =	sld [smem:$0x3FFD];
	_ =	sdelay $0x3  }
0x96: {  	_ =	strace s2  }
0x97: {  	_ =	strace $0x8FFFFFFF  }
0x98: {  	s18 =	sld [smem:$0x3FDB];
	_ =	sdelay $0x1  }
0x99: {  	s19 =	simm.s32 $_scs_section_size  }
0x9a: {  	s4 =	simm.s32 $_size__tile_overlayer_lowered;
	s5 =	simm.s32 $_tile_overlayer_lowered  }
0x9b: {  	s22 =	simm.s32 $0x1BFF;
	s21 =	sshll.u32 s5, $0x1;
	s2 =	sadd.s32 s19, s18  }
0x9c: {  	s6 =	simm.s32 $0x0;
	s20 =	sshll.u32 s4, $0x1;
	s4 =	sadd.s32 s21, s2  }
0x9d: {  	[timem:s6], [sflag:s22] =	dma.local [hbm:s4], s20  }
0x9e: {  	_ =	swait.ge [sflag:s22], s20  }
0x9f: {  	s3 =	ssub.s32 $0x0, s20;
	[sflag:s22] =	ssyncset.done $0x0  }
0xa0: {  	[sflag:s22] =	ssyncadd.s32 s3;
	_ =	sdelay $0x1  }
0xa1: {  	s23 =	simm.s32 $0x1B8B  }
0xa2: {  	_ =	swait.ge [sflag:s23], $0x1  }
0xa3: {  	[sflag:s23] =	ssyncset.done $0x0  }
0xa4: {  	s25 =	simm.s32 $0x1B8E;
	s24 =	sld [smem:$0x3FFE];
	[sflag:s23] =	ssyncadd.s32 $0xFFFFFFFF  }
0xa5: {  	s26 =	simm.s32 $execute0_lowered;
	[smem:$0x3FD2] =	sst s25  }
0xa6: {  	s4 =	sshll.u32 s26, $0x1;
	_ =	strace $0x8000005B;
	[dreg:$0x1] =	wrdreg $0xFFFFFFFF  }
0xa7: {  	s28 =	simm.s32 $_size_execute0_lowered;
	s2 =	sadd.s32 s2, s4;
	[dreg:$0x0] =	wrdreg $0x0  }
0xa8: {  	s4 =	sshll.u32 s28, $0x1;
	[dreg:$0x2] =	wrdreg s2  }
0xa9: {  	[dreg:$0x3] =	wrdreg s4  }
0xaa: {  	[dreg:$0x4] =	wrdreg $0xC0  }
0xab: {  	_ =	task [dreg:s6], $0x5FFFF  }
0xac: {  	[dreg:$0x1] =	wrdreg $0xFFFFFFFF  }
0xad: {  	[dreg:$0x0] =	wrdreg $0x60  }
0xae: {  	[dreg:$0x2] =	wrdreg s24  }
0xaf: {  	[dreg:$0x3] =	wrdreg $0x69000  }
0xb0: {  	[dreg:$0x4] =	wrdreg $0x9  }
0xb1: {  	_ =	task.clear_ibuf [dreg:s6], $0x5FFFF;
	_ =	strace $0x9000005B  }
0xb2: {  	s29 =	simm.s32 $0x9;
	_ =	strace $0x8000005D  }
0xb3: {  	_ =	swait.ge [sflag:s29], $0x1  }
0xb4: {  	[sflag:s29] =	ssyncadd.s32 $0xFFFFFFFF  }
0xb5: {  	_ =	strace $0x9000005D  }
0xb6: {  	_ =	sfence  }
0xb7: {  	s30 =	sld [smem:$0x0];
	_ =	sdelay $0x2  }
0xb8: {  	s31 =	sshll.u32 s1, $0xD;
	s1 =	sshrl.u32 s1, $0x2  }
0xb9: {  	s3 =	sand.u32 $0x4000, s31;
	s1 =	sadd.s32 s1, s30  }
0xba: {  	s0 =	sor.u32 s3, s0;
	s1 =	sshll.u32 s1, $0x11  }
0xbb: {  	s0 =	sor.u32 s1, s0  }
0xbc: {  	s0 =	sadd.s32 $0x8F2B, s0  }
0xbd: {  	[sflag:s0] =	ssyncadd.remote.s32 $0x1  }
0xbe: {  	_ =	sfence.sel $0xFFFF  }
0xbf: {  	[dreg:$0x0] =	wrdreg $0xFFFFFFFF;
	(pc) =	sbr.abs _section_cstart, $3  }
0xc0: {  	[dreg:$0x1] =	wrdreg $0xFFFFFFFF  }
0xc1: {  	_ =	task.clear_ibuf [dreg:s6], $0x2FFFF;
	_ =	strace $0x9FFFFFFF  }
0xc2: {  	(tm) =	ssettm $0x7FFFFFFF  }
0xc3: {  	_ =	shalt  }
tec
execute0_lowered:
.L_overlay_start_1:
0x0: {  	(tag) =	ssettag $0x1  }
0x1: {  	s7 =	rddreg [dreg:$0x0];
	s1 =	srdreg.scid  }
0x2: {  	s0 =	stileid.u32;
	s2 =	rddreg [dreg:$0x1]  }
0x3: {  	s3 =	simm.s32 $0x0;
	s17 =	simm.s32 $0x100;
	s18 =	simm.s32 $0x80  }
0x4: {  	s19 =	simm.s32 $0x1;
	s20 =	simm.s32 $0x2900;
	s21 =	simm.s32 $0x2  }
0x5: {  	s22 =	simm.s32 $0x4900;
	s23 =	simm.s32 $0x3;
	s24 =	simm.s32 $0x4  }
0x6: {  	s25 =	simm.s32 $0x0;
	s8 =	sand.u32 $0x1, s1;
	s10 =	smul.u32 $0xA000, s0  }
0x7: {  	s4 =	sshll.u32 s0, $0x1;
	s1 =	rddreg [dreg:$0x2];
	s14 =	smul.u32 $0x5200, s0  }
0x8: {  	[smem:$0x7FF] =	sst s3;
	s5 =	sadd.s32 $0xEC00, s7;
	s11 =	smul.u32 $0xA0000, s8  }
0x9: {  	s9 =	sor.u32 s8, s4;
	s13 =	ssub.s32 $0x2, s8;
	s8 =	smul.u32 $0x2900, s8  }
0xa: {  	s31 =	sshll.u32 s0, $0x6;
	_ =	strace $0x8000005C;
	s6 =	smul.u32 $0x500, s9  }
0xb: {  	s4 =	sadd.s32 $0x32600, s7;
	s9 =	smul.u32 $0x2900, s9;
	s15 =	sshrl.u32 s13, $0x1  }
0xc: {  	s30 =	sadd.s32 s10, s2;
	s11 =	sadd.s32 s10, s11;
	s13 =	ssub.s32 s13, s15  }
0xd: {  	s14 =	sadd.s32 s8, s14;
	s15 =	sshrl.u32 s30, $0x3;
	s12 =	sadd.s32 s6, s7  }
0xe: {  	s6 =	sadd.s32 $0x19000, s7;
	s11 =	sshrl.u32 s11, $0x3;
	s9 =	sshrl.u32 s9, $0x3  }
0xf: {  	s16 =	sadd.s32 $0x180, s14;
	s14 =	sadd.s32 $0x100, s14;
	s11 =	sadd.s32 s11, s7  }
0x10: {  	s7 =	sor.u32 $0x1C05, s31;
	s8 =	sadd.s32 s5, s9;
	s9 =	sadd.s32 $0x28600, s12  }
0x11: {  	s16 =	sshrl.u32 s16, $0x3;
	s12 =	smax.u32 s13, $0x1;
	s10 =	sadd.s32 $0x10, s8  }
0x12: {  	s11 =	sadd.s32 $0x5A800, s11;
	s13 =	sadd.s32 s16, s5;
	s16 =	simm.s32 $0x5  }
.LBB2_1:
0x13: {  	[spmem:s15], [sflag:s7] =	dma.local [hbm:s6], $0x1400  }
0x14: {  	_ =	swait.ge [sflag:s16], $0x1400  }
0x15: {  	[sflag:s16] =	ssyncset.done $0x0  }
0x16: {  	[sflag:s16] =	ssyncadd.s32 $0xFFFFEC00  }
0x17: {  	[tilespmem:s17], [sflag:$0x5] =	stream.linear.gather [hbm4b:s9+s3], $0x2800, $0x38;
	[tilespmem:$0x10900] =	vst v63  }
0x18: {  	_ =	swait.ge [sflag:s16], $0x2800  }
0x19: {  	[sflag:s16] =	ssyncset.done $0x0  }
0x1a: {  	[sflag:s16] =	ssyncadd.s32 $0xFFFFD800  }
0x1b: {  	[tilespmem:s3], [sflag:$0x1] =	stream.linear.gather [hbm4b:s8+s3], $0x80, $0x38;
	[tilespmem:$0x10900] =	vst v63  }
0x1c: {  	_ = 	snop  }
0x1d: {  	[tilespmem:s18], [sflag:$0x2] =	stream.linear.gather [hbm4b:s10+s3], $0x80, $0x38;
	[tilespmem:$0x10900] =	vst v63  }
0x1e: {  	_ =	swait.ge [sflag:s19], $0x80  }
0x1f: {  	[sflag:s19] =	ssyncset.done $0x0  }
0x20: {  	[sflag:s19] =	ssyncadd.s32 $0xFFFFFF80  }
0x21: {  	[tilespmem:s20], [sflag:$0x3] =	stream.indirect.gather [hbm4b:s4+s18], $0x40, s3, s18, $0xb8;
	[tilespmem:$0x10900] =	vst v63  }
0x22: {  	_ =	swait.ge [sflag:s21], $0x80  }
0x23: {  	[sflag:s21] =	ssyncset.done $0x0  }
0x24: {  	[sflag:s21] =	ssyncadd.s32 $0xFFFFFF80  }
0x25: {  	[tilespmem:s22], [sflag:$0x4] =	stream.indirect.gather [hbm4b:s4+s18], $0x40, s18, s18, $0xb8;
	[tilespmem:$0x10900] =	vst v63  }
0x26: {  	[bflag:$0x0] =	sbarrier.arrive $0xFFFF  }
0x27: {  	_ =	swait.ge [sflag:s23], $0x2000  }
0x28: {  	[sflag:s23] =	ssyncset.done $0x0  }
0x29: {  	s26 =	simm.s32 $0x100;
	[sflag:s23] =	ssyncadd.s32 $0xFFFFE000  }
0x2a: {  	[spmem:s2] =	stream.indirect.scatter.add.f32 [tilespmem:s20], [sflag:$0x5], $0x40, s26, s18, $0xb8;
	[tilespmem:$0x10900] =	vst v63  }
0x2b: {  	_ =	swait.ge [sflag:s16], $0x2000  }
0x2c: {  	s31 =	sshrl.u32 s14, $0x3;
	[sflag:s16] =	ssyncset.done $0x0  }
0x2d: {  	s26 =	sadd.s32 s5, s31;
	[sflag:s16] =	ssyncadd.s32 $0xFFFFE000  }
0x2e: {  	[tilespmem:s3], [sflag:$0x5] =	stream.linear.gather [hbm4b:s26+s3], $0x80, $0x38;
	[tilespmem:$0x10900] =	vst v63  }
0x2f: {  	_ =	swait.ge [sflag:s16], $0x80  }
0x30: {  	[sflag:s16] =	ssyncset.done $0x0  }
0x31: {  	[sflag:s16] =	ssyncadd.s32 $0xFFFFFF80  }
0x32: {  	[tilespmem:s20], [sflag:$0x3] =	stream.indirect.gather [hbm4b:s4+s18], $0x40, s3, s18, $0xb8;
	[tilespmem:$0x10900] =	vst v63  }
0x33: {  	_ =	swait.ge [sflag:s24], $0x2000  }
0x34: {  	[sflag:s24] =	ssyncset.done $0x0  }
0x35: {  	s30 =	simm.s32 $0x180;
	[sflag:s24] =	ssyncadd.s32 $0xFFFFE000  }
0x36: {  	[spmem:s2] =	stream.indirect.scatter.add.f32 [tilespmem:s22], [sflag:$0x5], $0x40, s30, s18, $0xb8;
	[tilespmem:$0x10900] =	vst v63  }
0x37: {  	_ =	swait.ge [sflag:s16], $0x2000  }
0x38: {  	[sflag:s16] =	ssyncset.done $0x0  }
0x39: {  	s31 =	sadd.s32 $0x0, s13;
	[sflag:s16] =	ssyncadd.s32 $0xFFFFE000  }
0x3a: {  	[tilespmem:s18], [sflag:$0x5] =	stream.linear.gather [hbm4b:s31+s3], $0x80, $0x38;
	[tilespmem:$0x10900] =	vst v63  }
0x3b: {  	_ =	swait.ge [sflag:s16], $0x80  }
0x3c: {  	s28 =	sadd.s32 $0x100, s14;
	[sflag:s16] =	ssyncset.done $0x0  }
0x3d: {  	s29 =	simm.s32 $0x280;
	s26 =	simm.s32 $0x20;
	[sflag:s16] =	ssyncadd.s32 $0xFFFFFF80  }
.LBB2_2:
0x3e: {  	[tilespmem:s22], [sflag:$0x4] =	stream.indirect.gather [hbm4b:s4+s18], $0x40, s18, s18, $0xb8;
	[tilespmem:$0x10900] =	vst v63  }
0x3f: {  	s30 =	smov.u32 s26  }
0x40: {  	p0 =	sne.s32 s26, $0x4E0;
	s26 =	sadd.s32 $0x20, s26;
	_ =	swait.ge [sflag:s23], $0x2000  }
0x41: {  	[sflag:s23] =	ssyncset.done $0x0  }
0x42: {  	s31 =	sadd.s32 $0xFFFFFF80, s29;
	[sflag:s23] =	ssyncadd.s32 $0xFFFFE000  }
0x43: {  	[spmem:s2] =	stream.indirect.scatter.add.f32 [tilespmem:s20], [sflag:$0x5], $0x40, s31, s18, $0xb8;
	[tilespmem:$0x10900] =	vst v63  }
0x44: {  	_ =	swait.ge [sflag:s16], $0x2000  }
0x45: {  	s31 =	sshrl.u32 s28, $0x3;
	[sflag:s16] =	ssyncset.done $0x0  }
0x46: {  	s31 =	sadd.s32 s5, s31;
	[sflag:s16] =	ssyncadd.s32 $0xFFFFE000  }
0x47: {  	[tilespmem:s3], [sflag:$0x5] =	stream.linear.gather [hbm4b:s31+s3], $0x80, $0x38;
	[tilespmem:$0x10900] =	vst v63  }
0x48: {  	_ =	swait.ge [sflag:s16], $0x80  }
0x49: {  	[sflag:s16] =	ssyncset.done $0x0  }
0x4a: {  	[sflag:s16] =	ssyncadd.s32 $0xFFFFFF80  }
0x4b: {  	[tilespmem:s20], [sflag:$0x3] =	stream.indirect.gather [hbm4b:s4+s18], $0x40, s3, s18, $0xb8;
	[tilespmem:$0x10900] =	vst v63  }
0x4c: {  	_ =	swait.ge [sflag:s24], $0x2000  }
0x4d: {  	[sflag:s24] =	ssyncset.done $0x0  }
0x4e: {  	[sflag:s24] =	ssyncadd.s32 $0xFFFFE000  }
0x4f: {  	[spmem:s2] =	stream.indirect.scatter.add.f32 [tilespmem:s22], [sflag:$0x5], $0x40, s29, s18, $0xb8;
	[tilespmem:$0x10900] =	vst v63  }
0x50: {  	_ =	swait.ge [sflag:s16], $0x2000  }
0x51: {  	[sflag:s16] =	ssyncset.done $0x0  }
.Ltmp0:
0x52: {  	s30 =	sadd.s32 s30, s13;
	[sflag:s16] =	ssyncadd.s32 $0xFFFFE000;
	(pc) =	sbr.rel @p0 .LBB2_2-.Ltmp0, $4  }
0x53: {  	[tilespmem:s18], [sflag:$0x5] =	stream.linear.gather [hbm4b:s30+s3], $0x80, $0x38;
	[tilespmem:$0x10900] =	vst v63  }
0x54: {  	_ =	swait.ge [sflag:s16], $0x80  }
0x55: {  	[sflag:s16] =	ssyncset.done $0x0  }
0x56: {  	s28 =	sadd.s32 $0x100, s28;
	s29 =	sadd.s32 $0x100, s29;
	[sflag:s16] =	ssyncadd.s32 $0xFFFFFF80  }
0x57: {  	[tilespmem:s22], [sflag:$0x4] =	stream.indirect.gather [hbm4b:s4+s18], $0x40, s18, s18, $0xb8;
	[tilespmem:$0x10900] =	vst v63  }
0x58: {  	_ =	swait.ge [sflag:s23], $0x2000  }
0x59: {  	[sflag:s23] =	ssyncset.done $0x0  }
0x5a: {  	[sflag:s23] =	ssyncadd.s32 $0xFFFFE000  }
0x5b: {  	_ =	swait.ge [sflag:s24], $0x2000  }
0x5c: {  	s25 =	sadd.s32 $0x1, s25;
	[sflag:s24] =	ssyncset.done $0x0  }
0x5d: {  	p0 =	sne.s32 s25, s12;
	[sflag:s24] =	ssyncadd.s32 $0xFFFFE000  }
.Ltmp1:
0x5e: {  	[bflag:$0x0] =	sbarrier.arrive $0xFFFF;
	(pc) =	sbr.rel @p0 .LBB2_1-.Ltmp1, $4  }
0x5f: {  	[hbm:s11], [sflag:s7] =	dma.local [spmem:s15], $0x1400  }
0x60: {  	_ =	swait.ge [sflag:s16], $0x1400  }
0x61: {  	[sflag:s16] =	ssyncset.done $0x0  }
0x62: {  	[sflag:s16] =	ssyncadd.s32 $0xFFFFEC00  }
0x63: {  	_ =	sfence.sel $0x180000  }
0x64: {  	[bflag:$0x0] =	sbarrier.arrive $0xFFFF  }
0x65: {  	p0 =	sne.s32 s0, $0x0;
	_ =	strace $0x9000005C  }
0x66: {  	s0 =	sadd.s32 @!p0 $0x100000, s1;
	[bflag:$0x2] =	sbarrier.arrive $0xFFFF  }
0x67: {  	[sflag:s0] =	ssyncadd.tile.s32 @!p0 $0x1;
	_ =	shalt  }
.Lfunc_end2:
_tile_overlayer_lowered:
.L_overlay_start_2:
0x68: {  	(tag) =	ssettag $0x2  }
0x69: {  	s0 =	rddreg [dreg:$0x0];
	s2 =	stileid.u32  }
0x6a: {  	s1 =	rddreg [dreg:$0x1];
	p0 =	sne.s32 s2, $0x0  }
0x6b: {  	s3 =	rddreg [dreg:$0x2];
	[bflag:$0x3] =	sbarrier.arrive $0xFFFF;
	s2 =	simm.s32 @!p0 $0x1C05  }
0x6c: {  	[timem:s3], [sflag:s2] =	dma.local @!p0 [hbm:s0], s1  }
0x6d: {  	s0 =	simm.s32 @!p0 $0x5  }
0x6e: {  	_ =	swait.ge @!p0 [sflag:s0], s1  }
0x6f: {  	s1 =	ssub.s32 @!p0 $0x0, s1;
	[sflag:s0] =	ssyncset.done @!p0 $0x0  }
0x70: {  	[sflag:s0] =	ssyncadd.s32 @!p0 s1  }
0x71: {  	[bflag:$0x3] =	sbarrier.arrive $0xFFFF  }
0x72: {  	_ =	shalt  }

</sc_bundles>
